<compile_context>
chip_gen: v7x
topology: tpu7x:2x2x1
jax: 0.10.2.dev20260603
libtpu: 0.0.44.dev20260713+nightly
codegen_flags: <defaults>
</compile_context>

<pallas_src>
import functools

import jax
import jax.numpy as jnp
from jax import lax
from jax.experimental import pallas as pl
from jax.experimental.pallas import tpu as pltpu
from jax.experimental.pallas import tpu_sc as plsc

N = 10000
E = 320000
F_IN = 128
H = 256
HALF = 128
NG = 64
NC = 10

L_CHUNKS = 158
L_TOTAL = 16 * L_CHUNKS * 128
SPLIT = 5120
PH_ROWS = 5248


def _degree_body(src0_hbm, src1_hbm, zeros_hbm, ones_hbm, out_hbm,
                 idx_v, buf, acc):
    c = lax.axis_index("c")
    s = lax.axis_index("s")
    rows = PH_ROWS // 16

    @pl.when(c == 0)
    def _():
        pltpu.sync_copy(src0_hbm.at[s], idx_v)

    @pl.when(c == 1)
    def _():
        pltpu.sync_copy(src1_hbm.at[s], idx_v)

    pltpu.sync_copy(zeros_hbm, buf)
    for k, n in enumerate((128, 128, 72)):
        pltpu.sync_copy(buf.at[pl.ds(0, n)],
                        acc.at[pl.ds(s * rows + k * 128, n)])
    pltpu.sync_copy(ones_hbm, buf)
    plsc.subcore_barrier()

    def body(j, carry):
        pltpu.sync_copy(buf, acc.at[idx_v.at[j]], add=True)
        return carry

    lax.fori_loop(0, L_CHUNKS, body, 0)
    plsc.subcore_barrier()
    pltpu.sync_copy(acc.at[pl.ds(s * rows, rows)],
                    out_hbm.at[c, pl.ds(s * rows, rows)])


def _gather_body(ya_hbm, yb_hbm, src_hbm, dst0_hbm, dst1_hbm, zeros_hbm,
                 out_hbm, sidx, didx, buf, buf2, acc, gsem, gsem2, ssem,
                 ssem2):
    c = lax.axis_index("c")
    s = lax.axis_index("s")
    pltpu.sync_copy(src_hbm.at[s], sidx)
    rows = PH_ROWS // 16

    def run(tab):
        def body(i, carry):
            j = 2 * i
            g0 = pltpu.async_copy(tab.at[sidx.at[j]], buf, gsem)
            g1 = pltpu.async_copy(tab.at[sidx.at[j + 1]], buf2, gsem2)
            g0.wait()
            pltpu.sync_copy(buf, acc.at[didx.at[j]], add=True)
            g1.wait()
            pltpu.sync_copy(buf2, acc.at[didx.at[j + 1]], add=True)
            return carry
        lax.fori_loop(0, L_CHUNKS // 2, body, 0)

    for p, dst_hbm in enumerate((dst0_hbm, dst1_hbm)):
        pltpu.sync_copy(dst_hbm.at[s], didx)
        pltpu.sync_copy(zeros_hbm, buf)
        for k, n in enumerate((128, 128, 72)):
            pltpu.sync_copy(buf.at[pl.ds(0, n)],
                            acc.at[pl.ds(s * rows + k * 128, n)])
        plsc.subcore_barrier()

        @pl.when(c == 0)
        def _():
            run(ya_hbm)

        @pl.when(c == 1)
        def _():
            run(yb_hbm)

        plsc.subcore_barrier()
        pltpu.sync_copy(acc.at[pl.ds(s * rows, rows)],
                        out_hbm.at[c, p, pl.ds(s * rows, rows)])


@functools.cache
def _sc_kernels():
    mesh = plsc.VectorSubcoreMesh(core_axis_name="c", subcore_axis_name="s")
    deg = functools.partial(
        pl.kernel,
        mesh=mesh,
        out_type=jax.ShapeDtypeStruct((2, PH_ROWS, 128), jnp.float32),
        scratch_types=[
            pltpu.VMEM((L_CHUNKS, 128), jnp.int32),
            pltpu.VMEM((128, 128), jnp.float32),
            pltpu.VMEM_SHARED((PH_ROWS, 128), jnp.float32),
        ],
    )(_degree_body)
    gat = functools.partial(
        pl.kernel,
        mesh=mesh,
        out_type=jax.ShapeDtypeStruct((2, 2, PH_ROWS, HALF), jnp.float32),
        scratch_types=[
            pltpu.VMEM((L_CHUNKS, 128), jnp.int32),
            pltpu.VMEM((L_CHUNKS, 128), jnp.int32),
            pltpu.VMEM((128, HALF), jnp.float32),
            pltpu.VMEM((128, HALF), jnp.float32),
            pltpu.VMEM_SHARED((PH_ROWS, HALF), jnp.float32),
            pltpu.SemaphoreType.DMA,
            pltpu.SemaphoreType.DMA,
            pltpu.SemaphoreType.DMA,
            pltpu.SemaphoreType.DMA,
        ],
    )(_gather_body)
    return deg, gat


def _sc_degree(src_p0, src_p1, z128, ones128):
    return _sc_kernels()[0](src_p0, src_p1, z128, ones128)


def _sc_gather(ya, yb, src_l, dst_l0, dst_l1, z128):
    return _sc_kernels()[1](ya, yb, src_l, dst_l0, dst_l1, z128)



def _bn(h):
    mu = jnp.mean(h, axis=0, keepdims=True)
    xc = h - mu
    var = jnp.mean(xc * xc, axis=0, keepdims=True)
    return xc * lax.rsqrt(var + 1e-5) + 1e-4


def _dinv(deg_ref):
    return lax.rsqrt(deg_ref[...] + 1.0)


def _dot(a, b):
    return jnp.dot(a, b, preferred_element_type=jnp.float32)


def _scat(s_ref, ci):
    return jnp.concatenate(
        [s_ref[ci, 0, :SPLIT, :], s_ref[ci, 1, :N - SPLIT, :]], axis=0)


def _pre_body(x_ref, w_ref, o_ref):
    o_ref[...] = jnp.maximum(_dot(_bn(x_ref[...]), w_ref[...]), 0.0)


def _l1_body(h_ref, degp_ref, w_ref, oa_ref, ob_ref):
    dinv = _dinv(degp_ref)
    yp = dinv * _dot(_bn(h_ref[...]), w_ref[...])
    oa_ref[...] = yp[:, :HALF]
    ob_ref[...] = yp[:, HALF:]


def _layer_body(s_ref, ya_ref, yb_ref, degp_ref, b_ref, w_ref, oa_ref, ob_ref):
    dinv = _dinv(degp_ref)
    b = b_ref[...]
    hA = jnp.maximum(dinv * (_scat(s_ref, 0) + ya_ref[...]) + b[:, :HALF], 0.0)
    hB = jnp.maximum(dinv * (_scat(s_ref, 1) + yb_ref[...]) + b[:, HALF:], 0.0)
    w = w_ref[...]
    y = _dot(_bn(hA), w[:HALF, :]) + _dot(_bn(hB), w[HALF:, :])
    yp = dinv * y
    oa_ref[...] = yp[:, :HALF]
    ob_ref[...] = yp[:, HALF:]


def _sigmoid(z):
    return 1.0 / (1.0 + jnp.exp(-z))


def _post_body(s_ref, ya_ref, yb_ref, degp_ref, b_ref, batch_ref,
               wihT_ref, whhT_ref, bsum_ref, wfc_ref, bfc_ref,
               wcls_ref, bcls_ref, o_ref, xw_ref, ys_ref):
    dinv = _dinv(degp_ref)
    b = b_ref[...]
    hA = jnp.maximum(dinv * (_scat(s_ref, 0) + ya_ref[...]) + b[:, :HALF], 0.0)
    hB = jnp.maximum(dinv * (_scat(s_ref, 1) + yb_ref[...]) + b[:, HALF:], 0.0)
    seg = (lax.broadcasted_iota(jnp.int32, (NG, N), 0)
           == batch_ref[...]).astype(jnp.float32)
    g = jnp.concatenate([_dot(seg, hA), _dot(seg, hB)], axis=1)
    xw_ref[...] = _dot(g, wihT_ref[...]) + bsum_ref[...]
    whhT = whhT_ref[...]

    def step(t, carry):
        h, cc = carry
        gv = xw_ref[pl.ds(t, 1), :] + _dot(h, whhT)
        i = _sigmoid(gv[:, 0:H])
        f = _sigmoid(gv[:, H:2 * H])
        gg = jnp.tanh(gv[:, 2 * H:3 * H])
        o = _sigmoid(gv[:, 3 * H:4 * H])
        cc = f * cc + i * gg
        h = o * jnp.tanh(cc)
        ys_ref[pl.ds(t, 1), :] = h
        return (h, cc)

    z = jnp.zeros((1, H), jnp.float32)
    lax.fori_loop(0, NG, step, (z, z))
    y2 = jnp.maximum(_dot(_bn(ys_ref[...]), wfc_ref[...]) + bfc_ref[...], 0.0)
    logits = _dot(_bn(y2), wcls_ref[...]) + bcls_ref[...]
    m = jnp.max(logits, axis=1, keepdims=True)
    lse = jnp.log(jnp.sum(jnp.exp(logits - m), axis=1, keepdims=True)) + m
    o_ref[...] = logits - lse


def _sds(*shape):
    return jax.ShapeDtypeStruct(shape, jnp.float32)


def _tc_pre(x, W_feat):
    return pl.pallas_call(_pre_body, out_shape=_sds(N, H))(x, W_feat)


def _tc_l1(h0, degp, W1):
    return pl.pallas_call(
        _l1_body, out_shape=[_sds(N, HALF), _sds(N, HALF)])(h0, degp, W1)


def _tc_layer(s, ya, yb, degp, b2d, W):
    return pl.pallas_call(
        _layer_body,
        out_shape=[_sds(N, HALF), _sds(N, HALF)])(s, ya, yb, degp, b2d, W)


def _tc_post(s, ya, yb, degp, b2d, batch2d, wihT, whhT, bsum, wfc, bfc,
             wcls, bcls):
    return pl.pallas_call(
        _post_body,
        out_shape=_sds(NG, NC),
        scratch_shapes=[pltpu.VMEM((NG, 4 * H), jnp.float32),
                        pltpu.VMEM((NG, H), jnp.float32)],
    )(s, ya, yb, degp, b2d, batch2d, wihT, whhT, bsum, wfc, bfc, wcls, bcls)



def kernel(x, edge_index, batch, W_feat, W1, b1, W2, b2, W3, b3,
           W_ih, W_hh, b_ih, b_hh, W_fc, b_fc, W_cls, b_cls):
    ei = edge_index.astype(jnp.int32)
    src, dst = ei[0], ei[1]

    pad_l = L_TOTAL - E
    src_l = jnp.concatenate(
        [src, jnp.zeros((pad_l,), jnp.int32)]).reshape(16, L_CHUNKS, 128)
    dpad = jnp.full((pad_l,), SPLIT, jnp.int32)
    d0 = jnp.concatenate([jnp.where(dst < SPLIT, dst, SPLIT), dpad])
    d1 = jnp.concatenate([jnp.where(dst >= SPLIT, dst - SPLIT, SPLIT), dpad])
    dst_l0 = d0.reshape(16, L_CHUNKS, 128)
    dst_l1 = d1.reshape(16, L_CHUNKS, 128)
    s0 = jnp.concatenate([jnp.where(src < SPLIT, src, SPLIT), dpad])
    s1 = jnp.concatenate([jnp.where(src >= SPLIT, src - SPLIT, SPLIT), dpad])
    src_p0 = s0.reshape(16, L_CHUNKS, 128)
    src_p1 = s1.reshape(16, L_CHUNKS, 128)

    z128 = jnp.zeros((128, HALF), jnp.float32)
    ones128 = jnp.ones((128, 128), jnp.float32)
    batch2d = batch.astype(jnp.int32).reshape(1, N)

    degh = _sc_degree(src_p0, src_p1, z128, ones128)
    degp = jnp.concatenate(
        [degh[0, :SPLIT, :1], degh[1, :N - SPLIT, :1]], axis=0)
    h0 = _tc_pre(x, W_feat)

    ya, yb = _tc_l1(h0, degp, W1)
    s1 = _sc_gather(ya, yb, src_l, dst_l0, dst_l1, z128)
    ya, yb = _tc_layer(s1, ya, yb, degp, b1.reshape(1, H), W2)
    s2 = _sc_gather(ya, yb, src_l, dst_l0, dst_l1, z128)
    ya, yb = _tc_layer(s2, ya, yb, degp, b2.reshape(1, H), W3)
    s3 = _sc_gather(ya, yb, src_l, dst_l0, dst_l1, z128)

    return _tc_post(
        s3, ya, yb, degp, b3.reshape(1, H), batch2d,
        W_ih.T, W_hh.T, (b_ih + b_hh).reshape(1, 4 * H),
        W_fc, b_fc.reshape(1, H), W_cls, b_cls.reshape(1, NC))

# --- scband reference (transcript-rebuilt; emitter-appended) ---
"""Pipeline reference for scband-gcnlstmnet-20968030339556 (READ-ONLY COPY).

The authoritative reference and input builder live on the scoring server;
editing this copy changes nothing except your own understanding.
"""

import jax, jax.numpy as jnp
import numpy as np

N = 10000
E = 320000
F_IN = 128
H = 256
NG = 64
NC = 10


def bn(x):
    # BatchNorm1d in training mode, weight=1, bias=0.0001 (per module init)
    mu = x.mean(axis=0)
    var = x.var(axis=0)
    return (x - mu) / jnp.sqrt(var + 1e-5) * 1.0 + 0.0001


def gcn_norm(edge_index, num_nodes):
    # add self loops, symmetric normalization (PyG GCNConv.norm)
    loop = jnp.arange(num_nodes, dtype=edge_index.dtype)
    src = jnp.concatenate([edge_index[0], loop])
    dst = jnp.concatenate([edge_index[1], loop])
    ew = jnp.ones(src.shape[0], dtype=jnp.float32)
    deg = jax.ops.segment_sum(ew, src, num_segments=num_nodes)
    dinv = jnp.where(deg > 0, deg ** -0.5, 0.0)
    norm = dinv[src] * ew * dinv[dst]
    return src, dst, norm


def gcn_conv(x, W, b, src, dst, norm, num_nodes):
    x = x @ W
    msg = norm[:, None] * x[src]
    out = jax.ops.segment_sum(msg, dst, num_segments=num_nodes)
    return out + b


def lstm_unbatched(x, W_ih, W_hh, b_ih, b_hh):
    # torch.nn.LSTM(H, H, 1) applied to unbatched 2D input [seq, H]
    def step(carry, xt):
        h, c = carry
        g = xt @ W_ih.T + b_ih + h @ W_hh.T + b_hh
        i, f, gg, o = jnp.split(g, 4)
        i = jax.nn.sigmoid(i)
        f = jax.nn.sigmoid(f)
        o = jax.nn.sigmoid(o)
        gg = jnp.tanh(gg)
        c = f * c + i * gg
        h = o * jnp.tanh(c)
        return (h, c), h
    h0 = jnp.zeros(H, dtype=x.dtype)
    c0 = jnp.zeros(H, dtype=x.dtype)
    _, ys = jax.lax.scan(step, (h0, c0), x)
    return ys


def setup_inputs(seed: int = 0) -> dict:
    key = jax.random.key(seed)
    ks = jax.random.split(key, 20)
    x = jax.random.normal(ks[0], (N, F_IN), dtype=jnp.float32)
    edge_index = jax.random.randint(ks[1], (2, E), 0, N)
    batch = jnp.sort(jax.random.randint(ks[2], (N,), 0, NG))
    s = lambda fan: 1.0 / np.sqrt(fan)
    W_feat = jax.random.normal(ks[3], (F_IN, H), dtype=jnp.float32) * s(F_IN)
    W1 = jax.random.normal(ks[4], (H, H), dtype=jnp.float32) * s(H)
    b1 = jnp.zeros(H, dtype=jnp.float32)
    W2 = jax.random.normal(ks[5], (H, H), dtype=jnp.float32) * s(H)
    b2 = jnp.zeros(H, dtype=jnp.float32)
    W3 = jax.random.normal(ks[6], (H, H), dtype=jnp.float32) * s(H)
    b3 = jnp.zeros(H, dtype=jnp.float32)
    W_ih = jax.random.uniform(ks[7], (4 * H, H), dtype=jnp.float32, minval=-s(H), maxval=s(H))
    W_hh = jax.random.uniform(ks[8], (4 * H, H), dtype=jnp.float32, minval=-s(H), maxval=s(H))
    b_ih = jax.random.uniform(ks[9], (4 * H,), dtype=jnp.float32, minval=-s(H), maxval=s(H))
    b_hh = jax.random.uniform(ks[10], (4 * H,), dtype=jnp.float32, minval=-s(H), maxval=s(H))
    W_fc = jax.random.normal(ks[11], (H, H), dtype=jnp.float32) * s(H)
    b_fc = jnp.zeros(H, dtype=jnp.float32)
    W_cls = jax.random.normal(ks[12], (H, NC), dtype=jnp.float32) * s(H)
    b_cls = jnp.zeros(NC, dtype=jnp.float32)
    return {"x": x, "edge_index": edge_index, "batch": batch,
            "W_feat": W_feat, "W1": W1, "b1": b1, "W2": W2, "b2": b2,
            "W3": W3, "b3": b3, "W_ih": W_ih, "W_hh": W_hh,
            "b_ih": b_ih, "b_hh": b_hh, "W_fc": W_fc, "b_fc": b_fc,
            "W_cls": W_cls, "b_cls": b_cls}


def reference(x, edge_index, batch, W_feat, W1, b1, W2, b2, W3, b3,
              W_ih, W_hh, b_ih, b_hh, W_fc, b_fc, W_cls, b_cls):
    src, dst, norm = gcn_norm(edge_index, N)
    h = bn(x)
    # conv_feat has gfn=True: linear projection only, no propagation, no bias
    h = jax.nn.relu(h @ W_feat)
    for W, b in ((W1, b1), (W2, b2), (W3, b3)):
        h = bn(h)
        h = jax.nn.relu(gcn_conv(h, W, b, src, dst, norm, N))
    g = jax.ops.segment_sum(h, batch, num_segments=NG)
    g = lstm_unbatched(g, W_ih, W_hh, b_ih, b_hh)
    g = g.reshape(g.shape[0], -1)
    g = bn(g)
    g = jax.nn.relu(g @ W_fc + b_fc)
    g = bn(g)
    logits = g @ W_cls + b_cls
    return jax.nn.log_softmax(logits, axis=-1)

if __name__ == "__main__":
    import jax
    _d = setup_inputs()
    print(jax.jit(kernel)(*tuple(_d.values())))

</pallas_src>

<mosaic_0001>
#map = affine_map<(d0, d1) -> (0, 0, 0)>
#map1 = affine_map<(d0, d1) -> (0, 0)>
module attributes {stable_mosaic.version = 14 : i64} {
  func.func @_degree_body(%arg0: i32, %arg1: i32, %arg2: memref<16x158x128xi32, #tpu.memory_space<hbm>>, %arg3: memref<16x158x128xi32, #tpu.memory_space<hbm>>, %arg4: memref<128x128xf32, #tpu.memory_space<hbm>>, %arg5: memref<128x128xf32, #tpu.memory_space<hbm>>, %arg6: memref<2x5248x128xf32, #tpu.memory_space<hbm>>, %arg7: memref<158x128xi32, #tpu.memory_space<vmem>>, %arg8: memref<128x128xf32, #tpu.memory_space<vmem>>, %arg9: memref<5248x128xf32, #tpu.memory_space<vmem_shared>>) attributes {dimension_semantics = [#tpu.dimension_semantics<core_parallel>, #tpu.dimension_semantics<subcore_parallel>], iteration_bounds = array<i64: 2, 16>, scalar_prefetch = 0 : i64, scratch_operands = 3 : i64, tpu.core_type = #tpu.core_type<sc_vector_subcore>, window_params = [{transform_indices = #map}, {transform_indices = #map}, {transform_indices = #map1}, {transform_indices = #map1}, {transform_indices = #map}]} {
    %eq3A = arith.constant 0 : i32
    %eq3A_0 = arith.cmpi eq, %arg0, %eq3A : i32
    %convert_element_type3A = arith.extui %eq3A_0 : i1 to i32
    %cond3A = arith.constant 0 : i32
    %cond3A_1 = arith.cmpi ne, %convert_element_type3A, %cond3A : i32
    scf.if %cond3A_1 {
      "tpu.region"() ({
        %run_scoped3A = tpu.sem_alloc : memref<!tpu.dma_semaphore, #tpu.memory_space<semaphore_mem>>
        %dma_start3A = arith.constant 0 : i32
        %dma_start3A_27 = arith.constant 0 : i32
        %dma_start3A_28 = tpu.memref_slice %arg2[%arg1, %dma_start3A, %dma_start3A_27] : memref<16x158x128xi32, #tpu.memory_space<hbm>> -> memref<1x158x128xi32, #tpu.memory_space<hbm>>
        %dma_start3A_29 = tpu.memref_squeeze %dma_start3A_28 : memref<1x158x128xi32, #tpu.memory_space<hbm>> -> memref<158x128xi32, #tpu.memory_space<hbm>>
        %dma_start3A_30 = arith.constant 0 : i32
        %dma_start3A_31 = arith.constant 0 : i32
        %dma_start3A_32 = tpu.memref_slice %arg2[%arg1, %dma_start3A_30, %dma_start3A_31] : memref<16x158x128xi32, #tpu.memory_space<hbm>> -> memref<1x158x128xi32, #tpu.memory_space<hbm>>
        %dma_start3A_33 = tpu.memref_squeeze %dma_start3A_32 : memref<1x158x128xi32, #tpu.memory_space<hbm>> -> memref<158x128xi32, #tpu.memory_space<hbm>>
        tpu.enqueue_dma source(%dma_start3A_33 : memref<158x128xi32, #tpu.memory_space<hbm>>) target(%arg7 : memref<158x128xi32, #tpu.memory_space<vmem>>) target_semaphore(%run_scoped3A : memref<!tpu.dma_semaphore, #tpu.memory_space<semaphore_mem>>)
        %dma_wait3A = arith.constant 0 : i32
        %dma_wait3A_34 = arith.constant 0 : i32
        %dma_wait3A_35 = tpu.memref_slice %arg2[%arg1, %dma_wait3A, %dma_wait3A_34] : memref<16x158x128xi32, #tpu.memory_space<hbm>> -> memref<1x158x128xi32, #tpu.memory_space<hbm>>
        %dma_wait3A_36 = tpu.memref_squeeze %dma_wait3A_35 : memref<1x158x128xi32, #tpu.memory_space<hbm>> -> memref<158x128xi32, #tpu.memory_space<hbm>>
        %dma_wait3A_37 = arith.constant 0 : i32
        %dma_wait3A_38 = arith.constant 0 : i32
        %dma_wait3A_39 = tpu.memref_slice %arg2[%arg1, %dma_wait3A_37, %dma_wait3A_38] : memref<16x158x128xi32, #tpu.memory_space<hbm>> -> memref<1x158x128xi32, #tpu.memory_space<hbm>>
        %dma_wait3A_40 = tpu.memref_squeeze %dma_wait3A_39 : memref<1x158x128xi32, #tpu.memory_space<hbm>> -> memref<158x128xi32, #tpu.memory_space<hbm>>
        tpu.wait_dma2 semaphore(%run_scoped3A : memref<!tpu.dma_semaphore, #tpu.memory_space<semaphore_mem>>) src(%dma_wait3A_40 : memref<158x128xi32, #tpu.memory_space<hbm>>) dst(%arg7 : memref<158x128xi32, #tpu.memory_space<vmem>>)
        tpu.yield
      }) : () -> ()
    } else {
    }
    %eq3A_2 = arith.constant 1 : i32
    %eq3A_3 = arith.cmpi eq, %arg0, %eq3A_2 : i32
    %convert_element_type3A_4 = arith.extui %eq3A_3 : i1 to i32
    %cond3A_5 = arith.constant 0 : i32
    %cond3A_6 = arith.cmpi ne, %convert_element_type3A_4, %cond3A_5 : i32
    scf.if %cond3A_6 {
      "tpu.region"() ({
        %run_scoped3A = tpu.sem_alloc : memref<!tpu.dma_semaphore, #tpu.memory_space<semaphore_mem>>
        %dma_start3A = arith.constant 0 : i32
        %dma_start3A_27 = arith.constant 0 : i32
        %dma_start3A_28 = tpu.memref_slice %arg3[%arg1, %dma_start3A, %dma_start3A_27] : memref<16x158x128xi32, #tpu.memory_space<hbm>> -> memref<1x158x128xi32, #tpu.memory_space<hbm>>
        %dma_start3A_29 = tpu.memref_squeeze %dma_start3A_28 : memref<1x158x128xi32, #tpu.memory_space<hbm>> -> memref<158x128xi32, #tpu.memory_space<hbm>>
        %dma_start3A_30 = arith.constant 0 : i32
        %dma_start3A_31 = arith.constant 0 : i32
        %dma_start3A_32 = tpu.memref_slice %arg3[%arg1, %dma_start3A_30, %dma_start3A_31] : memref<16x158x128xi32, #tpu.memory_space<hbm>> -> memref<1x158x128xi32, #tpu.memory_space<hbm>>
        %dma_start3A_33 = tpu.memref_squeeze %dma_start3A_32 : memref<1x158x128xi32, #tpu.memory_space<hbm>> -> memref<158x128xi32, #tpu.memory_space<hbm>>
        tpu.enqueue_dma source(%dma_start3A_33 : memref<158x128xi32, #tpu.memory_space<hbm>>) target(%arg7 : memref<158x128xi32, #tpu.memory_space<vmem>>) target_semaphore(%run_scoped3A : memref<!tpu.dma_semaphore, #tpu.memory_space<semaphore_mem>>)
        %dma_wait3A = arith.constant 0 : i32
        %dma_wait3A_34 = arith.constant 0 : i32
        %dma_wait3A_35 = tpu.memref_slice %arg3[%arg1, %dma_wait3A, %dma_wait3A_34] : memref<16x158x128xi32, #tpu.memory_space<hbm>> -> memref<1x158x128xi32, #tpu.memory_space<hbm>>
        %dma_wait3A_36 = tpu.memref_squeeze %dma_wait3A_35 : memref<1x158x128xi32, #tpu.memory_space<hbm>> -> memref<158x128xi32, #tpu.memory_space<hbm>>
        %dma_wait3A_37 = arith.constant 0 : i32
        %dma_wait3A_38 = arith.constant 0 : i32
        %dma_wait3A_39 = tpu.memref_slice %arg3[%arg1, %dma_wait3A_37, %dma_wait3A_38] : memref<16x158x128xi32, #tpu.memory_space<hbm>> -> memref<1x158x128xi32, #tpu.memory_space<hbm>>
        %dma_wait3A_40 = tpu.memref_squeeze %dma_wait3A_39 : memref<1x158x128xi32, #tpu.memory_space<hbm>> -> memref<158x128xi32, #tpu.memory_space<hbm>>
        tpu.wait_dma2 semaphore(%run_scoped3A : memref<!tpu.dma_semaphore, #tpu.memory_space<semaphore_mem>>) src(%dma_wait3A_40 : memref<158x128xi32, #tpu.memory_space<hbm>>) dst(%arg7 : memref<158x128xi32, #tpu.memory_space<vmem>>)
        tpu.yield
      }) : () -> ()
    } else {
    }
    "tpu.region"() ({
      %run_scoped3A = tpu.sem_alloc : memref<!tpu.dma_semaphore, #tpu.memory_space<semaphore_mem>>
      tpu.enqueue_dma source(%arg4 : memref<128x128xf32, #tpu.memory_space<hbm>>) target(%arg8 : memref<128x128xf32, #tpu.memory_space<vmem>>) target_semaphore(%run_scoped3A : memref<!tpu.dma_semaphore, #tpu.memory_space<semaphore_mem>>)
      tpu.wait_dma2 semaphore(%run_scoped3A : memref<!tpu.dma_semaphore, #tpu.memory_space<semaphore_mem>>) src(%arg4 : memref<128x128xf32, #tpu.memory_space<hbm>>) dst(%arg8 : memref<128x128xf32, #tpu.memory_space<vmem>>)
      tpu.yield
    }) : () -> ()
    %mul3A = arith.constant 328 : i32
    %mul3A_7 = arith.muli %arg1, %mul3A : i32
    %add3A = arith.constant 0 : i32
    %add3A_8 = arith.addi %mul3A_7, %add3A : i32
    "tpu.region"() ({
      %run_scoped3A = tpu.sem_alloc : memref<!tpu.dma_semaphore, #tpu.memory_space<semaphore_mem>>
      %dma_start3A = arith.constant 0 : i32
      %dma_start3A_27 = arith.constant 0 : i32
      %dma_start3A_28 = tpu.memref_slice %arg8[%dma_start3A, %dma_start3A_27] : memref<128x128xf32, #tpu.memory_space<vmem>> -> memref<128x128xf32, #tpu.memory_space<vmem>>
      %dma_start3A_29 = arith.constant 0 : i32
      %dma_start3A_30 = tpu.memref_slice %arg9[%add3A_8, %dma_start3A_29] : memref<5248x128xf32, #tpu.memory_space<vmem_shared>> -> memref<128x128xf32, #tpu.memory_space<vmem_shared>>
      %dma_start3A_31 = arith.constant 0 : i32
      %dma_start3A_32 = tpu.memref_slice %arg9[%add3A_8, %dma_start3A_31] : memref<5248x128xf32, #tpu.memory_space<vmem_shared>> -> memref<128x128xf32, #tpu.memory_space<vmem_shared>>
      %dma_start3A_33 = arith.constant 0 : i32
      %dma_start3A_34 = arith.constant 0 : i32
      %dma_start3A_35 = tpu.memref_slice %arg8[%dma_start3A_33, %dma_start3A_34] : memref<128x128xf32, #tpu.memory_space<vmem>> -> memref<128x128xf32, #tpu.memory_space<vmem>>
      tpu.enqueue_dma source(%dma_start3A_35 : memref<128x128xf32, #tpu.memory_space<vmem>>) target(%dma_start3A_32 : memref<128x128xf32, #tpu.memory_space<vmem_shared>>) target_semaphore(%run_scoped3A : memref<!tpu.dma_semaphore, #tpu.memory_space<semaphore_mem>>)
      %dma_wait3A = arith.constant 0 : i32
      %dma_wait3A_36 = arith.constant 0 : i32
      %dma_wait3A_37 = tpu.memref_slice %arg8[%dma_wait3A, %dma_wait3A_36] : memref<128x128xf32, #tpu.memory_space<vmem>> -> memref<128x128xf32, #tpu.memory_space<vmem>>
      %dma_wait3A_38 = arith.constant 0 : i32
      %dma_wait3A_39 = tpu.memref_slice %arg9[%add3A_8, %dma_wait3A_38] : memref<5248x128xf32, #tpu.memory_space<vmem_shared>> -> memref<128x128xf32, #tpu.memory_space<vmem_shared>>
      %dma_wait3A_40 = arith.constant 0 : i32
      %dma_wait3A_41 = tpu.memref_slice %arg9[%add3A_8, %dma_wait3A_40] : memref<5248x128xf32, #tpu.memory_space<vmem_shared>> -> memref<128x128xf32, #tpu.memory_space<vmem_shared>>
      %dma_wait3A_42 = arith.constant 0 : i32
      %dma_wait3A_43 = arith.constant 0 : i32
      %dma_wait3A_44 = tpu.memref_slice %arg8[%dma_wait3A_42, %dma_wait3A_43] : memref<128x128xf32, #tpu.memory_space<vmem>> -> memref<128x128xf32, #tpu.memory_space<vmem>>
      tpu.wait_dma2 semaphore(%run_scoped3A : memref<!tpu.dma_semaphore, #tpu.memory_space<semaphore_mem>>) src(%dma_wait3A_44 : memref<128x128xf32, #tpu.memory_space<vmem>>) dst(%dma_wait3A_41 : memref<128x128xf32, #tpu.memory_space<vmem_shared>>)
      tpu.yield
    }) : () -> ()
    %mul3A_9 = arith.constant 328 : i32
    %mul3A_10 = arith.muli %arg1, %mul3A_9 : i32
    %add3A_11 = arith.constant 128 : i32
    %add3A_12 = arith.addi %mul3A_10, %add3A_11 : i32
    "tpu.region"() ({
      %run_scoped3A = tpu.sem_alloc : memref<!tpu.dma_semaphore, #tpu.memory_space<semaphore_mem>>
      %dma_start3A = arith.constant 0 : i32
      %dma_start3A_27 = arith.constant 0 : i32
      %dma_start3A_28 = tpu.memref_slice %arg8[%dma_start3A, %dma_start3A_27] : memref<128x128xf32, #tpu.memory_space<vmem>> -> memref<128x128xf32, #tpu.memory_space<vmem>>
      %dma_start3A_29 = arith.constant 0 : i32
      %dma_start3A_30 = tpu.memref_slice %arg9[%add3A_12, %dma_start3A_29] : memref<5248x128xf32, #tpu.memory_space<vmem_shared>> -> memref<128x128xf32, #tpu.memory_space<vmem_shared>>
      %dma_start3A_31 = arith.constant 0 : i32
      %dma_start3A_32 = tpu.memref_slice %arg9[%add3A_12, %dma_start3A_31] : memref<5248x128xf32, #tpu.memory_space<vmem_shared>> -> memref<128x128xf32, #tpu.memory_space<vmem_shared>>
      %dma_start3A_33 = arith.constant 0 : i32
      %dma_start3A_34 = arith.constant 0 : i32
      %dma_start3A_35 = tpu.memref_slice %arg8[%dma_start3A_33, %dma_start3A_34] : memref<128x128xf32, #tpu.memory_space<vmem>> -> memref<128x128xf32, #tpu.memory_space<vmem>>
      tpu.enqueue_dma source(%dma_start3A_35 : memref<128x128xf32, #tpu.memory_space<vmem>>) target(%dma_start3A_32 : memref<128x128xf32, #tpu.memory_space<vmem_shared>>) target_semaphore(%run_scoped3A : memref<!tpu.dma_semaphore, #tpu.memory_space<semaphore_mem>>)
      %dma_wait3A = arith.constant 0 : i32
      %dma_wait3A_36 = arith.constant 0 : i32
      %dma_wait3A_37 = tpu.memref_slice %arg8[%dma_wait3A, %dma_wait3A_36] : memref<128x128xf32, #tpu.memory_space<vmem>> -> memref<128x128xf32, #tpu.memory_space<vmem>>
      %dma_wait3A_38 = arith.constant 0 : i32
      %dma_wait3A_39 = tpu.memref_slice %arg9[%add3A_12, %dma_wait3A_38] : memref<5248x128xf32, #tpu.memory_space<vmem_shared>> -> memref<128x128xf32, #tpu.memory_space<vmem_shared>>
      %dma_wait3A_40 = arith.constant 0 : i32
      %dma_wait3A_41 = tpu.memref_slice %arg9[%add3A_12, %dma_wait3A_40] : memref<5248x128xf32, #tpu.memory_space<vmem_shared>> -> memref<128x128xf32, #tpu.memory_space<vmem_shared>>
      %dma_wait3A_42 = arith.constant 0 : i32
      %dma_wait3A_43 = arith.constant 0 : i32
      %dma_wait3A_44 = tpu.memref_slice %arg8[%dma_wait3A_42, %dma_wait3A_43] : memref<128x128xf32, #tpu.memory_space<vmem>> -> memref<128x128xf32, #tpu.memory_space<vmem>>
      tpu.wait_dma2 semaphore(%run_scoped3A : memref<!tpu.dma_semaphore, #tpu.memory_space<semaphore_mem>>) src(%dma_wait3A_44 : memref<128x128xf32, #tpu.memory_space<vmem>>) dst(%dma_wait3A_41 : memref<128x128xf32, #tpu.memory_space<vmem_shared>>)
      tpu.yield
    }) : () -> ()
    %mul3A_13 = arith.constant 328 : i32
    %mul3A_14 = arith.muli %arg1, %mul3A_13 : i32
    %add3A_15 = arith.constant 256 : i32
    %add3A_16 = arith.addi %mul3A_14, %add3A_15 : i32
    "tpu.region"() ({
      %run_scoped3A = tpu.sem_alloc : memref<!tpu.dma_semaphore, #tpu.memory_space<semaphore_mem>>
      %dma_start3A = arith.constant 0 : i32
      %dma_start3A_27 = arith.constant 0 : i32
      %dma_start3A_28 = tpu.memref_slice %arg8[%dma_start3A, %dma_start3A_27] : memref<128x128xf32, #tpu.memory_space<vmem>> -> memref<72x128xf32, #tpu.memory_space<vmem>>
      %dma_start3A_29 = arith.constant 0 : i32
      %dma_start3A_30 = tpu.memref_slice %arg9[%add3A_16, %dma_start3A_29] : memref<5248x128xf32, #tpu.memory_space<vmem_shared>> -> memref<72x128xf32, #tpu.memory_space<vmem_shared>>
      %dma_start3A_31 = arith.constant 0 : i32
      %dma_start3A_32 = tpu.memref_slice %arg9[%add3A_16, %dma_start3A_31] : memref<5248x128xf32, #tpu.memory_space<vmem_shared>> -> memref<72x128xf32, #tpu.memory_space<vmem_shared>>
      %dma_start3A_33 = arith.constant 0 : i32
      %dma_start3A_34 = arith.constant 0 : i32
      %dma_start3A_35 = tpu.memref_slice %arg8[%dma_start3A_33, %dma_start3A_34] : memref<128x128xf32, #tpu.memory_space<vmem>> -> memref<72x128xf32, #tpu.memory_space<vmem>>
      tpu.enqueue_dma source(%dma_start3A_35 : memref<72x128xf32, #tpu.memory_space<vmem>>) target(%dma_start3A_32 : memref<72x128xf32, #tpu.memory_space<vmem_shared>>) target_semaphore(%run_scoped3A : memref<!tpu.dma_semaphore, #tpu.memory_space<semaphore_mem>>)
      %dma_wait3A = arith.constant 0 : i32
      %dma_wait3A_36 = arith.constant 0 : i32
      %dma_wait3A_37 = tpu.memref_slice %arg8[%dma_wait3A, %dma_wait3A_36] : memref<128x128xf32, #tpu.memory_space<vmem>> -> memref<72x128xf32, #tpu.memory_space<vmem>>
      %dma_wait3A_38 = arith.constant 0 : i32
      %dma_wait3A_39 = tpu.memref_slice %arg9[%add3A_16, %dma_wait3A_38] : memref<5248x128xf32, #tpu.memory_space<vmem_shared>> -> memref<72x128xf32, #tpu.memory_space<vmem_shared>>
      %dma_wait3A_40 = arith.constant 0 : i32
      %dma_wait3A_41 = tpu.memref_slice %arg9[%add3A_16, %dma_wait3A_40] : memref<5248x128xf32, #tpu.memory_space<vmem_shared>> -> memref<72x128xf32, #tpu.memory_space<vmem_shared>>
      %dma_wait3A_42 = arith.constant 0 : i32
      %dma_wait3A_43 = arith.constant 0 : i32
      %dma_wait3A_44 = tpu.memref_slice %arg8[%dma_wait3A_42, %dma_wait3A_43] : memref<128x128xf32, #tpu.memory_space<vmem>> -> memref<72x128xf32, #tpu.memory_space<vmem>>
      tpu.wait_dma2 semaphore(%run_scoped3A : memref<!tpu.dma_semaphore, #tpu.memory_space<semaphore_mem>>) src(%dma_wait3A_44 : memref<72x128xf32, #tpu.memory_space<vmem>>) dst(%dma_wait3A_41 : memref<72x128xf32, #tpu.memory_space<vmem_shared>>)
      tpu.yield
    }) : () -> ()
    "tpu.region"() ({
      %run_scoped3A = tpu.sem_alloc : memref<!tpu.dma_semaphore, #tpu.memory_space<semaphore_mem>>
      tpu.enqueue_dma source(%arg5 : memref<128x128xf32, #tpu.memory_space<hbm>>) target(%arg8 : memref<128x128xf32, #tpu.memory_space<vmem>>) target_semaphore(%run_scoped3A : memref<!tpu.dma_semaphore, #tpu.memory_space<semaphore_mem>>)
      tpu.wait_dma2 semaphore(%run_scoped3A : memref<!tpu.dma_semaphore, #tpu.memory_space<semaphore_mem>>) src(%arg5 : memref<128x128xf32, #tpu.memory_space<hbm>>) dst(%arg8 : memref<128x128xf32, #tpu.memory_space<vmem>>)
      tpu.yield
    }) : () -> ()
    %barrier3A = arith.constant 0 : index
    tpu.barrier barrier_id(%barrier3A)
    %scan3A = arith.constant 0 : i32
    %scan3A_17 = arith.constant 0 : i32
    %scan3A_18 = arith.constant 158 : i32
    %scan3A_19 = arith.addi %scan3A_17, %scan3A_18 : i32
    %scan3A_20 = arith.constant 1 : i32
    scf.for %scan3A_27 = %scan3A_17 to %scan3A_19 step %scan3A_20  : i32 {
      "tpu.region"() ({
        %run_scoped3A = tpu.sem_alloc : memref<!tpu.dma_semaphore, #tpu.memory_space<semaphore_mem>>
        %dma_start3A = arith.constant 0 : i32
        %dma_start3A_28 = tpu.memref_slice %arg7[%scan3A_27, %dma_start3A] : memref<158x128xi32, #tpu.memory_space<vmem>> -> memref<1x128xi32, #tpu.memory_space<vmem>>
        %dma_start3A_29 = tpu.memref_squeeze %dma_start3A_28 : memref<1x128xi32, #tpu.memory_space<vmem>> -> memref<128xi32, #tpu.memory_space<vmem>>
        %dma_start3A_30 = arith.constant 0 : i32
        %dma_start3A_31 = arith.constant 0 : i32
        %dma_start3A_32 = tpu.memref_slice %arg9[%dma_start3A_30, %dma_start3A_31] : memref<5248x128xf32, #tpu.memory_space<vmem_shared>> -> memref<5248x128xf32, #tpu.memory_space<vmem_shared>>
        tpu.enqueue_indirect_dma source(%arg8 : memref<128x128xf32, #tpu.memory_space<vmem>>) target(%dma_start3A_32 : memref<5248x128xf32, #tpu.memory_space<vmem_shared>>) offsets(%dma_start3A_29 : memref<128xi32, #tpu.memory_space<vmem>>) semaphore(%run_scoped3A : memref<!tpu.dma_semaphore, #tpu.memory_space<semaphore_mem>>) {add = true}
        %dma_wait3A = arith.constant 0 : i32
        %dma_wait3A_33 = tpu.memref_slice %arg7[%scan3A_27, %dma_wait3A] : memref<158x128xi32, #tpu.memory_space<vmem>> -> memref<1x128xi32, #tpu.memory_space<vmem>>
        %dma_wait3A_34 = tpu.memref_squeeze %dma_wait3A_33 : memref<1x128xi32, #tpu.memory_space<vmem>> -> memref<128xi32, #tpu.memory_space<vmem>>
        %dma_wait3A_35 = arith.constant 0 : i32
        %dma_wait3A_36 = arith.constant 0 : i32
        %dma_wait3A_37 = tpu.memref_slice %arg9[%dma_wait3A_35, %dma_wait3A_36] : memref<5248x128xf32, #tpu.memory_space<vmem_shared>> -> memref<5248x128xf32, #tpu.memory_space<vmem_shared>>
        tpu.wait_indirect_dma semaphore(%run_scoped3A : memref<!tpu.dma_semaphore, #tpu.memory_space<semaphore_mem>>) src(%arg8 : memref<128x128xf32, #tpu.memory_space<vmem>>) dst(%dma_wait3A_37 : memref<5248x128xf32, #tpu.memory_space<vmem_shared>>)
        tpu.yield
      }) : () -> ()
    }
    %scan3A_21 = arith.constant 158 : i32
    %barrier3A_22 = arith.constant 0 : index
    tpu.barrier barrier_id(%barrier3A_22)
    %mul3A_23 = arith.constant 328 : i32
    %mul3A_24 = arith.muli %arg1, %mul3A_23 : i32
    %mul3A_25 = arith.constant 328 : i32
    %mul3A_26 = arith.muli %arg1, %mul3A_25 : i32
    "tpu.region"() ({
      %run_scoped3A = tpu.sem_alloc : memref<!tpu.dma_semaphore, #tpu.memory_space<semaphore_mem>>
      %dma_start3A = arith.constant 0 : i32
      %dma_start3A_27 = tpu.memref_slice %arg6[%arg0, %mul3A_26, %dma_start3A] : memref<2x5248x128xf32, #tpu.memory_space<hbm>> -> memref<1x328x128xf32, #tpu.memory_space<hbm>>
      %dma_start3A_28 = tpu.memref_squeeze %dma_start3A_27 : memref<1x328x128xf32, #tpu.memory_space<hbm>> -> memref<328x128xf32, #tpu.memory_space<hbm>>
      %dma_start3A_29 = arith.constant 0 : i32
      %dma_start3A_30 = tpu.memref_slice %arg9[%mul3A_24, %dma_start3A_29] : memref<5248x128xf32, #tpu.memory_space<vmem_shared>> -> memref<328x128xf32, #tpu.memory_space<vmem_shared>>
      tpu.enqueue_dma source(%dma_start3A_30 : memref<328x128xf32, #tpu.memory_space<vmem_shared>>) target(%dma_start3A_28 : memref<328x128xf32, #tpu.memory_space<hbm>>) target_semaphore(%run_scoped3A : memref<!tpu.dma_semaphore, #tpu.memory_space<semaphore_mem>>)
      %dma_wait3A = arith.constant 0 : i32
      %dma_wait3A_31 = tpu.memref_slice %arg6[%arg0, %mul3A_26, %dma_wait3A] : memref<2x5248x128xf32, #tpu.memory_space<hbm>> -> memref<1x328x128xf32, #tpu.memory_space<hbm>>
      %dma_wait3A_32 = tpu.memref_squeeze %dma_wait3A_31 : memref<1x328x128xf32, #tpu.memory_space<hbm>> -> memref<328x128xf32, #tpu.memory_space<hbm>>
      %dma_wait3A_33 = arith.constant 0 : i32
      %dma_wait3A_34 = tpu.memref_slice %arg9[%mul3A_24, %dma_wait3A_33] : memref<5248x128xf32, #tpu.memory_space<vmem_shared>> -> memref<328x128xf32, #tpu.memory_space<vmem_shared>>
      tpu.wait_dma2 semaphore(%run_scoped3A : memref<!tpu.dma_semaphore, #tpu.memory_space<semaphore_mem>>) src(%dma_wait3A_34 : memref<328x128xf32, #tpu.memory_space<vmem_shared>>) dst(%dma_wait3A_32 : memref<328x128xf32, #tpu.memory_space<hbm>>)
      tpu.yield
    }) : () -> ()
    return
  }
}

#map = affine_map<(d0, d1) -> (0, 0)>
#map1 = affine_map<(d0, d1) -> (0, 0, 0)>
#map2 = affine_map<(d0, d1) -> (0, 0, 0, 0)>
module attributes {stable_mosaic.version = 14 : i64} {
  func.func @_gather_body(%arg0: i32, %arg1: i32, %arg2: memref<10000x128xf32, #tpu.memory_space<hbm>>, %arg3: memref<10000x128xf32, #tpu.memory_space<hbm>>, %arg4: memref<16x158x128xi32, #tpu.memory_space<hbm>>, %arg5: memref<16x158x128xi32, #tpu.memory_space<hbm>>, %arg6: memref<16x158x128xi32, #tpu.memory_space<hbm>>, %arg7: memref<128x128xf32, #tpu.memory_space<hbm>>, %arg8: memref<2x2x5248x128xf32, #tpu.memory_space<hbm>>, %arg9: memref<158x128xi32, #tpu.memory_space<vmem>>, %arg10: memref<158x128xi32, #tpu.memory_space<vmem>>, %arg11: memref<128x128xf32, #tpu.memory_space<vmem>>, %arg12: memref<128x128xf32, #tpu.memory_space<vmem>>, %arg13: memref<5248x128xf32, #tpu.memory_space<vmem_shared>>, %arg14: memref<!tpu.dma_semaphore, #tpu.memory_space<semaphore_mem>>, %arg15: memref<!tpu.dma_semaphore, #tpu.memory_space<semaphore_mem>>, %arg16: memref<!tpu.dma_semaphore, #tpu.memory_space<semaphore_mem>>, %arg17: memref<!tpu.dma_semaphore, #tpu.memory_space<semaphore_mem>>) attributes {dimension_semantics = [#tpu.dimension_semantics<core_parallel>, #tpu.dimension_semantics<subcore_parallel>], iteration_bounds = array<i64: 2, 16>, scalar_prefetch = 0 : i64, scratch_operands = 9 : i64, tpu.core_type = #tpu.core_type<sc_vector_subcore>, window_params = [{transform_indices = #map}, {transform_indices = #map}, {transform_indices = #map1}, {transform_indices = #map1}, {transform_indices = #map1}, {transform_indices = #map}, {transform_indices = #map2}]} {
    "tpu.region"() ({
      %run_scoped3A_51 = tpu.sem_alloc : memref<!tpu.dma_semaphore, #tpu.memory_space<semaphore_mem>>
      %dma_start3A = arith.constant 0 : i32
      %dma_start3A_52 = arith.constant 0 : i32
      %dma_start3A_53 = tpu.memref_slice %arg4[%arg1, %dma_start3A, %dma_start3A_52] : memref<16x158x128xi32, #tpu.memory_space<hbm>> -> memref<1x158x128xi32, #tpu.memory_space<hbm>>
      %dma_start3A_54 = tpu.memref_squeeze %dma_start3A_53 : memref<1x158x128xi32, #tpu.memory_space<hbm>> -> memref<158x128xi32, #tpu.memory_space<hbm>>
      %dma_start3A_55 = arith.constant 0 : i32
      %dma_start3A_56 = arith.constant 0 : i32
      %dma_start3A_57 = tpu.memref_slice %arg4[%arg1, %dma_start3A_55, %dma_start3A_56] : memref<16x158x128xi32, #tpu.memory_space<hbm>> -> memref<1x158x128xi32, #tpu.memory_space<hbm>>
      %dma_start3A_58 = tpu.memref_squeeze %dma_start3A_57 : memref<1x158x128xi32, #tpu.memory_space<hbm>> -> memref<158x128xi32, #tpu.memory_space<hbm>>
      tpu.enqueue_dma source(%dma_start3A_58 : memref<158x128xi32, #tpu.memory_space<hbm>>) target(%arg9 : memref<158x128xi32, #tpu.memory_space<vmem>>) target_semaphore(%run_scoped3A_51 : memref<!tpu.dma_semaphore, #tpu.memory_space<semaphore_mem>>)
      %dma_wait3A = arith.constant 0 : i32
      %dma_wait3A_59 = arith.constant 0 : i32
      %dma_wait3A_60 = tpu.memref_slice %arg4[%arg1, %dma_wait3A, %dma_wait3A_59] : memref<16x158x128xi32, #tpu.memory_space<hbm>> -> memref<1x158x128xi32, #tpu.memory_space<hbm>>
      %dma_wait3A_61 = tpu.memref_squeeze %dma_wait3A_60 : memref<1x158x128xi32, #tpu.memory_space<hbm>> -> memref<158x128xi32, #tpu.memory_space<hbm>>
      %dma_wait3A_62 = arith.constant 0 : i32
      %dma_wait3A_63 = arith.constant 0 : i32
      %dma_wait3A_64 = tpu.memref_slice %arg4[%arg1, %dma_wait3A_62, %dma_wait3A_63] : memref<16x158x128xi32, #tpu.memory_space<hbm>> -> memref<1x158x128xi32, #tpu.memory_space<hbm>>
      %dma_wait3A_65 = tpu.memref_squeeze %dma_wait3A_64 : memref<1x158x128xi32, #tpu.memory_space<hbm>> -> memref<158x128xi32, #tpu.memory_space<hbm>>
      tpu.wait_dma2 semaphore(%run_scoped3A_51 : memref<!tpu.dma_semaphore, #tpu.memory_space<semaphore_mem>>) src(%dma_wait3A_65 : memref<158x128xi32, #tpu.memory_space<hbm>>) dst(%arg9 : memref<158x128xi32, #tpu.memory_space<vmem>>)
      tpu.yield
    }) : () -> ()
    "tpu.region"() ({
      %run_scoped3A_51 = tpu.sem_alloc : memref<!tpu.dma_semaphore, #tpu.memory_space<semaphore_mem>>
      %dma_start3A = arith.constant 0 : i32
      %dma_start3A_52 = arith.constant 0 : i32
      %dma_start3A_53 = tpu.memref_slice %arg5[%arg1, %dma_start3A, %dma_start3A_52] : memref<16x158x128xi32, #tpu.memory_space<hbm>> -> memref<1x158x128xi32, #tpu.memory_space<hbm>>
      %dma_start3A_54 = tpu.memref_squeeze %dma_start3A_53 : memref<1x158x128xi32, #tpu.memory_space<hbm>> -> memref<158x128xi32, #tpu.memory_space<hbm>>
      %dma_start3A_55 = arith.constant 0 : i32
      %dma_start3A_56 = arith.constant 0 : i32
      %dma_start3A_57 = tpu.memref_slice %arg5[%arg1, %dma_start3A_55, %dma_start3A_56] : memref<16x158x128xi32, #tpu.memory_space<hbm>> -> memref<1x158x128xi32, #tpu.memory_space<hbm>>
      %dma_start3A_58 = tpu.memref_squeeze %dma_start3A_57 : memref<1x158x128xi32, #tpu.memory_space<hbm>> -> memref<158x128xi32, #tpu.memory_space<hbm>>
      tpu.enqueue_dma source(%dma_start3A_58 : memref<158x128xi32, #tpu.memory_space<hbm>>) target(%arg10 : memref<158x128xi32, #tpu.memory_space<vmem>>) target_semaphore(%run_scoped3A_51 : memref<!tpu.dma_semaphore, #tpu.memory_space<semaphore_mem>>)
      %dma_wait3A = arith.constant 0 : i32
      %dma_wait3A_59 = arith.constant 0 : i32
      %dma_wait3A_60 = tpu.memref_slice %arg5[%arg1, %dma_wait3A, %dma_wait3A_59] : memref<16x158x128xi32, #tpu.memory_space<hbm>> -> memref<1x158x128xi32, #tpu.memory_space<hbm>>
      %dma_wait3A_61 = tpu.memref_squeeze %dma_wait3A_60 : memref<1x158x128xi32, #tpu.memory_space<hbm>> -> memref<158x128xi32, #tpu.memory_space<hbm>>
      %dma_wait3A_62 = arith.constant 0 : i32
      %dma_wait3A_63 = arith.constant 0 : i32
      %dma_wait3A_64 = tpu.memref_slice %arg5[%arg1, %dma_wait3A_62, %dma_wait3A_63] : memref<16x158x128xi32, #tpu.memory_space<hbm>> -> memref<1x158x128xi32, #tpu.memory_space<hbm>>
      %dma_wait3A_65 = tpu.memref_squeeze %dma_wait3A_64 : memref<1x158x128xi32, #tpu.memory_space<hbm>> -> memref<158x128xi32, #tpu.memory_space<hbm>>
      tpu.wait_dma2 semaphore(%run_scoped3A_51 : memref<!tpu.dma_semaphore, #tpu.memory_space<semaphore_mem>>) src(%dma_wait3A_65 : memref<158x128xi32, #tpu.memory_space<hbm>>) dst(%arg10 : memref<158x128xi32, #tpu.memory_space<vmem>>)
      tpu.yield
    }) : () -> ()
    "tpu.region"() ({
      %run_scoped3A_51 = tpu.sem_alloc : memref<!tpu.dma_semaphore, #tpu.memory_space<semaphore_mem>>
      tpu.enqueue_dma source(%arg7 : memref<128x128xf32, #tpu.memory_space<hbm>>) target(%arg11 : memref<128x128xf32, #tpu.memory_space<vmem>>) target_semaphore(%run_scoped3A_51 : memref<!tpu.dma_semaphore, #tpu.memory_space<semaphore_mem>>)
      tpu.wait_dma2 semaphore(%run_scoped3A_51 : memref<!tpu.dma_semaphore, #tpu.memory_space<semaphore_mem>>) src(%arg7 : memref<128x128xf32, #tpu.memory_space<hbm>>) dst(%arg11 : memref<128x128xf32, #tpu.memory_space<vmem>>)
      tpu.yield
    }) : () -> ()
    %mul3A = arith.constant 328 : i32
    %mul3A_0 = arith.muli %arg1, %mul3A : i32
    %add3A = arith.constant 0 : i32
    %add3A_1 = arith.addi %mul3A_0, %add3A : i32
    "tpu.region"() ({
      %run_scoped3A_51 = tpu.sem_alloc : memref<!tpu.dma_semaphore, #tpu.memory_space<semaphore_mem>>
      %dma_start3A = arith.constant 0 : i32
      %dma_start3A_52 = arith.constant 0 : i32
      %dma_start3A_53 = tpu.memref_slice %arg11[%dma_start3A, %dma_start3A_52] : memref<128x128xf32, #tpu.memory_space<vmem>> -> memref<128x128xf32, #tpu.memory_space<vmem>>
      %dma_start3A_54 = arith.constant 0 : i32
      %dma_start3A_55 = tpu.memref_slice %arg13[%add3A_1, %dma_start3A_54] : memref<5248x128xf32, #tpu.memory_space<vmem_shared>> -> memref<128x128xf32, #tpu.memory_space<vmem_shared>>
      %dma_start3A_56 = arith.constant 0 : i32
      %dma_start3A_57 = tpu.memref_slice %arg13[%add3A_1, %dma_start3A_56] : memref<5248x128xf32, #tpu.memory_space<vmem_shared>> -> memref<128x128xf32, #tpu.memory_space<vmem_shared>>
      %dma_start3A_58 = arith.constant 0 : i32
      %dma_start3A_59 = arith.constant 0 : i32
      %dma_start3A_60 = tpu.memref_slice %arg11[%dma_start3A_58, %dma_start3A_59] : memref<128x128xf32, #tpu.memory_space<vmem>> -> memref<128x128xf32, #tpu.memory_space<vmem>>
      tpu.enqueue_dma source(%dma_start3A_60 : memref<128x128xf32, #tpu.memory_space<vmem>>) target(%dma_start3A_57 : memref<128x128xf32, #tpu.memory_space<vmem_shared>>) target_semaphore(%run_scoped3A_51 : memref<!tpu.dma_semaphore, #tpu.memory_space<semaphore_mem>>)
      %dma_wait3A = arith.constant 0 : i32
      %dma_wait3A_61 = arith.constant 0 : i32
      %dma_wait3A_62 = tpu.memref_slice %arg11[%dma_wait3A, %dma_wait3A_61] : memref<128x128xf32, #tpu.memory_space<vmem>> -> memref<128x128xf32, #tpu.memory_space<vmem>>
      %dma_wait3A_63 = arith.constant 0 : i32
      %dma_wait3A_64 = tpu.memref_slice %arg13[%add3A_1, %dma_wait3A_63] : memref<5248x128xf32, #tpu.memory_space<vmem_shared>> -> memref<128x128xf32, #tpu.memory_space<vmem_shared>>
      %dma_wait3A_65 = arith.constant 0 : i32
      %dma_wait3A_66 = tpu.memref_slice %arg13[%add3A_1, %dma_wait3A_65] : memref<5248x128xf32, #tpu.memory_space<vmem_shared>> -> memref<128x128xf32, #tpu.memory_space<vmem_shared>>
      %dma_wait3A_67 = arith.constant 0 : i32
      %dma_wait3A_68 = arith.constant 0 : i32
      %dma_wait3A_69 = tpu.memref_slice %arg11[%dma_wait3A_67, %dma_wait3A_68] : memref<128x128xf32, #tpu.memory_space<vmem>> -> memref<128x128xf32, #tpu.memory_space<vmem>>
      tpu.wait_dma2 semaphore(%run_scoped3A_51 : memref<!tpu.dma_semaphore, #tpu.memory_space<semaphore_mem>>) src(%dma_wait3A_69 : memref<128x128xf32, #tpu.memory_space<vmem>>) dst(%dma_wait3A_66 : memref<128x128xf32, #tpu.memory_space<vmem_shared>>)
      tpu.yield
    }) : () -> ()
    %mul3A_2 = arith.constant 328 : i32
    %mul3A_3 = arith.muli %arg1, %mul3A_2 : i32
    %add3A_4 = arith.constant 128 : i32
    %add3A_5 = arith.addi %mul3A_3, %add3A_4 : i32
    "tpu.region"() ({
      %run_scoped3A_51 = tpu.sem_alloc : memref<!tpu.dma_semaphore, #tpu.memory_space<semaphore_mem>>
      %dma_start3A = arith.constant 0 : i32
      %dma_start3A_52 = arith.constant 0 : i32
      %dma_start3A_53 = tpu.memref_slice %arg11[%dma_start3A, %dma_start3A_52] : memref<128x128xf32, #tpu.memory_space<vmem>> -> memref<128x128xf32, #tpu.memory_space<vmem>>
      %dma_start3A_54 = arith.constant 0 : i32
      %dma_start3A_55 = tpu.memref_slice %arg13[%add3A_5, %dma_start3A_54] : memref<5248x128xf32, #tpu.memory_space<vmem_shared>> -> memref<128x128xf32, #tpu.memory_space<vmem_shared>>
      %dma_start3A_56 = arith.constant 0 : i32
      %dma_start3A_57 = tpu.memref_slice %arg13[%add3A_5, %dma_start3A_56] : memref<5248x128xf32, #tpu.memory_space<vmem_shared>> -> memref<128x128xf32, #tpu.memory_space<vmem_shared>>
      %dma_start3A_58 = arith.constant 0 : i32
      %dma_start3A_59 = arith.constant 0 : i32
      %dma_start3A_60 = tpu.memref_slice %arg11[%dma_start3A_58, %dma_start3A_59] : memref<128x128xf32, #tpu.memory_space<vmem>> -> memref<128x128xf32, #tpu.memory_space<vmem>>
      tpu.enqueue_dma source(%dma_start3A_60 : memref<128x128xf32, #tpu.memory_space<vmem>>) target(%dma_start3A_57 : memref<128x128xf32, #tpu.memory_space<vmem_shared>>) target_semaphore(%run_scoped3A_51 : memref<!tpu.dma_semaphore, #tpu.memory_space<semaphore_mem>>)
      %dma_wait3A = arith.constant 0 : i32
      %dma_wait3A_61 = arith.constant 0 : i32
      %dma_wait3A_62 = tpu.memref_slice %arg11[%dma_wait3A, %dma_wait3A_61] : memref<128x128xf32, #tpu.memory_space<vmem>> -> memref<128x128xf32, #tpu.memory_space<vmem>>
      %dma_wait3A_63 = arith.constant 0 : i32
      %dma_wait3A_64 = tpu.memref_slice %arg13[%add3A_5, %dma_wait3A_63] : memref<5248x128xf32, #tpu.memory_space<vmem_shared>> -> memref<128x128xf32, #tpu.memory_space<vmem_shared>>
      %dma_wait3A_65 = arith.constant 0 : i32
      %dma_wait3A_66 = tpu.memref_slice %arg13[%add3A_5, %dma_wait3A_65] : memref<5248x128xf32, #tpu.memory_space<vmem_shared>> -> memref<128x128xf32, #tpu.memory_space<vmem_shared>>
      %dma_wait3A_67 = arith.constant 0 : i32
      %dma_wait3A_68 = arith.constant 0 : i32
      %dma_wait3A_69 = tpu.memref_slice %arg11[%dma_wait3A_67, %dma_wait3A_68] : memref<128x128xf32, #tpu.memory_space<vmem>> -> memref<128x128xf32, #tpu.memory_space<vmem>>
      tpu.wait_dma2 semaphore(%run_scoped3A_51 : memref<!tpu.dma_semaphore, #tpu.memory_space<semaphore_mem>>) src(%dma_wait3A_69 : memref<128x128xf32, #tpu.memory_space<vmem>>) dst(%dma_wait3A_66 : memref<128x128xf32, #tpu.memory_space<vmem_shared>>)
      tpu.yield
    }) : () -> ()
    %mul3A_6 = arith.constant 328 : i32
    %mul3A_7 = arith.muli %arg1, %mul3A_6 : i32
    %add3A_8 = arith.constant 256 : i32
    %add3A_9 = arith.addi %mul3A_7, %add3A_8 : i32
    "tpu.region"() ({
      %run_scoped3A_51 = tpu.sem_alloc : memref<!tpu.dma_semaphore, #tpu.memory_space<semaphore_mem>>
      %dma_start3A = arith.constant 0 : i32
      %dma_start3A_52 = arith.constant 0 : i32
      %dma_start3A_53 = tpu.memref_slice %arg11[%dma_start3A, %dma_start3A_52] : memref<128x128xf32, #tpu.memory_space<vmem>> -> memref<72x128xf32, #tpu.memory_space<vmem>>
      %dma_start3A_54 = arith.constant 0 : i32
      %dma_start3A_55 = tpu.memref_slice %arg13[%add3A_9, %dma_start3A_54] : memref<5248x128xf32, #tpu.memory_space<vmem_shared>> -> memref<72x128xf32, #tpu.memory_space<vmem_shared>>
      %dma_start3A_56 = arith.constant 0 : i32
      %dma_start3A_57 = tpu.memref_slice %arg13[%add3A_9, %dma_start3A_56] : memref<5248x128xf32, #tpu.memory_space<vmem_shared>> -> memref<72x128xf32, #tpu.memory_space<vmem_shared>>
      %dma_start3A_58 = arith.constant 0 : i32
      %dma_start3A_59 = arith.constant 0 : i32
      %dma_start3A_60 = tpu.memref_slice %arg11[%dma_start3A_58, %dma_start3A_59] : memref<128x128xf32, #tpu.memory_space<vmem>> -> memref<72x128xf32, #tpu.memory_space<vmem>>
      tpu.enqueue_dma source(%dma_start3A_60 : memref<72x128xf32, #tpu.memory_space<vmem>>) target(%dma_start3A_57 : memref<72x128xf32, #tpu.memory_space<vmem_shared>>) target_semaphore(%run_scoped3A_51 : memref<!tpu.dma_semaphore, #tpu.memory_space<semaphore_mem>>)
      %dma_wait3A = arith.constant 0 : i32
      %dma_wait3A_61 = arith.constant 0 : i32
      %dma_wait3A_62 = tpu.memref_slice %arg11[%dma_wait3A, %dma_wait3A_61] : memref<128x128xf32, #tpu.memory_space<vmem>> -> memref<72x128xf32, #tpu.memory_space<vmem>>
      %dma_wait3A_63 = arith.constant 0 : i32
      %dma_wait3A_64 = tpu.memref_slice %arg13[%add3A_9, %dma_wait3A_63] : memref<5248x128xf32, #tpu.memory_space<vmem_shared>> -> memref<72x128xf32, #tpu.memory_space<vmem_shared>>
      %dma_wait3A_65 = arith.constant 0 : i32
      %dma_wait3A_66 = tpu.memref_slice %arg13[%add3A_9, %dma_wait3A_65] : memref<5248x128xf32, #tpu.memory_space<vmem_shared>> -> memref<72x128xf32, #tpu.memory_space<vmem_shared>>
      %dma_wait3A_67 = arith.constant 0 : i32
      %dma_wait3A_68 = arith.constant 0 : i32
      %dma_wait3A_69 = tpu.memref_slice %arg11[%dma_wait3A_67, %dma_wait3A_68] : memref<128x128xf32, #tpu.memory_space<vmem>> -> memref<72x128xf32, #tpu.memory_space<vmem>>
      tpu.wait_dma2 semaphore(%run_scoped3A_51 : memref<!tpu.dma_semaphore, #tpu.memory_space<semaphore_mem>>) src(%dma_wait3A_69 : memref<72x128xf32, #tpu.memory_space<vmem>>) dst(%dma_wait3A_66 : memref<72x128xf32, #tpu.memory_space<vmem_shared>>)
      tpu.yield
    }) : () -> ()
    %barrier3A = arith.constant 0 : index
    tpu.barrier barrier_id(%barrier3A)
    %eq3A = arith.constant 0 : i32
    %eq3A_10 = arith.cmpi eq, %arg0, %eq3A : i32
    %convert_element_type3A = arith.extui %eq3A_10 : i1 to i32
    %cond3A = arith.constant 0 : i32
    %cond3A_11 = arith.cmpi ne, %convert_element_type3A, %cond3A : i32
    scf.if %cond3A_11 {
      %scan3A = arith.constant 0 : i32
      %scan3A_51 = arith.constant 0 : i32
      %scan3A_52 = arith.constant 79 : i32
      %scan3A_53 = arith.addi %scan3A_51, %scan3A_52 : i32
      %scan3A_54 = arith.constant 1 : i32
      scf.for %scan3A_56 = %scan3A_51 to %scan3A_53 step %scan3A_54  : i32 {
        %mul3A_57 = arith.constant 2 : i32
        %mul3A_58 = arith.muli %mul3A_57, %scan3A_56 : i32
        %dma_start3A = arith.constant 0 : i32
        %dma_start3A_59 = tpu.memref_slice %arg9[%mul3A_58, %dma_start3A] : memref<158x128xi32, #tpu.memory_space<vmem>> -> memref<1x128xi32, #tpu.memory_space<vmem>>
        %dma_start3A_60 = tpu.memref_squeeze %dma_start3A_59 : memref<1x128xi32, #tpu.memory_space<vmem>> -> memref<128xi32, #tpu.memory_space<vmem>>
        %dma_start3A_61 = arith.constant 0 : i32
        %dma_start3A_62 = arith.constant 0 : i32
        %dma_start3A_63 = tpu.memref_slice %arg2[%dma_start3A_61, %dma_start3A_62] : memref<10000x128xf32, #tpu.memory_space<hbm>> -> memref<10000x128xf32, #tpu.memory_space<hbm>>
        tpu.enqueue_indirect_dma source(%dma_start3A_63 : memref<10000x128xf32, #tpu.memory_space<hbm>>) target(%arg11 : memref<128x128xf32, #tpu.memory_space<vmem>>) offsets(%dma_start3A_60 : memref<128xi32, #tpu.memory_space<vmem>>) semaphore(%arg14 : memref<!tpu.dma_semaphore, #tpu.memory_space<semaphore_mem>>)
        %add3A_64 = arith.constant 1 : i32
        %add3A_65 = arith.addi %mul3A_58, %add3A_64 : i32
        %dma_start3A_66 = arith.constant 0 : i32
        %dma_start3A_67 = tpu.memref_slice %arg9[%add3A_65, %dma_start3A_66] : memref<158x128xi32, #tpu.memory_space<vmem>> -> memref<1x128xi32, #tpu.memory_space<vmem>>
        %dma_start3A_68 = tpu.memref_squeeze %dma_start3A_67 : memref<1x128xi32, #tpu.memory_space<vmem>> -> memref<128xi32, #tpu.memory_space<vmem>>
        %dma_start3A_69 = arith.constant 0 : i32
        %dma_start3A_70 = arith.constant 0 : i32
        %dma_start3A_71 = tpu.memref_slice %arg2[%dma_start3A_69, %dma_start3A_70] : memref<10000x128xf32, #tpu.memory_space<hbm>> -> memref<10000x128xf32, #tpu.memory_space<hbm>>
        tpu.enqueue_indirect_dma source(%dma_start3A_71 : memref<10000x128xf32, #tpu.memory_space<hbm>>) target(%arg12 : memref<128x128xf32, #tpu.memory_space<vmem>>) offsets(%dma_start3A_68 : memref<128xi32, #tpu.memory_space<vmem>>) semaphore(%arg15 : memref<!tpu.dma_semaphore, #tpu.memory_space<semaphore_mem>>)
        %dma_wait3A = arith.constant 0 : i32
        %dma_wait3A_72 = tpu.memref_slice %arg9[%mul3A_58, %dma_wait3A] : memref<158x128xi32, #tpu.memory_space<vmem>> -> memref<1x128xi32, #tpu.memory_space<vmem>>
        %dma_wait3A_73 = tpu.memref_squeeze %dma_wait3A_72 : memref<1x128xi32, #tpu.memory_space<vmem>> -> memref<128xi32, #tpu.memory_space<vmem>>
        %dma_wait3A_74 = arith.constant 0 : i32
        %dma_wait3A_75 = arith.constant 0 : i32
        %dma_wait3A_76 = tpu.memref_slice %arg2[%dma_wait3A_74, %dma_wait3A_75] : memref<10000x128xf32, #tpu.memory_space<hbm>> -> memref<10000x128xf32, #tpu.memory_space<hbm>>
        tpu.wait_indirect_dma semaphore(%arg14 : memref<!tpu.dma_semaphore, #tpu.memory_space<semaphore_mem>>) src(%dma_wait3A_76 : memref<10000x128xf32, #tpu.memory_space<hbm>>) dst(%arg11 : memref<128x128xf32, #tpu.memory_space<vmem>>)
        "tpu.region"() ({
          %run_scoped3A_85 = tpu.sem_alloc : memref<!tpu.dma_semaphore, #tpu.memory_space<semaphore_mem>>
          %dma_start3A_86 = arith.constant 0 : i32
          %dma_start3A_87 = tpu.memref_slice %arg10[%mul3A_58, %dma_start3A_86] : memref<158x128xi32, #tpu.memory_space<vmem>> -> memref<1x128xi32, #tpu.memory_space<vmem>>
          %dma_start3A_88 = tpu.memref_squeeze %dma_start3A_87 : memref<1x128xi32, #tpu.memory_space<vmem>> -> memref<128xi32, #tpu.memory_space<vmem>>
          %dma_start3A_89 = arith.constant 0 : i32
          %dma_start3A_90 = arith.constant 0 : i32
          %dma_start3A_91 = tpu.memref_slice %arg13[%dma_start3A_89, %dma_start3A_90] : memref<5248x128xf32, #tpu.memory_space<vmem_shared>> -> memref<5248x128xf32, #tpu.memory_space<vmem_shared>>
          tpu.enqueue_indirect_dma source(%arg11 : memref<128x128xf32, #tpu.memory_space<vmem>>) target(%dma_start3A_91 : memref<5248x128xf32, #tpu.memory_space<vmem_shared>>) offsets(%dma_start3A_88 : memref<128xi32, #tpu.memory_space<vmem>>) semaphore(%run_scoped3A_85 : memref<!tpu.dma_semaphore, #tpu.memory_space<semaphore_mem>>) {add = true}
          %dma_wait3A_92 = arith.constant 0 : i32
          %dma_wait3A_93 = tpu.memref_slice %arg10[%mul3A_58, %dma_wait3A_92] : memref<158x128xi32, #tpu.memory_space<vmem>> -> memref<1x128xi32, #tpu.memory_space<vmem>>
          %dma_wait3A_94 = tpu.memref_squeeze %dma_wait3A_93 : memref<1x128xi32, #tpu.memory_space<vmem>> -> memref<128xi32, #tpu.memory_space<vmem>>
          %dma_wait3A_95 = arith.constant 0 : i32
          %dma_wait3A_96 = arith.constant 0 : i32
          %dma_wait3A_97 = tpu.memref_slice %arg13[%dma_wait3A_95, %dma_wait3A_96] : memref<5248x128xf32, #tpu.memory_space<vmem_shared>> -> memref<5248x128xf32, #tpu.memory_space<vmem_shared>>
          tpu.wait_indirect_dma semaphore(%run_scoped3A_85 : memref<!tpu.dma_semaphore, #tpu.memory_space<semaphore_mem>>) src(%arg11 : memref<128x128xf32, #tpu.memory_space<vmem>>) dst(%dma_wait3A_97 : memref<5248x128xf32, #tpu.memory_space<vmem_shared>>)
          tpu.yield
        }) : () -> ()
        %dma_wait3A_77 = arith.constant 0 : i32
        %dma_wait3A_78 = tpu.memref_slice %arg9[%add3A_65, %dma_wait3A_77] : memref<158x128xi32, #tpu.memory_space<vmem>> -> memref<1x128xi32, #tpu.memory_space<vmem>>
        %dma_wait3A_79 = tpu.memref_squeeze %dma_wait3A_78 : memref<1x128xi32, #tpu.memory_space<vmem>> -> memref<128xi32, #tpu.memory_space<vmem>>
        %dma_wait3A_80 = arith.constant 0 : i32
        %dma_wait3A_81 = arith.constant 0 : i32
        %dma_wait3A_82 = tpu.memref_slice %arg2[%dma_wait3A_80, %dma_wait3A_81] : memref<10000x128xf32, #tpu.memory_space<hbm>> -> memref<10000x128xf32, #tpu.memory_space<hbm>>
        tpu.wait_indirect_dma semaphore(%arg15 : memref<!tpu.dma_semaphore, #tpu.memory_space<semaphore_mem>>) src(%dma_wait3A_82 : memref<10000x128xf32, #tpu.memory_space<hbm>>) dst(%arg12 : memref<128x128xf32, #tpu.memory_space<vmem>>)
        %add3A_83 = arith.constant 1 : i32
        %add3A_84 = arith.addi %mul3A_58, %add3A_83 : i32
        "tpu.region"() ({
          %run_scoped3A_85 = tpu.sem_alloc : memref<!tpu.dma_semaphore, #tpu.memory_space<semaphore_mem>>
          %dma_start3A_86 = arith.constant 0 : i32
          %dma_start3A_87 = tpu.memref_slice %arg10[%add3A_84, %dma_start3A_86] : memref<158x128xi32, #tpu.memory_space<vmem>> -> memref<1x128xi32, #tpu.memory_space<vmem>>
          %dma_start3A_88 = tpu.memref_squeeze %dma_start3A_87 : memref<1x128xi32, #tpu.memory_space<vmem>> -> memref<128xi32, #tpu.memory_space<vmem>>
          %dma_start3A_89 = arith.constant 0 : i32
          %dma_start3A_90 = arith.constant 0 : i32
          %dma_start3A_91 = tpu.memref_slice %arg13[%dma_start3A_89, %dma_start3A_90] : memref<5248x128xf32, #tpu.memory_space<vmem_shared>> -> memref<5248x128xf32, #tpu.memory_space<vmem_shared>>
          tpu.enqueue_indirect_dma source(%arg12 : memref<128x128xf32, #tpu.memory_space<vmem>>) target(%dma_start3A_91 : memref<5248x128xf32, #tpu.memory_space<vmem_shared>>) offsets(%dma_start3A_88 : memref<128xi32, #tpu.memory_space<vmem>>) semaphore(%run_scoped3A_85 : memref<!tpu.dma_semaphore, #tpu.memory_space<semaphore_mem>>) {add = true}
          %dma_wait3A_92 = arith.constant 0 : i32
          %dma_wait3A_93 = tpu.memref_slice %arg10[%add3A_84, %dma_wait3A_92] : memref<158x128xi32, #tpu.memory_space<vmem>> -> memref<1x128xi32, #tpu.memory_space<vmem>>
          %dma_wait3A_94 = tpu.memref_squeeze %dma_wait3A_93 : memref<1x128xi32, #tpu.memory_space<vmem>> -> memref<128xi32, #tpu.memory_space<vmem>>
          %dma_wait3A_95 = arith.constant 0 : i32
          %dma_wait3A_96 = arith.constant 0 : i32
          %dma_wait3A_97 = tpu.memref_slice %arg13[%dma_wait3A_95, %dma_wait3A_96] : memref<5248x128xf32, #tpu.memory_space<vmem_shared>> -> memref<5248x128xf32, #tpu.memory_space<vmem_shared>>
          tpu.wait_indirect_dma semaphore(%run_scoped3A_85 : memref<!tpu.dma_semaphore, #tpu.memory_space<semaphore_mem>>) src(%arg12 : memref<128x128xf32, #tpu.memory_space<vmem>>) dst(%dma_wait3A_97 : memref<5248x128xf32, #tpu.memory_space<vmem_shared>>)
          tpu.yield
        }) : () -> ()
      }
      %scan3A_55 = arith.constant 79 : i32
    } else {
    }
    %eq3A_12 = arith.constant 1 : i32
    %eq3A_13 = arith.cmpi eq, %arg0, %eq3A_12 : i32
    %convert_element_type3A_14 = arith.extui %eq3A_13 : i1 to i32
    %cond3A_15 = arith.constant 0 : i32
    %cond3A_16 = arith.cmpi ne, %convert_element_type3A_14, %cond3A_15 : i32
    scf.if %cond3A_16 {
      %scan3A = arith.constant 0 : i32
      %scan3A_51 = arith.constant 0 : i32
      %scan3A_52 = arith.constant 79 : i32
      %scan3A_53 = arith.addi %scan3A_51, %scan3A_52 : i32
      %scan3A_54 = arith.constant 1 : i32
      scf.for %scan3A_56 = %scan3A_51 to %scan3A_53 step %scan3A_54  : i32 {
        %mul3A_57 = arith.constant 2 : i32
        %mul3A_58 = arith.muli %mul3A_57, %scan3A_56 : i32
        %dma_start3A = arith.constant 0 : i32
        %dma_start3A_59 = tpu.memref_slice %arg9[%mul3A_58, %dma_start3A] : memref<158x128xi32, #tpu.memory_space<vmem>> -> memref<1x128xi32, #tpu.memory_space<vmem>>
        %dma_start3A_60 = tpu.memref_squeeze %dma_start3A_59 : memref<1x128xi32, #tpu.memory_space<vmem>> -> memref<128xi32, #tpu.memory_space<vmem>>
        %dma_start3A_61 = arith.constant 0 : i32
        %dma_start3A_62 = arith.constant 0 : i32
        %dma_start3A_63 = tpu.memref_slice %arg3[%dma_start3A_61, %dma_start3A_62] : memref<10000x128xf32, #tpu.memory_space<hbm>> -> memref<10000x128xf32, #tpu.memory_space<hbm>>
        tpu.enqueue_indirect_dma source(%dma_start3A_63 : memref<10000x128xf32, #tpu.memory_space<hbm>>) target(%arg11 : memref<128x128xf32, #tpu.memory_space<vmem>>) offsets(%dma_start3A_60 : memref<128xi32, #tpu.memory_space<vmem>>) semaphore(%arg14 : memref<!tpu.dma_semaphore, #tpu.memory_space<semaphore_mem>>)
        %add3A_64 = arith.constant 1 : i32
        %add3A_65 = arith.addi %mul3A_58, %add3A_64 : i32
        %dma_start3A_66 = arith.constant 0 : i32
        %dma_start3A_67 = tpu.memref_slice %arg9[%add3A_65, %dma_start3A_66] : memref<158x128xi32, #tpu.memory_space<vmem>> -> memref<1x128xi32, #tpu.memory_space<vmem>>
        %dma_start3A_68 = tpu.memref_squeeze %dma_start3A_67 : memref<1x128xi32, #tpu.memory_space<vmem>> -> memref<128xi32, #tpu.memory_space<vmem>>
        %dma_start3A_69 = arith.constant 0 : i32
        %dma_start3A_70 = arith.constant 0 : i32
        %dma_start3A_71 = tpu.memref_slice %arg3[%dma_start3A_69, %dma_start3A_70] : memref<10000x128xf32, #tpu.memory_space<hbm>> -> memref<10000x128xf32, #tpu.memory_space<hbm>>
        tpu.enqueue_indirect_dma source(%dma_start3A_71 : memref<10000x128xf32, #tpu.memory_space<hbm>>) target(%arg12 : memref<128x128xf32, #tpu.memory_space<vmem>>) offsets(%dma_start3A_68 : memref<128xi32, #tpu.memory_space<vmem>>) semaphore(%arg15 : memref<!tpu.dma_semaphore, #tpu.memory_space<semaphore_mem>>)
        %dma_wait3A = arith.constant 0 : i32
        %dma_wait3A_72 = tpu.memref_slice %arg9[%mul3A_58, %dma_wait3A] : memref<158x128xi32, #tpu.memory_space<vmem>> -> memref<1x128xi32, #tpu.memory_space<vmem>>
        %dma_wait3A_73 = tpu.memref_squeeze %dma_wait3A_72 : memref<1x128xi32, #tpu.memory_space<vmem>> -> memref<128xi32, #tpu.memory_space<vmem>>
        %dma_wait3A_74 = arith.constant 0 : i32
        %dma_wait3A_75 = arith.constant 0 : i32
        %dma_wait3A_76 = tpu.memref_slice %arg3[%dma_wait3A_74, %dma_wait3A_75] : memref<10000x128xf32, #tpu.memory_space<hbm>> -> memref<10000x128xf32, #tpu.memory_space<hbm>>
        tpu.wait_indirect_dma semaphore(%arg14 : memref<!tpu.dma_semaphore, #tpu.memory_space<semaphore_mem>>) src(%dma_wait3A_76 : memref<10000x128xf32, #tpu.memory_space<hbm>>) dst(%arg11 : memref<128x128xf32, #tpu.memory_space<vmem>>)
        "tpu.region"() ({
          %run_scoped3A_85 = tpu.sem_alloc : memref<!tpu.dma_semaphore, #tpu.memory_space<semaphore_mem>>
          %dma_start3A_86 = arith.constant 0 : i32
          %dma_start3A_87 = tpu.memref_slice %arg10[%mul3A_58, %dma_start3A_86] : memref<158x128xi32, #tpu.memory_space<vmem>> -> memref<1x128xi32, #tpu.memory_space<vmem>>
          %dma_start3A_88 = tpu.memref_squeeze %dma_start3A_87 : memref<1x128xi32, #tpu.memory_space<vmem>> -> memref<128xi32, #tpu.memory_space<vmem>>
          %dma_start3A_89 = arith.constant 0 : i32
          %dma_start3A_90 = arith.constant 0 : i32
          %dma_start3A_91 = tpu.memref_slice %arg13[%dma_start3A_89, %dma_start3A_90] : memref<5248x128xf32, #tpu.memory_space<vmem_shared>> -> memref<5248x128xf32, #tpu.memory_space<vmem_shared>>
          tpu.enqueue_indirect_dma source(%arg11 : memref<128x128xf32, #tpu.memory_space<vmem>>) target(%dma_start3A_91 : memref<5248x128xf32, #tpu.memory_space<vmem_shared>>) offsets(%dma_start3A_88 : memref<128xi32, #tpu.memory_space<vmem>>) semaphore(%run_scoped3A_85 : memref<!tpu.dma_semaphore, #tpu.memory_space<semaphore_mem>>) {add = true}
          %dma_wait3A_92 = arith.constant 0 : i32
          %dma_wait3A_93 = tpu.memref_slice %arg10[%mul3A_58, %dma_wait3A_92] : memref<158x128xi32, #tpu.memory_space<vmem>> -> memref<1x128xi32, #tpu.memory_space<vmem>>
          %dma_wait3A_94 = tpu.memref_squeeze %dma_wait3A_93 : memref<1x128xi32, #tpu.memory_space<vmem>> -> memref<128xi32, #tpu.memory_space<vmem>>
          %dma_wait3A_95 = arith.constant 0 : i32
          %dma_wait3A_96 = arith.constant 0 : i32
          %dma_wait3A_97 = tpu.memref_slice %arg13[%dma_wait3A_95, %dma_wait3A_96] : memref<5248x128xf32, #tpu.memory_space<vmem_shared>> -> memref<5248x128xf32, #tpu.memory_space<vmem_shared>>
          tpu.wait_indirect_dma semaphore(%run_scoped3A_85 : memref<!tpu.dma_semaphore, #tpu.memory_space<semaphore_mem>>) src(%arg11 : memref<128x128xf32, #tpu.memory_space<vmem>>) dst(%dma_wait3A_97 : memref<5248x128xf32, #tpu.memory_space<vmem_shared>>)
          tpu.yield
        }) : () -> ()
        %dma_wait3A_77 = arith.constant 0 : i32
        %dma_wait3A_78 = tpu.memref_slice %arg9[%add3A_65, %dma_wait3A_77] : memref<158x128xi32, #tpu.memory_space<vmem>> -> memref<1x128xi32, #tpu.memory_space<vmem>>
        %dma_wait3A_79 = tpu.memref_squeeze %dma_wait3A_78 : memref<1x128xi32, #tpu.memory_space<vmem>> -> memref<128xi32, #tpu.memory_space<vmem>>
        %dma_wait3A_80 = arith.constant 0 : i32
        %dma_wait3A_81 = arith.constant 0 : i32
        %dma_wait3A_82 = tpu.memref_slice %arg3[%dma_wait3A_80, %dma_wait3A_81] : memref<10000x128xf32, #tpu.memory_space<hbm>> -> memref<10000x128xf32, #tpu.memory_space<hbm>>
        tpu.wait_indirect_dma semaphore(%arg15 : memref<!tpu.dma_semaphore, #tpu.memory_space<semaphore_mem>>) src(%dma_wait3A_82 : memref<10000x128xf32, #tpu.memory_space<hbm>>) dst(%arg12 : memref<128x128xf32, #tpu.memory_space<vmem>>)
        %add3A_83 = arith.constant 1 : i32
        %add3A_84 = arith.addi %mul3A_58, %add3A_83 : i32
        "tpu.region"() ({
          %run_scoped3A_85 = tpu.sem_alloc : memref<!tpu.dma_semaphore, #tpu.memory_space<semaphore_mem>>
          %dma_start3A_86 = arith.constant 0 : i32
          %dma_start3A_87 = tpu.memref_slice %arg10[%add3A_84, %dma_start3A_86] : memref<158x128xi32, #tpu.memory_space<vmem>> -> memref<1x128xi32, #tpu.memory_space<vmem>>
          %dma_start3A_88 = tpu.memref_squeeze %dma_start3A_87 : memref<1x128xi32, #tpu.memory_space<vmem>> -> memref<128xi32, #tpu.memory_space<vmem>>
          %dma_start3A_89 = arith.constant 0 : i32
          %dma_start3A_90 = arith.constant 0 : i32
          %dma_start3A_91 = tpu.memref_slice %arg13[%dma_start3A_89, %dma_start3A_90] : memref<5248x128xf32, #tpu.memory_space<vmem_shared>> -> memref<5248x128xf32, #tpu.memory_space<vmem_shared>>
          tpu.enqueue_indirect_dma source(%arg12 : memref<128x128xf32, #tpu.memory_space<vmem>>) target(%dma_start3A_91 : memref<5248x128xf32, #tpu.memory_space<vmem_shared>>) offsets(%dma_start3A_88 : memref<128xi32, #tpu.memory_space<vmem>>) semaphore(%run_scoped3A_85 : memref<!tpu.dma_semaphore, #tpu.memory_space<semaphore_mem>>) {add = true}
          %dma_wait3A_92 = arith.constant 0 : i32
          %dma_wait3A_93 = tpu.memref_slice %arg10[%add3A_84, %dma_wait3A_92] : memref<158x128xi32, #tpu.memory_space<vmem>> -> memref<1x128xi32, #tpu.memory_space<vmem>>
          %dma_wait3A_94 = tpu.memref_squeeze %dma_wait3A_93 : memref<1x128xi32, #tpu.memory_space<vmem>> -> memref<128xi32, #tpu.memory_space<vmem>>
          %dma_wait3A_95 = arith.constant 0 : i32
          %dma_wait3A_96 = arith.constant 0 : i32
          %dma_wait3A_97 = tpu.memref_slice %arg13[%dma_wait3A_95, %dma_wait3A_96] : memref<5248x128xf32, #tpu.memory_space<vmem_shared>> -> memref<5248x128xf32, #tpu.memory_space<vmem_shared>>
          tpu.wait_indirect_dma semaphore(%run_scoped3A_85 : memref<!tpu.dma_semaphore, #tpu.memory_space<semaphore_mem>>) src(%arg12 : memref<128x128xf32, #tpu.memory_space<vmem>>) dst(%dma_wait3A_97 : memref<5248x128xf32, #tpu.memory_space<vmem_shared>>)
          tpu.yield
        }) : () -> ()
      }
      %scan3A_55 = arith.constant 79 : i32
    } else {
    }
    %barrier3A_17 = arith.constant 0 : index
    tpu.barrier barrier_id(%barrier3A_17)
    %mul3A_18 = arith.constant 328 : i32
    %mul3A_19 = arith.muli %arg1, %mul3A_18 : i32
    %mul3A_20 = arith.constant 328 : i32
    %mul3A_21 = arith.muli %arg1, %mul3A_20 : i32
    %run_scoped3A = arith.constant 0 : i32
    "tpu.region"() ({
      %run_scoped3A_51 = tpu.sem_alloc : memref<!tpu.dma_semaphore, #tpu.memory_space<semaphore_mem>>
      %dma_start3A = arith.constant 0 : i32
      %dma_start3A_52 = tpu.memref_slice %arg8[%arg0, %run_scoped3A, %mul3A_21, %dma_start3A] : memref<2x2x5248x128xf32, #tpu.memory_space<hbm>> -> memref<1x1x328x128xf32, #tpu.memory_space<hbm>>
      %dma_start3A_53 = tpu.memref_squeeze %dma_start3A_52 : memref<1x1x328x128xf32, #tpu.memory_space<hbm>> -> memref<328x128xf32, #tpu.memory_space<hbm>>
      %dma_start3A_54 = arith.constant 0 : i32
      %dma_start3A_55 = tpu.memref_slice %arg13[%mul3A_19, %dma_start3A_54] : memref<5248x128xf32, #tpu.memory_space<vmem_shared>> -> memref<328x128xf32, #tpu.memory_space<vmem_shared>>
      tpu.enqueue_dma source(%dma_start3A_55 : memref<328x128xf32, #tpu.memory_space<vmem_shared>>) target(%dma_start3A_53 : memref<328x128xf32, #tpu.memory_space<hbm>>) target_semaphore(%run_scoped3A_51 : memref<!tpu.dma_semaphore, #tpu.memory_space<semaphore_mem>>)
      %dma_wait3A = arith.constant 0 : i32
      %dma_wait3A_56 = tpu.memref_slice %arg8[%arg0, %run_scoped3A, %mul3A_21, %dma_wait3A] : memref<2x2x5248x128xf32, #tpu.memory_space<hbm>> -> memref<1x1x328x128xf32, #tpu.memory_space<hbm>>
      %dma_wait3A_57 = tpu.memref_squeeze %dma_wait3A_56 : memref<1x1x328x128xf32, #tpu.memory_space<hbm>> -> memref<328x128xf32, #tpu.memory_space<hbm>>
      %dma_wait3A_58 = arith.constant 0 : i32
      %dma_wait3A_59 = tpu.memref_slice %arg13[%mul3A_19, %dma_wait3A_58] : memref<5248x128xf32, #tpu.memory_space<vmem_shared>> -> memref<328x128xf32, #tpu.memory_space<vmem_shared>>
      tpu.wait_dma2 semaphore(%run_scoped3A_51 : memref<!tpu.dma_semaphore, #tpu.memory_space<semaphore_mem>>) src(%dma_wait3A_59 : memref<328x128xf32, #tpu.memory_space<vmem_shared>>) dst(%dma_wait3A_57 : memref<328x128xf32, #tpu.memory_space<hbm>>)
      tpu.yield
    }) : () -> ()
    "tpu.region"() ({
      %run_scoped3A_51 = tpu.sem_alloc : memref<!tpu.dma_semaphore, #tpu.memory_space<semaphore_mem>>
      %dma_start3A = arith.constant 0 : i32
      %dma_start3A_52 = arith.constant 0 : i32
      %dma_start3A_53 = tpu.memref_slice %arg6[%arg1, %dma_start3A, %dma_start3A_52] : memref<16x158x128xi32, #tpu.memory_space<hbm>> -> memref<1x158x128xi32, #tpu.memory_space<hbm>>
      %dma_start3A_54 = tpu.memref_squeeze %dma_start3A_53 : memref<1x158x128xi32, #tpu.memory_space<hbm>> -> memref<158x128xi32, #tpu.memory_space<hbm>>
      %dma_start3A_55 = arith.constant 0 : i32
      %dma_start3A_56 = arith.constant 0 : i32
      %dma_start3A_57 = tpu.memref_slice %arg6[%arg1, %dma_start3A_55, %dma_start3A_56] : memref<16x158x128xi32, #tpu.memory_space<hbm>> -> memref<1x158x128xi32, #tpu.memory_space<hbm>>
      %dma_start3A_58 = tpu.memref_squeeze %dma_start3A_57 : memref<1x158x128xi32, #tpu.memory_space<hbm>> -> memref<158x128xi32, #tpu.memory_space<hbm>>
      tpu.enqueue_dma source(%dma_start3A_58 : memref<158x128xi32, #tpu.memory_space<hbm>>) target(%arg10 : memref<158x128xi32, #tpu.memory_space<vmem>>) target_semaphore(%run_scoped3A_51 : memref<!tpu.dma_semaphore, #tpu.memory_space<semaphore_mem>>)
      %dma_wait3A = arith.constant 0 : i32
      %dma_wait3A_59 = arith.constant 0 : i32
      %dma_wait3A_60 = tpu.memref_slice %arg6[%arg1, %dma_wait3A, %dma_wait3A_59] : memref<16x158x128xi32, #tpu.memory_space<hbm>> -> memref<1x158x128xi32, #tpu.memory_space<hbm>>
      %dma_wait3A_61 = tpu.memref_squeeze %dma_wait3A_60 : memref<1x158x128xi32, #tpu.memory_space<hbm>> -> memref<158x128xi32, #tpu.memory_space<hbm>>
      %dma_wait3A_62 = arith.constant 0 : i32
      %dma_wait3A_63 = arith.constant 0 : i32
      %dma_wait3A_64 = tpu.memref_slice %arg6[%arg1, %dma_wait3A_62, %dma_wait3A_63] : memref<16x158x128xi32, #tpu.memory_space<hbm>> -> memref<1x158x128xi32, #tpu.memory_space<hbm>>
      %dma_wait3A_65 = tpu.memref_squeeze %dma_wait3A_64 : memref<1x158x128xi32, #tpu.memory_space<hbm>> -> memref<158x128xi32, #tpu.memory_space<hbm>>
      tpu.wait_dma2 semaphore(%run_scoped3A_51 : memref<!tpu.dma_semaphore, #tpu.memory_space<semaphore_mem>>) src(%dma_wait3A_65 : memref<158x128xi32, #tpu.memory_space<hbm>>) dst(%arg10 : memref<158x128xi32, #tpu.memory_space<vmem>>)
      tpu.yield
    }) : () -> ()
    "tpu.region"() ({
      %run_scoped3A_51 = tpu.sem_alloc : memref<!tpu.dma_semaphore, #tpu.memory_space<semaphore_mem>>
      tpu.enqueue_dma source(%arg7 : memref<128x128xf32, #tpu.memory_space<hbm>>) target(%arg11 : memref<128x128xf32, #tpu.memory_space<vmem>>) target_semaphore(%run_scoped3A_51 : memref<!tpu.dma_semaphore, #tpu.memory_space<semaphore_mem>>)
      tpu.wait_dma2 semaphore(%run_scoped3A_51 : memref<!tpu.dma_semaphore, #tpu.memory_space<semaphore_mem>>) src(%arg7 : memref<128x128xf32, #tpu.memory_space<hbm>>) dst(%arg11 : memref<128x128xf32, #tpu.memory_space<vmem>>)
      tpu.yield
    }) : () -> ()
    %mul3A_22 = arith.constant 328 : i32
    %mul3A_23 = arith.muli %arg1, %mul3A_22 : i32
    %add3A_24 = arith.constant 0 : i32
    %add3A_25 = arith.addi %mul3A_23, %add3A_24 : i32
    "tpu.region"() ({
      %run_scoped3A_51 = tpu.sem_alloc : memref<!tpu.dma_semaphore, #tpu.memory_space<semaphore_mem>>
      %dma_start3A = arith.constant 0 : i32
      %dma_start3A_52 = arith.constant 0 : i32
      %dma_start3A_53 = tpu.memref_slice %arg11[%dma_start3A, %dma_start3A_52] : memref<128x128xf32, #tpu.memory_space<vmem>> -> memref<128x128xf32, #tpu.memory_space<vmem>>
      %dma_start3A_54 = arith.constant 0 : i32
      %dma_start3A_55 = tpu.memref_slice %arg13[%add3A_25, %dma_start3A_54] : memref<5248x128xf32, #tpu.memory_space<vmem_shared>> -> memref<128x128xf32, #tpu.memory_space<vmem_shared>>
      %dma_start3A_56 = arith.constant 0 : i32
      %dma_start3A_57 = tpu.memref_slice %arg13[%add3A_25, %dma_start3A_56] : memref<5248x128xf32, #tpu.memory_space<vmem_shared>> -> memref<128x128xf32, #tpu.memory_space<vmem_shared>>
      %dma_start3A_58 = arith.constant 0 : i32
      %dma_start3A_59 = arith.constant 0 : i32
      %dma_start3A_60 = tpu.memref_slice %arg11[%dma_start3A_58, %dma_start3A_59] : memref<128x128xf32, #tpu.memory_space<vmem>> -> memref<128x128xf32, #tpu.memory_space<vmem>>
      tpu.enqueue_dma source(%dma_start3A_60 : memref<128x128xf32, #tpu.memory_space<vmem>>) target(%dma_start3A_57 : memref<128x128xf32, #tpu.memory_space<vmem_shared>>) target_semaphore(%run_scoped3A_51 : memref<!tpu.dma_semaphore, #tpu.memory_space<semaphore_mem>>)
      %dma_wait3A = arith.constant 0 : i32
      %dma_wait3A_61 = arith.constant 0 : i32
      %dma_wait3A_62 = tpu.memref_slice %arg11[%dma_wait3A, %dma_wait3A_61] : memref<128x128xf32, #tpu.memory_space<vmem>> -> memref<128x128xf32, #tpu.memory_space<vmem>>
      %dma_wait3A_63 = arith.constant 0 : i32
      %dma_wait3A_64 = tpu.memref_slice %arg13[%add3A_25, %dma_wait3A_63] : memref<5248x128xf32, #tpu.memory_space<vmem_shared>> -> memref<128x128xf32, #tpu.memory_space<vmem_shared>>
      %dma_wait3A_65 = arith.constant 0 : i32
      %dma_wait3A_66 = tpu.memref_slice %arg13[%add3A_25, %dma_wait3A_65] : memref<5248x128xf32, #tpu.memory_space<vmem_shared>> -> memref<128x128xf32, #tpu.memory_space<vmem_shared>>
      %dma_wait3A_67 = arith.constant 0 : i32
      %dma_wait3A_68 = arith.constant 0 : i32
      %dma_wait3A_69 = tpu.memref_slice %arg11[%dma_wait3A_67, %dma_wait3A_68] : memref<128x128xf32, #tpu.memory_space<vmem>> -> memref<128x128xf32, #tpu.memory_space<vmem>>
      tpu.wait_dma2 semaphore(%run_scoped3A_51 : memref<!tpu.dma_semaphore, #tpu.memory_space<semaphore_mem>>) src(%dma_wait3A_69 : memref<128x128xf32, #tpu.memory_space<vmem>>) dst(%dma_wait3A_66 : memref<128x128xf32, #tpu.memory_space<vmem_shared>>)
      tpu.yield
    }) : () -> ()
    %mul3A_26 = arith.constant 328 : i32
    %mul3A_27 = arith.muli %arg1, %mul3A_26 : i32
    %add3A_28 = arith.constant 128 : i32
    %add3A_29 = arith.addi %mul3A_27, %add3A_28 : i32
    "tpu.region"() ({
      %run_scoped3A_51 = tpu.sem_alloc : memref<!tpu.dma_semaphore, #tpu.memory_space<semaphore_mem>>
      %dma_start3A = arith.constant 0 : i32
      %dma_start3A_52 = arith.constant 0 : i32
      %dma_start3A_53 = tpu.memref_slice %arg11[%dma_start3A, %dma_start3A_52] : memref<128x128xf32, #tpu.memory_space<vmem>> -> memref<128x128xf32, #tpu.memory_space<vmem>>
      %dma_start3A_54 = arith.constant 0 : i32
      %dma_start3A_55 = tpu.memref_slice %arg13[%add3A_29, %dma_start3A_54] : memref<5248x128xf32, #tpu.memory_space<vmem_shared>> -> memref<128x128xf32, #tpu.memory_space<vmem_shared>>
      %dma_start3A_56 = arith.constant 0 : i32
      %dma_start3A_57 = tpu.memref_slice %arg13[%add3A_29, %dma_start3A_56] : memref<5248x128xf32, #tpu.memory_space<vmem_shared>> -> memref<128x128xf32, #tpu.memory_space<vmem_shared>>
      %dma_start3A_58 = arith.constant 0 : i32
      %dma_start3A_59 = arith.constant 0 : i32
      %dma_start3A_60 = tpu.memref_slice %arg11[%dma_start3A_58, %dma_start3A_59] : memref<128x128xf32, #tpu.memory_space<vmem>> -> memref<128x128xf32, #tpu.memory_space<vmem>>
      tpu.enqueue_dma source(%dma_start3A_60 : memref<128x128xf32, #tpu.memory_space<vmem>>) target(%dma_start3A_57 : memref<128x128xf32, #tpu.memory_space<vmem_shared>>) target_semaphore(%run_scoped3A_51 : memref<!tpu.dma_semaphore, #tpu.memory_space<semaphore_mem>>)
      %dma_wait3A = arith.constant 0 : i32
      %dma_wait3A_61 = arith.constant 0 : i32
      %dma_wait3A_62 = tpu.memref_slice %arg11[%dma_wait3A, %dma_wait3A_61] : memref<128x128xf32, #tpu.memory_space<vmem>> -> memref<128x128xf32, #tpu.memory_space<vmem>>
      %dma_wait3A_63 = arith.constant 0 : i32
      %dma_wait3A_64 = tpu.memref_slice %arg13[%add3A_29, %dma_wait3A_63] : memref<5248x128xf32, #tpu.memory_space<vmem_shared>> -> memref<128x128xf32, #tpu.memory_space<vmem_shared>>
      %dma_wait3A_65 = arith.constant 0 : i32
      %dma_wait3A_66 = tpu.memref_slice %arg13[%add3A_29, %dma_wait3A_65] : memref<5248x128xf32, #tpu.memory_space<vmem_shared>> -> memref<128x128xf32, #tpu.memory_space<vmem_shared>>
      %dma_wait3A_67 = arith.constant 0 : i32
      %dma_wait3A_68 = arith.constant 0 : i32
      %dma_wait3A_69 = tpu.memref_slice %arg11[%dma_wait3A_67, %dma_wait3A_68] : memref<128x128xf32, #tpu.memory_space<vmem>> -> memref<128x128xf32, #tpu.memory_space<vmem>>
      tpu.wait_dma2 semaphore(%run_scoped3A_51 : memref<!tpu.dma_semaphore, #tpu.memory_space<semaphore_mem>>) src(%dma_wait3A_69 : memref<128x128xf32, #tpu.memory_space<vmem>>) dst(%dma_wait3A_66 : memref<128x128xf32, #tpu.memory_space<vmem_shared>>)
      tpu.yield
    }) : () -> ()
    %mul3A_30 = arith.constant 328 : i32
    %mul3A_31 = arith.muli %arg1, %mul3A_30 : i32
    %add3A_32 = arith.constant 256 : i32
    %add3A_33 = arith.addi %mul3A_31, %add3A_32 : i32
    "tpu.region"() ({
      %run_scoped3A_51 = tpu.sem_alloc : memref<!tpu.dma_semaphore, #tpu.memory_space<semaphore_mem>>
      %dma_start3A = arith.constant 0 : i32
      %dma_start3A_52 = arith.constant 0 : i32
      %dma_start3A_53 = tpu.memref_slice %arg11[%dma_start3A, %dma_start3A_52] : memref<128x128xf32, #tpu.memory_space<vmem>> -> memref<72x128xf32, #tpu.memory_space<vmem>>
      %dma_start3A_54 = arith.constant 0 : i32
      %dma_start3A_55 = tpu.memref_slice %arg13[%add3A_33, %dma_start3A_54] : memref<5248x128xf32, #tpu.memory_space<vmem_shared>> -> memref<72x128xf32, #tpu.memory_space<vmem_shared>>
      %dma_start3A_56 = arith.constant 0 : i32
      %dma_start3A_57 = tpu.memref_slice %arg13[%add3A_33, %dma_start3A_56] : memref<5248x128xf32, #tpu.memory_space<vmem_shared>> -> memref<72x128xf32, #tpu.memory_space<vmem_shared>>
      %dma_start3A_58 = arith.constant 0 : i32
      %dma_start3A_59 = arith.constant 0 : i32
      %dma_start3A_60 = tpu.memref_slice %arg11[%dma_start3A_58, %dma_start3A_59] : memref<128x128xf32, #tpu.memory_space<vmem>> -> memref<72x128xf32, #tpu.memory_space<vmem>>
      tpu.enqueue_dma source(%dma_start3A_60 : memref<72x128xf32, #tpu.memory_space<vmem>>) target(%dma_start3A_57 : memref<72x128xf32, #tpu.memory_space<vmem_shared>>) target_semaphore(%run_scoped3A_51 : memref<!tpu.dma_semaphore, #tpu.memory_space<semaphore_mem>>)
      %dma_wait3A = arith.constant 0 : i32
      %dma_wait3A_61 = arith.constant 0 : i32
      %dma_wait3A_62 = tpu.memref_slice %arg11[%dma_wait3A, %dma_wait3A_61] : memref<128x128xf32, #tpu.memory_space<vmem>> -> memref<72x128xf32, #tpu.memory_space<vmem>>
      %dma_wait3A_63 = arith.constant 0 : i32
      %dma_wait3A_64 = tpu.memref_slice %arg13[%add3A_33, %dma_wait3A_63] : memref<5248x128xf32, #tpu.memory_space<vmem_shared>> -> memref<72x128xf32, #tpu.memory_space<vmem_shared>>
      %dma_wait3A_65 = arith.constant 0 : i32
      %dma_wait3A_66 = tpu.memref_slice %arg13[%add3A_33, %dma_wait3A_65] : memref<5248x128xf32, #tpu.memory_space<vmem_shared>> -> memref<72x128xf32, #tpu.memory_space<vmem_shared>>
      %dma_wait3A_67 = arith.constant 0 : i32
      %dma_wait3A_68 = arith.constant 0 : i32
      %dma_wait3A_69 = tpu.memref_slice %arg11[%dma_wait3A_67, %dma_wait3A_68] : memref<128x128xf32, #tpu.memory_space<vmem>> -> memref<72x128xf32, #tpu.memory_space<vmem>>
      tpu.wait_dma2 semaphore(%run_scoped3A_51 : memref<!tpu.dma_semaphore, #tpu.memory_space<semaphore_mem>>) src(%dma_wait3A_69 : memref<72x128xf32, #tpu.memory_space<vmem>>) dst(%dma_wait3A_66 : memref<72x128xf32, #tpu.memory_space<vmem_shared>>)
      tpu.yield
    }) : () -> ()
    %barrier3A_34 = arith.constant 0 : index
    tpu.barrier barrier_id(%barrier3A_34)
    %eq3A_35 = arith.constant 0 : i32
    %eq3A_36 = arith.cmpi eq, %arg0, %eq3A_35 : i32
    %convert_element_type3A_37 = arith.extui %eq3A_36 : i1 to i32
    %cond3A_38 = arith.constant 0 : i32
    %cond3A_39 = arith.cmpi ne, %convert_element_type3A_37, %cond3A_38 : i32
    scf.if %cond3A_39 {
      %scan3A = arith.constant 0 : i32
      %scan3A_51 = arith.constant 0 : i32
      %scan3A_52 = arith.constant 79 : i32
      %scan3A_53 = arith.addi %scan3A_51, %scan3A_52 : i32
      %scan3A_54 = arith.constant 1 : i32
      scf.for %scan3A_56 = %scan3A_51 to %scan3A_53 step %scan3A_54  : i32 {
        %mul3A_57 = arith.constant 2 : i32
        %mul3A_58 = arith.muli %mul3A_57, %scan3A_56 : i32
        %dma_start3A = arith.constant 0 : i32
        %dma_start3A_59 = tpu.memref_slice %arg9[%mul3A_58, %dma_start3A] : memref<158x128xi32, #tpu.memory_space<vmem>> -> memref<1x128xi32, #tpu.memory_space<vmem>>
        %dma_start3A_60 = tpu.memref_squeeze %dma_start3A_59 : memref<1x128xi32, #tpu.memory_space<vmem>> -> memref<128xi32, #tpu.memory_space<vmem>>
        %dma_start3A_61 = arith.constant 0 : i32
        %dma_start3A_62 = arith.constant 0 : i32
        %dma_start3A_63 = tpu.memref_slice %arg2[%dma_start3A_61, %dma_start3A_62] : memref<10000x128xf32, #tpu.memory_space<hbm>> -> memref<10000x128xf32, #tpu.memory_space<hbm>>
        tpu.enqueue_indirect_dma source(%dma_start3A_63 : memref<10000x128xf32, #tpu.memory_space<hbm>>) target(%arg11 : memref<128x128xf32, #tpu.memory_space<vmem>>) offsets(%dma_start3A_60 : memref<128xi32, #tpu.memory_space<vmem>>) semaphore(%arg14 : memref<!tpu.dma_semaphore, #tpu.memory_space<semaphore_mem>>)
        %add3A_64 = arith.constant 1 : i32
        %add3A_65 = arith.addi %mul3A_58, %add3A_64 : i32
        %dma_start3A_66 = arith.constant 0 : i32
        %dma_start3A_67 = tpu.memref_slice %arg9[%add3A_65, %dma_start3A_66] : memref<158x128xi32, #tpu.memory_space<vmem>> -> memref<1x128xi32, #tpu.memory_space<vmem>>
        %dma_start3A_68 = tpu.memref_squeeze %dma_start3A_67 : memref<1x128xi32, #tpu.memory_space<vmem>> -> memref<128xi32, #tpu.memory_space<vmem>>
        %dma_start3A_69 = arith.constant 0 : i32
        %dma_start3A_70 = arith.constant 0 : i32
        %dma_start3A_71 = tpu.memref_slice %arg2[%dma_start3A_69, %dma_start3A_70] : memref<10000x128xf32, #tpu.memory_space<hbm>> -> memref<10000x128xf32, #tpu.memory_space<hbm>>
        tpu.enqueue_indirect_dma source(%dma_start3A_71 : memref<10000x128xf32, #tpu.memory_space<hbm>>) target(%arg12 : memref<128x128xf32, #tpu.memory_space<vmem>>) offsets(%dma_start3A_68 : memref<128xi32, #tpu.memory_space<vmem>>) semaphore(%arg15 : memref<!tpu.dma_semaphore, #tpu.memory_space<semaphore_mem>>)
        %dma_wait3A = arith.constant 0 : i32
        %dma_wait3A_72 = tpu.memref_slice %arg9[%mul3A_58, %dma_wait3A] : memref<158x128xi32, #tpu.memory_space<vmem>> -> memref<1x128xi32, #tpu.memory_space<vmem>>
        %dma_wait3A_73 = tpu.memref_squeeze %dma_wait3A_72 : memref<1x128xi32, #tpu.memory_space<vmem>> -> memref<128xi32, #tpu.memory_space<vmem>>
        %dma_wait3A_74 = arith.constant 0 : i32
        %dma_wait3A_75 = arith.constant 0 : i32
        %dma_wait3A_76 = tpu.memref_slice %arg2[%dma_wait3A_74, %dma_wait3A_75] : memref<10000x128xf32, #tpu.memory_space<hbm>> -> memref<10000x128xf32, #tpu.memory_space<hbm>>
        tpu.wait_indirect_dma semaphore(%arg14 : memref<!tpu.dma_semaphore, #tpu.memory_space<semaphore_mem>>) src(%dma_wait3A_76 : memref<10000x128xf32, #tpu.memory_space<hbm>>) dst(%arg11 : memref<128x128xf32, #tpu.memory_space<vmem>>)
        "tpu.region"() ({
          %run_scoped3A_85 = tpu.sem_alloc : memref<!tpu.dma_semaphore, #tpu.memory_space<semaphore_mem>>
          %dma_start3A_86 = arith.constant 0 : i32
          %dma_start3A_87 = tpu.memref_slice %arg10[%mul3A_58, %dma_start3A_86] : memref<158x128xi32, #tpu.memory_space<vmem>> -> memref<1x128xi32, #tpu.memory_space<vmem>>
          %dma_start3A_88 = tpu.memref_squeeze %dma_start3A_87 : memref<1x128xi32, #tpu.memory_space<vmem>> -> memref<128xi32, #tpu.memory_space<vmem>>
          %dma_start3A_89 = arith.constant 0 : i32
          %dma_start3A_90 = arith.constant 0 : i32
          %dma_start3A_91 = tpu.memref_slice %arg13[%dma_start3A_89, %dma_start3A_90] : memref<5248x128xf32, #tpu.memory_space<vmem_shared>> -> memref<5248x128xf32, #tpu.memory_space<vmem_shared>>
          tpu.enqueue_indirect_dma source(%arg11 : memref<128x128xf32, #tpu.memory_space<vmem>>) target(%dma_start3A_91 : memref<5248x128xf32, #tpu.memory_space<vmem_shared>>) offsets(%dma_start3A_88 : memref<128xi32, #tpu.memory_space<vmem>>) semaphore(%run_scoped3A_85 : memref<!tpu.dma_semaphore, #tpu.memory_space<semaphore_mem>>) {add = true}
          %dma_wait3A_92 = arith.constant 0 : i32
          %dma_wait3A_93 = tpu.memref_slice %arg10[%mul3A_58, %dma_wait3A_92] : memref<158x128xi32, #tpu.memory_space<vmem>> -> memref<1x128xi32, #tpu.memory_space<vmem>>
          %dma_wait3A_94 = tpu.memref_squeeze %dma_wait3A_93 : memref<1x128xi32, #tpu.memory_space<vmem>> -> memref<128xi32, #tpu.memory_space<vmem>>
          %dma_wait3A_95 = arith.constant 0 : i32
          %dma_wait3A_96 = arith.constant 0 : i32
          %dma_wait3A_97 = tpu.memref_slice %arg13[%dma_wait3A_95, %dma_wait3A_96] : memref<5248x128xf32, #tpu.memory_space<vmem_shared>> -> memref<5248x128xf32, #tpu.memory_space<vmem_shared>>
          tpu.wait_indirect_dma semaphore(%run_scoped3A_85 : memref<!tpu.dma_semaphore, #tpu.memory_space<semaphore_mem>>) src(%arg11 : memref<128x128xf32, #tpu.memory_space<vmem>>) dst(%dma_wait3A_97 : memref<5248x128xf32, #tpu.memory_space<vmem_shared>>)
          tpu.yield
        }) : () -> ()
        %dma_wait3A_77 = arith.constant 0 : i32
        %dma_wait3A_78 = tpu.memref_slice %arg9[%add3A_65, %dma_wait3A_77] : memref<158x128xi32, #tpu.memory_space<vmem>> -> memref<1x128xi32, #tpu.memory_space<vmem>>
        %dma_wait3A_79 = tpu.memref_squeeze %dma_wait3A_78 : memref<1x128xi32, #tpu.memory_space<vmem>> -> memref<128xi32, #tpu.memory_space<vmem>>
        %dma_wait3A_80 = arith.constant 0 : i32
        %dma_wait3A_81 = arith.constant 0 : i32
        %dma_wait3A_82 = tpu.memref_slice %arg2[%dma_wait3A_80, %dma_wait3A_81] : memref<10000x128xf32, #tpu.memory_space<hbm>> -> memref<10000x128xf32, #tpu.memory_space<hbm>>
        tpu.wait_indirect_dma semaphore(%arg15 : memref<!tpu.dma_semaphore, #tpu.memory_space<semaphore_mem>>) src(%dma_wait3A_82 : memref<10000x128xf32, #tpu.memory_space<hbm>>) dst(%arg12 : memref<128x128xf32, #tpu.memory_space<vmem>>)
        %add3A_83 = arith.constant 1 : i32
        %add3A_84 = arith.addi %mul3A_58, %add3A_83 : i32
        "tpu.region"() ({
          %run_scoped3A_85 = tpu.sem_alloc : memref<!tpu.dma_semaphore, #tpu.memory_space<semaphore_mem>>
          %dma_start3A_86 = arith.constant 0 : i32
          %dma_start3A_87 = tpu.memref_slice %arg10[%add3A_84, %dma_start3A_86] : memref<158x128xi32, #tpu.memory_space<vmem>> -> memref<1x128xi32, #tpu.memory_space<vmem>>
          %dma_start3A_88 = tpu.memref_squeeze %dma_start3A_87 : memref<1x128xi32, #tpu.memory_space<vmem>> -> memref<128xi32, #tpu.memory_space<vmem>>
          %dma_start3A_89 = arith.constant 0 : i32
          %dma_start3A_90 = arith.constant 0 : i32
          %dma_start3A_91 = tpu.memref_slice %arg13[%dma_start3A_89, %dma_start3A_90] : memref<5248x128xf32, #tpu.memory_space<vmem_shared>> -> memref<5248x128xf32, #tpu.memory_space<vmem_shared>>
          tpu.enqueue_indirect_dma source(%arg12 : memref<128x128xf32, #tpu.memory_space<vmem>>) target(%dma_start3A_91 : memref<5248x128xf32, #tpu.memory_space<vmem_shared>>) offsets(%dma_start3A_88 : memref<128xi32, #tpu.memory_space<vmem>>) semaphore(%run_scoped3A_85 : memref<!tpu.dma_semaphore, #tpu.memory_space<semaphore_mem>>) {add = true}
          %dma_wait3A_92 = arith.constant 0 : i32
          %dma_wait3A_93 = tpu.memref_slice %arg10[%add3A_84, %dma_wait3A_92] : memref<158x128xi32, #tpu.memory_space<vmem>> -> memref<1x128xi32, #tpu.memory_space<vmem>>
          %dma_wait3A_94 = tpu.memref_squeeze %dma_wait3A_93 : memref<1x128xi32, #tpu.memory_space<vmem>> -> memref<128xi32, #tpu.memory_space<vmem>>
          %dma_wait3A_95 = arith.constant 0 : i32
          %dma_wait3A_96 = arith.constant 0 : i32
          %dma_wait3A_97 = tpu.memref_slice %arg13[%dma_wait3A_95, %dma_wait3A_96] : memref<5248x128xf32, #tpu.memory_space<vmem_shared>> -> memref<5248x128xf32, #tpu.memory_space<vmem_shared>>
          tpu.wait_indirect_dma semaphore(%run_scoped3A_85 : memref<!tpu.dma_semaphore, #tpu.memory_space<semaphore_mem>>) src(%arg12 : memref<128x128xf32, #tpu.memory_space<vmem>>) dst(%dma_wait3A_97 : memref<5248x128xf32, #tpu.memory_space<vmem_shared>>)
          tpu.yield
        }) : () -> ()
      }
      %scan3A_55 = arith.constant 79 : i32
    } else {
    }
    %eq3A_40 = arith.constant 1 : i32
    %eq3A_41 = arith.cmpi eq, %arg0, %eq3A_40 : i32
    %convert_element_type3A_42 = arith.extui %eq3A_41 : i1 to i32
    %cond3A_43 = arith.constant 0 : i32
    %cond3A_44 = arith.cmpi ne, %convert_element_type3A_42, %cond3A_43 : i32
    scf.if %cond3A_44 {
      %scan3A = arith.constant 0 : i32
      %scan3A_51 = arith.constant 0 : i32
      %scan3A_52 = arith.constant 79 : i32
      %scan3A_53 = arith.addi %scan3A_51, %scan3A_52 : i32
      %scan3A_54 = arith.constant 1 : i32
      scf.for %scan3A_56 = %scan3A_51 to %scan3A_53 step %scan3A_54  : i32 {
        %mul3A_57 = arith.constant 2 : i32
        %mul3A_58 = arith.muli %mul3A_57, %scan3A_56 : i32
        %dma_start3A = arith.constant 0 : i32
        %dma_start3A_59 = tpu.memref_slice %arg9[%mul3A_58, %dma_start3A] : memref<158x128xi32, #tpu.memory_space<vmem>> -> memref<1x128xi32, #tpu.memory_space<vmem>>
        %dma_start3A_60 = tpu.memref_squeeze %dma_start3A_59 : memref<1x128xi32, #tpu.memory_space<vmem>> -> memref<128xi32, #tpu.memory_space<vmem>>
        %dma_start3A_61 = arith.constant 0 : i32
        %dma_start3A_62 = arith.constant 0 : i32
        %dma_start3A_63 = tpu.memref_slice %arg3[%dma_start3A_61, %dma_start3A_62] : memref<10000x128xf32, #tpu.memory_space<hbm>> -> memref<10000x128xf32, #tpu.memory_space<hbm>>
        tpu.enqueue_indirect_dma source(%dma_start3A_63 : memref<10000x128xf32, #tpu.memory_space<hbm>>) target(%arg11 : memref<128x128xf32, #tpu.memory_space<vmem>>) offsets(%dma_start3A_60 : memref<128xi32, #tpu.memory_space<vmem>>) semaphore(%arg14 : memref<!tpu.dma_semaphore, #tpu.memory_space<semaphore_mem>>)
        %add3A_64 = arith.constant 1 : i32
        %add3A_65 = arith.addi %mul3A_58, %add3A_64 : i32
        %dma_start3A_66 = arith.constant 0 : i32
        %dma_start3A_67 = tpu.memref_slice %arg9[%add3A_65, %dma_start3A_66] : memref<158x128xi32, #tpu.memory_space<vmem>> -> memref<1x128xi32, #tpu.memory_space<vmem>>
        %dma_start3A_68 = tpu.memref_squeeze %dma_start3A_67 : memref<1x128xi32, #tpu.memory_space<vmem>> -> memref<128xi32, #tpu.memory_space<vmem>>
        %dma_start3A_69 = arith.constant 0 : i32
        %dma_start3A_70 = arith.constant 0 : i32
        %dma_start3A_71 = tpu.memref_slice %arg3[%dma_start3A_69, %dma_start3A_70] : memref<10000x128xf32, #tpu.memory_space<hbm>> -> memref<10000x128xf32, #tpu.memory_space<hbm>>
        tpu.enqueue_indirect_dma source(%dma_start3A_71 : memref<10000x128xf32, #tpu.memory_space<hbm>>) target(%arg12 : memref<128x128xf32, #tpu.memory_space<vmem>>) offsets(%dma_start3A_68 : memref<128xi32, #tpu.memory_space<vmem>>) semaphore(%arg15 : memref<!tpu.dma_semaphore, #tpu.memory_space<semaphore_mem>>)
        %dma_wait3A = arith.constant 0 : i32
        %dma_wait3A_72 = tpu.memref_slice %arg9[%mul3A_58, %dma_wait3A] : memref<158x128xi32, #tpu.memory_space<vmem>> -> memref<1x128xi32, #tpu.memory_space<vmem>>
        %dma_wait3A_73 = tpu.memref_squeeze %dma_wait3A_72 : memref<1x128xi32, #tpu.memory_space<vmem>> -> memref<128xi32, #tpu.memory_space<vmem>>
        %dma_wait3A_74 = arith.constant 0 : i32
        %dma_wait3A_75 = arith.constant 0 : i32
        %dma_wait3A_76 = tpu.memref_slice %arg3[%dma_wait3A_74, %dma_wait3A_75] : memref<10000x128xf32, #tpu.memory_space<hbm>> -> memref<10000x128xf32, #tpu.memory_space<hbm>>
        tpu.wait_indirect_dma semaphore(%arg14 : memref<!tpu.dma_semaphore, #tpu.memory_space<semaphore_mem>>) src(%dma_wait3A_76 : memref<10000x128xf32, #tpu.memory_space<hbm>>) dst(%arg11 : memref<128x128xf32, #tpu.memory_space<vmem>>)
        "tpu.region"() ({
          %run_scoped3A_85 = tpu.sem_alloc : memref<!tpu.dma_semaphore, #tpu.memory_space<semaphore_mem>>
          %dma_start3A_86 = arith.constant 0 : i32
          %dma_start3A_87 = tpu.memref_slice %arg10[%mul3A_58, %dma_start3A_86] : memref<158x128xi32, #tpu.memory_space<vmem>> -> memref<1x128xi32, #tpu.memory_space<vmem>>
          %dma_start3A_88 = tpu.memref_squeeze %dma_start3A_87 : memref<1x128xi32, #tpu.memory_space<vmem>> -> memref<128xi32, #tpu.memory_space<vmem>>
          %dma_start3A_89 = arith.constant 0 : i32
          %dma_start3A_90 = arith.constant 0 : i32
          %dma_start3A_91 = tpu.memref_slice %arg13[%dma_start3A_89, %dma_start3A_90] : memref<5248x128xf32, #tpu.memory_space<vmem_shared>> -> memref<5248x128xf32, #tpu.memory_space<vmem_shared>>
          tpu.enqueue_indirect_dma source(%arg11 : memref<128x128xf32, #tpu.memory_space<vmem>>) target(%dma_start3A_91 : memref<5248x128xf32, #tpu.memory_space<vmem_shared>>) offsets(%dma_start3A_88 : memref<128xi32, #tpu.memory_space<vmem>>) semaphore(%run_scoped3A_85 : memref<!tpu.dma_semaphore, #tpu.memory_space<semaphore_mem>>) {add = true}
          %dma_wait3A_92 = arith.constant 0 : i32
          %dma_wait3A_93 = tpu.memref_slice %arg10[%mul3A_58, %dma_wait3A_92] : memref<158x128xi32, #tpu.memory_space<vmem>> -> memref<1x128xi32, #tpu.memory_space<vmem>>
          %dma_wait3A_94 = tpu.memref_squeeze %dma_wait3A_93 : memref<1x128xi32, #tpu.memory_space<vmem>> -> memref<128xi32, #tpu.memory_space<vmem>>
          %dma_wait3A_95 = arith.constant 0 : i32
          %dma_wait3A_96 = arith.constant 0 : i32
          %dma_wait3A_97 = tpu.memref_slice %arg13[%dma_wait3A_95, %dma_wait3A_96] : memref<5248x128xf32, #tpu.memory_space<vmem_shared>> -> memref<5248x128xf32, #tpu.memory_space<vmem_shared>>
          tpu.wait_indirect_dma semaphore(%run_scoped3A_85 : memref<!tpu.dma_semaphore, #tpu.memory_space<semaphore_mem>>) src(%arg11 : memref<128x128xf32, #tpu.memory_space<vmem>>) dst(%dma_wait3A_97 : memref<5248x128xf32, #tpu.memory_space<vmem_shared>>)
          tpu.yield
        }) : () -> ()
        %dma_wait3A_77 = arith.constant 0 : i32
        %dma_wait3A_78 = tpu.memref_slice %arg9[%add3A_65, %dma_wait3A_77] : memref<158x128xi32, #tpu.memory_space<vmem>> -> memref<1x128xi32, #tpu.memory_space<vmem>>
        %dma_wait3A_79 = tpu.memref_squeeze %dma_wait3A_78 : memref<1x128xi32, #tpu.memory_space<vmem>> -> memref<128xi32, #tpu.memory_space<vmem>>
        %dma_wait3A_80 = arith.constant 0 : i32
        %dma_wait3A_81 = arith.constant 0 : i32
        %dma_wait3A_82 = tpu.memref_slice %arg3[%dma_wait3A_80, %dma_wait3A_81] : memref<10000x128xf32, #tpu.memory_space<hbm>> -> memref<10000x128xf32, #tpu.memory_space<hbm>>
        tpu.wait_indirect_dma semaphore(%arg15 : memref<!tpu.dma_semaphore, #tpu.memory_space<semaphore_mem>>) src(%dma_wait3A_82 : memref<10000x128xf32, #tpu.memory_space<hbm>>) dst(%arg12 : memref<128x128xf32, #tpu.memory_space<vmem>>)
        %add3A_83 = arith.constant 1 : i32
        %add3A_84 = arith.addi %mul3A_58, %add3A_83 : i32
        "tpu.region"() ({
          %run_scoped3A_85 = tpu.sem_alloc : memref<!tpu.dma_semaphore, #tpu.memory_space<semaphore_mem>>
          %dma_start3A_86 = arith.constant 0 : i32
          %dma_start3A_87 = tpu.memref_slice %arg10[%add3A_84, %dma_start3A_86] : memref<158x128xi32, #tpu.memory_space<vmem>> -> memref<1x128xi32, #tpu.memory_space<vmem>>
          %dma_start3A_88 = tpu.memref_squeeze %dma_start3A_87 : memref<1x128xi32, #tpu.memory_space<vmem>> -> memref<128xi32, #tpu.memory_space<vmem>>
          %dma_start3A_89 = arith.constant 0 : i32
          %dma_start3A_90 = arith.constant 0 : i32
          %dma_start3A_91 = tpu.memref_slice %arg13[%dma_start3A_89, %dma_start3A_90] : memref<5248x128xf32, #tpu.memory_space<vmem_shared>> -> memref<5248x128xf32, #tpu.memory_space<vmem_shared>>
          tpu.enqueue_indirect_dma source(%arg12 : memref<128x128xf32, #tpu.memory_space<vmem>>) target(%dma_start3A_91 : memref<5248x128xf32, #tpu.memory_space<vmem_shared>>) offsets(%dma_start3A_88 : memref<128xi32, #tpu.memory_space<vmem>>) semaphore(%run_scoped3A_85 : memref<!tpu.dma_semaphore, #tpu.memory_space<semaphore_mem>>) {add = true}
          %dma_wait3A_92 = arith.constant 0 : i32
          %dma_wait3A_93 = tpu.memref_slice %arg10[%add3A_84, %dma_wait3A_92] : memref<158x128xi32, #tpu.memory_space<vmem>> -> memref<1x128xi32, #tpu.memory_space<vmem>>
          %dma_wait3A_94 = tpu.memref_squeeze %dma_wait3A_93 : memref<1x128xi32, #tpu.memory_space<vmem>> -> memref<128xi32, #tpu.memory_space<vmem>>
          %dma_wait3A_95 = arith.constant 0 : i32
          %dma_wait3A_96 = arith.constant 0 : i32
          %dma_wait3A_97 = tpu.memref_slice %arg13[%dma_wait3A_95, %dma_wait3A_96] : memref<5248x128xf32, #tpu.memory_space<vmem_shared>> -> memref<5248x128xf32, #tpu.memory_space<vmem_shared>>
          tpu.wait_indirect_dma semaphore(%run_scoped3A_85 : memref<!tpu.dma_semaphore, #tpu.memory_space<semaphore_mem>>) src(%arg12 : memref<128x128xf32, #tpu.memory_space<vmem>>) dst(%dma_wait3A_97 : memref<5248x128xf32, #tpu.memory_space<vmem_shared>>)
          tpu.yield
        }) : () -> ()
      }
      %scan3A_55 = arith.constant 79 : i32
    } else {
    }
    %barrier3A_45 = arith.constant 0 : index
    tpu.barrier barrier_id(%barrier3A_45)
    %mul3A_46 = arith.constant 328 : i32
    %mul3A_47 = arith.muli %arg1, %mul3A_46 : i32
    %mul3A_48 = arith.constant 328 : i32
    %mul3A_49 = arith.muli %arg1, %mul3A_48 : i32
    %run_scoped3A_50 = arith.constant 1 : i32
    "tpu.region"() ({
      %run_scoped3A_51 = tpu.sem_alloc : memref<!tpu.dma_semaphore, #tpu.memory_space<semaphore_mem>>
      %dma_start3A = arith.constant 0 : i32
      %dma_start3A_52 = tpu.memref_slice %arg8[%arg0, %run_scoped3A_50, %mul3A_49, %dma_start3A] : memref<2x2x5248x128xf32, #tpu.memory_space<hbm>> -> memref<1x1x328x128xf32, #tpu.memory_space<hbm>>
      %dma_start3A_53 = tpu.memref_squeeze %dma_start3A_52 : memref<1x1x328x128xf32, #tpu.memory_space<hbm>> -> memref<328x128xf32, #tpu.memory_space<hbm>>
      %dma_start3A_54 = arith.constant 0 : i32
      %dma_start3A_55 = tpu.memref_slice %arg13[%mul3A_47, %dma_start3A_54] : memref<5248x128xf32, #tpu.memory_space<vmem_shared>> -> memref<328x128xf32, #tpu.memory_space<vmem_shared>>
      tpu.enqueue_dma source(%dma_start3A_55 : memref<328x128xf32, #tpu.memory_space<vmem_shared>>) target(%dma_start3A_53 : memref<328x128xf32, #tpu.memory_space<hbm>>) target_semaphore(%run_scoped3A_51 : memref<!tpu.dma_semaphore, #tpu.memory_space<semaphore_mem>>)
      %dma_wait3A = arith.constant 0 : i32
      %dma_wait3A_56 = tpu.memref_slice %arg8[%arg0, %run_scoped3A_50, %mul3A_49, %dma_wait3A] : memref<2x2x5248x128xf32, #tpu.memory_space<hbm>> -> memref<1x1x328x128xf32, #tpu.memory_space<hbm>>
      %dma_wait3A_57 = tpu.memref_squeeze %dma_wait3A_56 : memref<1x1x328x128xf32, #tpu.memory_space<hbm>> -> memref<328x128xf32, #tpu.memory_space<hbm>>
      %dma_wait3A_58 = arith.constant 0 : i32
      %dma_wait3A_59 = tpu.memref_slice %arg13[%mul3A_47, %dma_wait3A_58] : memref<5248x128xf32, #tpu.memory_space<vmem_shared>> -> memref<328x128xf32, #tpu.memory_space<vmem_shared>>
      tpu.wait_dma2 semaphore(%run_scoped3A_51 : memref<!tpu.dma_semaphore, #tpu.memory_space<semaphore_mem>>) src(%dma_wait3A_59 : memref<328x128xf32, #tpu.memory_space<vmem_shared>>) dst(%dma_wait3A_57 : memref<328x128xf32, #tpu.memory_space<hbm>>)
      tpu.yield
    }) : () -> ()
    return
  }
}

#map = affine_map<(d0, d1) -> (0, 0)>
#map1 = affine_map<(d0, d1) -> (0, 0, 0)>
#map2 = affine_map<(d0, d1) -> (0, 0, 0, 0)>
module attributes {stable_mosaic.version = 14 : i64} {
  func.func @_gather_body(%arg0: i32, %arg1: i32, %arg2: memref<10000x128xf32, #tpu.memory_space<hbm>>, %arg3: memref<10000x128xf32, #tpu.memory_space<hbm>>, %arg4: memref<16x158x128xi32, #tpu.memory_space<hbm>>, %arg5: memref<16x158x128xi32, #tpu.memory_space<hbm>>, %arg6: memref<16x158x128xi32, #tpu.memory_space<hbm>>, %arg7: memref<128x128xf32, #tpu.memory_space<hbm>>, %arg8: memref<2x2x5248x128xf32, #tpu.memory_space<hbm>>, %arg9: memref<158x128xi32, #tpu.memory_space<vmem>>, %arg10: memref<158x128xi32, #tpu.memory_space<vmem>>, %arg11: memref<128x128xf32, #tpu.memory_space<vmem>>, %arg12: memref<128x128xf32, #tpu.memory_space<vmem>>, %arg13: memref<5248x128xf32, #tpu.memory_space<vmem_shared>>, %arg14: memref<!tpu.dma_semaphore, #tpu.memory_space<semaphore_mem>>, %arg15: memref<!tpu.dma_semaphore, #tpu.memory_space<semaphore_mem>>, %arg16: memref<!tpu.dma_semaphore, #tpu.memory_space<semaphore_mem>>, %arg17: memref<!tpu.dma_semaphore, #tpu.memory_space<semaphore_mem>>) attributes {dimension_semantics = [#tpu.dimension_semantics<core_parallel>, #tpu.dimension_semantics<subcore_parallel>], iteration_bounds = array<i64: 2, 16>, scalar_prefetch = 0 : i64, scratch_operands = 9 : i64, tpu.core_type = #tpu.core_type<sc_vector_subcore>, window_params = [{transform_indices = #map}, {transform_indices = #map}, {transform_indices = #map1}, {transform_indices = #map1}, {transform_indices = #map1}, {transform_indices = #map}, {transform_indices = #map2}]} {
    "tpu.region"() ({
      %run_scoped3A_51 = tpu.sem_alloc : memref<!tpu.dma_semaphore, #tpu.memory_space<semaphore_mem>>
      %dma_start3A = arith.constant 0 : i32
      %dma_start3A_52 = arith.constant 0 : i32
      %dma_start3A_53 = tpu.memref_slice %arg4[%arg1, %dma_start3A, %dma_start3A_52] : memref<16x158x128xi32, #tpu.memory_space<hbm>> -> memref<1x158x128xi32, #tpu.memory_space<hbm>>
      %dma_start3A_54 = tpu.memref_squeeze %dma_start3A_53 : memref<1x158x128xi32, #tpu.memory_space<hbm>> -> memref<158x128xi32, #tpu.memory_space<hbm>>
      %dma_start3A_55 = arith.constant 0 : i32
      %dma_start3A_56 = arith.constant 0 : i32
      %dma_start3A_57 = tpu.memref_slice %arg4[%arg1, %dma_start3A_55, %dma_start3A_56] : memref<16x158x128xi32, #tpu.memory_space<hbm>> -> memref<1x158x128xi32, #tpu.memory_space<hbm>>
      %dma_start3A_58 = tpu.memref_squeeze %dma_start3A_57 : memref<1x158x128xi32, #tpu.memory_space<hbm>> -> memref<158x128xi32, #tpu.memory_space<hbm>>
      tpu.enqueue_dma source(%dma_start3A_58 : memref<158x128xi32, #tpu.memory_space<hbm>>) target(%arg9 : memref<158x128xi32, #tpu.memory_space<vmem>>) target_semaphore(%run_scoped3A_51 : memref<!tpu.dma_semaphore, #tpu.memory_space<semaphore_mem>>)
      %dma_wait3A = arith.constant 0 : i32
      %dma_wait3A_59 = arith.constant 0 : i32
      %dma_wait3A_60 = tpu.memref_slice %arg4[%arg1, %dma_wait3A, %dma_wait3A_59] : memref<16x158x128xi32, #tpu.memory_space<hbm>> -> memref<1x158x128xi32, #tpu.memory_space<hbm>>
      %dma_wait3A_61 = tpu.memref_squeeze %dma_wait3A_60 : memref<1x158x128xi32, #tpu.memory_space<hbm>> -> memref<158x128xi32, #tpu.memory_space<hbm>>
      %dma_wait3A_62 = arith.constant 0 : i32
      %dma_wait3A_63 = arith.constant 0 : i32
      %dma_wait3A_64 = tpu.memref_slice %arg4[%arg1, %dma_wait3A_62, %dma_wait3A_63] : memref<16x158x128xi32, #tpu.memory_space<hbm>> -> memref<1x158x128xi32, #tpu.memory_space<hbm>>
      %dma_wait3A_65 = tpu.memref_squeeze %dma_wait3A_64 : memref<1x158x128xi32, #tpu.memory_space<hbm>> -> memref<158x128xi32, #tpu.memory_space<hbm>>
      tpu.wait_dma2 semaphore(%run_scoped3A_51 : memref<!tpu.dma_semaphore, #tpu.memory_space<semaphore_mem>>) src(%dma_wait3A_65 : memref<158x128xi32, #tpu.memory_space<hbm>>) dst(%arg9 : memref<158x128xi32, #tpu.memory_space<vmem>>)
      tpu.yield
    }) : () -> ()
    "tpu.region"() ({
      %run_scoped3A_51 = tpu.sem_alloc : memref<!tpu.dma_semaphore, #tpu.memory_space<semaphore_mem>>
      %dma_start3A = arith.constant 0 : i32
      %dma_start3A_52 = arith.constant 0 : i32
      %dma_start3A_53 = tpu.memref_slice %arg5[%arg1, %dma_start3A, %dma_start3A_52] : memref<16x158x128xi32, #tpu.memory_space<hbm>> -> memref<1x158x128xi32, #tpu.memory_space<hbm>>
      %dma_start3A_54 = tpu.memref_squeeze %dma_start3A_53 : memref<1x158x128xi32, #tpu.memory_space<hbm>> -> memref<158x128xi32, #tpu.memory_space<hbm>>
      %dma_start3A_55 = arith.constant 0 : i32
      %dma_start3A_56 = arith.constant 0 : i32
      %dma_start3A_57 = tpu.memref_slice %arg5[%arg1, %dma_start3A_55, %dma_start3A_56] : memref<16x158x128xi32, #tpu.memory_space<hbm>> -> memref<1x158x128xi32, #tpu.memory_space<hbm>>
      %dma_start3A_58 = tpu.memref_squeeze %dma_start3A_57 : memref<1x158x128xi32, #tpu.memory_space<hbm>> -> memref<158x128xi32, #tpu.memory_space<hbm>>
      tpu.enqueue_dma source(%dma_start3A_58 : memref<158x128xi32, #tpu.memory_space<hbm>>) target(%arg10 : memref<158x128xi32, #tpu.memory_space<vmem>>) target_semaphore(%run_scoped3A_51 : memref<!tpu.dma_semaphore, #tpu.memory_space<semaphore_mem>>)
      %dma_wait3A = arith.constant 0 : i32
      %dma_wait3A_59 = arith.constant 0 : i32
      %dma_wait3A_60 = tpu.memref_slice %arg5[%arg1, %dma_wait3A, %dma_wait3A_59] : memref<16x158x128xi32, #tpu.memory_space<hbm>> -> memref<1x158x128xi32, #tpu.memory_space<hbm>>
      %dma_wait3A_61 = tpu.memref_squeeze %dma_wait3A_60 : memref<1x158x128xi32, #tpu.memory_space<hbm>> -> memref<158x128xi32, #tpu.memory_space<hbm>>
      %dma_wait3A_62 = arith.constant 0 : i32
      %dma_wait3A_63 = arith.constant 0 : i32
      %dma_wait3A_64 = tpu.memref_slice %arg5[%arg1, %dma_wait3A_62, %dma_wait3A_63] : memref<16x158x128xi32, #tpu.memory_space<hbm>> -> memref<1x158x128xi32, #tpu.memory_space<hbm>>
      %dma_wait3A_65 = tpu.memref_squeeze %dma_wait3A_64 : memref<1x158x128xi32, #tpu.memory_space<hbm>> -> memref<158x128xi32, #tpu.memory_space<hbm>>
      tpu.wait_dma2 semaphore(%run_scoped3A_51 : memref<!tpu.dma_semaphore, #tpu.memory_space<semaphore_mem>>) src(%dma_wait3A_65 : memref<158x128xi32, #tpu.memory_space<hbm>>) dst(%arg10 : memref<158x128xi32, #tpu.memory_space<vmem>>)
      tpu.yield
    }) : () -> ()
    "tpu.region"() ({
      %run_scoped3A_51 = tpu.sem_alloc : memref<!tpu.dma_semaphore, #tpu.memory_space<semaphore_mem>>
      tpu.enqueue_dma source(%arg7 : memref<128x128xf32, #tpu.memory_space<hbm>>) target(%arg11 : memref<128x128xf32, #tpu.memory_space<vmem>>) target_semaphore(%run_scoped3A_51 : memref<!tpu.dma_semaphore, #tpu.memory_space<semaphore_mem>>)
      tpu.wait_dma2 semaphore(%run_scoped3A_51 : memref<!tpu.dma_semaphore, #tpu.memory_space<semaphore_mem>>) src(%arg7 : memref<128x128xf32, #tpu.memory_space<hbm>>) dst(%arg11 : memref<128x128xf32, #tpu.memory_space<vmem>>)
      tpu.yield
    }) : () -> ()
    %mul3A = arith.constant 328 : i32
    %mul3A_0 = arith.muli %arg1, %mul3A : i32
    %add3A = arith.constant 0 : i32
    %add3A_1 = arith.addi %mul3A_0, %add3A : i32
    "tpu.region"() ({
      %run_scoped3A_51 = tpu.sem_alloc : memref<!tpu.dma_semaphore, #tpu.memory_space<semaphore_mem>>
      %dma_start3A = arith.constant 0 : i32
      %dma_start3A_52 = arith.constant 0 : i32
      %dma_start3A_53 = tpu.memref_slice %arg11[%dma_start3A, %dma_start3A_52] : memref<128x128xf32, #tpu.memory_space<vmem>> -> memref<128x128xf32, #tpu.memory_space<vmem>>
      %dma_start3A_54 = arith.constant 0 : i32
      %dma_start3A_55 = tpu.memref_slice %arg13[%add3A_1, %dma_start3A_54] : memref<5248x128xf32, #tpu.memory_space<vmem_shared>> -> memref<128x128xf32, #tpu.memory_space<vmem_shared>>
      %dma_start3A_56 = arith.constant 0 : i32
      %dma_start3A_57 = tpu.memref_slice %arg13[%add3A_1, %dma_start3A_56] : memref<5248x128xf32, #tpu.memory_space<vmem_shared>> -> memref<128x128xf32, #tpu.memory_space<vmem_shared>>
      %dma_start3A_58 = arith.constant 0 : i32
      %dma_start3A_59 = arith.constant 0 : i32
      %dma_start3A_60 = tpu.memref_slice %arg11[%dma_start3A_58, %dma_start3A_59] : memref<128x128xf32, #tpu.memory_space<vmem>> -> memref<128x128xf32, #tpu.memory_space<vmem>>
      tpu.enqueue_dma source(%dma_start3A_60 : memref<128x128xf32, #tpu.memory_space<vmem>>) target(%dma_start3A_57 : memref<128x128xf32, #tpu.memory_space<vmem_shared>>) target_semaphore(%run_scoped3A_51 : memref<!tpu.dma_semaphore, #tpu.memory_space<semaphore_mem>>)
      %dma_wait3A = arith.constant 0 : i32
      %dma_wait3A_61 = arith.constant 0 : i32
      %dma_wait3A_62 = tpu.memref_slice %arg11[%dma_wait3A, %dma_wait3A_61] : memref<128x128xf32, #tpu.memory_space<vmem>> -> memref<128x128xf32, #tpu.memory_space<vmem>>
      %dma_wait3A_63 = arith.constant 0 : i32
      %dma_wait3A_64 = tpu.memref_slice %arg13[%add3A_1, %dma_wait3A_63] : memref<5248x128xf32, #tpu.memory_space<vmem_shared>> -> memref<128x128xf32, #tpu.memory_space<vmem_shared>>
      %dma_wait3A_65 = arith.constant 0 : i32
      %dma_wait3A_66 = tpu.memref_slice %arg13[%add3A_1, %dma_wait3A_65] : memref<5248x128xf32, #tpu.memory_space<vmem_shared>> -> memref<128x128xf32, #tpu.memory_space<vmem_shared>>
      %dma_wait3A_67 = arith.constant 0 : i32
      %dma_wait3A_68 = arith.constant 0 : i32
      %dma_wait3A_69 = tpu.memref_slice %arg11[%dma_wait3A_67, %dma_wait3A_68] : memref<128x128xf32, #tpu.memory_space<vmem>> -> memref<128x128xf32, #tpu.memory_space<vmem>>
      tpu.wait_dma2 semaphore(%run_scoped3A_51 : memref<!tpu.dma_semaphore, #tpu.memory_space<semaphore_mem>>) src(%dma_wait3A_69 : memref<128x128xf32, #tpu.memory_space<vmem>>) dst(%dma_wait3A_66 : memref<128x128xf32, #tpu.memory_space<vmem_shared>>)
      tpu.yield
    }) : () -> ()
    %mul3A_2 = arith.constant 328 : i32
    %mul3A_3 = arith.muli %arg1, %mul3A_2 : i32
    %add3A_4 = arith.constant 128 : i32
    %add3A_5 = arith.addi %mul3A_3, %add3A_4 : i32
    "tpu.region"() ({
      %run_scoped3A_51 = tpu.sem_alloc : memref<!tpu.dma_semaphore, #tpu.memory_space<semaphore_mem>>
      %dma_start3A = arith.constant 0 : i32
      %dma_start3A_52 = arith.constant 0 : i32
      %dma_start3A_53 = tpu.memref_slice %arg11[%dma_start3A, %dma_start3A_52] : memref<128x128xf32, #tpu.memory_space<vmem>> -> memref<128x128xf32, #tpu.memory_space<vmem>>
      %dma_start3A_54 = arith.constant 0 : i32
      %dma_start3A_55 = tpu.memref_slice %arg13[%add3A_5, %dma_start3A_54] : memref<5248x128xf32, #tpu.memory_space<vmem_shared>> -> memref<128x128xf32, #tpu.memory_space<vmem_shared>>
      %dma_start3A_56 = arith.constant 0 : i32
      %dma_start3A_57 = tpu.memref_slice %arg13[%add3A_5, %dma_start3A_56] : memref<5248x128xf32, #tpu.memory_space<vmem_shared>> -> memref<128x128xf32, #tpu.memory_space<vmem_shared>>
      %dma_start3A_58 = arith.constant 0 : i32
      %dma_start3A_59 = arith.constant 0 : i32
      %dma_start3A_60 = tpu.memref_slice %arg11[%dma_start3A_58, %dma_start3A_59] : memref<128x128xf32, #tpu.memory_space<vmem>> -> memref<128x128xf32, #tpu.memory_space<vmem>>
      tpu.enqueue_dma source(%dma_start3A_60 : memref<128x128xf32, #tpu.memory_space<vmem>>) target(%dma_start3A_57 : memref<128x128xf32, #tpu.memory_space<vmem_shared>>) target_semaphore(%run_scoped3A_51 : memref<!tpu.dma_semaphore, #tpu.memory_space<semaphore_mem>>)
      %dma_wait3A = arith.constant 0 : i32
      %dma_wait3A_61 = arith.constant 0 : i32
      %dma_wait3A_62 = tpu.memref_slice %arg11[%dma_wait3A, %dma_wait3A_61] : memref<128x128xf32, #tpu.memory_space<vmem>> -> memref<128x128xf32, #tpu.memory_space<vmem>>
      %dma_wait3A_63 = arith.constant 0 : i32
      %dma_wait3A_64 = tpu.memref_slice %arg13[%add3A_5, %dma_wait3A_63] : memref<5248x128xf32, #tpu.memory_space<vmem_shared>> -> memref<128x128xf32, #tpu.memory_space<vmem_shared>>
      %dma_wait3A_65 = arith.constant 0 : i32
      %dma_wait3A_66 = tpu.memref_slice %arg13[%add3A_5, %dma_wait3A_65] : memref<5248x128xf32, #tpu.memory_space<vmem_shared>> -> memref<128x128xf32, #tpu.memory_space<vmem_shared>>
      %dma_wait3A_67 = arith.constant 0 : i32
      %dma_wait3A_68 = arith.constant 0 : i32
      %dma_wait3A_69 = tpu.memref_slice %arg11[%dma_wait3A_67, %dma_wait3A_68] : memref<128x128xf32, #tpu.memory_space<vmem>> -> memref<128x128xf32, #tpu.memory_space<vmem>>
      tpu.wait_dma2 semaphore(%run_scoped3A_51 : memref<!tpu.dma_semaphore, #tpu.memory_space<semaphore_mem>>) src(%dma_wait3A_69 : memref<128x128xf32, #tpu.memory_space<vmem>>) dst(%dma_wait3A_66 : memref<128x128xf32, #tpu.memory_space<vmem_shared>>)
      tpu.yield
    }) : () -> ()
    %mul3A_6 = arith.constant 328 : i32
    %mul3A_7 = arith.muli %arg1, %mul3A_6 : i32
    %add3A_8 = arith.constant 256 : i32
    %add3A_9 = arith.addi %mul3A_7, %add3A_8 : i32
    "tpu.region"() ({
      %run_scoped3A_51 = tpu.sem_alloc : memref<!tpu.dma_semaphore, #tpu.memory_space<semaphore_mem>>
      %dma_start3A = arith.constant 0 : i32
      %dma_start3A_52 = arith.constant 0 : i32
      %dma_start3A_53 = tpu.memref_slice %arg11[%dma_start3A, %dma_start3A_52] : memref<128x128xf32, #tpu.memory_space<vmem>> -> memref<72x128xf32, #tpu.memory_space<vmem>>
      %dma_start3A_54 = arith.constant 0 : i32
      %dma_start3A_55 = tpu.memref_slice %arg13[%add3A_9, %dma_start3A_54] : memref<5248x128xf32, #tpu.memory_space<vmem_shared>> -> memref<72x128xf32, #tpu.memory_space<vmem_shared>>
      %dma_start3A_56 = arith.constant 0 : i32
      %dma_start3A_57 = tpu.memref_slice %arg13[%add3A_9, %dma_start3A_56] : memref<5248x128xf32, #tpu.memory_space<vmem_shared>> -> memref<72x128xf32, #tpu.memory_space<vmem_shared>>
      %dma_start3A_58 = arith.constant 0 : i32
      %dma_start3A_59 = arith.constant 0 : i32
      %dma_start3A_60 = tpu.memref_slice %arg11[%dma_start3A_58, %dma_start3A_59] : memref<128x128xf32, #tpu.memory_space<vmem>> -> memref<72x128xf32, #tpu.memory_space<vmem>>
      tpu.enqueue_dma source(%dma_start3A_60 : memref<72x128xf32, #tpu.memory_space<vmem>>) target(%dma_start3A_57 : memref<72x128xf32, #tpu.memory_space<vmem_shared>>) target_semaphore(%run_scoped3A_51 : memref<!tpu.dma_semaphore, #tpu.memory_space<semaphore_mem>>)
      %dma_wait3A = arith.constant 0 : i32
      %dma_wait3A_61 = arith.constant 0 : i32
      %dma_wait3A_62 = tpu.memref_slice %arg11[%dma_wait3A, %dma_wait3A_61] : memref<128x128xf32, #tpu.memory_space<vmem>> -> memref<72x128xf32, #tpu.memory_space<vmem>>
      %dma_wait3A_63 = arith.constant 0 : i32
      %dma_wait3A_64 = tpu.memref_slice %arg13[%add3A_9, %dma_wait3A_63] : memref<5248x128xf32, #tpu.memory_space<vmem_shared>> -> memref<72x128xf32, #tpu.memory_space<vmem_shared>>
      %dma_wait3A_65 = arith.constant 0 : i32
      %dma_wait3A_66 = tpu.memref_slice %arg13[%add3A_9, %dma_wait3A_65] : memref<5248x128xf32, #tpu.memory_space<vmem_shared>> -> memref<72x128xf32, #tpu.memory_space<vmem_shared>>
      %dma_wait3A_67 = arith.constant 0 : i32
      %dma_wait3A_68 = arith.constant 0 : i32
      %dma_wait3A_69 = tpu.memref_slice %arg11[%dma_wait3A_67, %dma_wait3A_68] : memref<128x128xf32, #tpu.memory_space<vmem>> -> memref<72x128xf32, #tpu.memory_space<vmem>>
      tpu.wait_dma2 semaphore(%run_scoped3A_51 : memref<!tpu.dma_semaphore, #tpu.memory_space<semaphore_mem>>) src(%dma_wait3A_69 : memref<72x128xf32, #tpu.memory_space<vmem>>) dst(%dma_wait3A_66 : memref<72x128xf32, #tpu.memory_space<vmem_shared>>)
      tpu.yield
    }) : () -> ()
    %barrier3A = arith.constant 0 : index
    tpu.barrier barrier_id(%barrier3A)
    %eq3A = arith.constant 0 : i32
    %eq3A_10 = arith.cmpi eq, %arg0, %eq3A : i32
    %convert_element_type3A = arith.extui %eq3A_10 : i1 to i32
    %cond3A = arith.constant 0 : i32
    %cond3A_11 = arith.cmpi ne, %convert_element_type3A, %cond3A : i32
    scf.if %cond3A_11 {
      %scan3A = arith.constant 0 : i32
      %scan3A_51 = arith.constant 0 : i32
      %scan3A_52 = arith.constant 79 : i32
      %scan3A_53 = arith.addi %scan3A_51, %scan3A_52 : i32
      %scan3A_54 = arith.constant 1 : i32
      scf.for %scan3A_56 = %scan3A_51 to %scan3A_53 step %scan3A_54  : i32 {
        %mul3A_57 = arith.constant 2 : i32
        %mul3A_58 = arith.muli %mul3A_57, %scan3A_56 : i32
        %dma_start3A = arith.constant 0 : i32
        %dma_start3A_59 = tpu.memref_slice %arg9[%mul3A_58, %dma_start3A] : memref<158x128xi32, #tpu.memory_space<vmem>> -> memref<1x128xi32, #tpu.memory_space<vmem>>
        %dma_start3A_60 = tpu.memref_squeeze %dma_start3A_59 : memref<1x128xi32, #tpu.memory_space<vmem>> -> memref<128xi32, #tpu.memory_space<vmem>>
        %dma_start3A_61 = arith.constant 0 : i32
        %dma_start3A_62 = arith.constant 0 : i32
        %dma_start3A_63 = tpu.memref_slice %arg2[%dma_start3A_61, %dma_start3A_62] : memref<10000x128xf32, #tpu.memory_space<hbm>> -> memref<10000x128xf32, #tpu.memory_space<hbm>>
        tpu.enqueue_indirect_dma source(%dma_start3A_63 : memref<10000x128xf32, #tpu.memory_space<hbm>>) target(%arg11 : memref<128x128xf32, #tpu.memory_space<vmem>>) offsets(%dma_start3A_60 : memref<128xi32, #tpu.memory_space<vmem>>) semaphore(%arg14 : memref<!tpu.dma_semaphore, #tpu.memory_space<semaphore_mem>>)
        %add3A_64 = arith.constant 1 : i32
        %add3A_65 = arith.addi %mul3A_58, %add3A_64 : i32
        %dma_start3A_66 = arith.constant 0 : i32
        %dma_start3A_67 = tpu.memref_slice %arg9[%add3A_65, %dma_start3A_66] : memref<158x128xi32, #tpu.memory_space<vmem>> -> memref<1x128xi32, #tpu.memory_space<vmem>>
        %dma_start3A_68 = tpu.memref_squeeze %dma_start3A_67 : memref<1x128xi32, #tpu.memory_space<vmem>> -> memref<128xi32, #tpu.memory_space<vmem>>
        %dma_start3A_69 = arith.constant 0 : i32
        %dma_start3A_70 = arith.constant 0 : i32
        %dma_start3A_71 = tpu.memref_slice %arg2[%dma_start3A_69, %dma_start3A_70] : memref<10000x128xf32, #tpu.memory_space<hbm>> -> memref<10000x128xf32, #tpu.memory_space<hbm>>
        tpu.enqueue_indirect_dma source(%dma_start3A_71 : memref<10000x128xf32, #tpu.memory_space<hbm>>) target(%arg12 : memref<128x128xf32, #tpu.memory_space<vmem>>) offsets(%dma_start3A_68 : memref<128xi32, #tpu.memory_space<vmem>>) semaphore(%arg15 : memref<!tpu.dma_semaphore, #tpu.memory_space<semaphore_mem>>)
        %dma_wait3A = arith.constant 0 : i32
        %dma_wait3A_72 = tpu.memref_slice %arg9[%mul3A_58, %dma_wait3A] : memref<158x128xi32, #tpu.memory_space<vmem>> -> memref<1x128xi32, #tpu.memory_space<vmem>>
        %dma_wait3A_73 = tpu.memref_squeeze %dma_wait3A_72 : memref<1x128xi32, #tpu.memory_space<vmem>> -> memref<128xi32, #tpu.memory_space<vmem>>
        %dma_wait3A_74 = arith.constant 0 : i32
        %dma_wait3A_75 = arith.constant 0 : i32
        %dma_wait3A_76 = tpu.memref_slice %arg2[%dma_wait3A_74, %dma_wait3A_75] : memref<10000x128xf32, #tpu.memory_space<hbm>> -> memref<10000x128xf32, #tpu.memory_space<hbm>>
        tpu.wait_indirect_dma semaphore(%arg14 : memref<!tpu.dma_semaphore, #tpu.memory_space<semaphore_mem>>) src(%dma_wait3A_76 : memref<10000x128xf32, #tpu.memory_space<hbm>>) dst(%arg11 : memref<128x128xf32, #tpu.memory_space<vmem>>)
        "tpu.region"() ({
          %run_scoped3A_85 = tpu.sem_alloc : memref<!tpu.dma_semaphore, #tpu.memory_space<semaphore_mem>>
          %dma_start3A_86 = arith.constant 0 : i32
          %dma_start3A_87 = tpu.memref_slice %arg10[%mul3A_58, %dma_start3A_86] : memref<158x128xi32, #tpu.memory_space<vmem>> -> memref<1x128xi32, #tpu.memory_space<vmem>>
          %dma_start3A_88 = tpu.memref_squeeze %dma_start3A_87 : memref<1x128xi32, #tpu.memory_space<vmem>> -> memref<128xi32, #tpu.memory_space<vmem>>
          %dma_start3A_89 = arith.constant 0 : i32
          %dma_start3A_90 = arith.constant 0 : i32
          %dma_start3A_91 = tpu.memref_slice %arg13[%dma_start3A_89, %dma_start3A_90] : memref<5248x128xf32, #tpu.memory_space<vmem_shared>> -> memref<5248x128xf32, #tpu.memory_space<vmem_shared>>
          tpu.enqueue_indirect_dma source(%arg11 : memref<128x128xf32, #tpu.memory_space<vmem>>) target(%dma_start3A_91 : memref<5248x128xf32, #tpu.memory_space<vmem_shared>>) offsets(%dma_start3A_88 : memref<128xi32, #tpu.memory_space<vmem>>) semaphore(%run_scoped3A_85 : memref<!tpu.dma_semaphore, #tpu.memory_space<semaphore_mem>>) {add = true}
          %dma_wait3A_92 = arith.constant 0 : i32
          %dma_wait3A_93 = tpu.memref_slice %arg10[%mul3A_58, %dma_wait3A_92] : memref<158x128xi32, #tpu.memory_space<vmem>> -> memref<1x128xi32, #tpu.memory_space<vmem>>
          %dma_wait3A_94 = tpu.memref_squeeze %dma_wait3A_93 : memref<1x128xi32, #tpu.memory_space<vmem>> -> memref<128xi32, #tpu.memory_space<vmem>>
          %dma_wait3A_95 = arith.constant 0 : i32
          %dma_wait3A_96 = arith.constant 0 : i32
          %dma_wait3A_97 = tpu.memref_slice %arg13[%dma_wait3A_95, %dma_wait3A_96] : memref<5248x128xf32, #tpu.memory_space<vmem_shared>> -> memref<5248x128xf32, #tpu.memory_space<vmem_shared>>
          tpu.wait_indirect_dma semaphore(%run_scoped3A_85 : memref<!tpu.dma_semaphore, #tpu.memory_space<semaphore_mem>>) src(%arg11 : memref<128x128xf32, #tpu.memory_space<vmem>>) dst(%dma_wait3A_97 : memref<5248x128xf32, #tpu.memory_space<vmem_shared>>)
          tpu.yield
        }) : () -> ()
        %dma_wait3A_77 = arith.constant 0 : i32
        %dma_wait3A_78 = tpu.memref_slice %arg9[%add3A_65, %dma_wait3A_77] : memref<158x128xi32, #tpu.memory_space<vmem>> -> memref<1x128xi32, #tpu.memory_space<vmem>>
        %dma_wait3A_79 = tpu.memref_squeeze %dma_wait3A_78 : memref<1x128xi32, #tpu.memory_space<vmem>> -> memref<128xi32, #tpu.memory_space<vmem>>
        %dma_wait3A_80 = arith.constant 0 : i32
        %dma_wait3A_81 = arith.constant 0 : i32
        %dma_wait3A_82 = tpu.memref_slice %arg2[%dma_wait3A_80, %dma_wait3A_81] : memref<10000x128xf32, #tpu.memory_space<hbm>> -> memref<10000x128xf32, #tpu.memory_space<hbm>>
        tpu.wait_indirect_dma semaphore(%arg15 : memref<!tpu.dma_semaphore, #tpu.memory_space<semaphore_mem>>) src(%dma_wait3A_82 : memref<10000x128xf32, #tpu.memory_space<hbm>>) dst(%arg12 : memref<128x128xf32, #tpu.memory_space<vmem>>)
        %add3A_83 = arith.constant 1 : i32
        %add3A_84 = arith.addi %mul3A_58, %add3A_83 : i32
        "tpu.region"() ({
          %run_scoped3A_85 = tpu.sem_alloc : memref<!tpu.dma_semaphore, #tpu.memory_space<semaphore_mem>>
          %dma_start3A_86 = arith.constant 0 : i32
          %dma_start3A_87 = tpu.memref_slice %arg10[%add3A_84, %dma_start3A_86] : memref<158x128xi32, #tpu.memory_space<vmem>> -> memref<1x128xi32, #tpu.memory_space<vmem>>
          %dma_start3A_88 = tpu.memref_squeeze %dma_start3A_87 : memref<1x128xi32, #tpu.memory_space<vmem>> -> memref<128xi32, #tpu.memory_space<vmem>>
          %dma_start3A_89 = arith.constant 0 : i32
          %dma_start3A_90 = arith.constant 0 : i32
          %dma_start3A_91 = tpu.memref_slice %arg13[%dma_start3A_89, %dma_start3A_90] : memref<5248x128xf32, #tpu.memory_space<vmem_shared>> -> memref<5248x128xf32, #tpu.memory_space<vmem_shared>>
          tpu.enqueue_indirect_dma source(%arg12 : memref<128x128xf32, #tpu.memory_space<vmem>>) target(%dma_start3A_91 : memref<5248x128xf32, #tpu.memory_space<vmem_shared>>) offsets(%dma_start3A_88 : memref<128xi32, #tpu.memory_space<vmem>>) semaphore(%run_scoped3A_85 : memref<!tpu.dma_semaphore, #tpu.memory_space<semaphore_mem>>) {add = true}
          %dma_wait3A_92 = arith.constant 0 : i32
          %dma_wait3A_93 = tpu.memref_slice %arg10[%add3A_84, %dma_wait3A_92] : memref<158x128xi32, #tpu.memory_space<vmem>> -> memref<1x128xi32, #tpu.memory_space<vmem>>
          %dma_wait3A_94 = tpu.memref_squeeze %dma_wait3A_93 : memref<1x128xi32, #tpu.memory_space<vmem>> -> memref<128xi32, #tpu.memory_space<vmem>>
          %dma_wait3A_95 = arith.constant 0 : i32
          %dma_wait3A_96 = arith.constant 0 : i32
          %dma_wait3A_97 = tpu.memref_slice %arg13[%dma_wait3A_95, %dma_wait3A_96] : memref<5248x128xf32, #tpu.memory_space<vmem_shared>> -> memref<5248x128xf32, #tpu.memory_space<vmem_shared>>
          tpu.wait_indirect_dma semaphore(%run_scoped3A_85 : memref<!tpu.dma_semaphore, #tpu.memory_space<semaphore_mem>>) src(%arg12 : memref<128x128xf32, #tpu.memory_space<vmem>>) dst(%dma_wait3A_97 : memref<5248x128xf32, #tpu.memory_space<vmem_shared>>)
          tpu.yield
        }) : () -> ()
      }
      %scan3A_55 = arith.constant 79 : i32
    } else {
    }
    %eq3A_12 = arith.constant 1 : i32
    %eq3A_13 = arith.cmpi eq, %arg0, %eq3A_12 : i32
    %convert_element_type3A_14 = arith.extui %eq3A_13 : i1 to i32
    %cond3A_15 = arith.constant 0 : i32
    %cond3A_16 = arith.cmpi ne, %convert_element_type3A_14, %cond3A_15 : i32
    scf.if %cond3A_16 {
      %scan3A = arith.constant 0 : i32
      %scan3A_51 = arith.constant 0 : i32
      %scan3A_52 = arith.constant 79 : i32
      %scan3A_53 = arith.addi %scan3A_51, %scan3A_52 : i32
      %scan3A_54 = arith.constant 1 : i32
      scf.for %scan3A_56 = %scan3A_51 to %scan3A_53 step %scan3A_54  : i32 {
        %mul3A_57 = arith.constant 2 : i32
        %mul3A_58 = arith.muli %mul3A_57, %scan3A_56 : i32
        %dma_start3A = arith.constant 0 : i32
        %dma_start3A_59 = tpu.memref_slice %arg9[%mul3A_58, %dma_start3A] : memref<158x128xi32, #tpu.memory_space<vmem>> -> memref<1x128xi32, #tpu.memory_space<vmem>>
        %dma_start3A_60 = tpu.memref_squeeze %dma_start3A_59 : memref<1x128xi32, #tpu.memory_space<vmem>> -> memref<128xi32, #tpu.memory_space<vmem>>
        %dma_start3A_61 = arith.constant 0 : i32
        %dma_start3A_62 = arith.constant 0 : i32
        %dma_start3A_63 = tpu.memref_slice %arg3[%dma_start3A_61, %dma_start3A_62] : memref<10000x128xf32, #tpu.memory_space<hbm>> -> memref<10000x128xf32, #tpu.memory_space<hbm>>
        tpu.enqueue_indirect_dma source(%dma_start3A_63 : memref<10000x128xf32, #tpu.memory_space<hbm>>) target(%arg11 : memref<128x128xf32, #tpu.memory_space<vmem>>) offsets(%dma_start3A_60 : memref<128xi32, #tpu.memory_space<vmem>>) semaphore(%arg14 : memref<!tpu.dma_semaphore, #tpu.memory_space<semaphore_mem>>)
        %add3A_64 = arith.constant 1 : i32
        %add3A_65 = arith.addi %mul3A_58, %add3A_64 : i32
        %dma_start3A_66 = arith.constant 0 : i32
        %dma_start3A_67 = tpu.memref_slice %arg9[%add3A_65, %dma_start3A_66] : memref<158x128xi32, #tpu.memory_space<vmem>> -> memref<1x128xi32, #tpu.memory_space<vmem>>
        %dma_start3A_68 = tpu.memref_squeeze %dma_start3A_67 : memref<1x128xi32, #tpu.memory_space<vmem>> -> memref<128xi32, #tpu.memory_space<vmem>>
        %dma_start3A_69 = arith.constant 0 : i32
        %dma_start3A_70 = arith.constant 0 : i32
        %dma_start3A_71 = tpu.memref_slice %arg3[%dma_start3A_69, %dma_start3A_70] : memref<10000x128xf32, #tpu.memory_space<hbm>> -> memref<10000x128xf32, #tpu.memory_space<hbm>>
        tpu.enqueue_indirect_dma source(%dma_start3A_71 : memref<10000x128xf32, #tpu.memory_space<hbm>>) target(%arg12 : memref<128x128xf32, #tpu.memory_space<vmem>>) offsets(%dma_start3A_68 : memref<128xi32, #tpu.memory_space<vmem>>) semaphore(%arg15 : memref<!tpu.dma_semaphore, #tpu.memory_space<semaphore_mem>>)
        %dma_wait3A = arith.constant 0 : i32
        %dma_wait3A_72 = tpu.memref_slice %arg9[%mul3A_58, %dma_wait3A] : memref<158x128xi32, #tpu.memory_space<vmem>> -> memref<1x128xi32, #tpu.memory_space<vmem>>
        %dma_wait3A_73 = tpu.memref_squeeze %dma_wait3A_72 : memref<1x128xi32, #tpu.memory_space<vmem>> -> memref<128xi32, #tpu.memory_space<vmem>>
        %dma_wait3A_74 = arith.constant 0 : i32
        %dma_wait3A_75 = arith.constant 0 : i32
        %dma_wait3A_76 = tpu.memref_slice %arg3[%dma_wait3A_74, %dma_wait3A_75] : memref<10000x128xf32, #tpu.memory_space<hbm>> -> memref<10000x128xf32, #tpu.memory_space<hbm>>
        tpu.wait_indirect_dma semaphore(%arg14 : memref<!tpu.dma_semaphore, #tpu.memory_space<semaphore_mem>>) src(%dma_wait3A_76 : memref<10000x128xf32, #tpu.memory_space<hbm>>) dst(%arg11 : memref<128x128xf32, #tpu.memory_space<vmem>>)
        "tpu.region"() ({
          %run_scoped3A_85 = tpu.sem_alloc : memref<!tpu.dma_semaphore, #tpu.memory_space<semaphore_mem>>
          %dma_start3A_86 = arith.constant 0 : i32
          %dma_start3A_87 = tpu.memref_slice %arg10[%mul3A_58, %dma_start3A_86] : memref<158x128xi32, #tpu.memory_space<vmem>> -> memref<1x128xi32, #tpu.memory_space<vmem>>
          %dma_start3A_88 = tpu.memref_squeeze %dma_start3A_87 : memref<1x128xi32, #tpu.memory_space<vmem>> -> memref<128xi32, #tpu.memory_space<vmem>>
          %dma_start3A_89 = arith.constant 0 : i32
          %dma_start3A_90 = arith.constant 0 : i32
          %dma_start3A_91 = tpu.memref_slice %arg13[%dma_start3A_89, %dma_start3A_90] : memref<5248x128xf32, #tpu.memory_space<vmem_shared>> -> memref<5248x128xf32, #tpu.memory_space<vmem_shared>>
          tpu.enqueue_indirect_dma source(%arg11 : memref<128x128xf32, #tpu.memory_space<vmem>>) target(%dma_start3A_91 : memref<5248x128xf32, #tpu.memory_space<vmem_shared>>) offsets(%dma_start3A_88 : memref<128xi32, #tpu.memory_space<vmem>>) semaphore(%run_scoped3A_85 : memref<!tpu.dma_semaphore, #tpu.memory_space<semaphore_mem>>) {add = true}
          %dma_wait3A_92 = arith.constant 0 : i32
          %dma_wait3A_93 = tpu.memref_slice %arg10[%mul3A_58, %dma_wait3A_92] : memref<158x128xi32, #tpu.memory_space<vmem>> -> memref<1x128xi32, #tpu.memory_space<vmem>>
          %dma_wait3A_94 = tpu.memref_squeeze %dma_wait3A_93 : memref<1x128xi32, #tpu.memory_space<vmem>> -> memref<128xi32, #tpu.memory_space<vmem>>
          %dma_wait3A_95 = arith.constant 0 : i32
          %dma_wait3A_96 = arith.constant 0 : i32
          %dma_wait3A_97 = tpu.memref_slice %arg13[%dma_wait3A_95, %dma_wait3A_96] : memref<5248x128xf32, #tpu.memory_space<vmem_shared>> -> memref<5248x128xf32, #tpu.memory_space<vmem_shared>>
          tpu.wait_indirect_dma semaphore(%run_scoped3A_85 : memref<!tpu.dma_semaphore, #tpu.memory_space<semaphore_mem>>) src(%arg11 : memref<128x128xf32, #tpu.memory_space<vmem>>) dst(%dma_wait3A_97 : memref<5248x128xf32, #tpu.memory_space<vmem_shared>>)
          tpu.yield
        }) : () -> ()
        %dma_wait3A_77 = arith.constant 0 : i32
        %dma_wait3A_78 = tpu.memref_slice %arg9[%add3A_65, %dma_wait3A_77] : memref<158x128xi32, #tpu.memory_space<vmem>> -> memref<1x128xi32, #tpu.memory_space<vmem>>
        %dma_wait3A_79 = tpu.memref_squeeze %dma_wait3A_78 : memref<1x128xi32, #tpu.memory_space<vmem>> -> memref<128xi32, #tpu.memory_space<vmem>>
        %dma_wait3A_80 = arith.constant 0 : i32
        %dma_wait3A_81 = arith.constant 0 : i32
        %dma_wait3A_82 = tpu.memref_slice %arg3[%dma_wait3A_80, %dma_wait3A_81] : memref<10000x128xf32, #tpu.memory_space<hbm>> -> memref<10000x128xf32, #tpu.memory_space<hbm>>
        tpu.wait_indirect_dma semaphore(%arg15 : memref<!tpu.dma_semaphore, #tpu.memory_space<semaphore_mem>>) src(%dma_wait3A_82 : memref<10000x128xf32, #tpu.memory_space<hbm>>) dst(%arg12 : memref<128x128xf32, #tpu.memory_space<vmem>>)
        %add3A_83 = arith.constant 1 : i32
        %add3A_84 = arith.addi %mul3A_58, %add3A_83 : i32
        "tpu.region"() ({
          %run_scoped3A_85 = tpu.sem_alloc : memref<!tpu.dma_semaphore, #tpu.memory_space<semaphore_mem>>
          %dma_start3A_86 = arith.constant 0 : i32
          %dma_start3A_87 = tpu.memref_slice %arg10[%add3A_84, %dma_start3A_86] : memref<158x128xi32, #tpu.memory_space<vmem>> -> memref<1x128xi32, #tpu.memory_space<vmem>>
          %dma_start3A_88 = tpu.memref_squeeze %dma_start3A_87 : memref<1x128xi32, #tpu.memory_space<vmem>> -> memref<128xi32, #tpu.memory_space<vmem>>
          %dma_start3A_89 = arith.constant 0 : i32
          %dma_start3A_90 = arith.constant 0 : i32
          %dma_start3A_91 = tpu.memref_slice %arg13[%dma_start3A_89, %dma_start3A_90] : memref<5248x128xf32, #tpu.memory_space<vmem_shared>> -> memref<5248x128xf32, #tpu.memory_space<vmem_shared>>
          tpu.enqueue_indirect_dma source(%arg12 : memref<128x128xf32, #tpu.memory_space<vmem>>) target(%dma_start3A_91 : memref<5248x128xf32, #tpu.memory_space<vmem_shared>>) offsets(%dma_start3A_88 : memref<128xi32, #tpu.memory_space<vmem>>) semaphore(%run_scoped3A_85 : memref<!tpu.dma_semaphore, #tpu.memory_space<semaphore_mem>>) {add = true}
          %dma_wait3A_92 = arith.constant 0 : i32
          %dma_wait3A_93 = tpu.memref_slice %arg10[%add3A_84, %dma_wait3A_92] : memref<158x128xi32, #tpu.memory_space<vmem>> -> memref<1x128xi32, #tpu.memory_space<vmem>>
          %dma_wait3A_94 = tpu.memref_squeeze %dma_wait3A_93 : memref<1x128xi32, #tpu.memory_space<vmem>> -> memref<128xi32, #tpu.memory_space<vmem>>
          %dma_wait3A_95 = arith.constant 0 : i32
          %dma_wait3A_96 = arith.constant 0 : i32
          %dma_wait3A_97 = tpu.memref_slice %arg13[%dma_wait3A_95, %dma_wait3A_96] : memref<5248x128xf32, #tpu.memory_space<vmem_shared>> -> memref<5248x128xf32, #tpu.memory_space<vmem_shared>>
          tpu.wait_indirect_dma semaphore(%run_scoped3A_85 : memref<!tpu.dma_semaphore, #tpu.memory_space<semaphore_mem>>) src(%arg12 : memref<128x128xf32, #tpu.memory_space<vmem>>) dst(%dma_wait3A_97 : memref<5248x128xf32, #tpu.memory_space<vmem_shared>>)
          tpu.yield
        }) : () -> ()
      }
      %scan3A_55 = arith.constant 79 : i32
    } else {
    }
    %barrier3A_17 = arith.constant 0 : index
    tpu.barrier barrier_id(%barrier3A_17)
    %mul3A_18 = arith.constant 328 : i32
    %mul3A_19 = arith.muli %arg1, %mul3A_18 : i32
    %mul3A_20 = arith.constant 328 : i32
    %mul3A_21 = arith.muli %arg1, %mul3A_20 : i32
    %run_scoped3A = arith.constant 0 : i32
    "tpu.region"() ({
      %run_scoped3A_51 = tpu.sem_alloc : memref<!tpu.dma_semaphore, #tpu.memory_space<semaphore_mem>>
      %dma_start3A = arith.constant 0 : i32
      %dma_start3A_52 = tpu.memref_slice %arg8[%arg0, %run_scoped3A, %mul3A_21, %dma_start3A] : memref<2x2x5248x128xf32, #tpu.memory_space<hbm>> -> memref<1x1x328x128xf32, #tpu.memory_space<hbm>>
      %dma_start3A_53 = tpu.memref_squeeze %dma_start3A_52 : memref<1x1x328x128xf32, #tpu.memory_space<hbm>> -> memref<328x128xf32, #tpu.memory_space<hbm>>
      %dma_start3A_54 = arith.constant 0 : i32
      %dma_start3A_55 = tpu.memref_slice %arg13[%mul3A_19, %dma_start3A_54] : memref<5248x128xf32, #tpu.memory_space<vmem_shared>> -> memref<328x128xf32, #tpu.memory_space<vmem_shared>>
      tpu.enqueue_dma source(%dma_start3A_55 : memref<328x128xf32, #tpu.memory_space<vmem_shared>>) target(%dma_start3A_53 : memref<328x128xf32, #tpu.memory_space<hbm>>) target_semaphore(%run_scoped3A_51 : memref<!tpu.dma_semaphore, #tpu.memory_space<semaphore_mem>>)
      %dma_wait3A = arith.constant 0 : i32
      %dma_wait3A_56 = tpu.memref_slice %arg8[%arg0, %run_scoped3A, %mul3A_21, %dma_wait3A] : memref<2x2x5248x128xf32, #tpu.memory_space<hbm>> -> memref<1x1x328x128xf32, #tpu.memory_space<hbm>>
      %dma_wait3A_57 = tpu.memref_squeeze %dma_wait3A_56 : memref<1x1x328x128xf32, #tpu.memory_space<hbm>> -> memref<328x128xf32, #tpu.memory_space<hbm>>
      %dma_wait3A_58 = arith.constant 0 : i32
      %dma_wait3A_59 = tpu.memref_slice %arg13[%mul3A_19, %dma_wait3A_58] : memref<5248x128xf32, #tpu.memory_space<vmem_shared>> -> memref<328x128xf32, #tpu.memory_space<vmem_shared>>
      tpu.wait_dma2 semaphore(%run_scoped3A_51 : memref<!tpu.dma_semaphore, #tpu.memory_space<semaphore_mem>>) src(%dma_wait3A_59 : memref<328x128xf32, #tpu.memory_space<vmem_shared>>) dst(%dma_wait3A_57 : memref<328x128xf32, #tpu.memory_space<hbm>>)
      tpu.yield
    }) : () -> ()
    "tpu.region"() ({
      %run_scoped3A_51 = tpu.sem_alloc : memref<!tpu.dma_semaphore, #tpu.memory_space<semaphore_mem>>
      %dma_start3A = arith.constant 0 : i32
      %dma_start3A_52 = arith.constant 0 : i32
      %dma_start3A_53 = tpu.memref_slice %arg6[%arg1, %dma_start3A, %dma_start3A_52] : memref<16x158x128xi32, #tpu.memory_space<hbm>> -> memref<1x158x128xi32, #tpu.memory_space<hbm>>
      %dma_start3A_54 = tpu.memref_squeeze %dma_start3A_53 : memref<1x158x128xi32, #tpu.memory_space<hbm>> -> memref<158x128xi32, #tpu.memory_space<hbm>>
      %dma_start3A_55 = arith.constant 0 : i32
      %dma_start3A_56 = arith.constant 0 : i32
      %dma_start3A_57 = tpu.memref_slice %arg6[%arg1, %dma_start3A_55, %dma_start3A_56] : memref<16x158x128xi32, #tpu.memory_space<hbm>> -> memref<1x158x128xi32, #tpu.memory_space<hbm>>
      %dma_start3A_58 = tpu.memref_squeeze %dma_start3A_57 : memref<1x158x128xi32, #tpu.memory_space<hbm>> -> memref<158x128xi32, #tpu.memory_space<hbm>>
      tpu.enqueue_dma source(%dma_start3A_58 : memref<158x128xi32, #tpu.memory_space<hbm>>) target(%arg10 : memref<158x128xi32, #tpu.memory_space<vmem>>) target_semaphore(%run_scoped3A_51 : memref<!tpu.dma_semaphore, #tpu.memory_space<semaphore_mem>>)
      %dma_wait3A = arith.constant 0 : i32
      %dma_wait3A_59 = arith.constant 0 : i32
      %dma_wait3A_60 = tpu.memref_slice %arg6[%arg1, %dma_wait3A, %dma_wait3A_59] : memref<16x158x128xi32, #tpu.memory_space<hbm>> -> memref<1x158x128xi32, #tpu.memory_space<hbm>>
      %dma_wait3A_61 = tpu.memref_squeeze %dma_wait3A_60 : memref<1x158x128xi32, #tpu.memory_space<hbm>> -> memref<158x128xi32, #tpu.memory_space<hbm>>
      %dma_wait3A_62 = arith.constant 0 : i32
      %dma_wait3A_63 = arith.constant 0 : i32
      %dma_wait3A_64 = tpu.memref_slice %arg6[%arg1, %dma_wait3A_62, %dma_wait3A_63] : memref<16x158x128xi32, #tpu.memory_space<hbm>> -> memref<1x158x128xi32, #tpu.memory_space<hbm>>
      %dma_wait3A_65 = tpu.memref_squeeze %dma_wait3A_64 : memref<1x158x128xi32, #tpu.memory_space<hbm>> -> memref<158x128xi32, #tpu.memory_space<hbm>>
      tpu.wait_dma2 semaphore(%run_scoped3A_51 : memref<!tpu.dma_semaphore, #tpu.memory_space<semaphore_mem>>) src(%dma_wait3A_65 : memref<158x128xi32, #tpu.memory_space<hbm>>) dst(%arg10 : memref<158x128xi32, #tpu.memory_space<vmem>>)
      tpu.yield
    }) : () -> ()
    "tpu.region"() ({
      %run_scoped3A_51 = tpu.sem_alloc : memref<!tpu.dma_semaphore, #tpu.memory_space<semaphore_mem>>
      tpu.enqueue_dma source(%arg7 : memref<128x128xf32, #tpu.memory_space<hbm>>) target(%arg11 : memref<128x128xf32, #tpu.memory_space<vmem>>) target_semaphore(%run_scoped3A_51 : memref<!tpu.dma_semaphore, #tpu.memory_space<semaphore_mem>>)
      tpu.wait_dma2 semaphore(%run_scoped3A_51 : memref<!tpu.dma_semaphore, #tpu.memory_space<semaphore_mem>>) src(%arg7 : memref<128x128xf32, #tpu.memory_space<hbm>>) dst(%arg11 : memref<128x128xf32, #tpu.memory_space<vmem>>)
      tpu.yield
    }) : () -> ()
    %mul3A_22 = arith.constant 328 : i32
    %mul3A_23 = arith.muli %arg1, %mul3A_22 : i32
    %add3A_24 = arith.constant 0 : i32
    %add3A_25 = arith.addi %mul3A_23, %add3A_24 : i32
    "tpu.region"() ({
      %run_scoped3A_51 = tpu.sem_alloc : memref<!tpu.dma_semaphore, #tpu.memory_space<semaphore_mem>>
      %dma_start3A = arith.constant 0 : i32
      %dma_start3A_52 = arith.constant 0 : i32
      %dma_start3A_53 = tpu.memref_slice %arg11[%dma_start3A, %dma_start3A_52] : memref<128x128xf32, #tpu.memory_space<vmem>> -> memref<128x128xf32, #tpu.memory_space<vmem>>
      %dma_start3A_54 = arith.constant 0 : i32
      %dma_start3A_55 = tpu.memref_slice %arg13[%add3A_25, %dma_start3A_54] : memref<5248x128xf32, #tpu.memory_space<vmem_shared>> -> memref<128x128xf32, #tpu.memory_space<vmem_shared>>
      %dma_start3A_56 = arith.constant 0 : i32
      %dma_start3A_57 = tpu.memref_slice %arg13[%add3A_25, %dma_start3A_56] : memref<5248x128xf32, #tpu.memory_space<vmem_shared>> -> memref<128x128xf32, #tpu.memory_space<vmem_shared>>
      %dma_start3A_58 = arith.constant 0 : i32
      %dma_start3A_59 = arith.constant 0 : i32
      %dma_start3A_60 = tpu.memref_slice %arg11[%dma_start3A_58, %dma_start3A_59] : memref<128x128xf32, #tpu.memory_space<vmem>> -> memref<128x128xf32, #tpu.memory_space<vmem>>
      tpu.enqueue_dma source(%dma_start3A_60 : memref<128x128xf32, #tpu.memory_space<vmem>>) target(%dma_start3A_57 : memref<128x128xf32, #tpu.memory_space<vmem_shared>>) target_semaphore(%run_scoped3A_51 : memref<!tpu.dma_semaphore, #tpu.memory_space<semaphore_mem>>)
      %dma_wait3A = arith.constant 0 : i32
      %dma_wait3A_61 = arith.constant 0 : i32
      %dma_wait3A_62 = tpu.memref_slice %arg11[%dma_wait3A, %dma_wait3A_61] : memref<128x128xf32, #tpu.memory_space<vmem>> -> memref<128x128xf32, #tpu.memory_space<vmem>>
      %dma_wait3A_63 = arith.constant 0 : i32
      %dma_wait3A_64 = tpu.memref_slice %arg13[%add3A_25, %dma_wait3A_63] : memref<5248x128xf32, #tpu.memory_space<vmem_shared>> -> memref<128x128xf32, #tpu.memory_space<vmem_shared>>
      %dma_wait3A_65 = arith.constant 0 : i32
      %dma_wait3A_66 = tpu.memref_slice %arg13[%add3A_25, %dma_wait3A_65] : memref<5248x128xf32, #tpu.memory_space<vmem_shared>> -> memref<128x128xf32, #tpu.memory_space<vmem_shared>>
      %dma_wait3A_67 = arith.constant 0 : i32
      %dma_wait3A_68 = arith.constant 0 : i32
      %dma_wait3A_69 = tpu.memref_slice %arg11[%dma_wait3A_67, %dma_wait3A_68] : memref<128x128xf32, #tpu.memory_space<vmem>> -> memref<128x128xf32, #tpu.memory_space<vmem>>
      tpu.wait_dma2 semaphore(%run_scoped3A_51 : memref<!tpu.dma_semaphore, #tpu.memory_space<semaphore_mem>>) src(%dma_wait3A_69 : memref<128x128xf32, #tpu.memory_space<vmem>>) dst(%dma_wait3A_66 : memref<128x128xf32, #tpu.memory_space<vmem_shared>>)
      tpu.yield
    }) : () -> ()
    %mul3A_26 = arith.constant 328 : i32
    %mul3A_27 = arith.muli %arg1, %mul3A_26 : i32
    %add3A_28 = arith.constant 128 : i32
    %add3A_29 = arith.addi %mul3A_27, %add3A_28 : i32
    "tpu.region"() ({
      %run_scoped3A_51 = tpu.sem_alloc : memref<!tpu.dma_semaphore, #tpu.memory_space<semaphore_mem>>
      %dma_start3A = arith.constant 0 : i32
      %dma_start3A_52 = arith.constant 0 : i32
      %dma_start3A_53 = tpu.memref_slice %arg11[%dma_start3A, %dma_start3A_52] : memref<128x128xf32, #tpu.memory_space<vmem>> -> memref<128x128xf32, #tpu.memory_space<vmem>>
      %dma_start3A_54 = arith.constant 0 : i32
      %dma_start3A_55 = tpu.memref_slice %arg13[%add3A_29, %dma_start3A_54] : memref<5248x128xf32, #tpu.memory_space<vmem_shared>> -> memref<128x128xf32, #tpu.memory_space<vmem_shared>>
      %dma_start3A_56 = arith.constant 0 : i32
      %dma_start3A_57 = tpu.memref_slice %arg13[%add3A_29, %dma_start3A_56] : memref<5248x128xf32, #tpu.memory_space<vmem_shared>> -> memref<128x128xf32, #tpu.memory_space<vmem_shared>>
      %dma_start3A_58 = arith.constant 0 : i32
      %dma_start3A_59 = arith.constant 0 : i32
      %dma_start3A_60 = tpu.memref_slice %arg11[%dma_start3A_58, %dma_start3A_59] : memref<128x128xf32, #tpu.memory_space<vmem>> -> memref<128x128xf32, #tpu.memory_space<vmem>>
      tpu.enqueue_dma source(%dma_start3A_60 : memref<128x128xf32, #tpu.memory_space<vmem>>) target(%dma_start3A_57 : memref<128x128xf32, #tpu.memory_space<vmem_shared>>) target_semaphore(%run_scoped3A_51 : memref<!tpu.dma_semaphore, #tpu.memory_space<semaphore_mem>>)
      %dma_wait3A = arith.constant 0 : i32
      %dma_wait3A_61 = arith.constant 0 : i32
      %dma_wait3A_62 = tpu.memref_slice %arg11[%dma_wait3A, %dma_wait3A_61] : memref<128x128xf32, #tpu.memory_space<vmem>> -> memref<128x128xf32, #tpu.memory_space<vmem>>
      %dma_wait3A_63 = arith.constant 0 : i32
      %dma_wait3A_64 = tpu.memref_slice %arg13[%add3A_29, %dma_wait3A_63] : memref<5248x128xf32, #tpu.memory_space<vmem_shared>> -> memref<128x128xf32, #tpu.memory_space<vmem_shared>>
      %dma_wait3A_65 = arith.constant 0 : i32
      %dma_wait3A_66 = tpu.memref_slice %arg13[%add3A_29, %dma_wait3A_65] : memref<5248x128xf32, #tpu.memory_space<vmem_shared>> -> memref<128x128xf32, #tpu.memory_space<vmem_shared>>
      %dma_wait3A_67 = arith.constant 0 : i32
      %dma_wait3A_68 = arith.constant 0 : i32
      %dma_wait3A_69 = tpu.memref_slice %arg11[%dma_wait3A_67, %dma_wait3A_68] : memref<128x128xf32, #tpu.memory_space<vmem>> -> memref<128x128xf32, #tpu.memory_space<vmem>>
      tpu.wait_dma2 semaphore(%run_scoped3A_51 : memref<!tpu.dma_semaphore, #tpu.memory_space<semaphore_mem>>) src(%dma_wait3A_69 : memref<128x128xf32, #tpu.memory_space<vmem>>) dst(%dma_wait3A_66 : memref<128x128xf32, #tpu.memory_space<vmem_shared>>)
      tpu.yield
    }) : () -> ()
    %mul3A_30 = arith.constant 328 : i32
    %mul3A_31 = arith.muli %arg1, %mul3A_30 : i32
    %add3A_32 = arith.constant 256 : i32
    %add3A_33 = arith.addi %mul3A_31, %add3A_32 : i32
    "tpu.region"() ({
      %run_scoped3A_51 = tpu.sem_alloc : memref<!tpu.dma_semaphore, #tpu.memory_space<semaphore_mem>>
      %dma_start3A = arith.constant 0 : i32
      %dma_start3A_52 = arith.constant 0 : i32
      %dma_start3A_53 = tpu.memref_slice %arg11[%dma_start3A, %dma_start3A_52] : memref<128x128xf32, #tpu.memory_space<vmem>> -> memref<72x128xf32, #tpu.memory_space<vmem>>
      %dma_start3A_54 = arith.constant 0 : i32
      %dma_start3A_55 = tpu.memref_slice %arg13[%add3A_33, %dma_start3A_54] : memref<5248x128xf32, #tpu.memory_space<vmem_shared>> -> memref<72x128xf32, #tpu.memory_space<vmem_shared>>
      %dma_start3A_56 = arith.constant 0 : i32
      %dma_start3A_57 = tpu.memref_slice %arg13[%add3A_33, %dma_start3A_56] : memref<5248x128xf32, #tpu.memory_space<vmem_shared>> -> memref<72x128xf32, #tpu.memory_space<vmem_shared>>
      %dma_start3A_58 = arith.constant 0 : i32
      %dma_start3A_59 = arith.constant 0 : i32
      %dma_start3A_60 = tpu.memref_slice %arg11[%dma_start3A_58, %dma_start3A_59] : memref<128x128xf32, #tpu.memory_space<vmem>> -> memref<72x128xf32, #tpu.memory_space<vmem>>
      tpu.enqueue_dma source(%dma_start3A_60 : memref<72x128xf32, #tpu.memory_space<vmem>>) target(%dma_start3A_57 : memref<72x128xf32, #tpu.memory_space<vmem_shared>>) target_semaphore(%run_scoped3A_51 : memref<!tpu.dma_semaphore, #tpu.memory_space<semaphore_mem>>)
      %dma_wait3A = arith.constant 0 : i32
      %dma_wait3A_61 = arith.constant 0 : i32
      %dma_wait3A_62 = tpu.memref_slice %arg11[%dma_wait3A, %dma_wait3A_61] : memref<128x128xf32, #tpu.memory_space<vmem>> -> memref<72x128xf32, #tpu.memory_space<vmem>>
      %dma_wait3A_63 = arith.constant 0 : i32
      %dma_wait3A_64 = tpu.memref_slice %arg13[%add3A_33, %dma_wait3A_63] : memref<5248x128xf32, #tpu.memory_space<vmem_shared>> -> memref<72x128xf32, #tpu.memory_space<vmem_shared>>
      %dma_wait3A_65 = arith.constant 0 : i32
      %dma_wait3A_66 = tpu.memref_slice %arg13[%add3A_33, %dma_wait3A_65] : memref<5248x128xf32, #tpu.memory_space<vmem_shared>> -> memref<72x128xf32, #tpu.memory_space<vmem_shared>>
      %dma_wait3A_67 = arith.constant 0 : i32
      %dma_wait3A_68 = arith.constant 0 : i32
      %dma_wait3A_69 = tpu.memref_slice %arg11[%dma_wait3A_67, %dma_wait3A_68] : memref<128x128xf32, #tpu.memory_space<vmem>> -> memref<72x128xf32, #tpu.memory_space<vmem>>
      tpu.wait_dma2 semaphore(%run_scoped3A_51 : memref<!tpu.dma_semaphore, #tpu.memory_space<semaphore_mem>>) src(%dma_wait3A_69 : memref<72x128xf32, #tpu.memory_space<vmem>>) dst(%dma_wait3A_66 : memref<72x128xf32, #tpu.memory_space<vmem_shared>>)
      tpu.yield
    }) : () -> ()
    %barrier3A_34 = arith.constant 0 : index
    tpu.barrier barrier_id(%barrier3A_34)
    %eq3A_35 = arith.constant 0 : i32
    %eq3A_36 = arith.cmpi eq, %arg0, %eq3A_35 : i32
    %convert_element_type3A_37 = arith.extui %eq3A_36 : i1 to i32
    %cond3A_38 = arith.constant 0 : i32
    %cond3A_39 = arith.cmpi ne, %convert_element_type3A_37, %cond3A_38 : i32
    scf.if %cond3A_39 {
      %scan3A = arith.constant 0 : i32
      %scan3A_51 = arith.constant 0 : i32
      %scan3A_52 = arith.constant 79 : i32
      %scan3A_53 = arith.addi %scan3A_51, %scan3A_52 : i32
      %scan3A_54 = arith.constant 1 : i32
      scf.for %scan3A_56 = %scan3A_51 to %scan3A_53 step %scan3A_54  : i32 {
        %mul3A_57 = arith.constant 2 : i32
        %mul3A_58 = arith.muli %mul3A_57, %scan3A_56 : i32
        %dma_start3A = arith.constant 0 : i32
        %dma_start3A_59 = tpu.memref_slice %arg9[%mul3A_58, %dma_start3A] : memref<158x128xi32, #tpu.memory_space<vmem>> -> memref<1x128xi32, #tpu.memory_space<vmem>>
        %dma_start3A_60 = tpu.memref_squeeze %dma_start3A_59 : memref<1x128xi32, #tpu.memory_space<vmem>> -> memref<128xi32, #tpu.memory_space<vmem>>
        %dma_start3A_61 = arith.constant 0 : i32
        %dma_start3A_62 = arith.constant 0 : i32
        %dma_start3A_63 = tpu.memref_slice %arg2[%dma_start3A_61, %dma_start3A_62] : memref<10000x128xf32, #tpu.memory_space<hbm>> -> memref<10000x128xf32, #tpu.memory_space<hbm>>
        tpu.enqueue_indirect_dma source(%dma_start3A_63 : memref<10000x128xf32, #tpu.memory_space<hbm>>) target(%arg11 : memref<128x128xf32, #tpu.memory_space<vmem>>) offsets(%dma_start3A_60 : memref<128xi32, #tpu.memory_space<vmem>>) semaphore(%arg14 : memref<!tpu.dma_semaphore, #tpu.memory_space<semaphore_mem>>)
        %add3A_64 = arith.constant 1 : i32
        %add3A_65 = arith.addi %mul3A_58, %add3A_64 : i32
        %dma_start3A_66 = arith.constant 0 : i32
        %dma_start3A_67 = tpu.memref_slice %arg9[%add3A_65, %dma_start3A_66] : memref<158x128xi32, #tpu.memory_space<vmem>> -> memref<1x128xi32, #tpu.memory_space<vmem>>
        %dma_start3A_68 = tpu.memref_squeeze %dma_start3A_67 : memref<1x128xi32, #tpu.memory_space<vmem>> -> memref<128xi32, #tpu.memory_space<vmem>>
        %dma_start3A_69 = arith.constant 0 : i32
        %dma_start3A_70 = arith.constant 0 : i32
        %dma_start3A_71 = tpu.memref_slice %arg2[%dma_start3A_69, %dma_start3A_70] : memref<10000x128xf32, #tpu.memory_space<hbm>> -> memref<10000x128xf32, #tpu.memory_space<hbm>>
        tpu.enqueue_indirect_dma source(%dma_start3A_71 : memref<10000x128xf32, #tpu.memory_space<hbm>>) target(%arg12 : memref<128x128xf32, #tpu.memory_space<vmem>>) offsets(%dma_start3A_68 : memref<128xi32, #tpu.memory_space<vmem>>) semaphore(%arg15 : memref<!tpu.dma_semaphore, #tpu.memory_space<semaphore_mem>>)
        %dma_wait3A = arith.constant 0 : i32
        %dma_wait3A_72 = tpu.memref_slice %arg9[%mul3A_58, %dma_wait3A] : memref<158x128xi32, #tpu.memory_space<vmem>> -> memref<1x128xi32, #tpu.memory_space<vmem>>
        %dma_wait3A_73 = tpu.memref_squeeze %dma_wait3A_72 : memref<1x128xi32, #tpu.memory_space<vmem>> -> memref<128xi32, #tpu.memory_space<vmem>>
        %dma_wait3A_74 = arith.constant 0 : i32
        %dma_wait3A_75 = arith.constant 0 : i32
        %dma_wait3A_76 = tpu.memref_slice %arg2[%dma_wait3A_74, %dma_wait3A_75] : memref<10000x128xf32, #tpu.memory_space<hbm>> -> memref<10000x128xf32, #tpu.memory_space<hbm>>
        tpu.wait_indirect_dma semaphore(%arg14 : memref<!tpu.dma_semaphore, #tpu.memory_space<semaphore_mem>>) src(%dma_wait3A_76 : memref<10000x128xf32, #tpu.memory_space<hbm>>) dst(%arg11 : memref<128x128xf32, #tpu.memory_space<vmem>>)
        "tpu.region"() ({
          %run_scoped3A_85 = tpu.sem_alloc : memref<!tpu.dma_semaphore, #tpu.memory_space<semaphore_mem>>
          %dma_start3A_86 = arith.constant 0 : i32
          %dma_start3A_87 = tpu.memref_slice %arg10[%mul3A_58, %dma_start3A_86] : memref<158x128xi32, #tpu.memory_space<vmem>> -> memref<1x128xi32, #tpu.memory_space<vmem>>
          %dma_start3A_88 = tpu.memref_squeeze %dma_start3A_87 : memref<1x128xi32, #tpu.memory_space<vmem>> -> memref<128xi32, #tpu.memory_space<vmem>>
          %dma_start3A_89 = arith.constant 0 : i32
          %dma_start3A_90 = arith.constant 0 : i32
          %dma_start3A_91 = tpu.memref_slice %arg13[%dma_start3A_89, %dma_start3A_90] : memref<5248x128xf32, #tpu.memory_space<vmem_shared>> -> memref<5248x128xf32, #tpu.memory_space<vmem_shared>>
          tpu.enqueue_indirect_dma source(%arg11 : memref<128x128xf32, #tpu.memory_space<vmem>>) target(%dma_start3A_91 : memref<5248x128xf32, #tpu.memory_space<vmem_shared>>) offsets(%dma_start3A_88 : memref<128xi32, #tpu.memory_space<vmem>>) semaphore(%run_scoped3A_85 : memref<!tpu.dma_semaphore, #tpu.memory_space<semaphore_mem>>) {add = true}
          %dma_wait3A_92 = arith.constant 0 : i32
          %dma_wait3A_93 = tpu.memref_slice %arg10[%mul3A_58, %dma_wait3A_92] : memref<158x128xi32, #tpu.memory_space<vmem>> -> memref<1x128xi32, #tpu.memory_space<vmem>>
          %dma_wait3A_94 = tpu.memref_squeeze %dma_wait3A_93 : memref<1x128xi32, #tpu.memory_space<vmem>> -> memref<128xi32, #tpu.memory_space<vmem>>
          %dma_wait3A_95 = arith.constant 0 : i32
          %dma_wait3A_96 = arith.constant 0 : i32
          %dma_wait3A_97 = tpu.memref_slice %arg13[%dma_wait3A_95, %dma_wait3A_96] : memref<5248x128xf32, #tpu.memory_space<vmem_shared>> -> memref<5248x128xf32, #tpu.memory_space<vmem_shared>>
          tpu.wait_indirect_dma semaphore(%run_scoped3A_85 : memref<!tpu.dma_semaphore, #tpu.memory_space<semaphore_mem>>) src(%arg11 : memref<128x128xf32, #tpu.memory_space<vmem>>) dst(%dma_wait3A_97 : memref<5248x128xf32, #tpu.memory_space<vmem_shared>>)
          tpu.yield
        }) : () -> ()
        %dma_wait3A_77 = arith.constant 0 : i32
        %dma_wait3A_78 = tpu.memref_slice %arg9[%add3A_65, %dma_wait3A_77] : memref<158x128xi32, #tpu.memory_space<vmem>> -> memref<1x128xi32, #tpu.memory_space<vmem>>
        %dma_wait3A_79 = tpu.memref_squeeze %dma_wait3A_78 : memref<1x128xi32, #tpu.memory_space<vmem>> -> memref<128xi32, #tpu.memory_space<vmem>>
        %dma_wait3A_80 = arith.constant 0 : i32
        %dma_wait3A_81 = arith.constant 0 : i32
        %dma_wait3A_82 = tpu.memref_slice %arg2[%dma_wait3A_80, %dma_wait3A_81] : memref<10000x128xf32, #tpu.memory_space<hbm>> -> memref<10000x128xf32, #tpu.memory_space<hbm>>
        tpu.wait_indirect_dma semaphore(%arg15 : memref<!tpu.dma_semaphore, #tpu.memory_space<semaphore_mem>>) src(%dma_wait3A_82 : memref<10000x128xf32, #tpu.memory_space<hbm>>) dst(%arg12 : memref<128x128xf32, #tpu.memory_space<vmem>>)
        %add3A_83 = arith.constant 1 : i32
        %add3A_84 = arith.addi %mul3A_58, %add3A_83 : i32
        "tpu.region"() ({
          %run_scoped3A_85 = tpu.sem_alloc : memref<!tpu.dma_semaphore, #tpu.memory_space<semaphore_mem>>
          %dma_start3A_86 = arith.constant 0 : i32
          %dma_start3A_87 = tpu.memref_slice %arg10[%add3A_84, %dma_start3A_86] : memref<158x128xi32, #tpu.memory_space<vmem>> -> memref<1x128xi32, #tpu.memory_space<vmem>>
          %dma_start3A_88 = tpu.memref_squeeze %dma_start3A_87 : memref<1x128xi32, #tpu.memory_space<vmem>> -> memref<128xi32, #tpu.memory_space<vmem>>
          %dma_start3A_89 = arith.constant 0 : i32
          %dma_start3A_90 = arith.constant 0 : i32
          %dma_start3A_91 = tpu.memref_slice %arg13[%dma_start3A_89, %dma_start3A_90] : memref<5248x128xf32, #tpu.memory_space<vmem_shared>> -> memref<5248x128xf32, #tpu.memory_space<vmem_shared>>
          tpu.enqueue_indirect_dma source(%arg12 : memref<128x128xf32, #tpu.memory_space<vmem>>) target(%dma_start3A_91 : memref<5248x128xf32, #tpu.memory_space<vmem_shared>>) offsets(%dma_start3A_88 : memref<128xi32, #tpu.memory_space<vmem>>) semaphore(%run_scoped3A_85 : memref<!tpu.dma_semaphore, #tpu.memory_space<semaphore_mem>>) {add = true}
          %dma_wait3A_92 = arith.constant 0 : i32
          %dma_wait3A_93 = tpu.memref_slice %arg10[%add3A_84, %dma_wait3A_92] : memref<158x128xi32, #tpu.memory_space<vmem>> -> memref<1x128xi32, #tpu.memory_space<vmem>>
          %dma_wait3A_94 = tpu.memref_squeeze %dma_wait3A_93 : memref<1x128xi32, #tpu.memory_space<vmem>> -> memref<128xi32, #tpu.memory_space<vmem>>
          %dma_wait3A_95 = arith.constant 0 : i32
          %dma_wait3A_96 = arith.constant 0 : i32
          %dma_wait3A_97 = tpu.memref_slice %arg13[%dma_wait3A_95, %dma_wait3A_96] : memref<5248x128xf32, #tpu.memory_space<vmem_shared>> -> memref<5248x128xf32, #tpu.memory_space<vmem_shared>>
          tpu.wait_indirect_dma semaphore(%run_scoped3A_85 : memref<!tpu.dma_semaphore, #tpu.memory_space<semaphore_mem>>) src(%arg12 : memref<128x128xf32, #tpu.memory_space<vmem>>) dst(%dma_wait3A_97 : memref<5248x128xf32, #tpu.memory_space<vmem_shared>>)
          tpu.yield
        }) : () -> ()
      }
      %scan3A_55 = arith.constant 79 : i32
    } else {
    }
    %eq3A_40 = arith.constant 1 : i32
    %eq3A_41 = arith.cmpi eq, %arg0, %eq3A_40 : i32
    %convert_element_type3A_42 = arith.extui %eq3A_41 : i1 to i32
    %cond3A_43 = arith.constant 0 : i32
    %cond3A_44 = arith.cmpi ne, %convert_element_type3A_42, %cond3A_43 : i32
    scf.if %cond3A_44 {
      %scan3A = arith.constant 0 : i32
      %scan3A_51 = arith.constant 0 : i32
      %scan3A_52 = arith.constant 79 : i32
      %scan3A_53 = arith.addi %scan3A_51, %scan3A_52 : i32
      %scan3A_54 = arith.constant 1 : i32
      scf.for %scan3A_56 = %scan3A_51 to %scan3A_53 step %scan3A_54  : i32 {
        %mul3A_57 = arith.constant 2 : i32
        %mul3A_58 = arith.muli %mul3A_57, %scan3A_56 : i32
        %dma_start3A = arith.constant 0 : i32
        %dma_start3A_59 = tpu.memref_slice %arg9[%mul3A_58, %dma_start3A] : memref<158x128xi32, #tpu.memory_space<vmem>> -> memref<1x128xi32, #tpu.memory_space<vmem>>
        %dma_start3A_60 = tpu.memref_squeeze %dma_start3A_59 : memref<1x128xi32, #tpu.memory_space<vmem>> -> memref<128xi32, #tpu.memory_space<vmem>>
        %dma_start3A_61 = arith.constant 0 : i32
        %dma_start3A_62 = arith.constant 0 : i32
        %dma_start3A_63 = tpu.memref_slice %arg3[%dma_start3A_61, %dma_start3A_62] : memref<10000x128xf32, #tpu.memory_space<hbm>> -> memref<10000x128xf32, #tpu.memory_space<hbm>>
        tpu.enqueue_indirect_dma source(%dma_start3A_63 : memref<10000x128xf32, #tpu.memory_space<hbm>>) target(%arg11 : memref<128x128xf32, #tpu.memory_space<vmem>>) offsets(%dma_start3A_60 : memref<128xi32, #tpu.memory_space<vmem>>) semaphore(%arg14 : memref<!tpu.dma_semaphore, #tpu.memory_space<semaphore_mem>>)
        %add3A_64 = arith.constant 1 : i32
        %add3A_65 = arith.addi %mul3A_58, %add3A_64 : i32
        %dma_start3A_66 = arith.constant 0 : i32
        %dma_start3A_67 = tpu.memref_slice %arg9[%add3A_65, %dma_start3A_66] : memref<158x128xi32, #tpu.memory_space<vmem>> -> memref<1x128xi32, #tpu.memory_space<vmem>>
        %dma_start3A_68 = tpu.memref_squeeze %dma_start3A_67 : memref<1x128xi32, #tpu.memory_space<vmem>> -> memref<128xi32, #tpu.memory_space<vmem>>
        %dma_start3A_69 = arith.constant 0 : i32
        %dma_start3A_70 = arith.constant 0 : i32
        %dma_start3A_71 = tpu.memref_slice %arg3[%dma_start3A_69, %dma_start3A_70] : memref<10000x128xf32, #tpu.memory_space<hbm>> -> memref<10000x128xf32, #tpu.memory_space<hbm>>
        tpu.enqueue_indirect_dma source(%dma_start3A_71 : memref<10000x128xf32, #tpu.memory_space<hbm>>) target(%arg12 : memref<128x128xf32, #tpu.memory_space<vmem>>) offsets(%dma_start3A_68 : memref<128xi32, #tpu.memory_space<vmem>>) semaphore(%arg15 : memref<!tpu.dma_semaphore, #tpu.memory_space<semaphore_mem>>)
        %dma_wait3A = arith.constant 0 : i32
        %dma_wait3A_72 = tpu.memref_slice %arg9[%mul3A_58, %dma_wait3A] : memref<158x128xi32, #tpu.memory_space<vmem>> -> memref<1x128xi32, #tpu.memory_space<vmem>>
        %dma_wait3A_73 = tpu.memref_squeeze %dma_wait3A_72 : memref<1x128xi32, #tpu.memory_space<vmem>> -> memref<128xi32, #tpu.memory_space<vmem>>
        %dma_wait3A_74 = arith.constant 0 : i32
        %dma_wait3A_75 = arith.constant 0 : i32
        %dma_wait3A_76 = tpu.memref_slice %arg3[%dma_wait3A_74, %dma_wait3A_75] : memref<10000x128xf32, #tpu.memory_space<hbm>> -> memref<10000x128xf32, #tpu.memory_space<hbm>>
        tpu.wait_indirect_dma semaphore(%arg14 : memref<!tpu.dma_semaphore, #tpu.memory_space<semaphore_mem>>) src(%dma_wait3A_76 : memref<10000x128xf32, #tpu.memory_space<hbm>>) dst(%arg11 : memref<128x128xf32, #tpu.memory_space<vmem>>)
        "tpu.region"() ({
          %run_scoped3A_85 = tpu.sem_alloc : memref<!tpu.dma_semaphore, #tpu.memory_space<semaphore_mem>>
          %dma_start3A_86 = arith.constant 0 : i32
          %dma_start3A_87 = tpu.memref_slice %arg10[%mul3A_58, %dma_start3A_86] : memref<158x128xi32, #tpu.memory_space<vmem>> -> memref<1x128xi32, #tpu.memory_space<vmem>>
          %dma_start3A_88 = tpu.memref_squeeze %dma_start3A_87 : memref<1x128xi32, #tpu.memory_space<vmem>> -> memref<128xi32, #tpu.memory_space<vmem>>
          %dma_start3A_89 = arith.constant 0 : i32
          %dma_start3A_90 = arith.constant 0 : i32
          %dma_start3A_91 = tpu.memref_slice %arg13[%dma_start3A_89, %dma_start3A_90] : memref<5248x128xf32, #tpu.memory_space<vmem_shared>> -> memref<5248x128xf32, #tpu.memory_space<vmem_shared>>
          tpu.enqueue_indirect_dma source(%arg11 : memref<128x128xf32, #tpu.memory_space<vmem>>) target(%dma_start3A_91 : memref<5248x128xf32, #tpu.memory_space<vmem_shared>>) offsets(%dma_start3A_88 : memref<128xi32, #tpu.memory_space<vmem>>) semaphore(%run_scoped3A_85 : memref<!tpu.dma_semaphore, #tpu.memory_space<semaphore_mem>>) {add = true}
          %dma_wait3A_92 = arith.constant 0 : i32
          %dma_wait3A_93 = tpu.memref_slice %arg10[%mul3A_58, %dma_wait3A_92] : memref<158x128xi32, #tpu.memory_space<vmem>> -> memref<1x128xi32, #tpu.memory_space<vmem>>
          %dma_wait3A_94 = tpu.memref_squeeze %dma_wait3A_93 : memref<1x128xi32, #tpu.memory_space<vmem>> -> memref<128xi32, #tpu.memory_space<vmem>>
          %dma_wait3A_95 = arith.constant 0 : i32
          %dma_wait3A_96 = arith.constant 0 : i32
          %dma_wait3A_97 = tpu.memref_slice %arg13[%dma_wait3A_95, %dma_wait3A_96] : memref<5248x128xf32, #tpu.memory_space<vmem_shared>> -> memref<5248x128xf32, #tpu.memory_space<vmem_shared>>
          tpu.wait_indirect_dma semaphore(%run_scoped3A_85 : memref<!tpu.dma_semaphore, #tpu.memory_space<semaphore_mem>>) src(%arg11 : memref<128x128xf32, #tpu.memory_space<vmem>>) dst(%dma_wait3A_97 : memref<5248x128xf32, #tpu.memory_space<vmem_shared>>)
          tpu.yield
        }) : () -> ()
        %dma_wait3A_77 = arith.constant 0 : i32
        %dma_wait3A_78 = tpu.memref_slice %arg9[%add3A_65, %dma_wait3A_77] : memref<158x128xi32, #tpu.memory_space<vmem>> -> memref<1x128xi32, #tpu.memory_space<vmem>>
        %dma_wait3A_79 = tpu.memref_squeeze %dma_wait3A_78 : memref<1x128xi32, #tpu.memory_space<vmem>> -> memref<128xi32, #tpu.memory_space<vmem>>
        %dma_wait3A_80 = arith.constant 0 : i32
        %dma_wait3A_81 = arith.constant 0 : i32
        %dma_wait3A_82 = tpu.memref_slice %arg3[%dma_wait3A_80, %dma_wait3A_81] : memref<10000x128xf32, #tpu.memory_space<hbm>> -> memref<10000x128xf32, #tpu.memory_space<hbm>>
        tpu.wait_indirect_dma semaphore(%arg15 : memref<!tpu.dma_semaphore, #tpu.memory_space<semaphore_mem>>) src(%dma_wait3A_82 : memref<10000x128xf32, #tpu.memory_space<hbm>>) dst(%arg12 : memref<128x128xf32, #tpu.memory_space<vmem>>)
        %add3A_83 = arith.constant 1 : i32
        %add3A_84 = arith.addi %mul3A_58, %add3A_83 : i32
        "tpu.region"() ({
          %run_scoped3A_85 = tpu.sem_alloc : memref<!tpu.dma_semaphore, #tpu.memory_space<semaphore_mem>>
          %dma_start3A_86 = arith.constant 0 : i32
          %dma_start3A_87 = tpu.memref_slice %arg10[%add3A_84, %dma_start3A_86] : memref<158x128xi32, #tpu.memory_space<vmem>> -> memref<1x128xi32, #tpu.memory_space<vmem>>
          %dma_start3A_88 = tpu.memref_squeeze %dma_start3A_87 : memref<1x128xi32, #tpu.memory_space<vmem>> -> memref<128xi32, #tpu.memory_space<vmem>>
          %dma_start3A_89 = arith.constant 0 : i32
          %dma_start3A_90 = arith.constant 0 : i32
          %dma_start3A_91 = tpu.memref_slice %arg13[%dma_start3A_89, %dma_start3A_90] : memref<5248x128xf32, #tpu.memory_space<vmem_shared>> -> memref<5248x128xf32, #tpu.memory_space<vmem_shared>>
          tpu.enqueue_indirect_dma source(%arg12 : memref<128x128xf32, #tpu.memory_space<vmem>>) target(%dma_start3A_91 : memref<5248x128xf32, #tpu.memory_space<vmem_shared>>) offsets(%dma_start3A_88 : memref<128xi32, #tpu.memory_space<vmem>>) semaphore(%run_scoped3A_85 : memref<!tpu.dma_semaphore, #tpu.memory_space<semaphore_mem>>) {add = true}
          %dma_wait3A_92 = arith.constant 0 : i32
          %dma_wait3A_93 = tpu.memref_slice %arg10[%add3A_84, %dma_wait3A_92] : memref<158x128xi32, #tpu.memory_space<vmem>> -> memref<1x128xi32, #tpu.memory_space<vmem>>
          %dma_wait3A_94 = tpu.memref_squeeze %dma_wait3A_93 : memref<1x128xi32, #tpu.memory_space<vmem>> -> memref<128xi32, #tpu.memory_space<vmem>>
          %dma_wait3A_95 = arith.constant 0 : i32
          %dma_wait3A_96 = arith.constant 0 : i32
          %dma_wait3A_97 = tpu.memref_slice %arg13[%dma_wait3A_95, %dma_wait3A_96] : memref<5248x128xf32, #tpu.memory_space<vmem_shared>> -> memref<5248x128xf32, #tpu.memory_space<vmem_shared>>
          tpu.wait_indirect_dma semaphore(%run_scoped3A_85 : memref<!tpu.dma_semaphore, #tpu.memory_space<semaphore_mem>>) src(%arg12 : memref<128x128xf32, #tpu.memory_space<vmem>>) dst(%dma_wait3A_97 : memref<5248x128xf32, #tpu.memory_space<vmem_shared>>)
          tpu.yield
        }) : () -> ()
      }
      %scan3A_55 = arith.constant 79 : i32
    } else {
    }
    %barrier3A_45 = arith.constant 0 : index
    tpu.barrier barrier_id(%barrier3A_45)
    %mul3A_46 = arith.constant 328 : i32
    %mul3A_47 = arith.muli %arg1, %mul3A_46 : i32
    %mul3A_48 = arith.constant 328 : i32
    %mul3A_49 = arith.muli %arg1, %mul3A_48 : i32
    %run_scoped3A_50 = arith.constant 1 : i32
    "tpu.region"() ({
      %run_scoped3A_51 = tpu.sem_alloc : memref<!tpu.dma_semaphore, #tpu.memory_space<semaphore_mem>>
      %dma_start3A = arith.constant 0 : i32
      %dma_start3A_52 = tpu.memref_slice %arg8[%arg0, %run_scoped3A_50, %mul3A_49, %dma_start3A] : memref<2x2x5248x128xf32, #tpu.memory_space<hbm>> -> memref<1x1x328x128xf32, #tpu.memory_space<hbm>>
      %dma_start3A_53 = tpu.memref_squeeze %dma_start3A_52 : memref<1x1x328x128xf32, #tpu.memory_space<hbm>> -> memref<328x128xf32, #tpu.memory_space<hbm>>
      %dma_start3A_54 = arith.constant 0 : i32
      %dma_start3A_55 = tpu.memref_slice %arg13[%mul3A_47, %dma_start3A_54] : memref<5248x128xf32, #tpu.memory_space<vmem_shared>> -> memref<328x128xf32, #tpu.memory_space<vmem_shared>>
      tpu.enqueue_dma source(%dma_start3A_55 : memref<328x128xf32, #tpu.memory_space<vmem_shared>>) target(%dma_start3A_53 : memref<328x128xf32, #tpu.memory_space<hbm>>) target_semaphore(%run_scoped3A_51 : memref<!tpu.dma_semaphore, #tpu.memory_space<semaphore_mem>>)
      %dma_wait3A = arith.constant 0 : i32
      %dma_wait3A_56 = tpu.memref_slice %arg8[%arg0, %run_scoped3A_50, %mul3A_49, %dma_wait3A] : memref<2x2x5248x128xf32, #tpu.memory_space<hbm>> -> memref<1x1x328x128xf32, #tpu.memory_space<hbm>>
      %dma_wait3A_57 = tpu.memref_squeeze %dma_wait3A_56 : memref<1x1x328x128xf32, #tpu.memory_space<hbm>> -> memref<328x128xf32, #tpu.memory_space<hbm>>
      %dma_wait3A_58 = arith.constant 0 : i32
      %dma_wait3A_59 = tpu.memref_slice %arg13[%mul3A_47, %dma_wait3A_58] : memref<5248x128xf32, #tpu.memory_space<vmem_shared>> -> memref<328x128xf32, #tpu.memory_space<vmem_shared>>
      tpu.wait_dma2 semaphore(%run_scoped3A_51 : memref<!tpu.dma_semaphore, #tpu.memory_space<semaphore_mem>>) src(%dma_wait3A_59 : memref<328x128xf32, #tpu.memory_space<vmem_shared>>) dst(%dma_wait3A_57 : memref<328x128xf32, #tpu.memory_space<hbm>>)
      tpu.yield
    }) : () -> ()
    return
  }
}

#map = affine_map<(d0, d1) -> (0, 0)>
#map1 = affine_map<(d0, d1) -> (0, 0, 0)>
#map2 = affine_map<(d0, d1) -> (0, 0, 0, 0)>
module attributes {stable_mosaic.version = 14 : i64} {
  func.func @_gather_body(%arg0: i32, %arg1: i32, %arg2: memref<10000x128xf32, #tpu.memory_space<hbm>>, %arg3: memref<10000x128xf32, #tpu.memory_space<hbm>>, %arg4: memref<16x158x128xi32, #tpu.memory_space<hbm>>, %arg5: memref<16x158x128xi32, #tpu.memory_space<hbm>>, %arg6: memref<16x158x128xi32, #tpu.memory_space<hbm>>, %arg7: memref<128x128xf32, #tpu.memory_space<hbm>>, %arg8: memref<2x2x5248x128xf32, #tpu.memory_space<hbm>>, %arg9: memref<158x128xi32, #tpu.memory_space<vmem>>, %arg10: memref<158x128xi32, #tpu.memory_space<vmem>>, %arg11: memref<128x128xf32, #tpu.memory_space<vmem>>, %arg12: memref<128x128xf32, #tpu.memory_space<vmem>>, %arg13: memref<5248x128xf32, #tpu.memory_space<vmem_shared>>, %arg14: memref<!tpu.dma_semaphore, #tpu.memory_space<semaphore_mem>>, %arg15: memref<!tpu.dma_semaphore, #tpu.memory_space<semaphore_mem>>, %arg16: memref<!tpu.dma_semaphore, #tpu.memory_space<semaphore_mem>>, %arg17: memref<!tpu.dma_semaphore, #tpu.memory_space<semaphore_mem>>) attributes {dimension_semantics = [#tpu.dimension_semantics<core_parallel>, #tpu.dimension_semantics<subcore_parallel>], iteration_bounds = array<i64: 2, 16>, scalar_prefetch = 0 : i64, scratch_operands = 9 : i64, tpu.core_type = #tpu.core_type<sc_vector_subcore>, window_params = [{transform_indices = #map}, {transform_indices = #map}, {transform_indices = #map1}, {transform_indices = #map1}, {transform_indices = #map1}, {transform_indices = #map}, {transform_indices = #map2}]} {
    "tpu.region"() ({
      %run_scoped3A_51 = tpu.sem_alloc : memref<!tpu.dma_semaphore, #tpu.memory_space<semaphore_mem>>
      %dma_start3A = arith.constant 0 : i32
      %dma_start3A_52 = arith.constant 0 : i32
      %dma_start3A_53 = tpu.memref_slice %arg4[%arg1, %dma_start3A, %dma_start3A_52] : memref<16x158x128xi32, #tpu.memory_space<hbm>> -> memref<1x158x128xi32, #tpu.memory_space<hbm>>
      %dma_start3A_54 = tpu.memref_squeeze %dma_start3A_53 : memref<1x158x128xi32, #tpu.memory_space<hbm>> -> memref<158x128xi32, #tpu.memory_space<hbm>>
      %dma_start3A_55 = arith.constant 0 : i32
      %dma_start3A_56 = arith.constant 0 : i32
      %dma_start3A_57 = tpu.memref_slice %arg4[%arg1, %dma_start3A_55, %dma_start3A_56] : memref<16x158x128xi32, #tpu.memory_space<hbm>> -> memref<1x158x128xi32, #tpu.memory_space<hbm>>
      %dma_start3A_58 = tpu.memref_squeeze %dma_start3A_57 : memref<1x158x128xi32, #tpu.memory_space<hbm>> -> memref<158x128xi32, #tpu.memory_space<hbm>>
      tpu.enqueue_dma source(%dma_start3A_58 : memref<158x128xi32, #tpu.memory_space<hbm>>) target(%arg9 : memref<158x128xi32, #tpu.memory_space<vmem>>) target_semaphore(%run_scoped3A_51 : memref<!tpu.dma_semaphore, #tpu.memory_space<semaphore_mem>>)
      %dma_wait3A = arith.constant 0 : i32
      %dma_wait3A_59 = arith.constant 0 : i32
      %dma_wait3A_60 = tpu.memref_slice %arg4[%arg1, %dma_wait3A, %dma_wait3A_59] : memref<16x158x128xi32, #tpu.memory_space<hbm>> -> memref<1x158x128xi32, #tpu.memory_space<hbm>>
      %dma_wait3A_61 = tpu.memref_squeeze %dma_wait3A_60 : memref<1x158x128xi32, #tpu.memory_space<hbm>> -> memref<158x128xi32, #tpu.memory_space<hbm>>
      %dma_wait3A_62 = arith.constant 0 : i32
      %dma_wait3A_63 = arith.constant 0 : i32
      %dma_wait3A_64 = tpu.memref_slice %arg4[%arg1, %dma_wait3A_62, %dma_wait3A_63] : memref<16x158x128xi32, #tpu.memory_space<hbm>> -> memref<1x158x128xi32, #tpu.memory_space<hbm>>
      %dma_wait3A_65 = tpu.memref_squeeze %dma_wait3A_64 : memref<1x158x128xi32, #tpu.memory_space<hbm>> -> memref<158x128xi32, #tpu.memory_space<hbm>>
      tpu.wait_dma2 semaphore(%run_scoped3A_51 : memref<!tpu.dma_semaphore, #tpu.memory_space<semaphore_mem>>) src(%dma_wait3A_65 : memref<158x128xi32, #tpu.memory_space<hbm>>) dst(%arg9 : memref<158x128xi32, #tpu.memory_space<vmem>>)
      tpu.yield
    }) : () -> ()
    "tpu.region"() ({
      %run_scoped3A_51 = tpu.sem_alloc : memref<!tpu.dma_semaphore, #tpu.memory_space<semaphore_mem>>
      %dma_start3A = arith.constant 0 : i32
      %dma_start3A_52 = arith.constant 0 : i32
      %dma_start3A_53 = tpu.memref_slice %arg5[%arg1, %dma_start3A, %dma_start3A_52] : memref<16x158x128xi32, #tpu.memory_space<hbm>> -> memref<1x158x128xi32, #tpu.memory_space<hbm>>
      %dma_start3A_54 = tpu.memref_squeeze %dma_start3A_53 : memref<1x158x128xi32, #tpu.memory_space<hbm>> -> memref<158x128xi32, #tpu.memory_space<hbm>>
      %dma_start3A_55 = arith.constant 0 : i32
      %dma_start3A_56 = arith.constant 0 : i32
      %dma_start3A_57 = tpu.memref_slice %arg5[%arg1, %dma_start3A_55, %dma_start3A_56] : memref<16x158x128xi32, #tpu.memory_space<hbm>> -> memref<1x158x128xi32, #tpu.memory_space<hbm>>
      %dma_start3A_58 = tpu.memref_squeeze %dma_start3A_57 : memref<1x158x128xi32, #tpu.memory_space<hbm>> -> memref<158x128xi32, #tpu.memory_space<hbm>>
      tpu.enqueue_dma source(%dma_start3A_58 : memref<158x128xi32, #tpu.memory_space<hbm>>) target(%arg10 : memref<158x128xi32, #tpu.memory_space<vmem>>) target_semaphore(%run_scoped3A_51 : memref<!tpu.dma_semaphore, #tpu.memory_space<semaphore_mem>>)
      %dma_wait3A = arith.constant 0 : i32
      %dma_wait3A_59 = arith.constant 0 : i32
      %dma_wait3A_60 = tpu.memref_slice %arg5[%arg1, %dma_wait3A, %dma_wait3A_59] : memref<16x158x128xi32, #tpu.memory_space<hbm>> -> memref<1x158x128xi32, #tpu.memory_space<hbm>>
      %dma_wait3A_61 = tpu.memref_squeeze %dma_wait3A_60 : memref<1x158x128xi32, #tpu.memory_space<hbm>> -> memref<158x128xi32, #tpu.memory_space<hbm>>
      %dma_wait3A_62 = arith.constant 0 : i32
      %dma_wait3A_63 = arith.constant 0 : i32
      %dma_wait3A_64 = tpu.memref_slice %arg5[%arg1, %dma_wait3A_62, %dma_wait3A_63] : memref<16x158x128xi32, #tpu.memory_space<hbm>> -> memref<1x158x128xi32, #tpu.memory_space<hbm>>
      %dma_wait3A_65 = tpu.memref_squeeze %dma_wait3A_64 : memref<1x158x128xi32, #tpu.memory_space<hbm>> -> memref<158x128xi32, #tpu.memory_space<hbm>>
      tpu.wait_dma2 semaphore(%run_scoped3A_51 : memref<!tpu.dma_semaphore, #tpu.memory_space<semaphore_mem>>) src(%dma_wait3A_65 : memref<158x128xi32, #tpu.memory_space<hbm>>) dst(%arg10 : memref<158x128xi32, #tpu.memory_space<vmem>>)
      tpu.yield
    }) : () -> ()
    "tpu.region"() ({
      %run_scoped3A_51 = tpu.sem_alloc : memref<!tpu.dma_semaphore, #tpu.memory_space<semaphore_mem>>
      tpu.enqueue_dma source(%arg7 : memref<128x128xf32, #tpu.memory_space<hbm>>) target(%arg11 : memref<128x128xf32, #tpu.memory_space<vmem>>) target_semaphore(%run_scoped3A_51 : memref<!tpu.dma_semaphore, #tpu.memory_space<semaphore_mem>>)
      tpu.wait_dma2 semaphore(%run_scoped3A_51 : memref<!tpu.dma_semaphore, #tpu.memory_space<semaphore_mem>>) src(%arg7 : memref<128x128xf32, #tpu.memory_space<hbm>>) dst(%arg11 : memref<128x128xf32, #tpu.memory_space<vmem>>)
      tpu.yield
    }) : () -> ()
    %mul3A = arith.constant 328 : i32
    %mul3A_0 = arith.muli %arg1, %mul3A : i32
    %add3A = arith.constant 0 : i32
    %add3A_1 = arith.addi %mul3A_0, %add3A : i32
    "tpu.region"() ({
      %run_scoped3A_51 = tpu.sem_alloc : memref<!tpu.dma_semaphore, #tpu.memory_space<semaphore_mem>>
      %dma_start3A = arith.constant 0 : i32
      %dma_start3A_52 = arith.constant 0 : i32
      %dma_start3A_53 = tpu.memref_slice %arg11[%dma_start3A, %dma_start3A_52] : memref<128x128xf32, #tpu.memory_space<vmem>> -> memref<128x128xf32, #tpu.memory_space<vmem>>
      %dma_start3A_54 = arith.constant 0 : i32
      %dma_start3A_55 = tpu.memref_slice %arg13[%add3A_1, %dma_start3A_54] : memref<5248x128xf32, #tpu.memory_space<vmem_shared>> -> memref<128x128xf32, #tpu.memory_space<vmem_shared>>
      %dma_start3A_56 = arith.constant 0 : i32
      %dma_start3A_57 = tpu.memref_slice %arg13[%add3A_1, %dma_start3A_56] : memref<5248x128xf32, #tpu.memory_space<vmem_shared>> -> memref<128x128xf32, #tpu.memory_space<vmem_shared>>
      %dma_start3A_58 = arith.constant 0 : i32
      %dma_start3A_59 = arith.constant 0 : i32
      %dma_start3A_60 = tpu.memref_slice %arg11[%dma_start3A_58, %dma_start3A_59] : memref<128x128xf32, #tpu.memory_space<vmem>> -> memref<128x128xf32, #tpu.memory_space<vmem>>
      tpu.enqueue_dma source(%dma_start3A_60 : memref<128x128xf32, #tpu.memory_space<vmem>>) target(%dma_start3A_57 : memref<128x128xf32, #tpu.memory_space<vmem_shared>>) target_semaphore(%run_scoped3A_51 : memref<!tpu.dma_semaphore, #tpu.memory_space<semaphore_mem>>)
      %dma_wait3A = arith.constant 0 : i32
      %dma_wait3A_61 = arith.constant 0 : i32
      %dma_wait3A_62 = tpu.memref_slice %arg11[%dma_wait3A, %dma_wait3A_61] : memref<128x128xf32, #tpu.memory_space<vmem>> -> memref<128x128xf32, #tpu.memory_space<vmem>>
      %dma_wait3A_63 = arith.constant 0 : i32
      %dma_wait3A_64 = tpu.memref_slice %arg13[%add3A_1, %dma_wait3A_63] : memref<5248x128xf32, #tpu.memory_space<vmem_shared>> -> memref<128x128xf32, #tpu.memory_space<vmem_shared>>
      %dma_wait3A_65 = arith.constant 0 : i32
      %dma_wait3A_66 = tpu.memref_slice %arg13[%add3A_1, %dma_wait3A_65] : memref<5248x128xf32, #tpu.memory_space<vmem_shared>> -> memref<128x128xf32, #tpu.memory_space<vmem_shared>>
      %dma_wait3A_67 = arith.constant 0 : i32
      %dma_wait3A_68 = arith.constant 0 : i32
      %dma_wait3A_69 = tpu.memref_slice %arg11[%dma_wait3A_67, %dma_wait3A_68] : memref<128x128xf32, #tpu.memory_space<vmem>> -> memref<128x128xf32, #tpu.memory_space<vmem>>
      tpu.wait_dma2 semaphore(%run_scoped3A_51 : memref<!tpu.dma_semaphore, #tpu.memory_space<semaphore_mem>>) src(%dma_wait3A_69 : memref<128x128xf32, #tpu.memory_space<vmem>>) dst(%dma_wait3A_66 : memref<128x128xf32, #tpu.memory_space<vmem_shared>>)
      tpu.yield
    }) : () -> ()
    %mul3A_2 = arith.constant 328 : i32
    %mul3A_3 = arith.muli %arg1, %mul3A_2 : i32
    %add3A_4 = arith.constant 128 : i32
    %add3A_5 = arith.addi %mul3A_3, %add3A_4 : i32
    "tpu.region"() ({
      %run_scoped3A_51 = tpu.sem_alloc : memref<!tpu.dma_semaphore, #tpu.memory_space<semaphore_mem>>
      %dma_start3A = arith.constant 0 : i32
      %dma_start3A_52 = arith.constant 0 : i32
      %dma_start3A_53 = tpu.memref_slice %arg11[%dma_start3A, %dma_start3A_52] : memref<128x128xf32, #tpu.memory_space<vmem>> -> memref<128x128xf32, #tpu.memory_space<vmem>>
      %dma_start3A_54 = arith.constant 0 : i32
      %dma_start3A_55 = tpu.memref_slice %arg13[%add3A_5, %dma_start3A_54] : memref<5248x128xf32, #tpu.memory_space<vmem_shared>> -> memref<128x128xf32, #tpu.memory_space<vmem_shared>>
      %dma_start3A_56 = arith.constant 0 : i32
      %dma_start3A_57 = tpu.memref_slice %arg13[%add3A_5, %dma_start3A_56] : memref<5248x128xf32, #tpu.memory_space<vmem_shared>> -> memref<128x128xf32, #tpu.memory_space<vmem_shared>>
      %dma_start3A_58 = arith.constant 0 : i32
      %dma_start3A_59 = arith.constant 0 : i32
      %dma_start3A_60 = tpu.memref_slice %arg11[%dma_start3A_58, %dma_start3A_59] : memref<128x128xf32, #tpu.memory_space<vmem>> -> memref<128x128xf32, #tpu.memory_space<vmem>>
      tpu.enqueue_dma source(%dma_start3A_60 : memref<128x128xf32, #tpu.memory_space<vmem>>) target(%dma_start3A_57 : memref<128x128xf32, #tpu.memory_space<vmem_shared>>) target_semaphore(%run_scoped3A_51 : memref<!tpu.dma_semaphore, #tpu.memory_space<semaphore_mem>>)
      %dma_wait3A = arith.constant 0 : i32
      %dma_wait3A_61 = arith.constant 0 : i32
      %dma_wait3A_62 = tpu.memref_slice %arg11[%dma_wait3A, %dma_wait3A_61] : memref<128x128xf32, #tpu.memory_space<vmem>> -> memref<128x128xf32, #tpu.memory_space<vmem>>
      %dma_wait3A_63 = arith.constant 0 : i32
      %dma_wait3A_64 = tpu.memref_slice %arg13[%add3A_5, %dma_wait3A_63] : memref<5248x128xf32, #tpu.memory_space<vmem_shared>> -> memref<128x128xf32, #tpu.memory_space<vmem_shared>>
      %dma_wait3A_65 = arith.constant 0 : i32
      %dma_wait3A_66 = tpu.memref_slice %arg13[%add3A_5, %dma_wait3A_65] : memref<5248x128xf32, #tpu.memory_space<vmem_shared>> -> memref<128x128xf32, #tpu.memory_space<vmem_shared>>
      %dma_wait3A_67 = arith.constant 0 : i32
      %dma_wait3A_68 = arith.constant 0 : i32
      %dma_wait3A_69 = tpu.memref_slice %arg11[%dma_wait3A_67, %dma_wait3A_68] : memref<128x128xf32, #tpu.memory_space<vmem>> -> memref<128x128xf32, #tpu.memory_space<vmem>>
      tpu.wait_dma2 semaphore(%run_scoped3A_51 : memref<!tpu.dma_semaphore, #tpu.memory_space<semaphore_mem>>) src(%dma_wait3A_69 : memref<128x128xf32, #tpu.memory_space<vmem>>) dst(%dma_wait3A_66 : memref<128x128xf32, #tpu.memory_space<vmem_shared>>)
      tpu.yield
    }) : () -> ()
    %mul3A_6 = arith.constant 328 : i32
    %mul3A_7 = arith.muli %arg1, %mul3A_6 : i32
    %add3A_8 = arith.constant 256 : i32
    %add3A_9 = arith.addi %mul3A_7, %add3A_8 : i32
    "tpu.region"() ({
      %run_scoped3A_51 = tpu.sem_alloc : memref<!tpu.dma_semaphore, #tpu.memory_space<semaphore_mem>>
      %dma_start3A = arith.constant 0 : i32
      %dma_start3A_52 = arith.constant 0 : i32
      %dma_start3A_53 = tpu.memref_slice %arg11[%dma_start3A, %dma_start3A_52] : memref<128x128xf32, #tpu.memory_space<vmem>> -> memref<72x128xf32, #tpu.memory_space<vmem>>
      %dma_start3A_54 = arith.constant 0 : i32
      %dma_start3A_55 = tpu.memref_slice %arg13[%add3A_9, %dma_start3A_54] : memref<5248x128xf32, #tpu.memory_space<vmem_shared>> -> memref<72x128xf32, #tpu.memory_space<vmem_shared>>
      %dma_start3A_56 = arith.constant 0 : i32
      %dma_start3A_57 = tpu.memref_slice %arg13[%add3A_9, %dma_start3A_56] : memref<5248x128xf32, #tpu.memory_space<vmem_shared>> -> memref<72x128xf32, #tpu.memory_space<vmem_shared>>
      %dma_start3A_58 = arith.constant 0 : i32
      %dma_start3A_59 = arith.constant 0 : i32
      %dma_start3A_60 = tpu.memref_slice %arg11[%dma_start3A_58, %dma_start3A_59] : memref<128x128xf32, #tpu.memory_space<vmem>> -> memref<72x128xf32, #tpu.memory_space<vmem>>
      tpu.enqueue_dma source(%dma_start3A_60 : memref<72x128xf32, #tpu.memory_space<vmem>>) target(%dma_start3A_57 : memref<72x128xf32, #tpu.memory_space<vmem_shared>>) target_semaphore(%run_scoped3A_51 : memref<!tpu.dma_semaphore, #tpu.memory_space<semaphore_mem>>)
      %dma_wait3A = arith.constant 0 : i32
      %dma_wait3A_61 = arith.constant 0 : i32
      %dma_wait3A_62 = tpu.memref_slice %arg11[%dma_wait3A, %dma_wait3A_61] : memref<128x128xf32, #tpu.memory_space<vmem>> -> memref<72x128xf32, #tpu.memory_space<vmem>>
      %dma_wait3A_63 = arith.constant 0 : i32
      %dma_wait3A_64 = tpu.memref_slice %arg13[%add3A_9, %dma_wait3A_63] : memref<5248x128xf32, #tpu.memory_space<vmem_shared>> -> memref<72x128xf32, #tpu.memory_space<vmem_shared>>
      %dma_wait3A_65 = arith.constant 0 : i32
      %dma_wait3A_66 = tpu.memref_slice %arg13[%add3A_9, %dma_wait3A_65] : memref<5248x128xf32, #tpu.memory_space<vmem_shared>> -> memref<72x128xf32, #tpu.memory_space<vmem_shared>>
      %dma_wait3A_67 = arith.constant 0 : i32
      %dma_wait3A_68 = arith.constant 0 : i32
      %dma_wait3A_69 = tpu.memref_slice %arg11[%dma_wait3A_67, %dma_wait3A_68] : memref<128x128xf32, #tpu.memory_space<vmem>> -> memref<72x128xf32, #tpu.memory_space<vmem>>
      tpu.wait_dma2 semaphore(%run_scoped3A_51 : memref<!tpu.dma_semaphore, #tpu.memory_space<semaphore_mem>>) src(%dma_wait3A_69 : memref<72x128xf32, #tpu.memory_space<vmem>>) dst(%dma_wait3A_66 : memref<72x128xf32, #tpu.memory_space<vmem_shared>>)
      tpu.yield
    }) : () -> ()
    %barrier3A = arith.constant 0 : index
    tpu.barrier barrier_id(%barrier3A)
    %eq3A = arith.constant 0 : i32
    %eq3A_10 = arith.cmpi eq, %arg0, %eq3A : i32
    %convert_element_type3A = arith.extui %eq3A_10 : i1 to i32
    %cond3A = arith.constant 0 : i32
    %cond3A_11 = arith.cmpi ne, %convert_element_type3A, %cond3A : i32
    scf.if %cond3A_11 {
      %scan3A = arith.constant 0 : i32
      %scan3A_51 = arith.constant 0 : i32
      %scan3A_52 = arith.constant 79 : i32
      %scan3A_53 = arith.addi %scan3A_51, %scan3A_52 : i32
      %scan3A_54 = arith.constant 1 : i32
      scf.for %scan3A_56 = %scan3A_51 to %scan3A_53 step %scan3A_54  : i32 {
        %mul3A_57 = arith.constant 2 : i32
        %mul3A_58 = arith.muli %mul3A_57, %scan3A_56 : i32
        %dma_start3A = arith.constant 0 : i32
        %dma_start3A_59 = tpu.memref_slice %arg9[%mul3A_58, %dma_start3A] : memref<158x128xi32, #tpu.memory_space<vmem>> -> memref<1x128xi32, #tpu.memory_space<vmem>>
        %dma_start3A_60 = tpu.memref_squeeze %dma_start3A_59 : memref<1x128xi32, #tpu.memory_space<vmem>> -> memref<128xi32, #tpu.memory_space<vmem>>
        %dma_start3A_61 = arith.constant 0 : i32
        %dma_start3A_62 = arith.constant 0 : i32
        %dma_start3A_63 = tpu.memref_slice %arg2[%dma_start3A_61, %dma_start3A_62] : memref<10000x128xf32, #tpu.memory_space<hbm>> -> memref<10000x128xf32, #tpu.memory_space<hbm>>
        tpu.enqueue_indirect_dma source(%dma_start3A_63 : memref<10000x128xf32, #tpu.memory_space<hbm>>) target(%arg11 : memref<128x128xf32, #tpu.memory_space<vmem>>) offsets(%dma_start3A_60 : memref<128xi32, #tpu.memory_space<vmem>>) semaphore(%arg14 : memref<!tpu.dma_semaphore, #tpu.memory_space<semaphore_mem>>)
        %add3A_64 = arith.constant 1 : i32
        %add3A_65 = arith.addi %mul3A_58, %add3A_64 : i32
        %dma_start3A_66 = arith.constant 0 : i32
        %dma_start3A_67 = tpu.memref_slice %arg9[%add3A_65, %dma_start3A_66] : memref<158x128xi32, #tpu.memory_space<vmem>> -> memref<1x128xi32, #tpu.memory_space<vmem>>
        %dma_start3A_68 = tpu.memref_squeeze %dma_start3A_67 : memref<1x128xi32, #tpu.memory_space<vmem>> -> memref<128xi32, #tpu.memory_space<vmem>>
        %dma_start3A_69 = arith.constant 0 : i32
        %dma_start3A_70 = arith.constant 0 : i32
        %dma_start3A_71 = tpu.memref_slice %arg2[%dma_start3A_69, %dma_start3A_70] : memref<10000x128xf32, #tpu.memory_space<hbm>> -> memref<10000x128xf32, #tpu.memory_space<hbm>>
        tpu.enqueue_indirect_dma source(%dma_start3A_71 : memref<10000x128xf32, #tpu.memory_space<hbm>>) target(%arg12 : memref<128x128xf32, #tpu.memory_space<vmem>>) offsets(%dma_start3A_68 : memref<128xi32, #tpu.memory_space<vmem>>) semaphore(%arg15 : memref<!tpu.dma_semaphore, #tpu.memory_space<semaphore_mem>>)
        %dma_wait3A = arith.constant 0 : i32
        %dma_wait3A_72 = tpu.memref_slice %arg9[%mul3A_58, %dma_wait3A] : memref<158x128xi32, #tpu.memory_space<vmem>> -> memref<1x128xi32, #tpu.memory_space<vmem>>
        %dma_wait3A_73 = tpu.memref_squeeze %dma_wait3A_72 : memref<1x128xi32, #tpu.memory_space<vmem>> -> memref<128xi32, #tpu.memory_space<vmem>>
        %dma_wait3A_74 = arith.constant 0 : i32
        %dma_wait3A_75 = arith.constant 0 : i32
        %dma_wait3A_76 = tpu.memref_slice %arg2[%dma_wait3A_74, %dma_wait3A_75] : memref<10000x128xf32, #tpu.memory_space<hbm>> -> memref<10000x128xf32, #tpu.memory_space<hbm>>
        tpu.wait_indirect_dma semaphore(%arg14 : memref<!tpu.dma_semaphore, #tpu.memory_space<semaphore_mem>>) src(%dma_wait3A_76 : memref<10000x128xf32, #tpu.memory_space<hbm>>) dst(%arg11 : memref<128x128xf32, #tpu.memory_space<vmem>>)
        "tpu.region"() ({
          %run_scoped3A_85 = tpu.sem_alloc : memref<!tpu.dma_semaphore, #tpu.memory_space<semaphore_mem>>
          %dma_start3A_86 = arith.constant 0 : i32
          %dma_start3A_87 = tpu.memref_slice %arg10[%mul3A_58, %dma_start3A_86] : memref<158x128xi32, #tpu.memory_space<vmem>> -> memref<1x128xi32, #tpu.memory_space<vmem>>
          %dma_start3A_88 = tpu.memref_squeeze %dma_start3A_87 : memref<1x128xi32, #tpu.memory_space<vmem>> -> memref<128xi32, #tpu.memory_space<vmem>>
          %dma_start3A_89 = arith.constant 0 : i32
          %dma_start3A_90 = arith.constant 0 : i32
          %dma_start3A_91 = tpu.memref_slice %arg13[%dma_start3A_89, %dma_start3A_90] : memref<5248x128xf32, #tpu.memory_space<vmem_shared>> -> memref<5248x128xf32, #tpu.memory_space<vmem_shared>>
          tpu.enqueue_indirect_dma source(%arg11 : memref<128x128xf32, #tpu.memory_space<vmem>>) target(%dma_start3A_91 : memref<5248x128xf32, #tpu.memory_space<vmem_shared>>) offsets(%dma_start3A_88 : memref<128xi32, #tpu.memory_space<vmem>>) semaphore(%run_scoped3A_85 : memref<!tpu.dma_semaphore, #tpu.memory_space<semaphore_mem>>) {add = true}
          %dma_wait3A_92 = arith.constant 0 : i32
          %dma_wait3A_93 = tpu.memref_slice %arg10[%mul3A_58, %dma_wait3A_92] : memref<158x128xi32, #tpu.memory_space<vmem>> -> memref<1x128xi32, #tpu.memory_space<vmem>>
          %dma_wait3A_94 = tpu.memref_squeeze %dma_wait3A_93 : memref<1x128xi32, #tpu.memory_space<vmem>> -> memref<128xi32, #tpu.memory_space<vmem>>
          %dma_wait3A_95 = arith.constant 0 : i32
          %dma_wait3A_96 = arith.constant 0 : i32
          %dma_wait3A_97 = tpu.memref_slice %arg13[%dma_wait3A_95, %dma_wait3A_96] : memref<5248x128xf32, #tpu.memory_space<vmem_shared>> -> memref<5248x128xf32, #tpu.memory_space<vmem_shared>>
          tpu.wait_indirect_dma semaphore(%run_scoped3A_85 : memref<!tpu.dma_semaphore, #tpu.memory_space<semaphore_mem>>) src(%arg11 : memref<128x128xf32, #tpu.memory_space<vmem>>) dst(%dma_wait3A_97 : memref<5248x128xf32, #tpu.memory_space<vmem_shared>>)
          tpu.yield
        }) : () -> ()
        %dma_wait3A_77 = arith.constant 0 : i32
        %dma_wait3A_78 = tpu.memref_slice %arg9[%add3A_65, %dma_wait3A_77] : memref<158x128xi32, #tpu.memory_space<vmem>> -> memref<1x128xi32, #tpu.memory_space<vmem>>
        %dma_wait3A_79 = tpu.memref_squeeze %dma_wait3A_78 : memref<1x128xi32, #tpu.memory_space<vmem>> -> memref<128xi32, #tpu.memory_space<vmem>>
        %dma_wait3A_80 = arith.constant 0 : i32
        %dma_wait3A_81 = arith.constant 0 : i32
        %dma_wait3A_82 = tpu.memref_slice %arg2[%dma_wait3A_80, %dma_wait3A_81] : memref<10000x128xf32, #tpu.memory_space<hbm>> -> memref<10000x128xf32, #tpu.memory_space<hbm>>
        tpu.wait_indirect_dma semaphore(%arg15 : memref<!tpu.dma_semaphore, #tpu.memory_space<semaphore_mem>>) src(%dma_wait3A_82 : memref<10000x128xf32, #tpu.memory_space<hbm>>) dst(%arg12 : memref<128x128xf32, #tpu.memory_space<vmem>>)
        %add3A_83 = arith.constant 1 : i32
        %add3A_84 = arith.addi %mul3A_58, %add3A_83 : i32
        "tpu.region"() ({
          %run_scoped3A_85 = tpu.sem_alloc : memref<!tpu.dma_semaphore, #tpu.memory_space<semaphore_mem>>
          %dma_start3A_86 = arith.constant 0 : i32
          %dma_start3A_87 = tpu.memref_slice %arg10[%add3A_84, %dma_start3A_86] : memref<158x128xi32, #tpu.memory_space<vmem>> -> memref<1x128xi32, #tpu.memory_space<vmem>>
          %dma_start3A_88 = tpu.memref_squeeze %dma_start3A_87 : memref<1x128xi32, #tpu.memory_space<vmem>> -> memref<128xi32, #tpu.memory_space<vmem>>
          %dma_start3A_89 = arith.constant 0 : i32
          %dma_start3A_90 = arith.constant 0 : i32
          %dma_start3A_91 = tpu.memref_slice %arg13[%dma_start3A_89, %dma_start3A_90] : memref<5248x128xf32, #tpu.memory_space<vmem_shared>> -> memref<5248x128xf32, #tpu.memory_space<vmem_shared>>
          tpu.enqueue_indirect_dma source(%arg12 : memref<128x128xf32, #tpu.memory_space<vmem>>) target(%dma_start3A_91 : memref<5248x128xf32, #tpu.memory_space<vmem_shared>>) offsets(%dma_start3A_88 : memref<128xi32, #tpu.memory_space<vmem>>) semaphore(%run_scoped3A_85 : memref<!tpu.dma_semaphore, #tpu.memory_space<semaphore_mem>>) {add = true}
          %dma_wait3A_92 = arith.constant 0 : i32
          %dma_wait3A_93 = tpu.memref_slice %arg10[%add3A_84, %dma_wait3A_92] : memref<158x128xi32, #tpu.memory_space<vmem>> -> memref<1x128xi32, #tpu.memory_space<vmem>>
          %dma_wait3A_94 = tpu.memref_squeeze %dma_wait3A_93 : memref<1x128xi32, #tpu.memory_space<vmem>> -> memref<128xi32, #tpu.memory_space<vmem>>
          %dma_wait3A_95 = arith.constant 0 : i32
          %dma_wait3A_96 = arith.constant 0 : i32
          %dma_wait3A_97 = tpu.memref_slice %arg13[%dma_wait3A_95, %dma_wait3A_96] : memref<5248x128xf32, #tpu.memory_space<vmem_shared>> -> memref<5248x128xf32, #tpu.memory_space<vmem_shared>>
          tpu.wait_indirect_dma semaphore(%run_scoped3A_85 : memref<!tpu.dma_semaphore, #tpu.memory_space<semaphore_mem>>) src(%arg12 : memref<128x128xf32, #tpu.memory_space<vmem>>) dst(%dma_wait3A_97 : memref<5248x128xf32, #tpu.memory_space<vmem_shared>>)
          tpu.yield
        }) : () -> ()
      }
      %scan3A_55 = arith.constant 79 : i32
    } else {
    }
    %eq3A_12 = arith.constant 1 : i32
    %eq3A_13 = arith.cmpi eq, %arg0, %eq3A_12 : i32
    %convert_element_type3A_14 = arith.extui %eq3A_13 : i1 to i32
    %cond3A_15 = arith.constant 0 : i32
    %cond3A_16 = arith.cmpi ne, %convert_element_type3A_14, %cond3A_15 : i32
    scf.if %cond3A_16 {
      %scan3A = arith.constant 0 : i32
      %scan3A_51 = arith.constant 0 : i32
      %scan3A_52 = arith.constant 79 : i32
      %scan3A_53 = arith.addi %scan3A_51, %scan3A_52 : i32
      %scan3A_54 = arith.constant 1 : i32
      scf.for %scan3A_56 = %scan3A_51 to %scan3A_53 step %scan3A_54  : i32 {
        %mul3A_57 = arith.constant 2 : i32
        %mul3A_58 = arith.muli %mul3A_57, %scan3A_56 : i32
        %dma_start3A = arith.constant 0 : i32
        %dma_start3A_59 = tpu.memref_slice %arg9[%mul3A_58, %dma_start3A] : memref<158x128xi32, #tpu.memory_space<vmem>> -> memref<1x128xi32, #tpu.memory_space<vmem>>
        %dma_start3A_60 = tpu.memref_squeeze %dma_start3A_59 : memref<1x128xi32, #tpu.memory_space<vmem>> -> memref<128xi32, #tpu.memory_space<vmem>>
        %dma_start3A_61 = arith.constant 0 : i32
        %dma_start3A_62 = arith.constant 0 : i32
        %dma_start3A_63 = tpu.memref_slice %arg3[%dma_start3A_61, %dma_start3A_62] : memref<10000x128xf32, #tpu.memory_space<hbm>> -> memref<10000x128xf32, #tpu.memory_space<hbm>>
        tpu.enqueue_indirect_dma source(%dma_start3A_63 : memref<10000x128xf32, #tpu.memory_space<hbm>>) target(%arg11 : memref<128x128xf32, #tpu.memory_space<vmem>>) offsets(%dma_start3A_60 : memref<128xi32, #tpu.memory_space<vmem>>) semaphore(%arg14 : memref<!tpu.dma_semaphore, #tpu.memory_space<semaphore_mem>>)
        %add3A_64 = arith.constant 1 : i32
        %add3A_65 = arith.addi %mul3A_58, %add3A_64 : i32
        %dma_start3A_66 = arith.constant 0 : i32
        %dma_start3A_67 = tpu.memref_slice %arg9[%add3A_65, %dma_start3A_66] : memref<158x128xi32, #tpu.memory_space<vmem>> -> memref<1x128xi32, #tpu.memory_space<vmem>>
        %dma_start3A_68 = tpu.memref_squeeze %dma_start3A_67 : memref<1x128xi32, #tpu.memory_space<vmem>> -> memref<128xi32, #tpu.memory_space<vmem>>
        %dma_start3A_69 = arith.constant 0 : i32
        %dma_start3A_70 = arith.constant 0 : i32
        %dma_start3A_71 = tpu.memref_slice %arg3[%dma_start3A_69, %dma_start3A_70] : memref<10000x128xf32, #tpu.memory_space<hbm>> -> memref<10000x128xf32, #tpu.memory_space<hbm>>
        tpu.enqueue_indirect_dma source(%dma_start3A_71 : memref<10000x128xf32, #tpu.memory_space<hbm>>) target(%arg12 : memref<128x128xf32, #tpu.memory_space<vmem>>) offsets(%dma_start3A_68 : memref<128xi32, #tpu.memory_space<vmem>>) semaphore(%arg15 : memref<!tpu.dma_semaphore, #tpu.memory_space<semaphore_mem>>)
        %dma_wait3A = arith.constant 0 : i32
        %dma_wait3A_72 = tpu.memref_slice %arg9[%mul3A_58, %dma_wait3A] : memref<158x128xi32, #tpu.memory_space<vmem>> -> memref<1x128xi32, #tpu.memory_space<vmem>>
        %dma_wait3A_73 = tpu.memref_squeeze %dma_wait3A_72 : memref<1x128xi32, #tpu.memory_space<vmem>> -> memref<128xi32, #tpu.memory_space<vmem>>
        %dma_wait3A_74 = arith.constant 0 : i32
        %dma_wait3A_75 = arith.constant 0 : i32
        %dma_wait3A_76 = tpu.memref_slice %arg3[%dma_wait3A_74, %dma_wait3A_75] : memref<10000x128xf32, #tpu.memory_space<hbm>> -> memref<10000x128xf32, #tpu.memory_space<hbm>>
        tpu.wait_indirect_dma semaphore(%arg14 : memref<!tpu.dma_semaphore, #tpu.memory_space<semaphore_mem>>) src(%dma_wait3A_76 : memref<10000x128xf32, #tpu.memory_space<hbm>>) dst(%arg11 : memref<128x128xf32, #tpu.memory_space<vmem>>)
        "tpu.region"() ({
          %run_scoped3A_85 = tpu.sem_alloc : memref<!tpu.dma_semaphore, #tpu.memory_space<semaphore_mem>>
          %dma_start3A_86 = arith.constant 0 : i32
          %dma_start3A_87 = tpu.memref_slice %arg10[%mul3A_58, %dma_start3A_86] : memref<158x128xi32, #tpu.memory_space<vmem>> -> memref<1x128xi32, #tpu.memory_space<vmem>>
          %dma_start3A_88 = tpu.memref_squeeze %dma_start3A_87 : memref<1x128xi32, #tpu.memory_space<vmem>> -> memref<128xi32, #tpu.memory_space<vmem>>
          %dma_start3A_89 = arith.constant 0 : i32
          %dma_start3A_90 = arith.constant 0 : i32
          %dma_start3A_91 = tpu.memref_slice %arg13[%dma_start3A_89, %dma_start3A_90] : memref<5248x128xf32, #tpu.memory_space<vmem_shared>> -> memref<5248x128xf32, #tpu.memory_space<vmem_shared>>
          tpu.enqueue_indirect_dma source(%arg11 : memref<128x128xf32, #tpu.memory_space<vmem>>) target(%dma_start3A_91 : memref<5248x128xf32, #tpu.memory_space<vmem_shared>>) offsets(%dma_start3A_88 : memref<128xi32, #tpu.memory_space<vmem>>) semaphore(%run_scoped3A_85 : memref<!tpu.dma_semaphore, #tpu.memory_space<semaphore_mem>>) {add = true}
          %dma_wait3A_92 = arith.constant 0 : i32
          %dma_wait3A_93 = tpu.memref_slice %arg10[%mul3A_58, %dma_wait3A_92] : memref<158x128xi32, #tpu.memory_space<vmem>> -> memref<1x128xi32, #tpu.memory_space<vmem>>
          %dma_wait3A_94 = tpu.memref_squeeze %dma_wait3A_93 : memref<1x128xi32, #tpu.memory_space<vmem>> -> memref<128xi32, #tpu.memory_space<vmem>>
          %dma_wait3A_95 = arith.constant 0 : i32
          %dma_wait3A_96 = arith.constant 0 : i32
          %dma_wait3A_97 = tpu.memref_slice %arg13[%dma_wait3A_95, %dma_wait3A_96] : memref<5248x128xf32, #tpu.memory_space<vmem_shared>> -> memref<5248x128xf32, #tpu.memory_space<vmem_shared>>
          tpu.wait_indirect_dma semaphore(%run_scoped3A_85 : memref<!tpu.dma_semaphore, #tpu.memory_space<semaphore_mem>>) src(%arg11 : memref<128x128xf32, #tpu.memory_space<vmem>>) dst(%dma_wait3A_97 : memref<5248x128xf32, #tpu.memory_space<vmem_shared>>)
          tpu.yield
        }) : () -> ()
        %dma_wait3A_77 = arith.constant 0 : i32
        %dma_wait3A_78 = tpu.memref_slice %arg9[%add3A_65, %dma_wait3A_77] : memref<158x128xi32, #tpu.memory_space<vmem>> -> memref<1x128xi32, #tpu.memory_space<vmem>>
        %dma_wait3A_79 = tpu.memref_squeeze %dma_wait3A_78 : memref<1x128xi32, #tpu.memory_space<vmem>> -> memref<128xi32, #tpu.memory_space<vmem>>
        %dma_wait3A_80 = arith.constant 0 : i32
        %dma_wait3A_81 = arith.constant 0 : i32
        %dma_wait3A_82 = tpu.memref_slice %arg3[%dma_wait3A_80, %dma_wait3A_81] : memref<10000x128xf32, #tpu.memory_space<hbm>> -> memref<10000x128xf32, #tpu.memory_space<hbm>>
        tpu.wait_indirect_dma semaphore(%arg15 : memref<!tpu.dma_semaphore, #tpu.memory_space<semaphore_mem>>) src(%dma_wait3A_82 : memref<10000x128xf32, #tpu.memory_space<hbm>>) dst(%arg12 : memref<128x128xf32, #tpu.memory_space<vmem>>)
        %add3A_83 = arith.constant 1 : i32
        %add3A_84 = arith.addi %mul3A_58, %add3A_83 : i32
        "tpu.region"() ({
          %run_scoped3A_85 = tpu.sem_alloc : memref<!tpu.dma_semaphore, #tpu.memory_space<semaphore_mem>>
          %dma_start3A_86 = arith.constant 0 : i32
          %dma_start3A_87 = tpu.memref_slice %arg10[%add3A_84, %dma_start3A_86] : memref<158x128xi32, #tpu.memory_space<vmem>> -> memref<1x128xi32, #tpu.memory_space<vmem>>
          %dma_start3A_88 = tpu.memref_squeeze %dma_start3A_87 : memref<1x128xi32, #tpu.memory_space<vmem>> -> memref<128xi32, #tpu.memory_space<vmem>>
          %dma_start3A_89 = arith.constant 0 : i32
          %dma_start3A_90 = arith.constant 0 : i32
          %dma_start3A_91 = tpu.memref_slice %arg13[%dma_start3A_89, %dma_start3A_90] : memref<5248x128xf32, #tpu.memory_space<vmem_shared>> -> memref<5248x128xf32, #tpu.memory_space<vmem_shared>>
          tpu.enqueue_indirect_dma source(%arg12 : memref<128x128xf32, #tpu.memory_space<vmem>>) target(%dma_start3A_91 : memref<5248x128xf32, #tpu.memory_space<vmem_shared>>) offsets(%dma_start3A_88 : memref<128xi32, #tpu.memory_space<vmem>>) semaphore(%run_scoped3A_85 : memref<!tpu.dma_semaphore, #tpu.memory_space<semaphore_mem>>) {add = true}
          %dma_wait3A_92 = arith.constant 0 : i32
          %dma_wait3A_93 = tpu.memref_slice %arg10[%add3A_84, %dma_wait3A_92] : memref<158x128xi32, #tpu.memory_space<vmem>> -> memref<1x128xi32, #tpu.memory_space<vmem>>
          %dma_wait3A_94 = tpu.memref_squeeze %dma_wait3A_93 : memref<1x128xi32, #tpu.memory_space<vmem>> -> memref<128xi32, #tpu.memory_space<vmem>>
          %dma_wait3A_95 = arith.constant 0 : i32
          %dma_wait3A_96 = arith.constant 0 : i32
          %dma_wait3A_97 = tpu.memref_slice %arg13[%dma_wait3A_95, %dma_wait3A_96] : memref<5248x128xf32, #tpu.memory_space<vmem_shared>> -> memref<5248x128xf32, #tpu.memory_space<vmem_shared>>
          tpu.wait_indirect_dma semaphore(%run_scoped3A_85 : memref<!tpu.dma_semaphore, #tpu.memory_space<semaphore_mem>>) src(%arg12 : memref<128x128xf32, #tpu.memory_space<vmem>>) dst(%dma_wait3A_97 : memref<5248x128xf32, #tpu.memory_space<vmem_shared>>)
          tpu.yield
        }) : () -> ()
      }
      %scan3A_55 = arith.constant 79 : i32
    } else {
    }
    %barrier3A_17 = arith.constant 0 : index
    tpu.barrier barrier_id(%barrier3A_17)
    %mul3A_18 = arith.constant 328 : i32
    %mul3A_19 = arith.muli %arg1, %mul3A_18 : i32
    %mul3A_20 = arith.constant 328 : i32
    %mul3A_21 = arith.muli %arg1, %mul3A_20 : i32
    %run_scoped3A = arith.constant 0 : i32
    "tpu.region"() ({
      %run_scoped3A_51 = tpu.sem_alloc : memref<!tpu.dma_semaphore, #tpu.memory_space<semaphore_mem>>
      %dma_start3A = arith.constant 0 : i32
      %dma_start3A_52 = tpu.memref_slice %arg8[%arg0, %run_scoped3A, %mul3A_21, %dma_start3A] : memref<2x2x5248x128xf32, #tpu.memory_space<hbm>> -> memref<1x1x328x128xf32, #tpu.memory_space<hbm>>
      %dma_start3A_53 = tpu.memref_squeeze %dma_start3A_52 : memref<1x1x328x128xf32, #tpu.memory_space<hbm>> -> memref<328x128xf32, #tpu.memory_space<hbm>>
      %dma_start3A_54 = arith.constant 0 : i32
      %dma_start3A_55 = tpu.memref_slice %arg13[%mul3A_19, %dma_start3A_54] : memref<5248x128xf32, #tpu.memory_space<vmem_shared>> -> memref<328x128xf32, #tpu.memory_space<vmem_shared>>
      tpu.enqueue_dma source(%dma_start3A_55 : memref<328x128xf32, #tpu.memory_space<vmem_shared>>) target(%dma_start3A_53 : memref<328x128xf32, #tpu.memory_space<hbm>>) target_semaphore(%run_scoped3A_51 : memref<!tpu.dma_semaphore, #tpu.memory_space<semaphore_mem>>)
      %dma_wait3A = arith.constant 0 : i32
      %dma_wait3A_56 = tpu.memref_slice %arg8[%arg0, %run_scoped3A, %mul3A_21, %dma_wait3A] : memref<2x2x5248x128xf32, #tpu.memory_space<hbm>> -> memref<1x1x328x128xf32, #tpu.memory_space<hbm>>
      %dma_wait3A_57 = tpu.memref_squeeze %dma_wait3A_56 : memref<1x1x328x128xf32, #tpu.memory_space<hbm>> -> memref<328x128xf32, #tpu.memory_space<hbm>>
      %dma_wait3A_58 = arith.constant 0 : i32
      %dma_wait3A_59 = tpu.memref_slice %arg13[%mul3A_19, %dma_wait3A_58] : memref<5248x128xf32, #tpu.memory_space<vmem_shared>> -> memref<328x128xf32, #tpu.memory_space<vmem_shared>>
      tpu.wait_dma2 semaphore(%run_scoped3A_51 : memref<!tpu.dma_semaphore, #tpu.memory_space<semaphore_mem>>) src(%dma_wait3A_59 : memref<328x128xf32, #tpu.memory_space<vmem_shared>>) dst(%dma_wait3A_57 : memref<328x128xf32, #tpu.memory_space<hbm>>)
      tpu.yield
    }) : () -> ()
    "tpu.region"() ({
      %run_scoped3A_51 = tpu.sem_alloc : memref<!tpu.dma_semaphore, #tpu.memory_space<semaphore_mem>>
      %dma_start3A = arith.constant 0 : i32
      %dma_start3A_52 = arith.constant 0 : i32
      %dma_start3A_53 = tpu.memref_slice %arg6[%arg1, %dma_start3A, %dma_start3A_52] : memref<16x158x128xi32, #tpu.memory_space<hbm>> -> memref<1x158x128xi32, #tpu.memory_space<hbm>>
      %dma_start3A_54 = tpu.memref_squeeze %dma_start3A_53 : memref<1x158x128xi32, #tpu.memory_space<hbm>> -> memref<158x128xi32, #tpu.memory_space<hbm>>
      %dma_start3A_55 = arith.constant 0 : i32
      %dma_start3A_56 = arith.constant 0 : i32
      %dma_start3A_57 = tpu.memref_slice %arg6[%arg1, %dma_start3A_55, %dma_start3A_56] : memref<16x158x128xi32, #tpu.memory_space<hbm>> -> memref<1x158x128xi32, #tpu.memory_space<hbm>>
      %dma_start3A_58 = tpu.memref_squeeze %dma_start3A_57 : memref<1x158x128xi32, #tpu.memory_space<hbm>> -> memref<158x128xi32, #tpu.memory_space<hbm>>
      tpu.enqueue_dma source(%dma_start3A_58 : memref<158x128xi32, #tpu.memory_space<hbm>>) target(%arg10 : memref<158x128xi32, #tpu.memory_space<vmem>>) target_semaphore(%run_scoped3A_51 : memref<!tpu.dma_semaphore, #tpu.memory_space<semaphore_mem>>)
      %dma_wait3A = arith.constant 0 : i32
      %dma_wait3A_59 = arith.constant 0 : i32
      %dma_wait3A_60 = tpu.memref_slice %arg6[%arg1, %dma_wait3A, %dma_wait3A_59] : memref<16x158x128xi32, #tpu.memory_space<hbm>> -> memref<1x158x128xi32, #tpu.memory_space<hbm>>
      %dma_wait3A_61 = tpu.memref_squeeze %dma_wait3A_60 : memref<1x158x128xi32, #tpu.memory_space<hbm>> -> memref<158x128xi32, #tpu.memory_space<hbm>>
      %dma_wait3A_62 = arith.constant 0 : i32
      %dma_wait3A_63 = arith.constant 0 : i32
      %dma_wait3A_64 = tpu.memref_slice %arg6[%arg1, %dma_wait3A_62, %dma_wait3A_63] : memref<16x158x128xi32, #tpu.memory_space<hbm>> -> memref<1x158x128xi32, #tpu.memory_space<hbm>>
      %dma_wait3A_65 = tpu.memref_squeeze %dma_wait3A_64 : memref<1x158x128xi32, #tpu.memory_space<hbm>> -> memref<158x128xi32, #tpu.memory_space<hbm>>
      tpu.wait_dma2 semaphore(%run_scoped3A_51 : memref<!tpu.dma_semaphore, #tpu.memory_space<semaphore_mem>>) src(%dma_wait3A_65 : memref<158x128xi32, #tpu.memory_space<hbm>>) dst(%arg10 : memref<158x128xi32, #tpu.memory_space<vmem>>)
      tpu.yield
    }) : () -> ()
    "tpu.region"() ({
      %run_scoped3A_51 = tpu.sem_alloc : memref<!tpu.dma_semaphore, #tpu.memory_space<semaphore_mem>>
      tpu.enqueue_dma source(%arg7 : memref<128x128xf32, #tpu.memory_space<hbm>>) target(%arg11 : memref<128x128xf32, #tpu.memory_space<vmem>>) target_semaphore(%run_scoped3A_51 : memref<!tpu.dma_semaphore, #tpu.memory_space<semaphore_mem>>)
      tpu.wait_dma2 semaphore(%run_scoped3A_51 : memref<!tpu.dma_semaphore, #tpu.memory_space<semaphore_mem>>) src(%arg7 : memref<128x128xf32, #tpu.memory_space<hbm>>) dst(%arg11 : memref<128x128xf32, #tpu.memory_space<vmem>>)
      tpu.yield
    }) : () -> ()
    %mul3A_22 = arith.constant 328 : i32
    %mul3A_23 = arith.muli %arg1, %mul3A_22 : i32
    %add3A_24 = arith.constant 0 : i32
    %add3A_25 = arith.addi %mul3A_23, %add3A_24 : i32
    "tpu.region"() ({
      %run_scoped3A_51 = tpu.sem_alloc : memref<!tpu.dma_semaphore, #tpu.memory_space<semaphore_mem>>
      %dma_start3A = arith.constant 0 : i32
      %dma_start3A_52 = arith.constant 0 : i32
      %dma_start3A_53 = tpu.memref_slice %arg11[%dma_start3A, %dma_start3A_52] : memref<128x128xf32, #tpu.memory_space<vmem>> -> memref<128x128xf32, #tpu.memory_space<vmem>>
      %dma_start3A_54 = arith.constant 0 : i32
      %dma_start3A_55 = tpu.memref_slice %arg13[%add3A_25, %dma_start3A_54] : memref<5248x128xf32, #tpu.memory_space<vmem_shared>> -> memref<128x128xf32, #tpu.memory_space<vmem_shared>>
      %dma_start3A_56 = arith.constant 0 : i32
      %dma_start3A_57 = tpu.memref_slice %arg13[%add3A_25, %dma_start3A_56] : memref<5248x128xf32, #tpu.memory_space<vmem_shared>> -> memref<128x128xf32, #tpu.memory_space<vmem_shared>>
      %dma_start3A_58 = arith.constant 0 : i32
      %dma_start3A_59 = arith.constant 0 : i32
      %dma_start3A_60 = tpu.memref_slice %arg11[%dma_start3A_58, %dma_start3A_59] : memref<128x128xf32, #tpu.memory_space<vmem>> -> memref<128x128xf32, #tpu.memory_space<vmem>>
      tpu.enqueue_dma source(%dma_start3A_60 : memref<128x128xf32, #tpu.memory_space<vmem>>) target(%dma_start3A_57 : memref<128x128xf32, #tpu.memory_space<vmem_shared>>) target_semaphore(%run_scoped3A_51 : memref<!tpu.dma_semaphore, #tpu.memory_space<semaphore_mem>>)
      %dma_wait3A = arith.constant 0 : i32
      %dma_wait3A_61 = arith.constant 0 : i32
      %dma_wait3A_62 = tpu.memref_slice %arg11[%dma_wait3A, %dma_wait3A_61] : memref<128x128xf32, #tpu.memory_space<vmem>> -> memref<128x128xf32, #tpu.memory_space<vmem>>
      %dma_wait3A_63 = arith.constant 0 : i32
      %dma_wait3A_64 = tpu.memref_slice %arg13[%add3A_25, %dma_wait3A_63] : memref<5248x128xf32, #tpu.memory_space<vmem_shared>> -> memref<128x128xf32, #tpu.memory_space<vmem_shared>>
      %dma_wait3A_65 = arith.constant 0 : i32
      %dma_wait3A_66 = tpu.memref_slice %arg13[%add3A_25, %dma_wait3A_65] : memref<5248x128xf32, #tpu.memory_space<vmem_shared>> -> memref<128x128xf32, #tpu.memory_space<vmem_shared>>
      %dma_wait3A_67 = arith.constant 0 : i32
      %dma_wait3A_68 = arith.constant 0 : i32
      %dma_wait3A_69 = tpu.memref_slice %arg11[%dma_wait3A_67, %dma_wait3A_68] : memref<128x128xf32, #tpu.memory_space<vmem>> -> memref<128x128xf32, #tpu.memory_space<vmem>>
      tpu.wait_dma2 semaphore(%run_scoped3A_51 : memref<!tpu.dma_semaphore, #tpu.memory_space<semaphore_mem>>) src(%dma_wait3A_69 : memref<128x128xf32, #tpu.memory_space<vmem>>) dst(%dma_wait3A_66 : memref<128x128xf32, #tpu.memory_space<vmem_shared>>)
      tpu.yield
    }) : () -> ()
    %mul3A_26 = arith.constant 328 : i32
    %mul3A_27 = arith.muli %arg1, %mul3A_26 : i32
    %add3A_28 = arith.constant 128 : i32
    %add3A_29 = arith.addi %mul3A_27, %add3A_28 : i32
    "tpu.region"() ({
      %run_scoped3A_51 = tpu.sem_alloc : memref<!tpu.dma_semaphore, #tpu.memory_space<semaphore_mem>>
      %dma_start3A = arith.constant 0 : i32
      %dma_start3A_52 = arith.constant 0 : i32
      %dma_start3A_53 = tpu.memref_slice %arg11[%dma_start3A, %dma_start3A_52] : memref<128x128xf32, #tpu.memory_space<vmem>> -> memref<128x128xf32, #tpu.memory_space<vmem>>
      %dma_start3A_54 = arith.constant 0 : i32
      %dma_start3A_55 = tpu.memref_slice %arg13[%add3A_29, %dma_start3A_54] : memref<5248x128xf32, #tpu.memory_space<vmem_shared>> -> memref<128x128xf32, #tpu.memory_space<vmem_shared>>
      %dma_start3A_56 = arith.constant 0 : i32
      %dma_start3A_57 = tpu.memref_slice %arg13[%add3A_29, %dma_start3A_56] : memref<5248x128xf32, #tpu.memory_space<vmem_shared>> -> memref<128x128xf32, #tpu.memory_space<vmem_shared>>
      %dma_start3A_58 = arith.constant 0 : i32
      %dma_start3A_59 = arith.constant 0 : i32
      %dma_start3A_60 = tpu.memref_slice %arg11[%dma_start3A_58, %dma_start3A_59] : memref<128x128xf32, #tpu.memory_space<vmem>> -> memref<128x128xf32, #tpu.memory_space<vmem>>
      tpu.enqueue_dma source(%dma_start3A_60 : memref<128x128xf32, #tpu.memory_space<vmem>>) target(%dma_start3A_57 : memref<128x128xf32, #tpu.memory_space<vmem_shared>>) target_semaphore(%run_scoped3A_51 : memref<!tpu.dma_semaphore, #tpu.memory_space<semaphore_mem>>)
      %dma_wait3A = arith.constant 0 : i32
      %dma_wait3A_61 = arith.constant 0 : i32
      %dma_wait3A_62 = tpu.memref_slice %arg11[%dma_wait3A, %dma_wait3A_61] : memref<128x128xf32, #tpu.memory_space<vmem>> -> memref<128x128xf32, #tpu.memory_space<vmem>>
      %dma_wait3A_63 = arith.constant 0 : i32
      %dma_wait3A_64 = tpu.memref_slice %arg13[%add3A_29, %dma_wait3A_63] : memref<5248x128xf32, #tpu.memory_space<vmem_shared>> -> memref<128x128xf32, #tpu.memory_space<vmem_shared>>
      %dma_wait3A_65 = arith.constant 0 : i32
      %dma_wait3A_66 = tpu.memref_slice %arg13[%add3A_29, %dma_wait3A_65] : memref<5248x128xf32, #tpu.memory_space<vmem_shared>> -> memref<128x128xf32, #tpu.memory_space<vmem_shared>>
      %dma_wait3A_67 = arith.constant 0 : i32
      %dma_wait3A_68 = arith.constant 0 : i32
      %dma_wait3A_69 = tpu.memref_slice %arg11[%dma_wait3A_67, %dma_wait3A_68] : memref<128x128xf32, #tpu.memory_space<vmem>> -> memref<128x128xf32, #tpu.memory_space<vmem>>
      tpu.wait_dma2 semaphore(%run_scoped3A_51 : memref<!tpu.dma_semaphore, #tpu.memory_space<semaphore_mem>>) src(%dma_wait3A_69 : memref<128x128xf32, #tpu.memory_space<vmem>>) dst(%dma_wait3A_66 : memref<128x128xf32, #tpu.memory_space<vmem_shared>>)
      tpu.yield
    }) : () -> ()
    %mul3A_30 = arith.constant 328 : i32
    %mul3A_31 = arith.muli %arg1, %mul3A_30 : i32
    %add3A_32 = arith.constant 256 : i32
    %add3A_33 = arith.addi %mul3A_31, %add3A_32 : i32
    "tpu.region"() ({
      %run_scoped3A_51 = tpu.sem_alloc : memref<!tpu.dma_semaphore, #tpu.memory_space<semaphore_mem>>
      %dma_start3A = arith.constant 0 : i32
      %dma_start3A_52 = arith.constant 0 : i32
      %dma_start3A_53 = tpu.memref_slice %arg11[%dma_start3A, %dma_start3A_52] : memref<128x128xf32, #tpu.memory_space<vmem>> -> memref<72x128xf32, #tpu.memory_space<vmem>>
      %dma_start3A_54 = arith.constant 0 : i32
      %dma_start3A_55 = tpu.memref_slice %arg13[%add3A_33, %dma_start3A_54] : memref<5248x128xf32, #tpu.memory_space<vmem_shared>> -> memref<72x128xf32, #tpu.memory_space<vmem_shared>>
      %dma_start3A_56 = arith.constant 0 : i32
      %dma_start3A_57 = tpu.memref_slice %arg13[%add3A_33, %dma_start3A_56] : memref<5248x128xf32, #tpu.memory_space<vmem_shared>> -> memref<72x128xf32, #tpu.memory_space<vmem_shared>>
      %dma_start3A_58 = arith.constant 0 : i32
      %dma_start3A_59 = arith.constant 0 : i32
      %dma_start3A_60 = tpu.memref_slice %arg11[%dma_start3A_58, %dma_start3A_59] : memref<128x128xf32, #tpu.memory_space<vmem>> -> memref<72x128xf32, #tpu.memory_space<vmem>>
      tpu.enqueue_dma source(%dma_start3A_60 : memref<72x128xf32, #tpu.memory_space<vmem>>) target(%dma_start3A_57 : memref<72x128xf32, #tpu.memory_space<vmem_shared>>) target_semaphore(%run_scoped3A_51 : memref<!tpu.dma_semaphore, #tpu.memory_space<semaphore_mem>>)
      %dma_wait3A = arith.constant 0 : i32
      %dma_wait3A_61 = arith.constant 0 : i32
      %dma_wait3A_62 = tpu.memref_slice %arg11[%dma_wait3A, %dma_wait3A_61] : memref<128x128xf32, #tpu.memory_space<vmem>> -> memref<72x128xf32, #tpu.memory_space<vmem>>
      %dma_wait3A_63 = arith.constant 0 : i32
      %dma_wait3A_64 = tpu.memref_slice %arg13[%add3A_33, %dma_wait3A_63] : memref<5248x128xf32, #tpu.memory_space<vmem_shared>> -> memref<72x128xf32, #tpu.memory_space<vmem_shared>>
      %dma_wait3A_65 = arith.constant 0 : i32
      %dma_wait3A_66 = tpu.memref_slice %arg13[%add3A_33, %dma_wait3A_65] : memref<5248x128xf32, #tpu.memory_space<vmem_shared>> -> memref<72x128xf32, #tpu.memory_space<vmem_shared>>
      %dma_wait3A_67 = arith.constant 0 : i32
      %dma_wait3A_68 = arith.constant 0 : i32
      %dma_wait3A_69 = tpu.memref_slice %arg11[%dma_wait3A_67, %dma_wait3A_68] : memref<128x128xf32, #tpu.memory_space<vmem>> -> memref<72x128xf32, #tpu.memory_space<vmem>>
      tpu.wait_dma2 semaphore(%run_scoped3A_51 : memref<!tpu.dma_semaphore, #tpu.memory_space<semaphore_mem>>) src(%dma_wait3A_69 : memref<72x128xf32, #tpu.memory_space<vmem>>) dst(%dma_wait3A_66 : memref<72x128xf32, #tpu.memory_space<vmem_shared>>)
      tpu.yield
    }) : () -> ()
    %barrier3A_34 = arith.constant 0 : index
    tpu.barrier barrier_id(%barrier3A_34)
    %eq3A_35 = arith.constant 0 : i32
    %eq3A_36 = arith.cmpi eq, %arg0, %eq3A_35 : i32
    %convert_element_type3A_37 = arith.extui %eq3A_36 : i1 to i32
    %cond3A_38 = arith.constant 0 : i32
    %cond3A_39 = arith.cmpi ne, %convert_element_type3A_37, %cond3A_38 : i32
    scf.if %cond3A_39 {
      %scan3A = arith.constant 0 : i32
      %scan3A_51 = arith.constant 0 : i32
      %scan3A_52 = arith.constant 79 : i32
      %scan3A_53 = arith.addi %scan3A_51, %scan3A_52 : i32
      %scan3A_54 = arith.constant 1 : i32
      scf.for %scan3A_56 = %scan3A_51 to %scan3A_53 step %scan3A_54  : i32 {
        %mul3A_57 = arith.constant 2 : i32
        %mul3A_58 = arith.muli %mul3A_57, %scan3A_56 : i32
        %dma_start3A = arith.constant 0 : i32
        %dma_start3A_59 = tpu.memref_slice %arg9[%mul3A_58, %dma_start3A] : memref<158x128xi32, #tpu.memory_space<vmem>> -> memref<1x128xi32, #tpu.memory_space<vmem>>
        %dma_start3A_60 = tpu.memref_squeeze %dma_start3A_59 : memref<1x128xi32, #tpu.memory_space<vmem>> -> memref<128xi32, #tpu.memory_space<vmem>>
        %dma_start3A_61 = arith.constant 0 : i32
        %dma_start3A_62 = arith.constant 0 : i32
        %dma_start3A_63 = tpu.memref_slice %arg2[%dma_start3A_61, %dma_start3A_62] : memref<10000x128xf32, #tpu.memory_space<hbm>> -> memref<10000x128xf32, #tpu.memory_space<hbm>>
        tpu.enqueue_indirect_dma source(%dma_start3A_63 : memref<10000x128xf32, #tpu.memory_space<hbm>>) target(%arg11 : memref<128x128xf32, #tpu.memory_space<vmem>>) offsets(%dma_start3A_60 : memref<128xi32, #tpu.memory_space<vmem>>) semaphore(%arg14 : memref<!tpu.dma_semaphore, #tpu.memory_space<semaphore_mem>>)
        %add3A_64 = arith.constant 1 : i32
        %add3A_65 = arith.addi %mul3A_58, %add3A_64 : i32
        %dma_start3A_66 = arith.constant 0 : i32
        %dma_start3A_67 = tpu.memref_slice %arg9[%add3A_65, %dma_start3A_66] : memref<158x128xi32, #tpu.memory_space<vmem>> -> memref<1x128xi32, #tpu.memory_space<vmem>>
        %dma_start3A_68 = tpu.memref_squeeze %dma_start3A_67 : memref<1x128xi32, #tpu.memory_space<vmem>> -> memref<128xi32, #tpu.memory_space<vmem>>
        %dma_start3A_69 = arith.constant 0 : i32
        %dma_start3A_70 = arith.constant 0 : i32
        %dma_start3A_71 = tpu.memref_slice %arg2[%dma_start3A_69, %dma_start3A_70] : memref<10000x128xf32, #tpu.memory_space<hbm>> -> memref<10000x128xf32, #tpu.memory_space<hbm>>
        tpu.enqueue_indirect_dma source(%dma_start3A_71 : memref<10000x128xf32, #tpu.memory_space<hbm>>) target(%arg12 : memref<128x128xf32, #tpu.memory_space<vmem>>) offsets(%dma_start3A_68 : memref<128xi32, #tpu.memory_space<vmem>>) semaphore(%arg15 : memref<!tpu.dma_semaphore, #tpu.memory_space<semaphore_mem>>)
        %dma_wait3A = arith.constant 0 : i32
        %dma_wait3A_72 = tpu.memref_slice %arg9[%mul3A_58, %dma_wait3A] : memref<158x128xi32, #tpu.memory_space<vmem>> -> memref<1x128xi32, #tpu.memory_space<vmem>>
        %dma_wait3A_73 = tpu.memref_squeeze %dma_wait3A_72 : memref<1x128xi32, #tpu.memory_space<vmem>> -> memref<128xi32, #tpu.memory_space<vmem>>
        %dma_wait3A_74 = arith.constant 0 : i32
        %dma_wait3A_75 = arith.constant 0 : i32
        %dma_wait3A_76 = tpu.memref_slice %arg2[%dma_wait3A_74, %dma_wait3A_75] : memref<10000x128xf32, #tpu.memory_space<hbm>> -> memref<10000x128xf32, #tpu.memory_space<hbm>>
        tpu.wait_indirect_dma semaphore(%arg14 : memref<!tpu.dma_semaphore, #tpu.memory_space<semaphore_mem>>) src(%dma_wait3A_76 : memref<10000x128xf32, #tpu.memory_space<hbm>>) dst(%arg11 : memref<128x128xf32, #tpu.memory_space<vmem>>)
        "tpu.region"() ({
          %run_scoped3A_85 = tpu.sem_alloc : memref<!tpu.dma_semaphore, #tpu.memory_space<semaphore_mem>>
          %dma_start3A_86 = arith.constant 0 : i32
          %dma_start3A_87 = tpu.memref_slice %arg10[%mul3A_58, %dma_start3A_86] : memref<158x128xi32, #tpu.memory_space<vmem>> -> memref<1x128xi32, #tpu.memory_space<vmem>>
          %dma_start3A_88 = tpu.memref_squeeze %dma_start3A_87 : memref<1x128xi32, #tpu.memory_space<vmem>> -> memref<128xi32, #tpu.memory_space<vmem>>
          %dma_start3A_89 = arith.constant 0 : i32
          %dma_start3A_90 = arith.constant 0 : i32
          %dma_start3A_91 = tpu.memref_slice %arg13[%dma_start3A_89, %dma_start3A_90] : memref<5248x128xf32, #tpu.memory_space<vmem_shared>> -> memref<5248x128xf32, #tpu.memory_space<vmem_shared>>
          tpu.enqueue_indirect_dma source(%arg11 : memref<128x128xf32, #tpu.memory_space<vmem>>) target(%dma_start3A_91 : memref<5248x128xf32, #tpu.memory_space<vmem_shared>>) offsets(%dma_start3A_88 : memref<128xi32, #tpu.memory_space<vmem>>) semaphore(%run_scoped3A_85 : memref<!tpu.dma_semaphore, #tpu.memory_space<semaphore_mem>>) {add = true}
          %dma_wait3A_92 = arith.constant 0 : i32
          %dma_wait3A_93 = tpu.memref_slice %arg10[%mul3A_58, %dma_wait3A_92] : memref<158x128xi32, #tpu.memory_space<vmem>> -> memref<1x128xi32, #tpu.memory_space<vmem>>
          %dma_wait3A_94 = tpu.memref_squeeze %dma_wait3A_93 : memref<1x128xi32, #tpu.memory_space<vmem>> -> memref<128xi32, #tpu.memory_space<vmem>>
          %dma_wait3A_95 = arith.constant 0 : i32
          %dma_wait3A_96 = arith.constant 0 : i32
          %dma_wait3A_97 = tpu.memref_slice %arg13[%dma_wait3A_95, %dma_wait3A_96] : memref<5248x128xf32, #tpu.memory_space<vmem_shared>> -> memref<5248x128xf32, #tpu.memory_space<vmem_shared>>
          tpu.wait_indirect_dma semaphore(%run_scoped3A_85 : memref<!tpu.dma_semaphore, #tpu.memory_space<semaphore_mem>>) src(%arg11 : memref<128x128xf32, #tpu.memory_space<vmem>>) dst(%dma_wait3A_97 : memref<5248x128xf32, #tpu.memory_space<vmem_shared>>)
          tpu.yield
        }) : () -> ()
        %dma_wait3A_77 = arith.constant 0 : i32
        %dma_wait3A_78 = tpu.memref_slice %arg9[%add3A_65, %dma_wait3A_77] : memref<158x128xi32, #tpu.memory_space<vmem>> -> memref<1x128xi32, #tpu.memory_space<vmem>>
        %dma_wait3A_79 = tpu.memref_squeeze %dma_wait3A_78 : memref<1x128xi32, #tpu.memory_space<vmem>> -> memref<128xi32, #tpu.memory_space<vmem>>
        %dma_wait3A_80 = arith.constant 0 : i32
        %dma_wait3A_81 = arith.constant 0 : i32
        %dma_wait3A_82 = tpu.memref_slice %arg2[%dma_wait3A_80, %dma_wait3A_81] : memref<10000x128xf32, #tpu.memory_space<hbm>> -> memref<10000x128xf32, #tpu.memory_space<hbm>>
        tpu.wait_indirect_dma semaphore(%arg15 : memref<!tpu.dma_semaphore, #tpu.memory_space<semaphore_mem>>) src(%dma_wait3A_82 : memref<10000x128xf32, #tpu.memory_space<hbm>>) dst(%arg12 : memref<128x128xf32, #tpu.memory_space<vmem>>)
        %add3A_83 = arith.constant 1 : i32
        %add3A_84 = arith.addi %mul3A_58, %add3A_83 : i32
        "tpu.region"() ({
          %run_scoped3A_85 = tpu.sem_alloc : memref<!tpu.dma_semaphore, #tpu.memory_space<semaphore_mem>>
          %dma_start3A_86 = arith.constant 0 : i32
          %dma_start3A_87 = tpu.memref_slice %arg10[%add3A_84, %dma_start3A_86] : memref<158x128xi32, #tpu.memory_space<vmem>> -> memref<1x128xi32, #tpu.memory_space<vmem>>
          %dma_start3A_88 = tpu.memref_squeeze %dma_start3A_87 : memref<1x128xi32, #tpu.memory_space<vmem>> -> memref<128xi32, #tpu.memory_space<vmem>>
          %dma_start3A_89 = arith.constant 0 : i32
          %dma_start3A_90 = arith.constant 0 : i32
          %dma_start3A_91 = tpu.memref_slice %arg13[%dma_start3A_89, %dma_start3A_90] : memref<5248x128xf32, #tpu.memory_space<vmem_shared>> -> memref<5248x128xf32, #tpu.memory_space<vmem_shared>>
          tpu.enqueue_indirect_dma source(%arg12 : memref<128x128xf32, #tpu.memory_space<vmem>>) target(%dma_start3A_91 : memref<5248x128xf32, #tpu.memory_space<vmem_shared>>) offsets(%dma_start3A_88 : memref<128xi32, #tpu.memory_space<vmem>>) semaphore(%run_scoped3A_85 : memref<!tpu.dma_semaphore, #tpu.memory_space<semaphore_mem>>) {add = true}
          %dma_wait3A_92 = arith.constant 0 : i32
          %dma_wait3A_93 = tpu.memref_slice %arg10[%add3A_84, %dma_wait3A_92] : memref<158x128xi32, #tpu.memory_space<vmem>> -> memref<1x128xi32, #tpu.memory_space<vmem>>
          %dma_wait3A_94 = tpu.memref_squeeze %dma_wait3A_93 : memref<1x128xi32, #tpu.memory_space<vmem>> -> memref<128xi32, #tpu.memory_space<vmem>>
          %dma_wait3A_95 = arith.constant 0 : i32
          %dma_wait3A_96 = arith.constant 0 : i32
          %dma_wait3A_97 = tpu.memref_slice %arg13[%dma_wait3A_95, %dma_wait3A_96] : memref<5248x128xf32, #tpu.memory_space<vmem_shared>> -> memref<5248x128xf32, #tpu.memory_space<vmem_shared>>
          tpu.wait_indirect_dma semaphore(%run_scoped3A_85 : memref<!tpu.dma_semaphore, #tpu.memory_space<semaphore_mem>>) src(%arg12 : memref<128x128xf32, #tpu.memory_space<vmem>>) dst(%dma_wait3A_97 : memref<5248x128xf32, #tpu.memory_space<vmem_shared>>)
          tpu.yield
        }) : () -> ()
      }
      %scan3A_55 = arith.constant 79 : i32
    } else {
    }
    %eq3A_40 = arith.constant 1 : i32
    %eq3A_41 = arith.cmpi eq, %arg0, %eq3A_40 : i32
    %convert_element_type3A_42 = arith.extui %eq3A_41 : i1 to i32
    %cond3A_43 = arith.constant 0 : i32
    %cond3A_44 = arith.cmpi ne, %convert_element_type3A_42, %cond3A_43 : i32
    scf.if %cond3A_44 {
      %scan3A = arith.constant 0 : i32
      %scan3A_51 = arith.constant 0 : i32
      %scan3A_52 = arith.constant 79 : i32
      %scan3A_53 = arith.addi %scan3A_51, %scan3A_52 : i32
      %scan3A_54 = arith.constant 1 : i32
      scf.for %scan3A_56 = %scan3A_51 to %scan3A_53 step %scan3A_54  : i32 {
        %mul3A_57 = arith.constant 2 : i32
        %mul3A_58 = arith.muli %mul3A_57, %scan3A_56 : i32
        %dma_start3A = arith.constant 0 : i32
        %dma_start3A_59 = tpu.memref_slice %arg9[%mul3A_58, %dma_start3A] : memref<158x128xi32, #tpu.memory_space<vmem>> -> memref<1x128xi32, #tpu.memory_space<vmem>>
        %dma_start3A_60 = tpu.memref_squeeze %dma_start3A_59 : memref<1x128xi32, #tpu.memory_space<vmem>> -> memref<128xi32, #tpu.memory_space<vmem>>
        %dma_start3A_61 = arith.constant 0 : i32
        %dma_start3A_62 = arith.constant 0 : i32
        %dma_start3A_63 = tpu.memref_slice %arg3[%dma_start3A_61, %dma_start3A_62] : memref<10000x128xf32, #tpu.memory_space<hbm>> -> memref<10000x128xf32, #tpu.memory_space<hbm>>
        tpu.enqueue_indirect_dma source(%dma_start3A_63 : memref<10000x128xf32, #tpu.memory_space<hbm>>) target(%arg11 : memref<128x128xf32, #tpu.memory_space<vmem>>) offsets(%dma_start3A_60 : memref<128xi32, #tpu.memory_space<vmem>>) semaphore(%arg14 : memref<!tpu.dma_semaphore, #tpu.memory_space<semaphore_mem>>)
        %add3A_64 = arith.constant 1 : i32
        %add3A_65 = arith.addi %mul3A_58, %add3A_64 : i32
        %dma_start3A_66 = arith.constant 0 : i32
        %dma_start3A_67 = tpu.memref_slice %arg9[%add3A_65, %dma_start3A_66] : memref<158x128xi32, #tpu.memory_space<vmem>> -> memref<1x128xi32, #tpu.memory_space<vmem>>
        %dma_start3A_68 = tpu.memref_squeeze %dma_start3A_67 : memref<1x128xi32, #tpu.memory_space<vmem>> -> memref<128xi32, #tpu.memory_space<vmem>>
        %dma_start3A_69 = arith.constant 0 : i32
        %dma_start3A_70 = arith.constant 0 : i32
        %dma_start3A_71 = tpu.memref_slice %arg3[%dma_start3A_69, %dma_start3A_70] : memref<10000x128xf32, #tpu.memory_space<hbm>> -> memref<10000x128xf32, #tpu.memory_space<hbm>>
        tpu.enqueue_indirect_dma source(%dma_start3A_71 : memref<10000x128xf32, #tpu.memory_space<hbm>>) target(%arg12 : memref<128x128xf32, #tpu.memory_space<vmem>>) offsets(%dma_start3A_68 : memref<128xi32, #tpu.memory_space<vmem>>) semaphore(%arg15 : memref<!tpu.dma_semaphore, #tpu.memory_space<semaphore_mem>>)
        %dma_wait3A = arith.constant 0 : i32
        %dma_wait3A_72 = tpu.memref_slice %arg9[%mul3A_58, %dma_wait3A] : memref<158x128xi32, #tpu.memory_space<vmem>> -> memref<1x128xi32, #tpu.memory_space<vmem>>
        %dma_wait3A_73 = tpu.memref_squeeze %dma_wait3A_72 : memref<1x128xi32, #tpu.memory_space<vmem>> -> memref<128xi32, #tpu.memory_space<vmem>>
        %dma_wait3A_74 = arith.constant 0 : i32
        %dma_wait3A_75 = arith.constant 0 : i32
        %dma_wait3A_76 = tpu.memref_slice %arg3[%dma_wait3A_74, %dma_wait3A_75] : memref<10000x128xf32, #tpu.memory_space<hbm>> -> memref<10000x128xf32, #tpu.memory_space<hbm>>
        tpu.wait_indirect_dma semaphore(%arg14 : memref<!tpu.dma_semaphore, #tpu.memory_space<semaphore_mem>>) src(%dma_wait3A_76 : memref<10000x128xf32, #tpu.memory_space<hbm>>) dst(%arg11 : memref<128x128xf32, #tpu.memory_space<vmem>>)
        "tpu.region"() ({
          %run_scoped3A_85 = tpu.sem_alloc : memref<!tpu.dma_semaphore, #tpu.memory_space<semaphore_mem>>
          %dma_start3A_86 = arith.constant 0 : i32
          %dma_start3A_87 = tpu.memref_slice %arg10[%mul3A_58, %dma_start3A_86] : memref<158x128xi32, #tpu.memory_space<vmem>> -> memref<1x128xi32, #tpu.memory_space<vmem>>
          %dma_start3A_88 = tpu.memref_squeeze %dma_start3A_87 : memref<1x128xi32, #tpu.memory_space<vmem>> -> memref<128xi32, #tpu.memory_space<vmem>>
          %dma_start3A_89 = arith.constant 0 : i32
          %dma_start3A_90 = arith.constant 0 : i32
          %dma_start3A_91 = tpu.memref_slice %arg13[%dma_start3A_89, %dma_start3A_90] : memref<5248x128xf32, #tpu.memory_space<vmem_shared>> -> memref<5248x128xf32, #tpu.memory_space<vmem_shared>>
          tpu.enqueue_indirect_dma source(%arg11 : memref<128x128xf32, #tpu.memory_space<vmem>>) target(%dma_start3A_91 : memref<5248x128xf32, #tpu.memory_space<vmem_shared>>) offsets(%dma_start3A_88 : memref<128xi32, #tpu.memory_space<vmem>>) semaphore(%run_scoped3A_85 : memref<!tpu.dma_semaphore, #tpu.memory_space<semaphore_mem>>) {add = true}
          %dma_wait3A_92 = arith.constant 0 : i32
          %dma_wait3A_93 = tpu.memref_slice %arg10[%mul3A_58, %dma_wait3A_92] : memref<158x128xi32, #tpu.memory_space<vmem>> -> memref<1x128xi32, #tpu.memory_space<vmem>>
          %dma_wait3A_94 = tpu.memref_squeeze %dma_wait3A_93 : memref<1x128xi32, #tpu.memory_space<vmem>> -> memref<128xi32, #tpu.memory_space<vmem>>
          %dma_wait3A_95 = arith.constant 0 : i32
          %dma_wait3A_96 = arith.constant 0 : i32
          %dma_wait3A_97 = tpu.memref_slice %arg13[%dma_wait3A_95, %dma_wait3A_96] : memref<5248x128xf32, #tpu.memory_space<vmem_shared>> -> memref<5248x128xf32, #tpu.memory_space<vmem_shared>>
          tpu.wait_indirect_dma semaphore(%run_scoped3A_85 : memref<!tpu.dma_semaphore, #tpu.memory_space<semaphore_mem>>) src(%arg11 : memref<128x128xf32, #tpu.memory_space<vmem>>) dst(%dma_wait3A_97 : memref<5248x128xf32, #tpu.memory_space<vmem_shared>>)
          tpu.yield
        }) : () -> ()
        %dma_wait3A_77 = arith.constant 0 : i32
        %dma_wait3A_78 = tpu.memref_slice %arg9[%add3A_65, %dma_wait3A_77] : memref<158x128xi32, #tpu.memory_space<vmem>> -> memref<1x128xi32, #tpu.memory_space<vmem>>
        %dma_wait3A_79 = tpu.memref_squeeze %dma_wait3A_78 : memref<1x128xi32, #tpu.memory_space<vmem>> -> memref<128xi32, #tpu.memory_space<vmem>>
        %dma_wait3A_80 = arith.constant 0 : i32
        %dma_wait3A_81 = arith.constant 0 : i32
        %dma_wait3A_82 = tpu.memref_slice %arg3[%dma_wait3A_80, %dma_wait3A_81] : memref<10000x128xf32, #tpu.memory_space<hbm>> -> memref<10000x128xf32, #tpu.memory_space<hbm>>
        tpu.wait_indirect_dma semaphore(%arg15 : memref<!tpu.dma_semaphore, #tpu.memory_space<semaphore_mem>>) src(%dma_wait3A_82 : memref<10000x128xf32, #tpu.memory_space<hbm>>) dst(%arg12 : memref<128x128xf32, #tpu.memory_space<vmem>>)
        %add3A_83 = arith.constant 1 : i32
        %add3A_84 = arith.addi %mul3A_58, %add3A_83 : i32
        "tpu.region"() ({
          %run_scoped3A_85 = tpu.sem_alloc : memref<!tpu.dma_semaphore, #tpu.memory_space<semaphore_mem>>
          %dma_start3A_86 = arith.constant 0 : i32
          %dma_start3A_87 = tpu.memref_slice %arg10[%add3A_84, %dma_start3A_86] : memref<158x128xi32, #tpu.memory_space<vmem>> -> memref<1x128xi32, #tpu.memory_space<vmem>>
          %dma_start3A_88 = tpu.memref_squeeze %dma_start3A_87 : memref<1x128xi32, #tpu.memory_space<vmem>> -> memref<128xi32, #tpu.memory_space<vmem>>
          %dma_start3A_89 = arith.constant 0 : i32
          %dma_start3A_90 = arith.constant 0 : i32
          %dma_start3A_91 = tpu.memref_slice %arg13[%dma_start3A_89, %dma_start3A_90] : memref<5248x128xf32, #tpu.memory_space<vmem_shared>> -> memref<5248x128xf32, #tpu.memory_space<vmem_shared>>
          tpu.enqueue_indirect_dma source(%arg12 : memref<128x128xf32, #tpu.memory_space<vmem>>) target(%dma_start3A_91 : memref<5248x128xf32, #tpu.memory_space<vmem_shared>>) offsets(%dma_start3A_88 : memref<128xi32, #tpu.memory_space<vmem>>) semaphore(%run_scoped3A_85 : memref<!tpu.dma_semaphore, #tpu.memory_space<semaphore_mem>>) {add = true}
          %dma_wait3A_92 = arith.constant 0 : i32
          %dma_wait3A_93 = tpu.memref_slice %arg10[%add3A_84, %dma_wait3A_92] : memref<158x128xi32, #tpu.memory_space<vmem>> -> memref<1x128xi32, #tpu.memory_space<vmem>>
          %dma_wait3A_94 = tpu.memref_squeeze %dma_wait3A_93 : memref<1x128xi32, #tpu.memory_space<vmem>> -> memref<128xi32, #tpu.memory_space<vmem>>
          %dma_wait3A_95 = arith.constant 0 : i32
          %dma_wait3A_96 = arith.constant 0 : i32
          %dma_wait3A_97 = tpu.memref_slice %arg13[%dma_wait3A_95, %dma_wait3A_96] : memref<5248x128xf32, #tpu.memory_space<vmem_shared>> -> memref<5248x128xf32, #tpu.memory_space<vmem_shared>>
          tpu.wait_indirect_dma semaphore(%run_scoped3A_85 : memref<!tpu.dma_semaphore, #tpu.memory_space<semaphore_mem>>) src(%arg12 : memref<128x128xf32, #tpu.memory_space<vmem>>) dst(%dma_wait3A_97 : memref<5248x128xf32, #tpu.memory_space<vmem_shared>>)
          tpu.yield
        }) : () -> ()
      }
      %scan3A_55 = arith.constant 79 : i32
    } else {
    }
    %barrier3A_45 = arith.constant 0 : index
    tpu.barrier barrier_id(%barrier3A_45)
    %mul3A_46 = arith.constant 328 : i32
    %mul3A_47 = arith.muli %arg1, %mul3A_46 : i32
    %mul3A_48 = arith.constant 328 : i32
    %mul3A_49 = arith.muli %arg1, %mul3A_48 : i32
    %run_scoped3A_50 = arith.constant 1 : i32
    "tpu.region"() ({
      %run_scoped3A_51 = tpu.sem_alloc : memref<!tpu.dma_semaphore, #tpu.memory_space<semaphore_mem>>
      %dma_start3A = arith.constant 0 : i32
      %dma_start3A_52 = tpu.memref_slice %arg8[%arg0, %run_scoped3A_50, %mul3A_49, %dma_start3A] : memref<2x2x5248x128xf32, #tpu.memory_space<hbm>> -> memref<1x1x328x128xf32, #tpu.memory_space<hbm>>
      %dma_start3A_53 = tpu.memref_squeeze %dma_start3A_52 : memref<1x1x328x128xf32, #tpu.memory_space<hbm>> -> memref<328x128xf32, #tpu.memory_space<hbm>>
      %dma_start3A_54 = arith.constant 0 : i32
      %dma_start3A_55 = tpu.memref_slice %arg13[%mul3A_47, %dma_start3A_54] : memref<5248x128xf32, #tpu.memory_space<vmem_shared>> -> memref<328x128xf32, #tpu.memory_space<vmem_shared>>
      tpu.enqueue_dma source(%dma_start3A_55 : memref<328x128xf32, #tpu.memory_space<vmem_shared>>) target(%dma_start3A_53 : memref<328x128xf32, #tpu.memory_space<hbm>>) target_semaphore(%run_scoped3A_51 : memref<!tpu.dma_semaphore, #tpu.memory_space<semaphore_mem>>)
      %dma_wait3A = arith.constant 0 : i32
      %dma_wait3A_56 = tpu.memref_slice %arg8[%arg0, %run_scoped3A_50, %mul3A_49, %dma_wait3A] : memref<2x2x5248x128xf32, #tpu.memory_space<hbm>> -> memref<1x1x328x128xf32, #tpu.memory_space<hbm>>
      %dma_wait3A_57 = tpu.memref_squeeze %dma_wait3A_56 : memref<1x1x328x128xf32, #tpu.memory_space<hbm>> -> memref<328x128xf32, #tpu.memory_space<hbm>>
      %dma_wait3A_58 = arith.constant 0 : i32
      %dma_wait3A_59 = tpu.memref_slice %arg13[%mul3A_47, %dma_wait3A_58] : memref<5248x128xf32, #tpu.memory_space<vmem_shared>> -> memref<328x128xf32, #tpu.memory_space<vmem_shared>>
      tpu.wait_dma2 semaphore(%run_scoped3A_51 : memref<!tpu.dma_semaphore, #tpu.memory_space<semaphore_mem>>) src(%dma_wait3A_59 : memref<328x128xf32, #tpu.memory_space<vmem_shared>>) dst(%dma_wait3A_57 : memref<328x128xf32, #tpu.memory_space<hbm>>)
      tpu.yield
    }) : () -> ()
    return
  }
}

module attributes {stable_mosaic.version = 14 : i64} {
  func.func @_pre_body(%arg0: memref<10000x128xf32, #tpu.memory_space<vmem>>, %arg1: memref<128x256xf32, #tpu.memory_space<vmem>>, %arg2: memref<10000x256xf32, #tpu.memory_space<vmem>>) attributes {dimension_semantics = [], scalar_prefetch = 0 : i64, scratch_operands = 0 : i64, tpu.core_type = #tpu.core_type<tc>} {
    %get3A = arith.constant 0 : index
    %get3A_0 = arith.constant 0 : index
    %get3A_1 = vector.load %arg0[%get3A, %get3A_0] : memref<10000x128xf32, #tpu.memory_space<vmem>>, vector<10000x128xf32>
    %reduce_sum3A = arith.constant dense<0.000000e+00> : vector<128xf32>
    %reduce_sum3A_2 = vector.multi_reduction <add>, %get3A_1, %reduce_sum3A [0] : vector<10000x128xf32> to vector<128xf32>
    %broadcast_in_dim3A = vector.shape_cast %reduce_sum3A_2 : vector<128xf32> to vector<1x128xf32>
    %div3A = arith.constant 1.000000e+04 : f32
    %div3A_3 = vector.broadcast %div3A : f32 to vector<1x128xf32>
    %div3A_4 = arith.divf %broadcast_in_dim3A, %div3A_3 : vector<1x128xf32>
    %sub3A = vector.broadcast %div3A_4 : vector<1x128xf32> to vector<10000x128xf32>
    %sub3A_5 = arith.subf %get3A_1, %sub3A : vector<10000x128xf32>
    %mul3A = arith.mulf %sub3A_5, %sub3A_5 : vector<10000x128xf32>
    %reduce_sum3A_6 = arith.constant dense<0.000000e+00> : vector<128xf32>
    %reduce_sum3A_7 = vector.multi_reduction <add>, %mul3A, %reduce_sum3A_6 [0] : vector<10000x128xf32> to vector<128xf32>
    %broadcast_in_dim3A_8 = vector.shape_cast %reduce_sum3A_7 : vector<128xf32> to vector<1x128xf32>
    %div3A_9 = arith.constant 1.000000e+04 : f32
    %div3A_10 = vector.broadcast %div3A_9 : f32 to vector<1x128xf32>
    %div3A_11 = arith.divf %broadcast_in_dim3A_8, %div3A_10 : vector<1x128xf32>
    %add3A = arith.constant 9.99999974E-6 : f32
    %add3A_12 = vector.broadcast %add3A : f32 to vector<1x128xf32>
    %add3A_13 = arith.addf %div3A_11, %add3A_12 : vector<1x128xf32>
    %rsqrt3A = math.rsqrt %add3A_13 : vector<1x128xf32>
    %mul3A_14 = vector.broadcast %rsqrt3A : vector<1x128xf32> to vector<10000x128xf32>
    %mul3A_15 = arith.mulf %sub3A_5, %mul3A_14 : vector<10000x128xf32>
    %add3A_16 = arith.constant 9.99999974E-5 : f32
    %add3A_17 = vector.broadcast %add3A_16 : f32 to vector<10000x128xf32>
    %add3A_18 = arith.addf %mul3A_15, %add3A_17 : vector<10000x128xf32>
    %get3A_19 = arith.constant 0 : index
    %get3A_20 = arith.constant 0 : index
    %get3A_21 = vector.load %arg1[%get3A_19, %get3A_20] : memref<128x256xf32, #tpu.memory_space<vmem>>, vector<128x256xf32>
    %dot_general3A = arith.constant dense<0.000000e+00> : vector<10000x256xf32>
    %dot_general3A_22 = tpu.matmul %add3A_18, %get3A_21, %dot_general3A {dimension_numbers = #tpu.dot_dimension_numbers<[1], [0], [0], [1], [0, 0, 1, 1], [], []>, transpose_lhs_hint = false} : vector<10000x128xf32>, vector<128x256xf32>, vector<10000x256xf32> -> vector<10000x256xf32>
    %max3A = arith.constant 0.000000e+00 : f32
    %max3A_23 = vector.broadcast %max3A : f32 to vector<10000x256xf32>
    %max3A_24 = arith.maximumf %dot_general3A_22, %max3A_23 : vector<10000x256xf32>
    %swap3A = arith.constant 0 : index
    %swap3A_25 = arith.constant 0 : index
    %swap3A_26 = vector.load %arg2[%swap3A, %swap3A_25] : memref<10000x256xf32, #tpu.memory_space<vmem>>, vector<10000x256xf32>
    tpu.vector_store %arg2[%swap3A, %swap3A_25], %max3A_24 {strides = array<i32>} : memref<10000x256xf32, #tpu.memory_space<vmem>>, vector<10000x256xf32>,
    return
  }
}

module attributes {stable_mosaic.version = 14 : i64} {
  func.func @_l1_body(%arg0: memref<10000x256xf32, #tpu.memory_space<vmem>>, %arg1: memref<10000x1xf32, #tpu.memory_space<vmem>>, %arg2: memref<256x256xf32, #tpu.memory_space<vmem>>, %arg3: memref<10000x128xf32, #tpu.memory_space<vmem>>, %arg4: memref<10000x128xf32, #tpu.memory_space<vmem>>) attributes {dimension_semantics = [], scalar_prefetch = 0 : i64, scratch_operands = 0 : i64, tpu.core_type = #tpu.core_type<tc>} {
    %get3A = arith.constant 0 : index
    %get3A_0 = arith.constant 0 : index
    %get3A_1 = vector.load %arg1[%get3A, %get3A_0] : memref<10000x1xf32, #tpu.memory_space<vmem>>, vector<10000x1xf32>
    %add3A = arith.constant 1.000000e+00 : f32
    %add3A_2 = vector.broadcast %add3A : f32 to vector<10000x1xf32>
    %add3A_3 = arith.addf %get3A_1, %add3A_2 : vector<10000x1xf32>
    %rsqrt3A = math.rsqrt %add3A_3 : vector<10000x1xf32>
    %get3A_4 = arith.constant 0 : index
    %get3A_5 = arith.constant 0 : index
    %get3A_6 = vector.load %arg0[%get3A_4, %get3A_5] : memref<10000x256xf32, #tpu.memory_space<vmem>>, vector<10000x256xf32>
    %reduce_sum3A = arith.constant dense<0.000000e+00> : vector<256xf32>
    %reduce_sum3A_7 = vector.multi_reduction <add>, %get3A_6, %reduce_sum3A [0] : vector<10000x256xf32> to vector<256xf32>
    %broadcast_in_dim3A = vector.shape_cast %reduce_sum3A_7 : vector<256xf32> to vector<1x256xf32>
    %div3A = arith.constant 1.000000e+04 : f32
    %div3A_8 = vector.broadcast %div3A : f32 to vector<1x256xf32>
    %div3A_9 = arith.divf %broadcast_in_dim3A, %div3A_8 : vector<1x256xf32>
    %sub3A = vector.broadcast %div3A_9 : vector<1x256xf32> to vector<10000x256xf32>
    %sub3A_10 = arith.subf %get3A_6, %sub3A : vector<10000x256xf32>
    %mul3A = arith.mulf %sub3A_10, %sub3A_10 : vector<10000x256xf32>
    %reduce_sum3A_11 = arith.constant dense<0.000000e+00> : vector<256xf32>
    %reduce_sum3A_12 = vector.multi_reduction <add>, %mul3A, %reduce_sum3A_11 [0] : vector<10000x256xf32> to vector<256xf32>
    %broadcast_in_dim3A_13 = vector.shape_cast %reduce_sum3A_12 : vector<256xf32> to vector<1x256xf32>
    %div3A_14 = arith.constant 1.000000e+04 : f32
    %div3A_15 = vector.broadcast %div3A_14 : f32 to vector<1x256xf32>
    %div3A_16 = arith.divf %broadcast_in_dim3A_13, %div3A_15 : vector<1x256xf32>
    %add3A_17 = arith.constant 9.99999974E-6 : f32
    %add3A_18 = vector.broadcast %add3A_17 : f32 to vector<1x256xf32>
    %add3A_19 = arith.addf %div3A_16, %add3A_18 : vector<1x256xf32>
    %rsqrt3A_20 = math.rsqrt %add3A_19 : vector<1x256xf32>
    %mul3A_21 = vector.broadcast %rsqrt3A_20 : vector<1x256xf32> to vector<10000x256xf32>
    %mul3A_22 = arith.mulf %sub3A_10, %mul3A_21 : vector<10000x256xf32>
    %add3A_23 = arith.constant 9.99999974E-5 : f32
    %add3A_24 = vector.broadcast %add3A_23 : f32 to vector<10000x256xf32>
    %add3A_25 = arith.addf %mul3A_22, %add3A_24 : vector<10000x256xf32>
    %get3A_26 = arith.constant 0 : index
    %get3A_27 = arith.constant 0 : index
    %get3A_28 = vector.load %arg2[%get3A_26, %get3A_27] : memref<256x256xf32, #tpu.memory_space<vmem>>, vector<256x256xf32>
    %dot_general3A = arith.constant dense<0.000000e+00> : vector<10000x256xf32>
    %dot_general3A_29 = tpu.matmul %add3A_25, %get3A_28, %dot_general3A {dimension_numbers = #tpu.dot_dimension_numbers<[1], [0], [0], [1], [0, 0, 1, 1], [], []>, transpose_lhs_hint = false} : vector<10000x256xf32>, vector<256x256xf32>, vector<10000x256xf32> -> vector<10000x256xf32>
    %mul3A_30 = vector.broadcast %rsqrt3A : vector<10000x1xf32> to vector<10000x256xf32>
    %mul3A_31 = arith.mulf %mul3A_30, %dot_general3A_29 : vector<10000x256xf32>
    %slice3A = vector.extract_strided_slice %mul3A_31 {offsets = [0, 0], sizes = [10000, 128], strides = [1, 1]} : vector<10000x256xf32> to vector<10000x128xf32>
    %swap3A = arith.constant 0 : index
    %swap3A_32 = arith.constant 0 : index
    %swap3A_33 = vector.load %arg3[%swap3A, %swap3A_32] : memref<10000x128xf32, #tpu.memory_space<vmem>>, vector<10000x128xf32>
    tpu.vector_store %arg3[%swap3A, %swap3A_32], %slice3A {strides = array<i32>} : memref<10000x128xf32, #tpu.memory_space<vmem>>, vector<10000x128xf32>,
    %slice3A_34 = vector.extract_strided_slice %mul3A_31 {offsets = [0, 128], sizes = [10000, 128], strides = [1, 1]} : vector<10000x256xf32> to vector<10000x128xf32>
    %swap3A_35 = arith.constant 0 : index
    %swap3A_36 = arith.constant 0 : index
    %swap3A_37 = vector.load %arg4[%swap3A_35, %swap3A_36] : memref<10000x128xf32, #tpu.memory_space<vmem>>, vector<10000x128xf32>
    tpu.vector_store %arg4[%swap3A_35, %swap3A_36], %slice3A_34 {strides = array<i32>} : memref<10000x128xf32, #tpu.memory_space<vmem>>, vector<10000x128xf32>,
    return
  }
}

module attributes {stable_mosaic.version = 14 : i64} {
  func.func @_layer_body(%arg0: memref<2x2x5248x128xf32, #tpu.memory_space<vmem>>, %arg1: memref<10000x128xf32, #tpu.memory_space<vmem>>, %arg2: memref<10000x128xf32, #tpu.memory_space<vmem>>, %arg3: memref<10000x1xf32, #tpu.memory_space<vmem>>, %arg4: memref<1x256xf32, #tpu.memory_space<vmem>>, %arg5: memref<256x256xf32, #tpu.memory_space<vmem>>, %arg6: memref<10000x128xf32, #tpu.memory_space<vmem>>, %arg7: memref<10000x128xf32, #tpu.memory_space<vmem>>) attributes {dimension_semantics = [], scalar_prefetch = 0 : i64, scratch_operands = 0 : i64, tpu.core_type = #tpu.core_type<tc>} {
    %get3A = arith.constant 0 : index
    %get3A_0 = arith.constant 0 : index
    %get3A_1 = vector.load %arg3[%get3A, %get3A_0] : memref<10000x1xf32, #tpu.memory_space<vmem>>, vector<10000x1xf32>
    %add3A = arith.constant 1.000000e+00 : f32
    %add3A_2 = vector.broadcast %add3A : f32 to vector<10000x1xf32>
    %add3A_3 = arith.addf %get3A_1, %add3A_2 : vector<10000x1xf32>
    %rsqrt3A = math.rsqrt %add3A_3 : vector<10000x1xf32>
    %get3A_4 = arith.constant 0 : index
    %get3A_5 = arith.constant 0 : index
    %get3A_6 = vector.load %arg4[%get3A_4, %get3A_5] : memref<1x256xf32, #tpu.memory_space<vmem>>, vector<1x256xf32>
    %get3A_7 = arith.constant 0 : index
    %get3A_8 = arith.constant 0 : index
    %get3A_9 = arith.constant 0 : index
    %get3A_10 = arith.constant 0 : index
    %get3A_11 = vector.load %arg0[%get3A_7, %get3A_8, %get3A_9, %get3A_10] : memref<2x2x5248x128xf32, #tpu.memory_space<vmem>>, vector<1x1x5120x128xf32>
    %get3A_12 = vector.shape_cast %get3A_11 : vector<1x1x5120x128xf32> to vector<5120x128xf32>
    %get3A_13 = arith.constant 0 : index
    %get3A_14 = arith.constant 1 : index
    %get3A_15 = arith.constant 0 : index
    %get3A_16 = arith.constant 0 : index
    %get3A_17 = vector.load %arg0[%get3A_13, %get3A_14, %get3A_15, %get3A_16] : memref<2x2x5248x128xf32, #tpu.memory_space<vmem>>, vector<1x1x4880x128xf32>
    %get3A_18 = vector.shape_cast %get3A_17 : vector<1x1x4880x128xf32> to vector<4880x128xf32>
    %concatenate3A = tpu.concatenate %get3A_12, %get3A_18 in 0 : vector<5120x128xf32>, vector<4880x128xf32> -> vector<10000x128xf32>
    %get3A_19 = arith.constant 0 : index
    %get3A_20 = arith.constant 0 : index
    %get3A_21 = vector.load %arg1[%get3A_19, %get3A_20] : memref<10000x128xf32, #tpu.memory_space<vmem>>, vector<10000x128xf32>
    %add3A_22 = arith.addf %concatenate3A, %get3A_21 : vector<10000x128xf32>
    %mul3A = vector.broadcast %rsqrt3A : vector<10000x1xf32> to vector<10000x128xf32>
    %mul3A_23 = arith.mulf %mul3A, %add3A_22 : vector<10000x128xf32>
    %slice3A = vector.extract_strided_slice %get3A_6 {offsets = [0, 0], sizes = [1, 128], strides = [1, 1]} : vector<1x256xf32> to vector<1x128xf32>
    %add3A_24 = vector.broadcast %slice3A : vector<1x128xf32> to vector<10000x128xf32>
    %add3A_25 = arith.addf %mul3A_23, %add3A_24 : vector<10000x128xf32>
    %max3A = arith.constant 0.000000e+00 : f32
    %max3A_26 = vector.broadcast %max3A : f32 to vector<10000x128xf32>
    %max3A_27 = arith.maximumf %add3A_25, %max3A_26 : vector<10000x128xf32>
    %get3A_28 = arith.constant 1 : index
    %get3A_29 = arith.constant 0 : index
    %get3A_30 = arith.constant 0 : index
    %get3A_31 = arith.constant 0 : index
    %get3A_32 = vector.load %arg0[%get3A_28, %get3A_29, %get3A_30, %get3A_31] : memref<2x2x5248x128xf32, #tpu.memory_space<vmem>>, vector<1x1x5120x128xf32>
    %get3A_33 = vector.shape_cast %get3A_32 : vector<1x1x5120x128xf32> to vector<5120x128xf32>
    %get3A_34 = arith.constant 1 : index
    %get3A_35 = arith.constant 1 : index
    %get3A_36 = arith.constant 0 : index
    %get3A_37 = arith.constant 0 : index
    %get3A_38 = vector.load %arg0[%get3A_34, %get3A_35, %get3A_36, %get3A_37] : memref<2x2x5248x128xf32, #tpu.memory_space<vmem>>, vector<1x1x4880x128xf32>
    %get3A_39 = vector.shape_cast %get3A_38 : vector<1x1x4880x128xf32> to vector<4880x128xf32>
    %concatenate3A_40 = tpu.concatenate %get3A_33, %get3A_39 in 0 : vector<5120x128xf32>, vector<4880x128xf32> -> vector<10000x128xf32>
    %get3A_41 = arith.constant 0 : index
    %get3A_42 = arith.constant 0 : index
    %get3A_43 = vector.load %arg2[%get3A_41, %get3A_42] : memref<10000x128xf32, #tpu.memory_space<vmem>>, vector<10000x128xf32>
    %add3A_44 = arith.addf %concatenate3A_40, %get3A_43 : vector<10000x128xf32>
    %mul3A_45 = vector.broadcast %rsqrt3A : vector<10000x1xf32> to vector<10000x128xf32>
    %mul3A_46 = arith.mulf %mul3A_45, %add3A_44 : vector<10000x128xf32>
    %slice3A_47 = vector.extract_strided_slice %get3A_6 {offsets = [0, 128], sizes = [1, 128], strides = [1, 1]} : vector<1x256xf32> to vector<1x128xf32>
    %add3A_48 = vector.broadcast %slice3A_47 : vector<1x128xf32> to vector<10000x128xf32>
    %add3A_49 = arith.addf %mul3A_46, %add3A_48 : vector<10000x128xf32>
    %max3A_50 = arith.constant 0.000000e+00 : f32
    %max3A_51 = vector.broadcast %max3A_50 : f32 to vector<10000x128xf32>
    %max3A_52 = arith.maximumf %add3A_49, %max3A_51 : vector<10000x128xf32>
    %get3A_53 = arith.constant 0 : index
    %get3A_54 = arith.constant 0 : index
    %get3A_55 = vector.load %arg5[%get3A_53, %get3A_54] : memref<256x256xf32, #tpu.memory_space<vmem>>, vector<256x256xf32>
    %reduce_sum3A = arith.constant dense<0.000000e+00> : vector<128xf32>
    %reduce_sum3A_56 = vector.multi_reduction <add>, %max3A_27, %reduce_sum3A [0] : vector<10000x128xf32> to vector<128xf32>
    %broadcast_in_dim3A = vector.shape_cast %reduce_sum3A_56 : vector<128xf32> to vector<1x128xf32>
    %div3A = arith.constant 1.000000e+04 : f32
    %div3A_57 = vector.broadcast %div3A : f32 to vector<1x128xf32>
    %div3A_58 = arith.divf %broadcast_in_dim3A, %div3A_57 : vector<1x128xf32>
    %sub3A = vector.broadcast %div3A_58 : vector<1x128xf32> to vector<10000x128xf32>
    %sub3A_59 = arith.subf %max3A_27, %sub3A : vector<10000x128xf32>
    %mul3A_60 = arith.mulf %sub3A_59, %sub3A_59 : vector<10000x128xf32>
    %reduce_sum3A_61 = arith.constant dense<0.000000e+00> : vector<128xf32>
    %reduce_sum3A_62 = vector.multi_reduction <add>, %mul3A_60, %reduce_sum3A_61 [0] : vector<10000x128xf32> to vector<128xf32>
    %broadcast_in_dim3A_63 = vector.shape_cast %reduce_sum3A_62 : vector<128xf32> to vector<1x128xf32>
    %div3A_64 = arith.constant 1.000000e+04 : f32
    %div3A_65 = vector.broadcast %div3A_64 : f32 to vector<1x128xf32>
    %div3A_66 = arith.divf %broadcast_in_dim3A_63, %div3A_65 : vector<1x128xf32>
    %add3A_67 = arith.constant 9.99999974E-6 : f32
    %add3A_68 = vector.broadcast %add3A_67 : f32 to vector<1x128xf32>
    %add3A_69 = arith.addf %div3A_66, %add3A_68 : vector<1x128xf32>
    %rsqrt3A_70 = math.rsqrt %add3A_69 : vector<1x128xf32>
    %mul3A_71 = vector.broadcast %rsqrt3A_70 : vector<1x128xf32> to vector<10000x128xf32>
    %mul3A_72 = arith.mulf %sub3A_59, %mul3A_71 : vector<10000x128xf32>
    %add3A_73 = arith.constant 9.99999974E-5 : f32
    %add3A_74 = vector.broadcast %add3A_73 : f32 to vector<10000x128xf32>
    %add3A_75 = arith.addf %mul3A_72, %add3A_74 : vector<10000x128xf32>
    %slice3A_76 = vector.extract_strided_slice %get3A_55 {offsets = [0, 0], sizes = [128, 256], strides = [1, 1]} : vector<256x256xf32> to vector<128x256xf32>
    %dot_general3A = arith.constant dense<0.000000e+00> : vector<10000x256xf32>
    %dot_general3A_77 = tpu.matmul %add3A_75, %slice3A_76, %dot_general3A {dimension_numbers = #tpu.dot_dimension_numbers<[1], [0], [0], [1], [0, 0, 1, 1], [], []>, transpose_lhs_hint = false} : vector<10000x128xf32>, vector<128x256xf32>, vector<10000x256xf32> -> vector<10000x256xf32>
    %reduce_sum3A_78 = arith.constant dense<0.000000e+00> : vector<128xf32>
    %reduce_sum3A_79 = vector.multi_reduction <add>, %max3A_52, %reduce_sum3A_78 [0] : vector<10000x128xf32> to vector<128xf32>
    %broadcast_in_dim3A_80 = vector.shape_cast %reduce_sum3A_79 : vector<128xf32> to vector<1x128xf32>
    %div3A_81 = arith.constant 1.000000e+04 : f32
    %div3A_82 = vector.broadcast %div3A_81 : f32 to vector<1x128xf32>
    %div3A_83 = arith.divf %broadcast_in_dim3A_80, %div3A_82 : vector<1x128xf32>
    %sub3A_84 = vector.broadcast %div3A_83 : vector<1x128xf32> to vector<10000x128xf32>
    %sub3A_85 = arith.subf %max3A_52, %sub3A_84 : vector<10000x128xf32>
    %mul3A_86 = arith.mulf %sub3A_85, %sub3A_85 : vector<10000x128xf32>
    %reduce_sum3A_87 = arith.constant dense<0.000000e+00> : vector<128xf32>
    %reduce_sum3A_88 = vector.multi_reduction <add>, %mul3A_86, %reduce_sum3A_87 [0] : vector<10000x128xf32> to vector<128xf32>
    %broadcast_in_dim3A_89 = vector.shape_cast %reduce_sum3A_88 : vector<128xf32> to vector<1x128xf32>
    %div3A_90 = arith.constant 1.000000e+04 : f32
    %div3A_91 = vector.broadcast %div3A_90 : f32 to vector<1x128xf32>
    %div3A_92 = arith.divf %broadcast_in_dim3A_89, %div3A_91 : vector<1x128xf32>
    %add3A_93 = arith.constant 9.99999974E-6 : f32
    %add3A_94 = vector.broadcast %add3A_93 : f32 to vector<1x128xf32>
    %add3A_95 = arith.addf %div3A_92, %add3A_94 : vector<1x128xf32>
    %rsqrt3A_96 = math.rsqrt %add3A_95 : vector<1x128xf32>
    %mul3A_97 = vector.broadcast %rsqrt3A_96 : vector<1x128xf32> to vector<10000x128xf32>
    %mul3A_98 = arith.mulf %sub3A_85, %mul3A_97 : vector<10000x128xf32>
    %add3A_99 = arith.constant 9.99999974E-5 : f32
    %add3A_100 = vector.broadcast %add3A_99 : f32 to vector<10000x128xf32>
    %add3A_101 = arith.addf %mul3A_98, %add3A_100 : vector<10000x128xf32>
    %slice3A_102 = vector.extract_strided_slice %get3A_55 {offsets = [128, 0], sizes = [128, 256], strides = [1, 1]} : vector<256x256xf32> to vector<128x256xf32>
    %dot_general3A_103 = arith.constant dense<0.000000e+00> : vector<10000x256xf32>
    %dot_general3A_104 = tpu.matmul %add3A_101, %slice3A_102, %dot_general3A_103 {dimension_numbers = #tpu.dot_dimension_numbers<[1], [0], [0], [1], [0, 0, 1, 1], [], []>, transpose_lhs_hint = false} : vector<10000x128xf32>, vector<128x256xf32>, vector<10000x256xf32> -> vector<10000x256xf32>
    %add3A_105 = arith.addf %dot_general3A_77, %dot_general3A_104 : vector<10000x256xf32>
    %mul3A_106 = vector.broadcast %rsqrt3A : vector<10000x1xf32> to vector<10000x256xf32>
    %mul3A_107 = arith.mulf %mul3A_106, %add3A_105 : vector<10000x256xf32>
    %slice3A_108 = vector.extract_strided_slice %mul3A_107 {offsets = [0, 0], sizes = [10000, 128], strides = [1, 1]} : vector<10000x256xf32> to vector<10000x128xf32>
    %swap3A = arith.constant 0 : index
    %swap3A_109 = arith.constant 0 : index
    %swap3A_110 = vector.load %arg6[%swap3A, %swap3A_109] : memref<10000x128xf32, #tpu.memory_space<vmem>>, vector<10000x128xf32>
    tpu.vector_store %arg6[%swap3A, %swap3A_109], %slice3A_108 {strides = array<i32>} : memref<10000x128xf32, #tpu.memory_space<vmem>>, vector<10000x128xf32>,
    %slice3A_111 = vector.extract_strided_slice %mul3A_107 {offsets = [0, 128], sizes = [10000, 128], strides = [1, 1]} : vector<10000x256xf32> to vector<10000x128xf32>
    %swap3A_112 = arith.constant 0 : index
    %swap3A_113 = arith.constant 0 : index
    %swap3A_114 = vector.load %arg7[%swap3A_112, %swap3A_113] : memref<10000x128xf32, #tpu.memory_space<vmem>>, vector<10000x128xf32>
    tpu.vector_store %arg7[%swap3A_112, %swap3A_113], %slice3A_111 {strides = array<i32>} : memref<10000x128xf32, #tpu.memory_space<vmem>>, vector<10000x128xf32>,
    return
  }
}

module attributes {stable_mosaic.version = 14 : i64} {
  func.func @_post_body(%arg0: memref<2x2x5248x128xf32, #tpu.memory_space<vmem>>, %arg1: memref<10000x128xf32, #tpu.memory_space<vmem>>, %arg2: memref<10000x128xf32, #tpu.memory_space<vmem>>, %arg3: memref<10000x1xf32, #tpu.memory_space<vmem>>, %arg4: memref<1x256xf32, #tpu.memory_space<vmem>>, %arg5: memref<1x10000xi32, #tpu.memory_space<vmem>>, %arg6: memref<256x1024xf32, #tpu.memory_space<vmem>>, %arg7: memref<256x1024xf32, #tpu.memory_space<vmem>>, %arg8: memref<1x1024xf32, #tpu.memory_space<vmem>>, %arg9: memref<256x256xf32, #tpu.memory_space<vmem>>, %arg10: memref<1x256xf32, #tpu.memory_space<vmem>>, %arg11: memref<256x10xf32, #tpu.memory_space<vmem>>, %arg12: memref<1x10xf32, #tpu.memory_space<vmem>>, %arg13: memref<64x10xf32, #tpu.memory_space<vmem>>, %arg14: memref<64x1024xf32, #tpu.memory_space<vmem>>, %arg15: memref<64x256xf32, #tpu.memory_space<vmem>>) attributes {dimension_semantics = [], scalar_prefetch = 0 : i64, scratch_operands = 2 : i64, tpu.core_type = #tpu.core_type<tc>} {
    %get3A = arith.constant 0 : index
    %get3A_0 = arith.constant 0 : index
    %get3A_1 = vector.load %arg3[%get3A, %get3A_0] : memref<10000x1xf32, #tpu.memory_space<vmem>>, vector<10000x1xf32>
    %add3A = arith.constant 1.000000e+00 : f32
    %add3A_2 = vector.broadcast %add3A : f32 to vector<10000x1xf32>
    %add3A_3 = arith.addf %get3A_1, %add3A_2 : vector<10000x1xf32>
    %rsqrt3A = math.rsqrt %add3A_3 : vector<10000x1xf32>
    %get3A_4 = arith.constant 0 : index
    %get3A_5 = arith.constant 0 : index
    %get3A_6 = vector.load %arg4[%get3A_4, %get3A_5] : memref<1x256xf32, #tpu.memory_space<vmem>>, vector<1x256xf32>
    %get3A_7 = arith.constant 0 : index
    %get3A_8 = arith.constant 0 : index
    %get3A_9 = arith.constant 0 : index
    %get3A_10 = arith.constant 0 : index
    %get3A_11 = vector.load %arg0[%get3A_7, %get3A_8, %get3A_9, %get3A_10] : memref<2x2x5248x128xf32, #tpu.memory_space<vmem>>, vector<1x1x5120x128xf32>
    %get3A_12 = vector.shape_cast %get3A_11 : vector<1x1x5120x128xf32> to vector<5120x128xf32>
    %get3A_13 = arith.constant 0 : index
    %get3A_14 = arith.constant 1 : index
    %get3A_15 = arith.constant 0 : index
    %get3A_16 = arith.constant 0 : index
    %get3A_17 = vector.load %arg0[%get3A_13, %get3A_14, %get3A_15, %get3A_16] : memref<2x2x5248x128xf32, #tpu.memory_space<vmem>>, vector<1x1x4880x128xf32>
    %get3A_18 = vector.shape_cast %get3A_17 : vector<1x1x4880x128xf32> to vector<4880x128xf32>
    %concatenate3A = tpu.concatenate %get3A_12, %get3A_18 in 0 : vector<5120x128xf32>, vector<4880x128xf32> -> vector<10000x128xf32>
    %get3A_19 = arith.constant 0 : index
    %get3A_20 = arith.constant 0 : index
    %get3A_21 = vector.load %arg1[%get3A_19, %get3A_20] : memref<10000x128xf32, #tpu.memory_space<vmem>>, vector<10000x128xf32>
    %add3A_22 = arith.addf %concatenate3A, %get3A_21 : vector<10000x128xf32>
    %mul3A = vector.broadcast %rsqrt3A : vector<10000x1xf32> to vector<10000x128xf32>
    %mul3A_23 = arith.mulf %mul3A, %add3A_22 : vector<10000x128xf32>
    %slice3A = vector.extract_strided_slice %get3A_6 {offsets = [0, 0], sizes = [1, 128], strides = [1, 1]} : vector<1x256xf32> to vector<1x128xf32>
    %add3A_24 = vector.broadcast %slice3A : vector<1x128xf32> to vector<10000x128xf32>
    %add3A_25 = arith.addf %mul3A_23, %add3A_24 : vector<10000x128xf32>
    %max3A = arith.constant 0.000000e+00 : f32
    %max3A_26 = vector.broadcast %max3A : f32 to vector<10000x128xf32>
    %max3A_27 = arith.maximumf %add3A_25, %max3A_26 : vector<10000x128xf32>
    %get3A_28 = arith.constant 1 : index
    %get3A_29 = arith.constant 0 : index
    %get3A_30 = arith.constant 0 : index
    %get3A_31 = arith.constant 0 : index
    %get3A_32 = vector.load %arg0[%get3A_28, %get3A_29, %get3A_30, %get3A_31] : memref<2x2x5248x128xf32, #tpu.memory_space<vmem>>, vector<1x1x5120x128xf32>
    %get3A_33 = vector.shape_cast %get3A_32 : vector<1x1x5120x128xf32> to vector<5120x128xf32>
    %get3A_34 = arith.constant 1 : index
    %get3A_35 = arith.constant 1 : index
    %get3A_36 = arith.constant 0 : index
    %get3A_37 = arith.constant 0 : index
    %get3A_38 = vector.load %arg0[%get3A_34, %get3A_35, %get3A_36, %get3A_37] : memref<2x2x5248x128xf32, #tpu.memory_space<vmem>>, vector<1x1x4880x128xf32>
    %get3A_39 = vector.shape_cast %get3A_38 : vector<1x1x4880x128xf32> to vector<4880x128xf32>
    %concatenate3A_40 = tpu.concatenate %get3A_33, %get3A_39 in 0 : vector<5120x128xf32>, vector<4880x128xf32> -> vector<10000x128xf32>
    %get3A_41 = arith.constant 0 : index
    %get3A_42 = arith.constant 0 : index
    %get3A_43 = vector.load %arg2[%get3A_41, %get3A_42] : memref<10000x128xf32, #tpu.memory_space<vmem>>, vector<10000x128xf32>
    %add3A_44 = arith.addf %concatenate3A_40, %get3A_43 : vector<10000x128xf32>
    %mul3A_45 = vector.broadcast %rsqrt3A : vector<10000x1xf32> to vector<10000x128xf32>
    %mul3A_46 = arith.mulf %mul3A_45, %add3A_44 : vector<10000x128xf32>
    %slice3A_47 = vector.extract_strided_slice %get3A_6 {offsets = [0, 128], sizes = [1, 128], strides = [1, 1]} : vector<1x256xf32> to vector<1x128xf32>
    %add3A_48 = vector.broadcast %slice3A_47 : vector<1x128xf32> to vector<10000x128xf32>
    %add3A_49 = arith.addf %mul3A_46, %add3A_48 : vector<10000x128xf32>
    %max3A_50 = arith.constant 0.000000e+00 : f32
    %max3A_51 = vector.broadcast %max3A_50 : f32 to vector<10000x128xf32>
    %max3A_52 = arith.maximumf %add3A_49, %max3A_51 : vector<10000x128xf32>
    %iota3A = tpu.iota {dimensions = array<i32: 0>} : vector<64x10000xi32>
    %get3A_53 = arith.constant 0 : index
    %get3A_54 = arith.constant 0 : index
    %get3A_55 = vector.load %arg5[%get3A_53, %get3A_54] : memref<1x10000xi32, #tpu.memory_space<vmem>>, vector<1x10000xi32>
    %eq3A = vector.broadcast %get3A_55 : vector<1x10000xi32> to vector<64x10000xi32>
    %eq3A_56 = arith.cmpi eq, %iota3A, %eq3A : vector<64x10000xi32>
    %convert_element_type3A = arith.extui %eq3A_56 : vector<64x10000xi1> to vector<64x10000xi32>
    %convert_element_type3A_57 = arith.sitofp %convert_element_type3A : vector<64x10000xi32> to vector<64x10000xf32>
    %dot_general3A = arith.constant dense<0.000000e+00> : vector<64x128xf32>
    %dot_general3A_58 = tpu.matmul %convert_element_type3A_57, %max3A_27, %dot_general3A {dimension_numbers = #tpu.dot_dimension_numbers<[1], [0], [0], [1], [0, 0, 1, 1], [], []>, transpose_lhs_hint = false} : vector<64x10000xf32>, vector<10000x128xf32>, vector<64x128xf32> -> vector<64x128xf32>
    %dot_general3A_59 = arith.constant dense<0.000000e+00> : vector<64x128xf32>
    %dot_general3A_60 = tpu.matmul %convert_element_type3A_57, %max3A_52, %dot_general3A_59 {dimension_numbers = #tpu.dot_dimension_numbers<[1], [0], [0], [1], [0, 0, 1, 1], [], []>, transpose_lhs_hint = false} : vector<64x10000xf32>, vector<10000x128xf32>, vector<64x128xf32> -> vector<64x128xf32>
    %concatenate3A_61 = tpu.concatenate %dot_general3A_58, %dot_general3A_60 in 1 : vector<64x128xf32>, vector<64x128xf32> -> vector<64x256xf32>
    %get3A_62 = arith.constant 0 : index
    %get3A_63 = arith.constant 0 : index
    %get3A_64 = vector.load %arg6[%get3A_62, %get3A_63] : memref<256x1024xf32, #tpu.memory_space<vmem>>, vector<256x1024xf32>
    %dot_general3A_65 = arith.constant dense<0.000000e+00> : vector<64x1024xf32>
    %dot_general3A_66 = tpu.matmul %concatenate3A_61, %get3A_64, %dot_general3A_65 {dimension_numbers = #tpu.dot_dimension_numbers<[1], [0], [0], [1], [0, 0, 1, 1], [], []>, transpose_lhs_hint = false} : vector<64x256xf32>, vector<256x1024xf32>, vector<64x1024xf32> -> vector<64x1024xf32>
    %get3A_67 = arith.constant 0 : index
    %get3A_68 = arith.constant 0 : index
    %get3A_69 = vector.load %arg8[%get3A_67, %get3A_68] : memref<1x1024xf32, #tpu.memory_space<vmem>>, vector<1x1024xf32>
    %add3A_70 = vector.broadcast %get3A_69 : vector<1x1024xf32> to vector<64x1024xf32>
    %add3A_71 = arith.addf %dot_general3A_66, %add3A_70 : vector<64x1024xf32>
    %swap3A = arith.constant 0 : index
    %swap3A_72 = arith.constant 0 : index
    %swap3A_73 = vector.load %arg14[%swap3A, %swap3A_72] : memref<64x1024xf32, #tpu.memory_space<vmem>>, vector<64x1024xf32>
    tpu.vector_store %arg14[%swap3A, %swap3A_72], %add3A_71 {strides = array<i32>} : memref<64x1024xf32, #tpu.memory_space<vmem>>, vector<64x1024xf32>,
    %get3A_74 = arith.constant 0 : index
    %get3A_75 = arith.constant 0 : index
    %get3A_76 = vector.load %arg7[%get3A_74, %get3A_75] : memref<256x1024xf32, #tpu.memory_space<vmem>>, vector<256x1024xf32>
    %broadcast_in_dim3A = arith.constant 0.000000e+00 : f32
    %broadcast_in_dim3A_77 = vector.broadcast %broadcast_in_dim3A : f32 to vector<1x256xf32>
    %scan3A = arith.constant 0 : i32
    %scan3A_78 = arith.constant 64 : i32
    %scan3A_79 = arith.addi %scan3A, %scan3A_78 : i32
    %scan3A_80 = arith.constant 1 : i32
    %scan3A_81:2 = scf.for %scan3A_167 = %scan3A to %scan3A_79 step %scan3A_80 iter_args(%scan3A_168 = %broadcast_in_dim3A_77, %scan3A_169 = %broadcast_in_dim3A_77) -> (vector<1x256xf32>, vector<1x256xf32>)  : i32 {
      %get3A_170 = arith.index_cast %scan3A_167 : i32 to index
      %get3A_171 = arith.constant 0 : index
      %get3A_172 = vector.load %arg14[%get3A_170, %get3A_171] : memref<64x1024xf32, #tpu.memory_space<vmem>>, vector<1x1024xf32>
      %dot_general3A_173 = arith.constant dense<0.000000e+00> : vector<1x1024xf32>
      %dot_general3A_174 = tpu.matmul %scan3A_168, %get3A_76, %dot_general3A_173 {dimension_numbers = #tpu.dot_dimension_numbers<[1], [0], [0], [1], [0, 0, 1, 1], [], []>, transpose_lhs_hint = false} : vector<1x256xf32>, vector<256x1024xf32>, vector<1x1024xf32> -> vector<1x1024xf32>
      %add3A_175 = arith.addf %get3A_172, %dot_general3A_174 : vector<1x1024xf32>
      %slice3A_176 = vector.extract_strided_slice %add3A_175 {offsets = [0, 0], sizes = [1, 256], strides = [1, 1]} : vector<1x1024xf32> to vector<1x256xf32>
      %neg3A = arith.constant 0.000000e+00 : f32
      %neg3A_177 = vector.broadcast %neg3A : f32 to vector<1x256xf32>
      %neg3A_178 = arith.subf %neg3A_177, %slice3A_176 : vector<1x256xf32>
      %exp3A_179 = math.exp %neg3A_178 : vector<1x256xf32>
      %add3A_180 = arith.constant 1.000000e+00 : f32
      %add3A_181 = vector.broadcast %add3A_180 : f32 to vector<1x256xf32>
      %add3A_182 = arith.addf %add3A_181, %exp3A_179 : vector<1x256xf32>
      %div3A_183 = arith.constant 1.000000e+00 : f32
      %div3A_184 = vector.broadcast %div3A_183 : f32 to vector<1x256xf32>
      %div3A_185 = arith.divf %div3A_184, %add3A_182 : vector<1x256xf32>
      %slice3A_186 = vector.extract_strided_slice %add3A_175 {offsets = [0, 256], sizes = [1, 256], strides = [1, 1]} : vector<1x1024xf32> to vector<1x256xf32>
      %neg3A_187 = arith.constant 0.000000e+00 : f32
      %neg3A_188 = vector.broadcast %neg3A_187 : f32 to vector<1x256xf32>
      %neg3A_189 = arith.subf %neg3A_188, %slice3A_186 : vector<1x256xf32>
      %exp3A_190 = math.exp %neg3A_189 : vector<1x256xf32>
      %add3A_191 = arith.constant 1.000000e+00 : f32
      %add3A_192 = vector.broadcast %add3A_191 : f32 to vector<1x256xf32>
      %add3A_193 = arith.addf %add3A_192, %exp3A_190 : vector<1x256xf32>
      %div3A_194 = arith.constant 1.000000e+00 : f32
      %div3A_195 = vector.broadcast %div3A_194 : f32 to vector<1x256xf32>
      %div3A_196 = arith.divf %div3A_195, %add3A_193 : vector<1x256xf32>
      %slice3A_197 = vector.extract_strided_slice %add3A_175 {offsets = [0, 512], sizes = [1, 256], strides = [1, 1]} : vector<1x1024xf32> to vector<1x256xf32>
      %tanh3A = math.tanh %slice3A_197 : vector<1x256xf32>
      %slice3A_198 = vector.extract_strided_slice %add3A_175 {offsets = [0, 768], sizes = [1, 256], strides = [1, 1]} : vector<1x1024xf32> to vector<1x256xf32>
      %neg3A_199 = arith.constant 0.000000e+00 : f32
      %neg3A_200 = vector.broadcast %neg3A_199 : f32 to vector<1x256xf32>
      %neg3A_201 = arith.subf %neg3A_200, %slice3A_198 : vector<1x256xf32>
      %exp3A_202 = math.exp %neg3A_201 : vector<1x256xf32>
      %add3A_203 = arith.constant 1.000000e+00 : f32
      %add3A_204 = vector.broadcast %add3A_203 : f32 to vector<1x256xf32>
      %add3A_205 = arith.addf %add3A_204, %exp3A_202 : vector<1x256xf32>
      %div3A_206 = arith.constant 1.000000e+00 : f32
      %div3A_207 = vector.broadcast %div3A_206 : f32 to vector<1x256xf32>
      %div3A_208 = arith.divf %div3A_207, %add3A_205 : vector<1x256xf32>
      %mul3A_209 = arith.mulf %div3A_196, %scan3A_169 : vector<1x256xf32>
      %mul3A_210 = arith.mulf %div3A_185, %tanh3A : vector<1x256xf32>
      %add3A_211 = arith.addf %mul3A_209, %mul3A_210 : vector<1x256xf32>
      %tanh3A_212 = math.tanh %add3A_211 : vector<1x256xf32>
      %mul3A_213 = arith.mulf %div3A_208, %tanh3A_212 : vector<1x256xf32>
      %swap3A_214 = arith.index_cast %scan3A_167 : i32 to index
      %swap3A_215 = arith.constant 0 : index
      %swap3A_216 = vector.load %arg15[%swap3A_214, %swap3A_215] : memref<64x256xf32, #tpu.memory_space<vmem>>, vector<1x256xf32>
      tpu.vector_store %arg15[%swap3A_214, %swap3A_215], %mul3A_213 {strides = array<i32>} : memref<64x256xf32, #tpu.memory_space<vmem>>, vector<1x256xf32>,
      scf.yield %mul3A_213, %add3A_211 : vector<1x256xf32>, vector<1x256xf32>
    }
    %scan3A_82 = arith.constant 64 : i32
    %get3A_83 = arith.constant 0 : index
    %get3A_84 = arith.constant 0 : index
    %get3A_85 = vector.load %arg15[%get3A_83, %get3A_84] : memref<64x256xf32, #tpu.memory_space<vmem>>, vector<64x256xf32>
    %reduce_sum3A = arith.constant dense<0.000000e+00> : vector<256xf32>
    %reduce_sum3A_86 = vector.multi_reduction <add>, %get3A_85, %reduce_sum3A [0] : vector<64x256xf32> to vector<256xf32>
    %broadcast_in_dim3A_87 = vector.shape_cast %reduce_sum3A_86 : vector<256xf32> to vector<1x256xf32>
    %div3A = arith.constant 6.400000e+01 : f32
    %div3A_88 = vector.broadcast %div3A : f32 to vector<1x256xf32>
    %div3A_89 = arith.divf %broadcast_in_dim3A_87, %div3A_88 : vector<1x256xf32>
    %sub3A = vector.broadcast %div3A_89 : vector<1x256xf32> to vector<64x256xf32>
    %sub3A_90 = arith.subf %get3A_85, %sub3A : vector<64x256xf32>
    %mul3A_91 = arith.mulf %sub3A_90, %sub3A_90 : vector<64x256xf32>
    %reduce_sum3A_92 = arith.constant dense<0.000000e+00> : vector<256xf32>
    %reduce_sum3A_93 = vector.multi_reduction <add>, %mul3A_91, %reduce_sum3A_92 [0] : vector<64x256xf32> to vector<256xf32>
    %broadcast_in_dim3A_94 = vector.shape_cast %reduce_sum3A_93 : vector<256xf32> to vector<1x256xf32>
    %div3A_95 = arith.constant 6.400000e+01 : f32
    %div3A_96 = vector.broadcast %div3A_95 : f32 to vector<1x256xf32>
    %div3A_97 = arith.divf %broadcast_in_dim3A_94, %div3A_96 : vector<1x256xf32>
    %add3A_98 = arith.constant 9.99999974E-6 : f32
    %add3A_99 = vector.broadcast %add3A_98 : f32 to vector<1x256xf32>
    %add3A_100 = arith.addf %div3A_97, %add3A_99 : vector<1x256xf32>
    %rsqrt3A_101 = math.rsqrt %add3A_100 : vector<1x256xf32>
    %mul3A_102 = vector.broadcast %rsqrt3A_101 : vector<1x256xf32> to vector<64x256xf32>
    %mul3A_103 = arith.mulf %sub3A_90, %mul3A_102 : vector<64x256xf32>
    %add3A_104 = arith.constant 9.99999974E-5 : f32
    %add3A_105 = vector.broadcast %add3A_104 : f32 to vector<64x256xf32>
    %add3A_106 = arith.addf %mul3A_103, %add3A_105 : vector<64x256xf32>
    %get3A_107 = arith.constant 0 : index
    %get3A_108 = arith.constant 0 : index
    %get3A_109 = vector.load %arg9[%get3A_107, %get3A_108] : memref<256x256xf32, #tpu.memory_space<vmem>>, vector<256x256xf32>
    %dot_general3A_110 = arith.constant dense<0.000000e+00> : vector<64x256xf32>
    %dot_general3A_111 = tpu.matmul %add3A_106, %get3A_109, %dot_general3A_110 {dimension_numbers = #tpu.dot_dimension_numbers<[1], [0], [0], [1], [0, 0, 1, 1], [], []>, transpose_lhs_hint = false} : vector<64x256xf32>, vector<256x256xf32>, vector<64x256xf32> -> vector<64x256xf32>
    %get3A_112 = arith.constant 0 : index
    %get3A_113 = arith.constant 0 : index
    %get3A_114 = vector.load %arg10[%get3A_112, %get3A_113] : memref<1x256xf32, #tpu.memory_space<vmem>>, vector<1x256xf32>
    %add3A_115 = vector.broadcast %get3A_114 : vector<1x256xf32> to vector<64x256xf32>
    %add3A_116 = arith.addf %dot_general3A_111, %add3A_115 : vector<64x256xf32>
    %max3A_117 = arith.constant 0.000000e+00 : f32
    %max3A_118 = vector.broadcast %max3A_117 : f32 to vector<64x256xf32>
    %max3A_119 = arith.maximumf %add3A_116, %max3A_118 : vector<64x256xf32>
    %reduce_sum3A_120 = arith.constant dense<0.000000e+00> : vector<256xf32>
    %reduce_sum3A_121 = vector.multi_reduction <add>, %max3A_119, %reduce_sum3A_120 [0] : vector<64x256xf32> to vector<256xf32>
    %broadcast_in_dim3A_122 = vector.shape_cast %reduce_sum3A_121 : vector<256xf32> to vector<1x256xf32>
    %div3A_123 = arith.constant 6.400000e+01 : f32
    %div3A_124 = vector.broadcast %div3A_123 : f32 to vector<1x256xf32>
    %div3A_125 = arith.divf %broadcast_in_dim3A_122, %div3A_124 : vector<1x256xf32>
    %sub3A_126 = vector.broadcast %div3A_125 : vector<1x256xf32> to vector<64x256xf32>
    %sub3A_127 = arith.subf %max3A_119, %sub3A_126 : vector<64x256xf32>
    %mul3A_128 = arith.mulf %sub3A_127, %sub3A_127 : vector<64x256xf32>
    %reduce_sum3A_129 = arith.constant dense<0.000000e+00> : vector<256xf32>
    %reduce_sum3A_130 = vector.multi_reduction <add>, %mul3A_128, %reduce_sum3A_129 [0] : vector<64x256xf32> to vector<256xf32>
    %broadcast_in_dim3A_131 = vector.shape_cast %reduce_sum3A_130 : vector<256xf32> to vector<1x256xf32>
    %div3A_132 = arith.constant 6.400000e+01 : f32
    %div3A_133 = vector.broadcast %div3A_132 : f32 to vector<1x256xf32>
    %div3A_134 = arith.divf %broadcast_in_dim3A_131, %div3A_133 : vector<1x256xf32>
    %add3A_135 = arith.constant 9.99999974E-6 : f32
    %add3A_136 = vector.broadcast %add3A_135 : f32 to vector<1x256xf32>
    %add3A_137 = arith.addf %div3A_134, %add3A_136 : vector<1x256xf32>
    %rsqrt3A_138 = math.rsqrt %add3A_137 : vector<1x256xf32>
    %mul3A_139 = vector.broadcast %rsqrt3A_138 : vector<1x256xf32> to vector<64x256xf32>
    %mul3A_140 = arith.mulf %sub3A_127, %mul3A_139 : vector<64x256xf32>
    %add3A_141 = arith.constant 9.99999974E-5 : f32
    %add3A_142 = vector.broadcast %add3A_141 : f32 to vector<64x256xf32>
    %add3A_143 = arith.addf %mul3A_140, %add3A_142 : vector<64x256xf32>
    %get3A_144 = arith.constant 0 : index
    %get3A_145 = arith.constant 0 : index
    %get3A_146 = vector.load %arg11[%get3A_144, %get3A_145] : memref<256x10xf32, #tpu.memory_space<vmem>>, vector<256x10xf32>
    %dot_general3A_147 = arith.constant dense<0.000000e+00> : vector<64x10xf32>
    %dot_general3A_148 = tpu.matmul %add3A_143, %get3A_146, %dot_general3A_147 {dimension_numbers = #tpu.dot_dimension_numbers<[1], [0], [0], [1], [0, 0, 1, 1], [], []>, transpose_lhs_hint = false} : vector<64x256xf32>, vector<256x10xf32>, vector<64x10xf32> -> vector<64x10xf32>
    %get3A_149 = arith.constant 0 : index
    %get3A_150 = arith.constant 0 : index
    %get3A_151 = vector.load %arg12[%get3A_149, %get3A_150] : memref<1x10xf32, #tpu.memory_space<vmem>>, vector<1x10xf32>
    %add3A_152 = vector.broadcast %get3A_151 : vector<1x10xf32> to vector<64x10xf32>
    %add3A_153 = arith.addf %dot_general3A_148, %add3A_152 : vector<64x10xf32>
    %reduce_max3A = arith.constant dense<0xFF800000> : vector<64xf32>
    %reduce_max3A_154 = vector.multi_reduction <maximumf>, %add3A_153, %reduce_max3A [1] : vector<64x10xf32> to vector<64xf32>
    %broadcast_in_dim3A_155 = vector.shape_cast %reduce_max3A_154 : vector<64xf32> to vector<64x1xf32>
    %sub3A_156 = vector.broadcast %broadcast_in_dim3A_155 : vector<64x1xf32> to vector<64x10xf32>
    %sub3A_157 = arith.subf %add3A_153, %sub3A_156 : vector<64x10xf32>
    %exp3A = math.exp %sub3A_157 : vector<64x10xf32>
    %reduce_sum3A_158 = arith.constant dense<0.000000e+00> : vector<64xf32>
    %reduce_sum3A_159 = vector.multi_reduction <add>, %exp3A, %reduce_sum3A_158 [1] : vector<64x10xf32> to vector<64xf32>
    %broadcast_in_dim3A_160 = vector.shape_cast %reduce_sum3A_159 : vector<64xf32> to vector<64x1xf32>
    %log3A = math.log %broadcast_in_dim3A_160 : vector<64x1xf32>
    %add3A_161 = arith.addf %log3A, %broadcast_in_dim3A_155 : vector<64x1xf32>
    %sub3A_162 = vector.broadcast %add3A_161 : vector<64x1xf32> to vector<64x10xf32>
    %sub3A_163 = arith.subf %add3A_153, %sub3A_162 : vector<64x10xf32>
    %swap3A_164 = arith.constant 0 : index
    %swap3A_165 = arith.constant 0 : index
    %swap3A_166 = vector.load %arg13[%swap3A_164, %swap3A_165] : memref<64x10xf32, #tpu.memory_space<vmem>>, vector<64x10xf32>
    tpu.vector_store %arg13[%swap3A_164, %swap3A_165], %sub3A_163 {strides = array<i32>} : memref<64x10xf32, #tpu.memory_space<vmem>>, vector<64x10xf32>,
    return
  }
}

</mosaic_0001>

<sc_bundles>
// kernel: kernel.11.cloned.1.call-start
scs
__scs_entry_jumppad:
0x0: {  	(pc) =	sbr.rel $0x88, $3  }
0x1: {  	(tag) =	ssettag $0x0;
	lr =	simm.s32 $0x1  }
0x2: {  	[smem:$0x3F8F] =	sst lr;
	_ =	strace $0xD0000000  }
0x3: {  	_ = 	snop  }
0x4: {  	_ = 	snop  }
0x5: {  	_ = 	snop  }
0x6: {  	_ = 	snop  }
0x7: {  	_ = 	snop  }
__scs_overlays_trampoline_lowered:
0x8: {  	[smem:$0x3F9E] =	sst s0  }
0x9: {  	[smem:$0x3F9F] =	sst s1  }
0xa: {  	[smem:$0x3FA0] =	sst s2  }
0xb: {  	[smem:$0x3FA1] =	sst s3  }
0xc: {  	[smem:$0x3FA2] =	sst s4  }
0xd: {  	[smem:$0x3FA3] =	sst s5  }
0xe: {  	[smem:$0x3FA4] =	sst s6  }
0xf: {  	[smem:$0x3FA5] =	sst s7  }
0x10: {  	[smem:$0x3FA6] =	sst s8  }
0x11: {  	[smem:$0x3FA7] =	sst s9;
	s0 =	simm.s32 @!p0 $0x0  }
0x12: {  	s1 =	sld [smem:$0x3F8D];
	s0 =	simm.s32 @p0 $0x1  }
0x13: {  	[smem:$0x3FA8] =	sst s0;
	s0 =	simm.s32 @!p1 $0x0  }
0x14: {  	s2 =	sld [smem:$0x3F8C];
	s0 =	simm.s32 @p1 $0x1  }
0x15: {  	[smem:$0x3FA9] =	sst s0;
	s0 =	simm.s32 @!p2 $0x0  }
0x16: {  	s3 =	sld [smem:$0x3FDB];
	s0 =	simm.s32 @p2 $0x1  }
0x17: {  	s4 =	simm.s32 $0x1BF5;
	[smem:$0x3FAB] =	sst s0  }
0x18: {  	s0 =	sld [smem:$0x3F8E];
	_ =	swait.ge [sflag:s4], $0x0  }
0x19: {  	s7 =	sld [smem:$0x3F8F]  }
0x1a: {  	s8 =	sadd.s32 $0xFFFFE003, lr  }
0x1b: {  	s9 =	sadd.s32 $0xFFFFFEF7, lr;
	s5 =	simm.s32 $0xFFFFFFFF;
	p2 =	slt.u32 s8, $0xFFFFF086  }
0x1c: {  	p1 =	slt.u32 s9, $0xF7A;
	s5 =	simm.s32 @!p2 $0x0  }
0x1d: {  	s5 =	simm.s32 @p1 $0x1;
	p0 =	seq.s32 s7, s2  }
0x1e: {  	s7 =	smul.u32 @!p0 $0xF7A, s2;
	p2 =	seq.s32 @!p0 s5, $0x0  }
0x1f: {  	s9 =	smul.u32 $0xF7A, s1;
	s8 =	simm.s32 @!p0 $0x1BF5;
	p2 =	por !p2, p0  }
0x20: {  	[sflag:s8] =	ssyncset.s32 @!p0 $0xFFFFF086;
	s6 =	sadd.s32 @!p0 s3, s7;
	s7 =	simm.s32 @!p0 $0x108  }
0x21: {  	s3 =	sadd.s32 s3, s9;
	s6 =	sadd.s32 @!p0 $0x88, s6;
	s7 =	simm.s32 @p2 $0x1082  }
0x22: {  	[simem:s7], [sflag:s8] =	dma.local @!p0 [hbm:s6], $0xF7A  }
0x23: {  	s9 =	sor.u32 $0xD0000000, s2;
	s6 =	simm.s32 $0x108;
	_ =	swait.ge @!p0 [sflag:s8], $0x0  }
0x24: {  	s3 =	sadd.s32 $0x88, s3;
	s6 =	simm.s32 @!p1 $0x1082;
	[sflag:s4] =	ssyncset.s32 $0xFFFFF086  }
0x25: {  	[simem:s6], [sflag:s4] =	dma.local [hbm:s3], $0xF7A  }
0x26: {  	[smem:$0x3F8F] =	sst s1;
	(tag) =	ssettag s2;
	_ =	strace s9  }
0x27: {  	s1 =	sld [smem:$0x3F9F]  }
0x28: {  	s2 =	sld [smem:$0x3FA0]  }
0x29: {  	s4 =	sld [smem:$0x3FA2]  }
0x2a: {  	p0 =	seq.s32 s5, $0x0;
	s5 =	sld [smem:$0x3FA3]  }
0x2b: {  	s6 =	sld [smem:$0x3FA4]  }
0x2c: {  	s7 =	sld [smem:$0x3FA5]  }
0x2d: {  	s3 =	simm.s32 $0x108;
	s8 =	sld [smem:$0x3FA6]  }
0x2e: {  	s3 =	simm.s32 @!p0 $0x1082;
	s9 =	sld [smem:$0x3FA7]  }
0x2f: {  	lr =	sadd.s32 s0, s3;
	s0 =	sld [smem:$0x3F9E]  }
0x30: {  	s3 =	sld [smem:$0x3FA1]  }
0x31: {  	[smem:$0x3FAA] =	sst s10  }
0x32: {  	s10 =	sld [smem:$0x3FA8];
	_ =	sdelay $0x3  }
0x33: {  	p0 =	seq.s32 s10, $0x1;
	s10 =	sld [smem:$0x3FAA];
	_ =	sdelay $0x3  }
0x34: {  	[smem:$0x3FAA] =	sst s10  }
0x35: {  	s10 =	sld [smem:$0x3FA9];
	_ =	sdelay $0x3  }
0x36: {  	p1 =	seq.s32 s10, $0x1;
	s10 =	sld [smem:$0x3FAA];
	_ =	sdelay $0x3  }
0x37: {  	[smem:$0x3FAA] =	sst s10  }
0x38: {  	s10 =	sld [smem:$0x3FAB]  }
0x39: {  	_ = 	snop;
	(pc) =	sbr.ind lr, $3  }
0x3a: {  	_ = 	snop  }
0x3b: {  	_ = 	snop  }
0x3c: {  	p2 =	seq.s32 s10, $0x1;
	s10 =	sld [smem:$0x3FAA]  }
0x3d: {  	_ =	shalt  }
0x3e: {  	_ =	shalt  }
0x3f: {  	_ =	shalt  }
0x40: {  	_ =	shalt  }
0x41: {  	_ =	shalt  }
0x42: {  	_ =	shalt  }
0x43: {  	_ =	shalt  }
0x44: {  	_ =	shalt  }
0x45: {  	_ =	shalt  }
0x46: {  	_ =	shalt  }
0x47: {  	_ =	shalt  }
0x48: {  	_ =	shalt  }
0x49: {  	_ =	shalt  }
0x4a: {  	_ =	shalt  }
0x4b: {  	_ =	shalt  }
0x4c: {  	_ =	shalt  }
0x4d: {  	_ =	shalt  }
0x4e: {  	_ =	shalt  }
0x4f: {  	_ =	shalt  }
0x50: {  	_ =	shalt  }
0x51: {  	_ =	shalt  }
0x52: {  	_ =	shalt  }
0x53: {  	_ =	shalt  }
0x54: {  	_ =	shalt  }
0x55: {  	_ =	shalt  }
0x56: {  	_ =	shalt  }
0x57: {  	_ =	shalt  }
0x58: {  	_ =	shalt  }
0x59: {  	_ =	shalt  }
0x5a: {  	_ =	shalt  }
0x5b: {  	_ =	shalt  }
0x5c: {  	_ =	shalt  }
0x5d: {  	_ =	shalt  }
0x5e: {  	_ =	shalt  }
0x5f: {  	_ =	shalt  }
0x60: {  	_ =	shalt  }
0x61: {  	_ =	shalt  }
0x62: {  	_ =	shalt  }
0x63: {  	_ =	shalt  }
0x64: {  	_ =	shalt  }
0x65: {  	_ =	shalt  }
0x66: {  	_ =	shalt  }
0x67: {  	_ =	shalt  }
0x68: {  	_ =	shalt  }
0x69: {  	_ =	shalt  }
0x6a: {  	_ =	shalt  }
0x6b: {  	_ =	shalt  }
0x6c: {  	_ =	shalt  }
0x6d: {  	_ =	shalt  }
0x6e: {  	_ =	shalt  }
0x6f: {  	_ =	shalt  }
0x70: {  	_ =	shalt  }
0x71: {  	_ =	shalt  }
0x72: {  	_ =	shalt  }
0x73: {  	_ =	shalt  }
0x74: {  	_ =	shalt  }
0x75: {  	_ =	shalt  }
0x76: {  	_ =	shalt  }
0x77: {  	_ =	shalt  }
0x78: {  	_ =	shalt  }
0x79: {  	_ =	shalt  }
0x7a: {  	_ =	shalt  }
0x7b: {  	_ =	shalt  }
0x7c: {  	_ =	shalt  }
0x7d: {  	_ =	shalt  }
0x7e: {  	_ =	shalt  }
0x7f: {  	_ =	shalt  }
0x80: {  	_ =	shalt  }
0x81: {  	_ =	shalt  }
0x82: {  	_ =	shalt  }
0x83: {  	_ =	shalt  }
0x84: {  	_ =	shalt  }
0x85: {  	_ =	shalt  }
0x86: {  	_ =	shalt  }
0x87: {  	_ =	shalt  }
.Lfunc_end0:
.L_simem_size_0:
called_computation_lowered:
.L_overlay_start_0:
0x88: {  	s2 =	sld [smem:$0x3FD9]  }
0x89: {  	s3 =	sld [smem:$0x3FFE];
	_ =	sdelay $0x1  }
0x8a: {  	s1 =	srdreg.scid  }
0x8b: {  	s0 =	sand.u32 $0x1, s1  }
0x8c: {  	s16 =	sshll.u32 s0, $0xA;
	s2 =	sadd.s32 s3, s2  }
0x8d: {  	s2 =	sadd.s32 s2, s16  }
0x8e: {  	[smem:$0x3FB6] =	sst s2  }
0x8f: {  	_ = 	snop  }
0x90: {  	(tm) =	ssettm $0x1  }
0x91: {  	s17 =	sld [smem:$0x3FFB];
	_ =	sdelay $0x3  }
0x92: {  	_ =	strace s17  }
0x93: {  	s2 =	sld [smem:$0x3FFC];
	_ =	sdelay $0x3  }
0x94: {  	_ =	strace s2  }
0x95: {  	s2 =	sld [smem:$0x3FFD];
	_ =	sdelay $0x3  }
0x96: {  	_ =	strace s2  }
0x97: {  	_ =	strace $0x8FFFFFFF  }
0x98: {  	s18 =	sld [smem:$0x3FDB];
	_ =	sdelay $0x1  }
0x99: {  	s19 =	simm.s32 $_scs_section_size  }
0x9a: {  	s4 =	simm.s32 $_size__tile_overlayer_lowered;
	s5 =	simm.s32 $_tile_overlayer_lowered  }
0x9b: {  	s22 =	simm.s32 $0x1BFF;
	s21 =	sshll.u32 s5, $0x1;
	s2 =	sadd.s32 s19, s18  }
0x9c: {  	s6 =	simm.s32 $0x0;
	s20 =	sshll.u32 s4, $0x1;
	s4 =	sadd.s32 s21, s2  }
0x9d: {  	[timem:s6], [sflag:s22] =	dma.local [hbm:s4], s20  }
0x9e: {  	_ =	swait.ge [sflag:s22], s20  }
0x9f: {  	s3 =	ssub.s32 $0x0, s20;
	[sflag:s22] =	ssyncset.done $0x0  }
0xa0: {  	[sflag:s22] =	ssyncadd.s32 s3;
	_ =	sdelay $0x1  }
0xa1: {  	s23 =	simm.s32 $0x1B8B  }
0xa2: {  	_ =	swait.ge [sflag:s23], $0x1  }
0xa3: {  	[sflag:s23] =	ssyncset.done $0x0  }
0xa4: {  	s25 =	simm.s32 $0x1B8E;
	s24 =	sld [smem:$0x3FFE];
	[sflag:s23] =	ssyncadd.s32 $0xFFFFFFFF  }
0xa5: {  	s26 =	simm.s32 $execute0_lowered;
	[smem:$0x3FD2] =	sst s25  }
0xa6: {  	s4 =	sshll.u32 s26, $0x1;
	_ =	strace $0x80000046;
	[dreg:$0x1] =	wrdreg $0xFFFFFFFF  }
0xa7: {  	s28 =	simm.s32 $_size_execute0_lowered;
	s2 =	sadd.s32 s2, s4;
	[dreg:$0x0] =	wrdreg $0x0  }
0xa8: {  	s4 =	sshll.u32 s28, $0x1;
	[dreg:$0x2] =	wrdreg s2  }
0xa9: {  	[dreg:$0x3] =	wrdreg s4  }
0xaa: {  	[dreg:$0x4] =	wrdreg $0xC0  }
0xab: {  	_ =	task [dreg:s6], $0x5FFFF  }
0xac: {  	[dreg:$0x1] =	wrdreg $0xFFFFFFFF  }
0xad: {  	[dreg:$0x0] =	wrdreg $0x60  }
0xae: {  	[dreg:$0x2] =	wrdreg s24  }
0xaf: {  	[dreg:$0x3] =	wrdreg $0x90000  }
0xb0: {  	[dreg:$0x4] =	wrdreg $0x9  }
0xb1: {  	_ =	task.clear_ibuf [dreg:s6], $0x5FFFF;
	_ =	strace $0x90000046  }
0xb2: {  	s29 =	simm.s32 $0x9;
	_ =	strace $0x80000048  }
0xb3: {  	_ =	swait.ge [sflag:s29], $0x1  }
0xb4: {  	[sflag:s29] =	ssyncadd.s32 $0xFFFFFFFF  }
0xb5: {  	_ =	strace $0x90000048  }
0xb6: {  	_ =	sfence  }
0xb7: {  	s30 =	sld [smem:$0x0];
	_ =	sdelay $0x2  }
0xb8: {  	s31 =	sshll.u32 s1, $0xD;
	s1 =	sshrl.u32 s1, $0x2  }
0xb9: {  	s3 =	sand.u32 $0x4000, s31;
	s1 =	sadd.s32 s1, s30  }
0xba: {  	s0 =	sor.u32 s3, s0;
	s1 =	sshll.u32 s1, $0x11  }
0xbb: {  	s0 =	sor.u32 s1, s0  }
0xbc: {  	s0 =	sadd.s32 $0x8F2B, s0  }
0xbd: {  	[sflag:s0] =	ssyncadd.remote.s32 $0x1  }
0xbe: {  	_ =	sfence.sel $0xFFFF  }
0xbf: {  	[dreg:$0x0] =	wrdreg $0xFFFFFFFF;
	(pc) =	sbr.abs _section_cstart, $3  }
0xc0: {  	[dreg:$0x1] =	wrdreg $0xFFFFFFFF  }
0xc1: {  	_ =	task.clear_ibuf [dreg:s6], $0x2FFFF;
	_ =	strace $0x9FFFFFFF  }
0xc2: {  	(tm) =	ssettm $0x7FFFFFFF  }
0xc3: {  	_ =	shalt  }
tec
execute0_lowered:
.L_overlay_start_1:
0x0: {  	(tag) =	ssettag $0x1  }
0x1: {  	s10 =	rddreg [dreg:$0x0]  }
0x2: {  	s1 =	rddreg [dreg:$0x1];
	s2 =	srdreg.scid  }
0x3: {  	s0 =	rddreg [dreg:$0x2];
	s3 =	simm.s32 $0x0;
	s6 =	sand.u32 $0x1, s2  }
0x4: {  	s13 =	simm.s32 $0x11400;
	s2 =	stileid.u32;
	s5 =	smul.u32 $0xA4000, s6  }
0x5: {  	s17 =	simm.s32 $0x0;
	[smem:$0x7FF] =	sst s3;
	s7 =	smul.u32 $0xA400, s2  }
0x6: {  	s4 =	sadd.s32 $0x1B400, s10;
	_ =	strace $0x80000047;
	s9 =	smul.u32 $0x29000, s2  }
0x7: {  	s8 =	ssub.s32 $0x2, s6;
	p0 =	seq.s32 s6, $0x1;
	s14 =	smul.u32 $0xA00, s2  }
0x8: {  	s15 =	sshll.u32 s2, $0x6;
	s11 =	sshrl.u32 s8, $0x1;
	s13 =	simm.s32 @!p0 $0x7400  }
0x9: {  	s15 =	sor.u32 $0x1C01, s15;
	s7 =	sadd.s32 s7, s5;
	s5 =	sadd.s32 $0x1BC00, s10  }
0xa: {  	s11 =	ssub.s32 s8, s11;
	s30 =	sshrl.u32 s9, $0x2;
	s31 =	sadd.s32 s13, s10  }
0xb: {  	s13 =	simm.s32 $0x5000;
	s7 =	sshrl.u32 s7, $0x3;
	s6 =	sadd.s32 s30, s1  }
0xc: {  	s12 =	sadd.s32 s7, s10;
	s7 =	sadd.s32 $0x4000, s6;
	s8 =	sadd.s32 $0x8000, s6  }
0xd: {  	s10 =	smax.u32 s11, $0x1;
	s11 =	sadd.s32 s31, s14;
	s14 =	simm.s32 $0x80  }
0xe: {  	s16 =	sshrl.u32 s6, $0x3;
	s9 =	sadd.s32 $0x1C400, s12;
	s12 =	simm.s32 $0x1  }
.LBB2_1:
0xf: {  	[tilespmem:s3], [sflag:$0x1] =	stream.linear.gather [hbm4b:s11+s3], $0x4F00, $0x38;
	[tilespmem:$0x13400] =	vst v63  }
0x10: {  	_ =	swait.ge [sflag:s12], $0x4F00  }
0x11: {  	[sflag:s12] =	ssyncset.done $0x0  }
0x12: {  	[sflag:s12] =	ssyncadd.s32 $0xFFFFB100  }
0x13: {  	[tilespmem:s13], [sflag:$0x1] =	stream.linear.gather [hbm4b:s4+s3], $0x4000, $0x38;
	[tilespmem:$0x13400] =	vst v63  }
0x14: {  	_ =	swait.ge [sflag:s12], $0x4000  }
0x15: {  	[sflag:s12] =	ssyncset.done $0x0  }
0x16: {  	[sflag:s12] =	ssyncadd.s32 $0xFFFFC000  }
0x17: {  	[spmem:s6] =	stream.linear.scatter [tilespmem:s13], [sflag:$0x1], $0x4000, $0x38;
	[tilespmem:$0x13400] =	vst v63  }
0x18: {  	_ =	swait.ge [sflag:s12], $0x4000  }
0x19: {  	[sflag:s12] =	ssyncset.done $0x0  }
0x1a: {  	[sflag:s12] =	ssyncadd.s32 $0xFFFFC000  }
0x1b: {  	[spmem:s7] =	stream.linear.scatter [tilespmem:s13], [sflag:$0x1], $0x4000, $0x38;
	[tilespmem:$0x13400] =	vst v63  }
0x1c: {  	_ =	swait.ge [sflag:s12], $0x4000  }
0x1d: {  	[sflag:s12] =	ssyncset.done $0x0  }
0x1e: {  	[sflag:s12] =	ssyncadd.s32 $0xFFFFC000  }
0x1f: {  	[spmem:s8] =	stream.linear.scatter [tilespmem:s13], [sflag:$0x1], $0x2400, $0x38;
	[tilespmem:$0x13400] =	vst v63  }
0x20: {  	_ =	swait.ge [sflag:s12], $0x2400  }
0x21: {  	[sflag:s12] =	ssyncset.done $0x0  }
0x22: {  	[sflag:s12] =	ssyncadd.s32 $0xFFFFDC00  }
0x23: {  	[tilespmem:s13], [sflag:$0x1] =	stream.linear.gather [hbm4b:s5+s3], $0x4000, $0x38;
	[tilespmem:$0x13400] =	vst v63  }
0x24: {  	_ =	swait.ge [sflag:s12], $0x4000  }
0x25: {  	[sflag:s12] =	ssyncset.done $0x0  }
0x26: {  	[sflag:s12] =	ssyncadd.s32 $0xFFFFC000  }
0x27: {  	s18 =	simm.s32 $0x0;
	[bflag:$0x0] =	sbarrier.arrive $0xFFFF  }
0x28: {  	[spmem:s1] =	stream.indirect.scatter.add.f32 [tilespmem:s13], [sflag:$0x1], $0x80, s18, s14, $0xb8;
	[tilespmem:$0x13400] =	vst v63  }
0x29: {  	_ =	swait.ge [sflag:s12], $0x4000  }
0x2a: {  	s18 =	simm.s32 $0x200;
	[sflag:s12] =	ssyncset.done $0x0  }
.LBB2_2:
0x2b: {  	s19 =	sshra.s32 s18, $0x2;
	[sflag:s12] =	ssyncadd.s32 $0xFFFFC000;
	p0 =	sne.s32 s18, $0x13A00  }
0x2c: {  	[spmem:s1] =	stream.indirect.scatter.add.f32 [tilespmem:s13], [sflag:$0x1], $0x80, s19, s14, $0xb8;
	[tilespmem:$0x13400] =	vst v63  }
.Ltmp0:
0x2d: {  	_ = 	snop;
	(pc) =	sbr.rel @p0 .LBB2_2-.Ltmp0, $4  }
0x2e: {  	_ = 	snop  }
0x2f: {  	s18 =	sadd.s32 $0x200, s18  }
0x30: {  	_ =	swait.ge [sflag:s12], $0x4000  }
0x31: {  	[sflag:s12] =	ssyncset.done $0x0  }
0x32: {  	s17 =	sadd.s32 $0x1, s17  }
0x33: {  	[sflag:s12] =	ssyncadd.s32 $0xFFFFC000;
	p0 =	sne.s32 s17, s10  }
.Ltmp1:
0x34: {  	[bflag:$0x0] =	sbarrier.arrive $0xFFFF;
	(pc) =	sbr.rel @p0 .LBB2_1-.Ltmp1, $4  }
0x35: {  	[hbm:s9], [sflag:s15] =	dma.local [spmem:s16], $0x1480  }
0x36: {  	_ =	swait.ge [sflag:s12], $0x1480  }
0x37: {  	[sflag:s12] =	ssyncset.done $0x0  }
0x38: {  	[sflag:s12] =	ssyncadd.s32 $0xFFFFEB80  }
0x39: {  	_ =	sfence.sel $0x180000  }
0x3a: {  	[bflag:$0x0] =	sbarrier.arrive $0xFFFF  }
0x3b: {  	p0 =	sne.s32 s2, $0x0;
	_ =	strace $0x90000047  }
0x3c: {  	s0 =	sadd.s32 @!p0 $0x100000, s0;
	[bflag:$0x2] =	sbarrier.arrive $0xFFFF  }
0x3d: {  	[sflag:s0] =	ssyncadd.tile.s32 @!p0 $0x1;
	_ =	shalt  }
.Lfunc_end2:
_tile_overlayer_lowered:
.L_overlay_start_2:
0x3e: {  	(tag) =	ssettag $0x2  }
0x3f: {  	s0 =	rddreg [dreg:$0x0];
	s2 =	stileid.u32  }
0x40: {  	s1 =	rddreg [dreg:$0x1];
	p0 =	sne.s32 s2, $0x0  }
0x41: {  	s3 =	rddreg [dreg:$0x2];
	[bflag:$0x3] =	sbarrier.arrive $0xFFFF;
	s2 =	simm.s32 @!p0 $0x1C01  }
0x42: {  	[timem:s3], [sflag:s2] =	dma.local @!p0 [hbm:s0], s1  }
0x43: {  	s0 =	simm.s32 @!p0 $0x1  }
0x44: {  	_ =	swait.ge @!p0 [sflag:s0], s1  }
0x45: {  	s1 =	ssub.s32 @!p0 $0x0, s1;
	[sflag:s0] =	ssyncset.done @!p0 $0x0  }
0x46: {  	[sflag:s0] =	ssyncadd.s32 @!p0 s1  }
0x47: {  	[bflag:$0x3] =	sbarrier.arrive $0xFFFF  }
0x48: {  	_ =	shalt  }

// kernel: kernel.14.cloned.1.call-start
scs
__scs_entry_jumppad:
0x0: {  	(pc) =	sbr.rel $0x88, $3  }
0x1: {  	(tag) =	ssettag $0x0;
	lr =	simm.s32 $0x1  }
0x2: {  	[smem:$0x3F8F] =	sst lr;
	_ =	strace $0xD0000000  }
0x3: {  	_ = 	snop  }
0x4: {  	_ = 	snop  }
0x5: {  	_ = 	snop  }
0x6: {  	_ = 	snop  }
0x7: {  	_ = 	snop  }
__scs_overlays_trampoline_lowered:
0x8: {  	[smem:$0x3F9E] =	sst s0  }
0x9: {  	[smem:$0x3F9F] =	sst s1  }
0xa: {  	[smem:$0x3FA0] =	sst s2  }
0xb: {  	[smem:$0x3FA1] =	sst s3  }
0xc: {  	[smem:$0x3FA2] =	sst s4  }
0xd: {  	[smem:$0x3FA3] =	sst s5  }
0xe: {  	[smem:$0x3FA4] =	sst s6  }
0xf: {  	[smem:$0x3FA5] =	sst s7  }
0x10: {  	[smem:$0x3FA6] =	sst s8  }
0x11: {  	[smem:$0x3FA7] =	sst s9;
	s0 =	simm.s32 @!p0 $0x0  }
0x12: {  	s1 =	sld [smem:$0x3F8D];
	s0 =	simm.s32 @p0 $0x1  }
0x13: {  	[smem:$0x3FA8] =	sst s0;
	s0 =	simm.s32 @!p1 $0x0  }
0x14: {  	s2 =	sld [smem:$0x3F8C];
	s0 =	simm.s32 @p1 $0x1  }
0x15: {  	[smem:$0x3FA9] =	sst s0;
	s0 =	simm.s32 @!p2 $0x0  }
0x16: {  	s3 =	sld [smem:$0x3FDB];
	s0 =	simm.s32 @p2 $0x1  }
0x17: {  	s4 =	simm.s32 $0x1BF5;
	[smem:$0x3FAB] =	sst s0  }
0x18: {  	s0 =	sld [smem:$0x3F8E];
	_ =	swait.ge [sflag:s4], $0x0  }
0x19: {  	s7 =	sld [smem:$0x3F8F]  }
0x1a: {  	s8 =	sadd.s32 $0xFFFFE003, lr  }
0x1b: {  	s9 =	sadd.s32 $0xFFFFFEF7, lr;
	s5 =	simm.s32 $0xFFFFFFFF;
	p2 =	slt.u32 s8, $0xFFFFF086  }
0x1c: {  	p1 =	slt.u32 s9, $0xF7A;
	s5 =	simm.s32 @!p2 $0x0  }
0x1d: {  	s5 =	simm.s32 @p1 $0x1;
	p0 =	seq.s32 s7, s2  }
0x1e: {  	s7 =	smul.u32 @!p0 $0xF7A, s2;
	p2 =	seq.s32 @!p0 s5, $0x0  }
0x1f: {  	s9 =	smul.u32 $0xF7A, s1;
	s8 =	simm.s32 @!p0 $0x1BF5;
	p2 =	por !p2, p0  }
0x20: {  	[sflag:s8] =	ssyncset.s32 @!p0 $0xFFFFF086;
	s6 =	sadd.s32 @!p0 s3, s7;
	s7 =	simm.s32 @!p0 $0x108  }
0x21: {  	s3 =	sadd.s32 s3, s9;
	s6 =	sadd.s32 @!p0 $0x88, s6;
	s7 =	simm.s32 @p2 $0x1082  }
0x22: {  	[simem:s7], [sflag:s8] =	dma.local @!p0 [hbm:s6], $0xF7A  }
0x23: {  	s9 =	sor.u32 $0xD0000000, s2;
	s6 =	simm.s32 $0x108;
	_ =	swait.ge @!p0 [sflag:s8], $0x0  }
0x24: {  	s3 =	sadd.s32 $0x88, s3;
	s6 =	simm.s32 @!p1 $0x1082;
	[sflag:s4] =	ssyncset.s32 $0xFFFFF086  }
0x25: {  	[simem:s6], [sflag:s4] =	dma.local [hbm:s3], $0xF7A  }
0x26: {  	[smem:$0x3F8F] =	sst s1;
	(tag) =	ssettag s2;
	_ =	strace s9  }
0x27: {  	s1 =	sld [smem:$0x3F9F]  }
0x28: {  	s2 =	sld [smem:$0x3FA0]  }
0x29: {  	s4 =	sld [smem:$0x3FA2]  }
0x2a: {  	p0 =	seq.s32 s5, $0x0;
	s5 =	sld [smem:$0x3FA3]  }
0x2b: {  	s6 =	sld [smem:$0x3FA4]  }
0x2c: {  	s7 =	sld [smem:$0x3FA5]  }
0x2d: {  	s3 =	simm.s32 $0x108;
	s8 =	sld [smem:$0x3FA6]  }
0x2e: {  	s3 =	simm.s32 @!p0 $0x1082;
	s9 =	sld [smem:$0x3FA7]  }
0x2f: {  	lr =	sadd.s32 s0, s3;
	s0 =	sld [smem:$0x3F9E]  }
0x30: {  	s3 =	sld [smem:$0x3FA1]  }
0x31: {  	[smem:$0x3FAA] =	sst s10  }
0x32: {  	s10 =	sld [smem:$0x3FA8];
	_ =	sdelay $0x3  }
0x33: {  	p0 =	seq.s32 s10, $0x1;
	s10 =	sld [smem:$0x3FAA];
	_ =	sdelay $0x3  }
0x34: {  	[smem:$0x3FAA] =	sst s10  }
0x35: {  	s10 =	sld [smem:$0x3FA9];
	_ =	sdelay $0x3  }
0x36: {  	p1 =	seq.s32 s10, $0x1;
	s10 =	sld [smem:$0x3FAA];
	_ =	sdelay $0x3  }
0x37: {  	[smem:$0x3FAA] =	sst s10  }
0x38: {  	s10 =	sld [smem:$0x3FAB]  }
0x39: {  	_ = 	snop;
	(pc) =	sbr.ind lr, $3  }
0x3a: {  	_ = 	snop  }
0x3b: {  	_ = 	snop  }
0x3c: {  	p2 =	seq.s32 s10, $0x1;
	s10 =	sld [smem:$0x3FAA]  }
0x3d: {  	_ =	shalt  }
0x3e: {  	_ =	shalt  }
0x3f: {  	_ =	shalt  }
0x40: {  	_ =	shalt  }
0x41: {  	_ =	shalt  }
0x42: {  	_ =	shalt  }
0x43: {  	_ =	shalt  }
0x44: {  	_ =	shalt  }
0x45: {  	_ =	shalt  }
0x46: {  	_ =	shalt  }
0x47: {  	_ =	shalt  }
0x48: {  	_ =	shalt  }
0x49: {  	_ =	shalt  }
0x4a: {  	_ =	shalt  }
0x4b: {  	_ =	shalt  }
0x4c: {  	_ =	shalt  }
0x4d: {  	_ =	shalt  }
0x4e: {  	_ =	shalt  }
0x4f: {  	_ =	shalt  }
0x50: {  	_ =	shalt  }
0x51: {  	_ =	shalt  }
0x52: {  	_ =	shalt  }
0x53: {  	_ =	shalt  }
0x54: {  	_ =	shalt  }
0x55: {  	_ =	shalt  }
0x56: {  	_ =	shalt  }
0x57: {  	_ =	shalt  }
0x58: {  	_ =	shalt  }
0x59: {  	_ =	shalt  }
0x5a: {  	_ =	shalt  }
0x5b: {  	_ =	shalt  }
0x5c: {  	_ =	shalt  }
0x5d: {  	_ =	shalt  }
0x5e: {  	_ =	shalt  }
0x5f: {  	_ =	shalt  }
0x60: {  	_ =	shalt  }
0x61: {  	_ =	shalt  }
0x62: {  	_ =	shalt  }
0x63: {  	_ =	shalt  }
0x64: {  	_ =	shalt  }
0x65: {  	_ =	shalt  }
0x66: {  	_ =	shalt  }
0x67: {  	_ =	shalt  }
0x68: {  	_ =	shalt  }
0x69: {  	_ =	shalt  }
0x6a: {  	_ =	shalt  }
0x6b: {  	_ =	shalt  }
0x6c: {  	_ =	shalt  }
0x6d: {  	_ =	shalt  }
0x6e: {  	_ =	shalt  }
0x6f: {  	_ =	shalt  }
0x70: {  	_ =	shalt  }
0x71: {  	_ =	shalt  }
0x72: {  	_ =	shalt  }
0x73: {  	_ =	shalt  }
0x74: {  	_ =	shalt  }
0x75: {  	_ =	shalt  }
0x76: {  	_ =	shalt  }
0x77: {  	_ =	shalt  }
0x78: {  	_ =	shalt  }
0x79: {  	_ =	shalt  }
0x7a: {  	_ =	shalt  }
0x7b: {  	_ =	shalt  }
0x7c: {  	_ =	shalt  }
0x7d: {  	_ =	shalt  }
0x7e: {  	_ =	shalt  }
0x7f: {  	_ =	shalt  }
0x80: {  	_ =	shalt  }
0x81: {  	_ =	shalt  }
0x82: {  	_ =	shalt  }
0x83: {  	_ =	shalt  }
0x84: {  	_ =	shalt  }
0x85: {  	_ =	shalt  }
0x86: {  	_ =	shalt  }
0x87: {  	_ =	shalt  }
.Lfunc_end0:
.L_simem_size_0:
called_computation.1_lowered:
.L_overlay_start_0:
0x88: {  	s2 =	sld [smem:$0x3FD9]  }
0x89: {  	s3 =	sld [smem:$0x3FFE];
	_ =	sdelay $0x1  }
0x8a: {  	s1 =	srdreg.scid  }
0x8b: {  	s0 =	sand.u32 $0x1, s1  }
0x8c: {  	s16 =	sshll.u32 s0, $0xA;
	s2 =	sadd.s32 s3, s2  }
0x8d: {  	s2 =	sadd.s32 s2, s16  }
0x8e: {  	[smem:$0x3FB6] =	sst s2  }
0x8f: {  	_ = 	snop  }
0x90: {  	(tm) =	ssettm $0x1  }
0x91: {  	s17 =	sld [smem:$0x3FFB];
	_ =	sdelay $0x3  }
0x92: {  	_ =	strace s17  }
0x93: {  	s2 =	sld [smem:$0x3FFC];
	_ =	sdelay $0x3  }
0x94: {  	_ =	strace s2  }
0x95: {  	s2 =	sld [smem:$0x3FFD];
	_ =	sdelay $0x3  }
0x96: {  	_ =	strace s2  }
0x97: {  	_ =	strace $0x8FFFFFFF  }
0x98: {  	s18 =	sld [smem:$0x3FDB];
	_ =	sdelay $0x1  }
0x99: {  	s19 =	simm.s32 $_scs_section_size  }
0x9a: {  	s4 =	simm.s32 $_size__tile_overlayer_lowered;
	s5 =	simm.s32 $_tile_overlayer_lowered  }
0x9b: {  	s22 =	simm.s32 $0x1BFF;
	s21 =	sshll.u32 s5, $0x1;
	s2 =	sadd.s32 s19, s18  }
0x9c: {  	s6 =	simm.s32 $0x0;
	s20 =	sshll.u32 s4, $0x1;
	s4 =	sadd.s32 s21, s2  }
0x9d: {  	[timem:s6], [sflag:s22] =	dma.local [hbm:s4], s20  }
0x9e: {  	_ =	swait.ge [sflag:s22], s20  }
0x9f: {  	s3 =	ssub.s32 $0x0, s20;
	[sflag:s22] =	ssyncset.done $0x0  }
0xa0: {  	[sflag:s22] =	ssyncadd.s32 s3;
	_ =	sdelay $0x1  }
0xa1: {  	s23 =	simm.s32 $0x1B8B  }
0xa2: {  	_ =	swait.ge [sflag:s23], $0x1  }
0xa3: {  	[sflag:s23] =	ssyncset.done $0x0  }
0xa4: {  	s25 =	simm.s32 $0x1B8E;
	s24 =	sld [smem:$0x3FFE];
	[sflag:s23] =	ssyncadd.s32 $0xFFFFFFFF  }
0xa5: {  	s26 =	simm.s32 $execute0_lowered;
	[smem:$0x3FD2] =	sst s25  }
0xa6: {  	s4 =	sshll.u32 s26, $0x1;
	_ =	strace $0x80000049;
	[dreg:$0x1] =	wrdreg $0xFFFFFFFF  }
0xa7: {  	s28 =	simm.s32 $_size_execute0_lowered;
	s2 =	sadd.s32 s2, s4;
	[dreg:$0x0] =	wrdreg $0x0  }
0xa8: {  	s4 =	sshll.u32 s28, $0x1;
	[dreg:$0x2] =	wrdreg s2  }
0xa9: {  	[dreg:$0x3] =	wrdreg s4  }
0xaa: {  	[dreg:$0x4] =	wrdreg $0xC0  }
0xab: {  	_ =	task [dreg:s6], $0x5FFFF  }
0xac: {  	[dreg:$0x1] =	wrdreg $0xFFFFFFFF  }
0xad: {  	[dreg:$0x0] =	wrdreg $0x60  }
0xae: {  	[dreg:$0x2] =	wrdreg s24  }
0xaf: {  	[dreg:$0x3] =	wrdreg $0x120000  }
0xb0: {  	[dreg:$0x4] =	wrdreg $0x9  }
0xb1: {  	_ =	task.clear_ibuf [dreg:s6], $0x5FFFF;
	_ =	strace $0x90000049  }
0xb2: {  	s29 =	simm.s32 $0x9;
	_ =	strace $0x8000004B  }
0xb3: {  	_ =	swait.ge [sflag:s29], $0x1  }
0xb4: {  	[sflag:s29] =	ssyncadd.s32 $0xFFFFFFFF  }
0xb5: {  	_ =	strace $0x9000004B  }
0xb6: {  	_ =	sfence  }
0xb7: {  	s30 =	sld [smem:$0x0];
	_ =	sdelay $0x2  }
0xb8: {  	s31 =	sshll.u32 s1, $0xD;
	s1 =	sshrl.u32 s1, $0x2  }
0xb9: {  	s3 =	sand.u32 $0x4000, s31;
	s1 =	sadd.s32 s1, s30  }
0xba: {  	s0 =	sor.u32 s3, s0;
	s1 =	sshll.u32 s1, $0x11  }
0xbb: {  	s0 =	sor.u32 s1, s0  }
0xbc: {  	s0 =	sadd.s32 $0x8F2B, s0  }
0xbd: {  	[sflag:s0] =	ssyncadd.remote.s32 $0x1  }
0xbe: {  	_ =	sfence.sel $0xFFFF  }
0xbf: {  	[dreg:$0x0] =	wrdreg $0xFFFFFFFF;
	(pc) =	sbr.abs _section_cstart, $3  }
0xc0: {  	[dreg:$0x1] =	wrdreg $0xFFFFFFFF  }
0xc1: {  	_ =	task.clear_ibuf [dreg:s6], $0x2FFFF;
	_ =	strace $0x9FFFFFFF  }
0xc2: {  	(tm) =	ssettm $0x7FFFFFFF  }
0xc3: {  	_ =	shalt  }
tec
execute0_lowered:
.L_overlay_start_1:
0x0: {  	(tag) =	ssettag $0x1  }
0x1: {  	s7 =	rddreg [dreg:$0x0]  }
0x2: {  	s0 =	stileid.u32;
	s1 =	srdreg.scid  }
0x3: {  	s2 =	rddreg [dreg:$0x1];
	s3 =	simm.s32 $0x0;
	s17 =	simm.s32 $0x5000  }
0x4: {  	s18 =	simm.s32 $0xA000;
	s19 =	simm.s32 $0x80;
	s20 =	simm.s32 $0xE000  }
0x5: {  	s21 =	simm.s32 $0x1;
	s22 =	simm.s32 $0x2;
	s24 =	simm.s32 $0x0  }
0x6: {  	s6 =	smul.u32 $0xA00, s0;
	s16 =	sand.u32 $0x1, s1;
	s1 =	rddreg [dreg:$0x2]  }
0x7: {  	[smem:$0x7FF] =	sst s3;
	s9 =	smul.u32 $0xA400, s0;
	s4 =	sadd.s32 $0x63400, s7  }
0x8: {  	s5 =	sadd.s32 $0x8A600, s7;
	s29 =	smul.u32 $0x29000, s0;
	s23 =	sshll.u32 s0, $0x6  }
0x9: {  	s8 =	smul.u32 $0x148000, s16;
	_ =	strace $0x8000004A;
	s10 =	ssub.s32 $0x2, s16  }
0xa: {  	p0 =	sne.s32 s16, $0x0;
	s16 =	simm.s32 $0x3;
	s23 =	sor.u32 $0x1C03, s23  }
0xb: {  	s13 =	sadd.s32 s6, s7;
	s6 =	sadd.s32 $0x1B400, s7;
	s30 =	sshrl.u32 s10, $0x1  }
.Ltmp0:
0xc: {  	s31 =	sshrl.u32 s29, $0x2;
	s8 =	sadd.s32 s9, s8;
	(pc) =	sbr.rel .LBB2_1-.Ltmp0, $4  }
0xd: {  	s15 =	ssub.s32 s10, s30;
	s9 =	sadd.s32 $0x45400, s13;
	s8 =	sshrl.u32 s8, $0x3  }
0xe: {  	s15 =	smax.u32 s15, $0x1;
	s14 =	sadd.s32 s8, s7;
	s8 =	sadd.s32 s31, s2  }
0xf: {  	s7 =	sadd.s32 $0x59400, s13;
	s13 =	sadd.s32 $0x4F400, s13;
	s10 =	sadd.s32 $0x4000, s8  }
0x10: {  	s11 =	sadd.s32 $0x8000, s8;
	s12 =	sadd.s32 $0xB1800, s14;
	s14 =	sadd.s32 $0xC6000, s14  }
.LBB2_14:
0x11: {  	s26 =	sshra.s32 s26, $0x2;
	[sflag:s16] =	ssyncadd.s32 $0xFFFFC000  }
0x12: {  	[tilespmem:s18], [sflag:$0x1] =	stream.indirect.gather [hbm4b:s5+s19], $0x80, s26, s19, $0xb8;
	[tilespmem:$0x1C400] =	vst v63  }
0x13: {  	s28 =	sadd.s32 $0x80, s26  }
0x14: {  	[tilespmem:s20], [sflag:$0x2] =	stream.indirect.gather [hbm4b:s5+s19], $0x80, s28, s19, $0xb8;
	[tilespmem:$0x1C400] =	vst v63  }
0x15: {  	_ =	swait.ge [sflag:s21], $0x4000  }
0x16: {  	[sflag:s21] =	ssyncset.done $0x0  }
0x17: {  	s31 =	sadd.s32 $0x5000, s26;
	[sflag:s21] =	ssyncadd.s32 $0xFFFFC000  }
0x18: {  	[spmem:s2] =	stream.indirect.scatter.add.f32 [tilespmem:s18], [sflag:$0x3], $0x80, s31, s19, $0xb8;
	[tilespmem:$0x1C400] =	vst v63  }
0x19: {  	_ =	swait.ge [sflag:s16], $0x4000  }
0x1a: {  	[sflag:s16] =	ssyncset.done $0x0  }
0x1b: {  	[sflag:s16] =	ssyncadd.s32 $0xFFFFC000  }
0x1c: {  	_ =	swait.ge [sflag:s22], $0x4000  }
0x1d: {  	[sflag:s22] =	ssyncset.done $0x0  }
0x1e: {  	s26 =	sadd.s32 $0x5080, s26;
	[sflag:s22] =	ssyncadd.s32 $0xFFFFC000  }
0x1f: {  	[spmem:s2] =	stream.indirect.scatter.add.f32 [tilespmem:s20], [sflag:$0x3], $0x80, s26, s19, $0xb8;
	[tilespmem:$0x1C400] =	vst v63  }
0x20: {  	_ =	swait.ge [sflag:s16], $0x4000  }
0x21: {  	[sflag:s16] =	ssyncset.done $0x0  }
0x22: {  	[sflag:s16] =	ssyncadd.s32 $0xFFFFC000  }
.LBB2_15:
0x23: {  	s24 =	sadd.s32 $0x1, s24  }
0x24: {  	p1 =	sne.s32 s24, s15  }
.Ltmp1:
0x25: {  	[bflag:$0x0] =	sbarrier.arrive $0xFFFF;
	(pc) =	sbr.rel @!p1 .LBB2_16-.Ltmp1, $4  }
0x26: {  	[hbm:s14], [sflag:s23] =	dma.local [spmem:s25], $0x1480  }
0x27: {  	_ =	swait.ge [sflag:s16], $0x1480  }
0x28: {  	[sflag:s16] =	ssyncset.done $0x0  }
0x29: {  	[sflag:s16] =	ssyncadd.s32 $0xFFFFEB80  }
.LBB2_1:
0x2a: {  	[tilespmem:s3], [sflag:$0x3] =	stream.linear.gather [hbm4b:s7+s3], $0x4F00, $0x38;
	[tilespmem:$0x1C400] =	vst v63  }
0x2b: {  	_ =	swait.ge [sflag:s16], $0x4F00  }
0x2c: {  	[sflag:s16] =	ssyncset.done $0x0  }
0x2d: {  	[sflag:s16] =	ssyncadd.s32 $0xFFFFB100  }
0x2e: {  	[tilespmem:s17], [sflag:$0x3] =	stream.linear.gather [hbm4b:s9+s3], $0x4F00, $0x38;
	[tilespmem:$0x1C400] =	vst v63  }
0x2f: {  	_ =	swait.ge [sflag:s16], $0x4F00  }
0x30: {  	[sflag:s16] =	ssyncset.done $0x0  }
0x31: {  	[sflag:s16] =	ssyncadd.s32 $0xFFFFB100  }
0x32: {  	[tilespmem:s18], [sflag:$0x3] =	stream.linear.gather [hbm4b:s6+s3], $0x4000, $0x38;
	[tilespmem:$0x1C400] =	vst v63  }
0x33: {  	_ =	swait.ge [sflag:s16], $0x4000  }
0x34: {  	[sflag:s16] =	ssyncset.done $0x0  }
0x35: {  	[sflag:s16] =	ssyncadd.s32 $0xFFFFC000  }
0x36: {  	[spmem:s8] =	stream.linear.scatter [tilespmem:s18], [sflag:$0x3], $0x4000, $0x38;
	[tilespmem:$0x1C400] =	vst v63  }
0x37: {  	_ =	swait.ge [sflag:s16], $0x4000  }
0x38: {  	[sflag:s16] =	ssyncset.done $0x0  }
0x39: {  	[sflag:s16] =	ssyncadd.s32 $0xFFFFC000  }
0x3a: {  	[spmem:s10] =	stream.linear.scatter [tilespmem:s18], [sflag:$0x3], $0x4000, $0x38;
	[tilespmem:$0x1C400] =	vst v63  }
0x3b: {  	_ =	swait.ge [sflag:s16], $0x4000  }
0x3c: {  	[sflag:s16] =	ssyncset.done $0x0  }
0x3d: {  	[sflag:s16] =	ssyncadd.s32 $0xFFFFC000  }
0x3e: {  	[spmem:s11] =	stream.linear.scatter [tilespmem:s18], [sflag:$0x3], $0x2400, $0x38;
	[tilespmem:$0x1C400] =	vst v63  }
.Ltmp2:
0x3f: {  	_ =	swait.ge [sflag:s16], $0x2400;
	(pc) =	sbr.rel @p0 .LBB2_5-.Ltmp2, $4  }
0x40: {  	[sflag:s16] =	ssyncset.done $0x0  }
0x41: {  	[sflag:s16] =	ssyncadd.s32 $0xFFFFDC00  }
0x42: {  	[bflag:$0x0] =	sbarrier.arrive $0xFFFF  }
0x43: {  	s25 =	simm.s32 $0x0  }
0x44: {  	[tilespmem:s18], [sflag:$0x1] =	stream.indirect.gather [hbm4b:s4+s19], $0x80, s25, s19, $0xb8;
	[tilespmem:$0x1C400] =	vst v63  }
0x45: {  	s29 =	simm.s32 $0x80  }
0x46: {  	[tilespmem:s20], [sflag:$0x2] =	stream.indirect.gather [hbm4b:s4+s19], $0x80, s29, s19, $0xb8;
	[tilespmem:$0x1C400] =	vst v63  }
0x47: {  	_ =	swait.ge [sflag:s21], $0x4000  }
0x48: {  	[sflag:s21] =	ssyncset.done $0x0  }
0x49: {  	s30 =	simm.s32 $0x5000;
	[sflag:s21] =	ssyncadd.s32 $0xFFFFC000  }
0x4a: {  	[spmem:s2] =	stream.indirect.scatter.add.f32 [tilespmem:s18], [sflag:$0x3], $0x80, s30, s19, $0xb8;
	[tilespmem:$0x1C400] =	vst v63  }
0x4b: {  	_ =	swait.ge [sflag:s16], $0x4000  }
0x4c: {  	[sflag:s16] =	ssyncset.done $0x0  }
0x4d: {  	[sflag:s16] =	ssyncadd.s32 $0xFFFFC000  }
0x4e: {  	_ =	swait.ge [sflag:s22], $0x4000  }
0x4f: {  	[sflag:s22] =	ssyncset.done $0x0  }
0x50: {  	s31 =	simm.s32 $0x5080;
	[sflag:s22] =	ssyncadd.s32 $0xFFFFC000  }
0x51: {  	[spmem:s2] =	stream.indirect.scatter.add.f32 [tilespmem:s20], [sflag:$0x3], $0x80, s31, s19, $0xb8;
	[tilespmem:$0x1C400] =	vst v63  }
0x52: {  	_ =	swait.ge [sflag:s16], $0x4000  }
0x53: {  	s25 =	simm.s32 $0x400;
	s26 =	simm.s32 $0x800;
	[sflag:s16] =	ssyncset.done $0x0  }
.LBB2_3:
0x54: {  	s28 =	sshra.s32 s25, $0x2  }
0x55: {  	[sflag:s16] =	ssyncadd.s32 $0xFFFFC000;
	s25 =	smov.u32 s26;
	s29 =	sadd.s32 $0x400, s26  }
0x56: {  	[tilespmem:s18], [sflag:$0x1] =	stream.indirect.gather [hbm4b:s4+s19], $0x80, s28, s19, $0xb8;
	[tilespmem:$0x1C400] =	vst v63  }
0x57: {  	p1 =	seq.s32 s26, $0x13800;
	s26 =	sadd.s32 $0x80, s28  }
0x58: {  	[tilespmem:s20], [sflag:$0x2] =	stream.indirect.gather [hbm4b:s4+s19], $0x80, s26, s19, $0xb8;
	[tilespmem:$0x1C400] =	vst v63  }
0x59: {  	_ =	swait.ge [sflag:s21], $0x4000  }
0x5a: {  	[sflag:s21] =	ssyncset.done $0x0  }
0x5b: {  	s26 =	sadd.s32 $0x5000, s28;
	[sflag:s21] =	ssyncadd.s32 $0xFFFFC000  }
0x5c: {  	[spmem:s2] =	stream.indirect.scatter.add.f32 [tilespmem:s18], [sflag:$0x3], $0x80, s26, s19, $0xb8;
	[tilespmem:$0x1C400] =	vst v63  }
0x5d: {  	_ =	swait.ge [sflag:s16], $0x4000  }
0x5e: {  	[sflag:s16] =	ssyncset.done $0x0  }
0x5f: {  	[sflag:s16] =	ssyncadd.s32 $0xFFFFC000  }
0x60: {  	_ =	swait.ge [sflag:s22], $0x4000  }
.Ltmp3:
0x61: {  	[sflag:s22] =	ssyncset.done $0x0;
	(pc) =	sbr.rel @!p1 .LBB2_3-.Ltmp3, $4  }
0x62: {  	s26 =	sadd.s32 $0x5080, s28;
	[sflag:s22] =	ssyncadd.s32 $0xFFFFC000  }
0x63: {  	[spmem:s2] =	stream.indirect.scatter.add.f32 [tilespmem:s20], [sflag:$0x3], $0x80, s26, s19, $0xb8;
	[tilespmem:$0x1C400] =	vst v63  }
0x64: {  	_ =	swait.ge [sflag:s16], $0x4000  }
0x65: {  	s26 =	smov.u32 s29;
	[sflag:s16] =	ssyncset.done $0x0  }
0x66: {  	s25 =	sshra.s32 s25, $0x2;
	[sflag:s16] =	ssyncadd.s32 $0xFFFFC000  }
0x67: {  	[tilespmem:s18], [sflag:$0x1] =	stream.indirect.gather [hbm4b:s4+s19], $0x80, s25, s19, $0xb8;
	[tilespmem:$0x1C400] =	vst v63  }
0x68: {  	s26 =	sadd.s32 $0x80, s25  }
0x69: {  	[tilespmem:s20], [sflag:$0x2] =	stream.indirect.gather [hbm4b:s4+s19], $0x80, s26, s19, $0xb8;
	[tilespmem:$0x1C400] =	vst v63  }
0x6a: {  	_ =	swait.ge [sflag:s21], $0x4000  }
0x6b: {  	[sflag:s21] =	ssyncset.done $0x0  }
0x6c: {  	s31 =	sadd.s32 $0x5000, s25;
	[sflag:s21] =	ssyncadd.s32 $0xFFFFC000  }
0x6d: {  	[spmem:s2] =	stream.indirect.scatter.add.f32 [tilespmem:s18], [sflag:$0x3], $0x80, s31, s19, $0xb8;
	[tilespmem:$0x1C400] =	vst v63  }
0x6e: {  	_ =	swait.ge [sflag:s16], $0x4000  }
0x6f: {  	[sflag:s16] =	ssyncset.done $0x0  }
0x70: {  	[sflag:s16] =	ssyncadd.s32 $0xFFFFC000  }
0x71: {  	_ =	swait.ge [sflag:s22], $0x4000  }
0x72: {  	[sflag:s22] =	ssyncset.done $0x0  }
.Ltmp4:
0x73: {  	s25 =	sadd.s32 $0x5080, s25;
	[sflag:s22] =	ssyncadd.s32 $0xFFFFC000;
	(pc) =	sbr.rel .LBB2_8-.Ltmp4, $4  }
0x74: {  	[spmem:s2] =	stream.indirect.scatter.add.f32 [tilespmem:s20], [sflag:$0x3], $0x80, s25, s19, $0xb8;
	[tilespmem:$0x1C400] =	vst v63  }
0x75: {  	_ =	swait.ge [sflag:s16], $0x4000  }
0x76: {  	[sflag:s16] =	ssyncset.done $0x0  }
0x77: {  	[sflag:s16] =	ssyncadd.s32 $0xFFFFC000  }
.LBB2_5:
0x78: {  	[tilespmem:s18], [sflag:$0x1] =	stream.indirect.gather [hbm4b:s5+s19], $0x80, s25, s19, $0xb8;
	[tilespmem:$0x1C400] =	vst v63  }
0x79: {  	s29 =	simm.s32 $0x80  }
0x7a: {  	[tilespmem:s20], [sflag:$0x2] =	stream.indirect.gather [hbm4b:s5+s19], $0x80, s29, s19, $0xb8;
	[tilespmem:$0x1C400] =	vst v63  }
0x7b: {  	_ =	swait.ge [sflag:s21], $0x4000  }
0x7c: {  	[sflag:s21] =	ssyncset.done $0x0  }
0x7d: {  	s30 =	simm.s32 $0x5000;
	[sflag:s21] =	ssyncadd.s32 $0xFFFFC000  }
0x7e: {  	[spmem:s2] =	stream.indirect.scatter.add.f32 [tilespmem:s18], [sflag:$0x3], $0x80, s30, s19, $0xb8;
	[tilespmem:$0x1C400] =	vst v63  }
0x7f: {  	_ =	swait.ge [sflag:s16], $0x4000  }
0x80: {  	[sflag:s16] =	ssyncset.done $0x0  }
0x81: {  	[sflag:s16] =	ssyncadd.s32 $0xFFFFC000  }
0x82: {  	_ =	swait.ge [sflag:s22], $0x4000  }
0x83: {  	[sflag:s22] =	ssyncset.done $0x0  }
0x84: {  	s31 =	simm.s32 $0x5080;
	[sflag:s22] =	ssyncadd.s32 $0xFFFFC000  }
0x85: {  	[spmem:s2] =	stream.indirect.scatter.add.f32 [tilespmem:s20], [sflag:$0x3], $0x80, s31, s19, $0xb8;
	[tilespmem:$0x1C400] =	vst v63  }
0x86: {  	_ =	swait.ge [sflag:s16], $0x4000  }
0x87: {  	s25 =	simm.s32 $0x400;
	s26 =	simm.s32 $0x800;
	[sflag:s16] =	ssyncset.done $0x0  }
.LBB2_6:
0x88: {  	s28 =	sshra.s32 s25, $0x2  }
0x89: {  	[sflag:s16] =	ssyncadd.s32 $0xFFFFC000;
	s25 =	smov.u32 s26;
	s29 =	sadd.s32 $0x400, s26  }
0x8a: {  	[tilespmem:s18], [sflag:$0x1] =	stream.indirect.gather [hbm4b:s5+s19], $0x80, s28, s19, $0xb8;
	[tilespmem:$0x1C400] =	vst v63  }
0x8b: {  	p1 =	sne.s32 s26, $0x13800;
	s26 =	sadd.s32 $0x80, s28  }
0x8c: {  	[tilespmem:s20], [sflag:$0x2] =	stream.indirect.gather [hbm4b:s5+s19], $0x80, s26, s19, $0xb8;
	[tilespmem:$0x1C400] =	vst v63  }
0x8d: {  	_ =	swait.ge [sflag:s21], $0x4000  }
0x8e: {  	[sflag:s21] =	ssyncset.done $0x0  }
0x8f: {  	s26 =	sadd.s32 $0x5000, s28;
	[sflag:s21] =	ssyncadd.s32 $0xFFFFC000  }
0x90: {  	[spmem:s2] =	stream.indirect.scatter.add.f32 [tilespmem:s18], [sflag:$0x3], $0x80, s26, s19, $0xb8;
	[tilespmem:$0x1C400] =	vst v63  }
0x91: {  	_ =	swait.ge [sflag:s16], $0x4000  }
0x92: {  	[sflag:s16] =	ssyncset.done $0x0  }
0x93: {  	[sflag:s16] =	ssyncadd.s32 $0xFFFFC000  }
0x94: {  	_ =	swait.ge [sflag:s22], $0x4000  }
.Ltmp5:
0x95: {  	[sflag:s22] =	ssyncset.done $0x0;
	(pc) =	sbr.rel @p1 .LBB2_6-.Ltmp5, $4  }
0x96: {  	s26 =	sadd.s32 $0x5080, s28;
	[sflag:s22] =	ssyncadd.s32 $0xFFFFC000  }
0x97: {  	[spmem:s2] =	stream.indirect.scatter.add.f32 [tilespmem:s20], [sflag:$0x3], $0x80, s26, s19, $0xb8;
	[tilespmem:$0x1C400] =	vst v63  }
0x98: {  	_ =	swait.ge [sflag:s16], $0x4000  }
0x99: {  	s26 =	smov.u32 s29;
	[sflag:s16] =	ssyncset.done $0x0  }
0x9a: {  	s25 =	sshra.s32 s25, $0x2;
	[sflag:s16] =	ssyncadd.s32 $0xFFFFC000  }
0x9b: {  	[tilespmem:s18], [sflag:$0x1] =	stream.indirect.gather [hbm4b:s5+s19], $0x80, s25, s19, $0xb8;
	[tilespmem:$0x1C400] =	vst v63  }
0x9c: {  	s26 =	sadd.s32 $0x80, s25  }
0x9d: {  	[tilespmem:s20], [sflag:$0x2] =	stream.indirect.gather [hbm4b:s5+s19], $0x80, s26, s19, $0xb8;
	[tilespmem:$0x1C400] =	vst v63  }
0x9e: {  	_ =	swait.ge [sflag:s21], $0x4000  }
0x9f: {  	[sflag:s21] =	ssyncset.done $0x0  }
0xa0: {  	s31 =	sadd.s32 $0x5000, s25;
	[sflag:s21] =	ssyncadd.s32 $0xFFFFC000  }
0xa1: {  	[spmem:s2] =	stream.indirect.scatter.add.f32 [tilespmem:s18], [sflag:$0x3], $0x80, s31, s19, $0xb8;
	[tilespmem:$0x1C400] =	vst v63  }
0xa2: {  	_ =	swait.ge [sflag:s16], $0x4000  }
0xa3: {  	[sflag:s16] =	ssyncset.done $0x0  }
0xa4: {  	[sflag:s16] =	ssyncadd.s32 $0xFFFFC000  }
0xa5: {  	_ =	swait.ge [sflag:s22], $0x4000  }
0xa6: {  	[sflag:s22] =	ssyncset.done $0x0  }
0xa7: {  	s25 =	sadd.s32 $0x5080, s25;
	[sflag:s22] =	ssyncadd.s32 $0xFFFFC000  }
0xa8: {  	[spmem:s2] =	stream.indirect.scatter.add.f32 [tilespmem:s20], [sflag:$0x3], $0x80, s25, s19, $0xb8;
	[tilespmem:$0x1C400] =	vst v63  }
0xa9: {  	_ =	swait.ge [sflag:s16], $0x4000  }
0xaa: {  	[sflag:s16] =	ssyncset.done $0x0  }
0xab: {  	[sflag:s16] =	ssyncadd.s32 $0xFFFFC000  }
.LBB2_8:
0xac: {  	[bflag:$0x0] =	sbarrier.arrive $0xFFFF;
	s25 =	sshrl.u32 s8, $0x3  }
0xad: {  	[hbm:s12], [sflag:s23] =	dma.local [spmem:s25], $0x1480  }
0xae: {  	_ =	swait.ge [sflag:s16], $0x1480  }
0xaf: {  	[sflag:s16] =	ssyncset.done $0x0  }
0xb0: {  	s26 =	simm.s32 $0x0;
	[sflag:s16] =	ssyncadd.s32 $0xFFFFEB80  }
0xb1: {  	[tilespmem:s17], [sflag:$0x3] =	stream.linear.gather [hbm4b:s13+s26], $0x4F00, $0x38;
	[tilespmem:$0x1C400] =	vst v63  }
0xb2: {  	_ =	swait.ge [sflag:s16], $0x4F00  }
0xb3: {  	[sflag:s16] =	ssyncset.done $0x0  }
0xb4: {  	[sflag:s16] =	ssyncadd.s32 $0xFFFFB100  }
0xb5: {  	[tilespmem:s18], [sflag:$0x3] =	stream.linear.gather [hbm4b:s6+s26], $0x4000, $0x38;
	[tilespmem:$0x1C400] =	vst v63  }
0xb6: {  	_ =	swait.ge [sflag:s16], $0x4000  }
0xb7: {  	[sflag:s16] =	ssyncset.done $0x0  }
0xb8: {  	[sflag:s16] =	ssyncadd.s32 $0xFFFFC000  }
0xb9: {  	[spmem:s8] =	stream.linear.scatter [tilespmem:s18], [sflag:$0x3], $0x4000, $0x38;
	[tilespmem:$0x1C400] =	vst v63  }
0xba: {  	_ =	swait.ge [sflag:s16], $0x4000  }
0xbb: {  	[sflag:s16] =	ssyncset.done $0x0  }
0xbc: {  	[sflag:s16] =	ssyncadd.s32 $0xFFFFC000  }
0xbd: {  	[spmem:s10] =	stream.linear.scatter [tilespmem:s18], [sflag:$0x3], $0x4000, $0x38;
	[tilespmem:$0x1C400] =	vst v63  }
0xbe: {  	_ =	swait.ge [sflag:s16], $0x4000  }
0xbf: {  	[sflag:s16] =	ssyncset.done $0x0  }
0xc0: {  	[sflag:s16] =	ssyncadd.s32 $0xFFFFC000  }
0xc1: {  	[spmem:s11] =	stream.linear.scatter [tilespmem:s18], [sflag:$0x3], $0x2400, $0x38;
	[tilespmem:$0x1C400] =	vst v63  }
.Ltmp6:
0xc2: {  	_ =	swait.ge [sflag:s16], $0x2400;
	(pc) =	sbr.rel @p0 .LBB2_12-.Ltmp6, $4  }
0xc3: {  	[sflag:s16] =	ssyncset.done $0x0  }
0xc4: {  	[sflag:s16] =	ssyncadd.s32 $0xFFFFDC00  }
0xc5: {  	[bflag:$0x0] =	sbarrier.arrive $0xFFFF  }
0xc6: {  	s26 =	simm.s32 $0x0  }
0xc7: {  	[tilespmem:s18], [sflag:$0x1] =	stream.indirect.gather [hbm4b:s4+s19], $0x80, s26, s19, $0xb8;
	[tilespmem:$0x1C400] =	vst v63  }
0xc8: {  	s29 =	simm.s32 $0x80  }
0xc9: {  	[tilespmem:s20], [sflag:$0x2] =	stream.indirect.gather [hbm4b:s4+s19], $0x80, s29, s19, $0xb8;
	[tilespmem:$0x1C400] =	vst v63  }
0xca: {  	_ =	swait.ge [sflag:s21], $0x4000  }
0xcb: {  	[sflag:s21] =	ssyncset.done $0x0  }
0xcc: {  	s30 =	simm.s32 $0x5000;
	[sflag:s21] =	ssyncadd.s32 $0xFFFFC000  }
0xcd: {  	[spmem:s2] =	stream.indirect.scatter.add.f32 [tilespmem:s18], [sflag:$0x3], $0x80, s30, s19, $0xb8;
	[tilespmem:$0x1C400] =	vst v63  }
0xce: {  	_ =	swait.ge [sflag:s16], $0x4000  }
0xcf: {  	[sflag:s16] =	ssyncset.done $0x0  }
0xd0: {  	[sflag:s16] =	ssyncadd.s32 $0xFFFFC000  }
0xd1: {  	_ =	swait.ge [sflag:s22], $0x4000  }
0xd2: {  	[sflag:s22] =	ssyncset.done $0x0  }
0xd3: {  	s31 =	simm.s32 $0x5080;
	[sflag:s22] =	ssyncadd.s32 $0xFFFFC000  }
0xd4: {  	[spmem:s2] =	stream.indirect.scatter.add.f32 [tilespmem:s20], [sflag:$0x3], $0x80, s31, s19, $0xb8;
	[tilespmem:$0x1C400] =	vst v63  }
0xd5: {  	_ =	swait.ge [sflag:s16], $0x4000  }
0xd6: {  	s26 =	simm.s32 $0x400;
	s28 =	simm.s32 $0x800;
	[sflag:s16] =	ssyncset.done $0x0  }
.LBB2_10:
0xd7: {  	s29 =	sshra.s32 s26, $0x2  }
0xd8: {  	[sflag:s16] =	ssyncadd.s32 $0xFFFFC000;
	s26 =	smov.u32 s28;
	s30 =	sadd.s32 $0x400, s28  }
0xd9: {  	[tilespmem:s18], [sflag:$0x1] =	stream.indirect.gather [hbm4b:s4+s19], $0x80, s29, s19, $0xb8;
	[tilespmem:$0x1C400] =	vst v63  }
0xda: {  	p1 =	seq.s32 s28, $0x13800;
	s28 =	sadd.s32 $0x80, s29  }
0xdb: {  	[tilespmem:s20], [sflag:$0x2] =	stream.indirect.gather [hbm4b:s4+s19], $0x80, s28, s19, $0xb8;
	[tilespmem:$0x1C400] =	vst v63  }
0xdc: {  	_ =	swait.ge [sflag:s21], $0x4000  }
0xdd: {  	[sflag:s21] =	ssyncset.done $0x0  }
0xde: {  	s28 =	sadd.s32 $0x5000, s29;
	[sflag:s21] =	ssyncadd.s32 $0xFFFFC000  }
0xdf: {  	[spmem:s2] =	stream.indirect.scatter.add.f32 [tilespmem:s18], [sflag:$0x3], $0x80, s28, s19, $0xb8;
	[tilespmem:$0x1C400] =	vst v63  }
0xe0: {  	_ =	swait.ge [sflag:s16], $0x4000  }
0xe1: {  	[sflag:s16] =	ssyncset.done $0x0  }
0xe2: {  	[sflag:s16] =	ssyncadd.s32 $0xFFFFC000  }
0xe3: {  	_ =	swait.ge [sflag:s22], $0x4000  }
.Ltmp7:
0xe4: {  	[sflag:s22] =	ssyncset.done $0x0;
	(pc) =	sbr.rel @!p1 .LBB2_10-.Ltmp7, $4  }
0xe5: {  	s28 =	sadd.s32 $0x5080, s29;
	[sflag:s22] =	ssyncadd.s32 $0xFFFFC000  }
0xe6: {  	[spmem:s2] =	stream.indirect.scatter.add.f32 [tilespmem:s20], [sflag:$0x3], $0x80, s28, s19, $0xb8;
	[tilespmem:$0x1C400] =	vst v63  }
0xe7: {  	_ =	swait.ge [sflag:s16], $0x4000  }
0xe8: {  	s28 =	smov.u32 s30;
	[sflag:s16] =	ssyncset.done $0x0  }
0xe9: {  	s26 =	sshra.s32 s26, $0x2;
	[sflag:s16] =	ssyncadd.s32 $0xFFFFC000  }
0xea: {  	[tilespmem:s18], [sflag:$0x1] =	stream.indirect.gather [hbm4b:s4+s19], $0x80, s26, s19, $0xb8;
	[tilespmem:$0x1C400] =	vst v63  }
0xeb: {  	s28 =	sadd.s32 $0x80, s26  }
0xec: {  	[tilespmem:s20], [sflag:$0x2] =	stream.indirect.gather [hbm4b:s4+s19], $0x80, s28, s19, $0xb8;
	[tilespmem:$0x1C400] =	vst v63  }
0xed: {  	_ =	swait.ge [sflag:s21], $0x4000  }
0xee: {  	[sflag:s21] =	ssyncset.done $0x0  }
0xef: {  	s31 =	sadd.s32 $0x5000, s26;
	[sflag:s21] =	ssyncadd.s32 $0xFFFFC000  }
0xf0: {  	[spmem:s2] =	stream.indirect.scatter.add.f32 [tilespmem:s18], [sflag:$0x3], $0x80, s31, s19, $0xb8;
	[tilespmem:$0x1C400] =	vst v63  }
0xf1: {  	_ =	swait.ge [sflag:s16], $0x4000  }
0xf2: {  	[sflag:s16] =	ssyncset.done $0x0  }
0xf3: {  	[sflag:s16] =	ssyncadd.s32 $0xFFFFC000  }
0xf4: {  	_ =	swait.ge [sflag:s22], $0x4000  }
0xf5: {  	[sflag:s22] =	ssyncset.done $0x0  }
.Ltmp8:
0xf6: {  	s26 =	sadd.s32 $0x5080, s26;
	[sflag:s22] =	ssyncadd.s32 $0xFFFFC000;
	(pc) =	sbr.rel .LBB2_15-.Ltmp8, $4  }
0xf7: {  	[spmem:s2] =	stream.indirect.scatter.add.f32 [tilespmem:s20], [sflag:$0x3], $0x80, s26, s19, $0xb8;
	[tilespmem:$0x1C400] =	vst v63  }
0xf8: {  	_ =	swait.ge [sflag:s16], $0x4000  }
0xf9: {  	[sflag:s16] =	ssyncset.done $0x0  }
0xfa: {  	[sflag:s16] =	ssyncadd.s32 $0xFFFFC000  }
.LBB2_12:
0xfb: {  	[tilespmem:s18], [sflag:$0x1] =	stream.indirect.gather [hbm4b:s5+s19], $0x80, s26, s19, $0xb8;
	[tilespmem:$0x1C400] =	vst v63  }
0xfc: {  	s29 =	simm.s32 $0x80  }
0xfd: {  	[tilespmem:s20], [sflag:$0x2] =	stream.indirect.gather [hbm4b:s5+s19], $0x80, s29, s19, $0xb8;
	[tilespmem:$0x1C400] =	vst v63  }
0xfe: {  	_ =	swait.ge [sflag:s21], $0x4000  }
0xff: {  	[sflag:s21] =	ssyncset.done $0x0  }
0x100: {  	s30 =	simm.s32 $0x5000;
	[sflag:s21] =	ssyncadd.s32 $0xFFFFC000  }
0x101: {  	[spmem:s2] =	stream.indirect.scatter.add.f32 [tilespmem:s18], [sflag:$0x3], $0x80, s30, s19, $0xb8;
	[tilespmem:$0x1C400] =	vst v63  }
0x102: {  	_ =	swait.ge [sflag:s16], $0x4000  }
0x103: {  	[sflag:s16] =	ssyncset.done $0x0  }
0x104: {  	[sflag:s16] =	ssyncadd.s32 $0xFFFFC000  }
0x105: {  	_ =	swait.ge [sflag:s22], $0x4000  }
0x106: {  	[sflag:s22] =	ssyncset.done $0x0  }
0x107: {  	s31 =	simm.s32 $0x5080;
	[sflag:s22] =	ssyncadd.s32 $0xFFFFC000  }
0x108: {  	[spmem:s2] =	stream.indirect.scatter.add.f32 [tilespmem:s20], [sflag:$0x3], $0x80, s31, s19, $0xb8;
	[tilespmem:$0x1C400] =	vst v63  }
0x109: {  	_ =	swait.ge [sflag:s16], $0x4000  }
0x10a: {  	s26 =	simm.s32 $0x400;
	s28 =	simm.s32 $0x800;
	[sflag:s16] =	ssyncset.done $0x0  }
.LBB2_13:
0x10b: {  	s29 =	sshra.s32 s26, $0x2  }
0x10c: {  	[sflag:s16] =	ssyncadd.s32 $0xFFFFC000;
	s26 =	smov.u32 s28;
	s30 =	sadd.s32 $0x400, s28  }
0x10d: {  	[tilespmem:s18], [sflag:$0x1] =	stream.indirect.gather [hbm4b:s5+s19], $0x80, s29, s19, $0xb8;
	[tilespmem:$0x1C400] =	vst v63  }
0x10e: {  	p1 =	sne.s32 s28, $0x13800;
	s28 =	sadd.s32 $0x80, s29  }
0x10f: {  	[tilespmem:s20], [sflag:$0x2] =	stream.indirect.gather [hbm4b:s5+s19], $0x80, s28, s19, $0xb8;
	[tilespmem:$0x1C400] =	vst v63  }
0x110: {  	_ =	swait.ge [sflag:s21], $0x4000  }
0x111: {  	[sflag:s21] =	ssyncset.done $0x0  }
0x112: {  	s28 =	sadd.s32 $0x5000, s29;
	[sflag:s21] =	ssyncadd.s32 $0xFFFFC000  }
0x113: {  	[spmem:s2] =	stream.indirect.scatter.add.f32 [tilespmem:s18], [sflag:$0x3], $0x80, s28, s19, $0xb8;
	[tilespmem:$0x1C400] =	vst v63  }
0x114: {  	_ =	swait.ge [sflag:s16], $0x4000  }
0x115: {  	[sflag:s16] =	ssyncset.done $0x0  }
0x116: {  	[sflag:s16] =	ssyncadd.s32 $0xFFFFC000  }
0x117: {  	_ =	swait.ge [sflag:s22], $0x4000  }
.Ltmp9:
0x118: {  	[sflag:s22] =	ssyncset.done $0x0;
	(pc) =	sbr.rel @p1 .LBB2_13-.Ltmp9, $4  }
0x119: {  	s28 =	sadd.s32 $0x5080, s29;
	[sflag:s22] =	ssyncadd.s32 $0xFFFFC000  }
0x11a: {  	[spmem:s2] =	stream.indirect.scatter.add.f32 [tilespmem:s20], [sflag:$0x3], $0x80, s28, s19, $0xb8;
	[tilespmem:$0x1C400] =	vst v63  }
0x11b: {  	_ =	swait.ge [sflag:s16], $0x4000  }
0x11c: {  	s28 =	smov.u32 s30;
	[sflag:s16] =	ssyncset.done $0x0  }
.Ltmp10:
0x11d: {  	_ = 	snop;
	(pc) =	sbr.rel .LBB2_14-.Ltmp10, $1  }
0x11e: {  	_ =	sdelay $0x3  }
.LBB2_16:
0x11f: {  	_ =	sfence.sel $0x180000  }
0x120: {  	[bflag:$0x0] =	sbarrier.arrive $0xFFFF  }
0x121: {  	p0 =	sne.s32 s0, $0x0;
	_ =	strace $0x9000004A  }
0x122: {  	s0 =	sadd.s32 @!p0 $0x100000, s1;
	[bflag:$0x2] =	sbarrier.arrive $0xFFFF  }
0x123: {  	[sflag:s0] =	ssyncadd.tile.s32 @!p0 $0x1;
	_ =	shalt  }
.Lfunc_end2:
_tile_overlayer_lowered:
.L_overlay_start_2:
0x124: {  	(tag) =	ssettag $0x2  }
0x125: {  	s0 =	rddreg [dreg:$0x0];
	s2 =	stileid.u32  }
0x126: {  	s1 =	rddreg [dreg:$0x1];
	p0 =	sne.s32 s2, $0x0  }
0x127: {  	s3 =	rddreg [dreg:$0x2];
	[bflag:$0x3] =	sbarrier.arrive $0xFFFF;
	s2 =	simm.s32 @!p0 $0x1C03  }
0x128: {  	[timem:s3], [sflag:s2] =	dma.local @!p0 [hbm:s0], s1  }
0x129: {  	s0 =	simm.s32 @!p0 $0x3  }
0x12a: {  	_ =	swait.ge @!p0 [sflag:s0], s1  }
0x12b: {  	s1 =	ssub.s32 @!p0 $0x0, s1;
	[sflag:s0] =	ssyncset.done @!p0 $0x0  }
0x12c: {  	[sflag:s0] =	ssyncadd.s32 @!p0 s1  }
0x12d: {  	[bflag:$0x3] =	sbarrier.arrive $0xFFFF  }
0x12e: {  	_ =	shalt  }

// kernel: kernel.17.cloned.1.call-start
scs
__scs_entry_jumppad:
0x0: {  	(pc) =	sbr.rel $0x88, $3  }
0x1: {  	(tag) =	ssettag $0x0;
	lr =	simm.s32 $0x1  }
0x2: {  	[smem:$0x3F8F] =	sst lr;
	_ =	strace $0xD0000000  }
0x3: {  	_ = 	snop  }
0x4: {  	_ = 	snop  }
0x5: {  	_ = 	snop  }
0x6: {  	_ = 	snop  }
0x7: {  	_ = 	snop  }
__scs_overlays_trampoline_lowered:
0x8: {  	[smem:$0x3F9E] =	sst s0  }
0x9: {  	[smem:$0x3F9F] =	sst s1  }
0xa: {  	[smem:$0x3FA0] =	sst s2  }
0xb: {  	[smem:$0x3FA1] =	sst s3  }
0xc: {  	[smem:$0x3FA2] =	sst s4  }
0xd: {  	[smem:$0x3FA3] =	sst s5  }
0xe: {  	[smem:$0x3FA4] =	sst s6  }
0xf: {  	[smem:$0x3FA5] =	sst s7  }
0x10: {  	[smem:$0x3FA6] =	sst s8  }
0x11: {  	[smem:$0x3FA7] =	sst s9;
	s0 =	simm.s32 @!p0 $0x0  }
0x12: {  	s1 =	sld [smem:$0x3F8D];
	s0 =	simm.s32 @p0 $0x1  }
0x13: {  	[smem:$0x3FA8] =	sst s0;
	s0 =	simm.s32 @!p1 $0x0  }
0x14: {  	s2 =	sld [smem:$0x3F8C];
	s0 =	simm.s32 @p1 $0x1  }
0x15: {  	[smem:$0x3FA9] =	sst s0;
	s0 =	simm.s32 @!p2 $0x0  }
0x16: {  	s3 =	sld [smem:$0x3FDB];
	s0 =	simm.s32 @p2 $0x1  }
0x17: {  	s4 =	simm.s32 $0x1BF5;
	[smem:$0x3FAB] =	sst s0  }
0x18: {  	s0 =	sld [smem:$0x3F8E];
	_ =	swait.ge [sflag:s4], $0x0  }
0x19: {  	s7 =	sld [smem:$0x3F8F]  }
0x1a: {  	s8 =	sadd.s32 $0xFFFFE003, lr  }
0x1b: {  	s9 =	sadd.s32 $0xFFFFFEF7, lr;
	s5 =	simm.s32 $0xFFFFFFFF;
	p2 =	slt.u32 s8, $0xFFFFF086  }
0x1c: {  	p1 =	slt.u32 s9, $0xF7A;
	s5 =	simm.s32 @!p2 $0x0  }
0x1d: {  	s5 =	simm.s32 @p1 $0x1;
	p0 =	seq.s32 s7, s2  }
0x1e: {  	s7 =	smul.u32 @!p0 $0xF7A, s2;
	p2 =	seq.s32 @!p0 s5, $0x0  }
0x1f: {  	s9 =	smul.u32 $0xF7A, s1;
	s8 =	simm.s32 @!p0 $0x1BF5;
	p2 =	por !p2, p0  }
0x20: {  	[sflag:s8] =	ssyncset.s32 @!p0 $0xFFFFF086;
	s6 =	sadd.s32 @!p0 s3, s7;
	s7 =	simm.s32 @!p0 $0x108  }
0x21: {  	s3 =	sadd.s32 s3, s9;
	s6 =	sadd.s32 @!p0 $0x88, s6;
	s7 =	simm.s32 @p2 $0x1082  }
0x22: {  	[simem:s7], [sflag:s8] =	dma.local @!p0 [hbm:s6], $0xF7A  }
0x23: {  	s9 =	sor.u32 $0xD0000000, s2;
	s6 =	simm.s32 $0x108;
	_ =	swait.ge @!p0 [sflag:s8], $0x0  }
0x24: {  	s3 =	sadd.s32 $0x88, s3;
	s6 =	simm.s32 @!p1 $0x1082;
	[sflag:s4] =	ssyncset.s32 $0xFFFFF086  }
0x25: {  	[simem:s6], [sflag:s4] =	dma.local [hbm:s3], $0xF7A  }
0x26: {  	[smem:$0x3F8F] =	sst s1;
	(tag) =	ssettag s2;
	_ =	strace s9  }
0x27: {  	s1 =	sld [smem:$0x3F9F]  }
0x28: {  	s2 =	sld [smem:$0x3FA0]  }
0x29: {  	s4 =	sld [smem:$0x3FA2]  }
0x2a: {  	p0 =	seq.s32 s5, $0x0;
	s5 =	sld [smem:$0x3FA3]  }
0x2b: {  	s6 =	sld [smem:$0x3FA4]  }
0x2c: {  	s7 =	sld [smem:$0x3FA5]  }
0x2d: {  	s3 =	simm.s32 $0x108;
	s8 =	sld [smem:$0x3FA6]  }
0x2e: {  	s3 =	simm.s32 @!p0 $0x1082;
	s9 =	sld [smem:$0x3FA7]  }
0x2f: {  	lr =	sadd.s32 s0, s3;
	s0 =	sld [smem:$0x3F9E]  }
0x30: {  	s3 =	sld [smem:$0x3FA1]  }
0x31: {  	[smem:$0x3FAA] =	sst s10  }
0x32: {  	s10 =	sld [smem:$0x3FA8];
	_ =	sdelay $0x3  }
0x33: {  	p0 =	seq.s32 s10, $0x1;
	s10 =	sld [smem:$0x3FAA];
	_ =	sdelay $0x3  }
0x34: {  	[smem:$0x3FAA] =	sst s10  }
0x35: {  	s10 =	sld [smem:$0x3FA9];
	_ =	sdelay $0x3  }
0x36: {  	p1 =	seq.s32 s10, $0x1;
	s10 =	sld [smem:$0x3FAA];
	_ =	sdelay $0x3  }
0x37: {  	[smem:$0x3FAA] =	sst s10  }
0x38: {  	s10 =	sld [smem:$0x3FAB]  }
0x39: {  	_ = 	snop;
	(pc) =	sbr.ind lr, $3  }
0x3a: {  	_ = 	snop  }
0x3b: {  	_ = 	snop  }
0x3c: {  	p2 =	seq.s32 s10, $0x1;
	s10 =	sld [smem:$0x3FAA]  }
0x3d: {  	_ =	shalt  }
0x3e: {  	_ =	shalt  }
0x3f: {  	_ =	shalt  }
0x40: {  	_ =	shalt  }
0x41: {  	_ =	shalt  }
0x42: {  	_ =	shalt  }
0x43: {  	_ =	shalt  }
0x44: {  	_ =	shalt  }
0x45: {  	_ =	shalt  }
0x46: {  	_ =	shalt  }
0x47: {  	_ =	shalt  }
0x48: {  	_ =	shalt  }
0x49: {  	_ =	shalt  }
0x4a: {  	_ =	shalt  }
0x4b: {  	_ =	shalt  }
0x4c: {  	_ =	shalt  }
0x4d: {  	_ =	shalt  }
0x4e: {  	_ =	shalt  }
0x4f: {  	_ =	shalt  }
0x50: {  	_ =	shalt  }
0x51: {  	_ =	shalt  }
0x52: {  	_ =	shalt  }
0x53: {  	_ =	shalt  }
0x54: {  	_ =	shalt  }
0x55: {  	_ =	shalt  }
0x56: {  	_ =	shalt  }
0x57: {  	_ =	shalt  }
0x58: {  	_ =	shalt  }
0x59: {  	_ =	shalt  }
0x5a: {  	_ =	shalt  }
0x5b: {  	_ =	shalt  }
0x5c: {  	_ =	shalt  }
0x5d: {  	_ =	shalt  }
0x5e: {  	_ =	shalt  }
0x5f: {  	_ =	shalt  }
0x60: {  	_ =	shalt  }
0x61: {  	_ =	shalt  }
0x62: {  	_ =	shalt  }
0x63: {  	_ =	shalt  }
0x64: {  	_ =	shalt  }
0x65: {  	_ =	shalt  }
0x66: {  	_ =	shalt  }
0x67: {  	_ =	shalt  }
0x68: {  	_ =	shalt  }
0x69: {  	_ =	shalt  }
0x6a: {  	_ =	shalt  }
0x6b: {  	_ =	shalt  }
0x6c: {  	_ =	shalt  }
0x6d: {  	_ =	shalt  }
0x6e: {  	_ =	shalt  }
0x6f: {  	_ =	shalt  }
0x70: {  	_ =	shalt  }
0x71: {  	_ =	shalt  }
0x72: {  	_ =	shalt  }
0x73: {  	_ =	shalt  }
0x74: {  	_ =	shalt  }
0x75: {  	_ =	shalt  }
0x76: {  	_ =	shalt  }
0x77: {  	_ =	shalt  }
0x78: {  	_ =	shalt  }
0x79: {  	_ =	shalt  }
0x7a: {  	_ =	shalt  }
0x7b: {  	_ =	shalt  }
0x7c: {  	_ =	shalt  }
0x7d: {  	_ =	shalt  }
0x7e: {  	_ =	shalt  }
0x7f: {  	_ =	shalt  }
0x80: {  	_ =	shalt  }
0x81: {  	_ =	shalt  }
0x82: {  	_ =	shalt  }
0x83: {  	_ =	shalt  }
0x84: {  	_ =	shalt  }
0x85: {  	_ =	shalt  }
0x86: {  	_ =	shalt  }
0x87: {  	_ =	shalt  }
.Lfunc_end0:
.L_simem_size_0:
called_computation.2_lowered:
.L_overlay_start_0:
0x88: {  	s2 =	sld [smem:$0x3FD9]  }
0x89: {  	s3 =	sld [smem:$0x3FFE];
	_ =	sdelay $0x1  }
0x8a: {  	s1 =	srdreg.scid  }
0x8b: {  	s0 =	sand.u32 $0x1, s1  }
0x8c: {  	s16 =	sshll.u32 s0, $0xA;
	s2 =	sadd.s32 s3, s2  }
0x8d: {  	s2 =	sadd.s32 s2, s16  }
0x8e: {  	[smem:$0x3FB6] =	sst s2  }
0x8f: {  	_ = 	snop  }
0x90: {  	(tm) =	ssettm $0x1  }
0x91: {  	s17 =	sld [smem:$0x3FFB];
	_ =	sdelay $0x3  }
0x92: {  	_ =	strace s17  }
0x93: {  	s2 =	sld [smem:$0x3FFC];
	_ =	sdelay $0x3  }
0x94: {  	_ =	strace s2  }
0x95: {  	s2 =	sld [smem:$0x3FFD];
	_ =	sdelay $0x3  }
0x96: {  	_ =	strace s2  }
0x97: {  	_ =	strace $0x8FFFFFFF  }
0x98: {  	s18 =	sld [smem:$0x3FDB];
	_ =	sdelay $0x1  }
0x99: {  	s19 =	simm.s32 $_scs_section_size  }
0x9a: {  	s4 =	simm.s32 $_size__tile_overlayer_lowered;
	s5 =	simm.s32 $_tile_overlayer_lowered  }
0x9b: {  	s22 =	simm.s32 $0x1BFF;
	s21 =	sshll.u32 s5, $0x1;
	s2 =	sadd.s32 s19, s18  }
0x9c: {  	s6 =	simm.s32 $0x0;
	s20 =	sshll.u32 s4, $0x1;
	s4 =	sadd.s32 s21, s2  }
0x9d: {  	[timem:s6], [sflag:s22] =	dma.local [hbm:s4], s20  }
0x9e: {  	_ =	swait.ge [sflag:s22], s20  }
0x9f: {  	s3 =	ssub.s32 $0x0, s20;
	[sflag:s22] =	ssyncset.done $0x0  }
0xa0: {  	[sflag:s22] =	ssyncadd.s32 s3;
	_ =	sdelay $0x1  }
0xa1: {  	s23 =	simm.s32 $0x1B8B  }
0xa2: {  	_ =	swait.ge [sflag:s23], $0x1  }
0xa3: {  	[sflag:s23] =	ssyncset.done $0x0  }
0xa4: {  	s25 =	simm.s32 $0x1B8E;
	s24 =	sld [smem:$0x3FFE];
	[sflag:s23] =	ssyncadd.s32 $0xFFFFFFFF  }
0xa5: {  	s26 =	simm.s32 $execute0_lowered;
	[smem:$0x3FD2] =	sst s25  }
0xa6: {  	s4 =	sshll.u32 s26, $0x1;
	_ =	strace $0x8000004C;
	[dreg:$0x1] =	wrdreg $0xFFFFFFFF  }
0xa7: {  	s28 =	simm.s32 $_size_execute0_lowered;
	s2 =	sadd.s32 s2, s4;
	[dreg:$0x0] =	wrdreg $0x0  }
0xa8: {  	s4 =	sshll.u32 s28, $0x1;
	[dreg:$0x2] =	wrdreg s2  }
0xa9: {  	[dreg:$0x3] =	wrdreg s4  }
0xaa: {  	[dreg:$0x4] =	wrdreg $0xC0  }
0xab: {  	_ =	task [dreg:s6], $0x5FFFF  }
0xac: {  	[dreg:$0x1] =	wrdreg $0xFFFFFFFF  }
0xad: {  	[dreg:$0x0] =	wrdreg $0x60  }
0xae: {  	[dreg:$0x2] =	wrdreg s24  }
0xaf: {  	[dreg:$0x3] =	wrdreg $0x120000  }
0xb0: {  	[dreg:$0x4] =	wrdreg $0x9  }
0xb1: {  	_ =	task.clear_ibuf [dreg:s6], $0x5FFFF;
	_ =	strace $0x9000004C  }
0xb2: {  	s29 =	simm.s32 $0x9;
	_ =	strace $0x8000004E  }
0xb3: {  	_ =	swait.ge [sflag:s29], $0x1  }
0xb4: {  	[sflag:s29] =	ssyncadd.s32 $0xFFFFFFFF  }
0xb5: {  	_ =	strace $0x9000004E  }
0xb6: {  	_ =	sfence  }
0xb7: {  	s30 =	sld [smem:$0x0];
	_ =	sdelay $0x2  }
0xb8: {  	s31 =	sshll.u32 s1, $0xD;
	s1 =	sshrl.u32 s1, $0x2  }
0xb9: {  	s3 =	sand.u32 $0x4000, s31;
	s1 =	sadd.s32 s1, s30  }
0xba: {  	s0 =	sor.u32 s3, s0;
	s1 =	sshll.u32 s1, $0x11  }
0xbb: {  	s0 =	sor.u32 s1, s0  }
0xbc: {  	s0 =	sadd.s32 $0x8F2B, s0  }
0xbd: {  	[sflag:s0] =	ssyncadd.remote.s32 $0x1  }
0xbe: {  	_ =	sfence.sel $0xFFFF  }
0xbf: {  	[dreg:$0x0] =	wrdreg $0xFFFFFFFF;
	(pc) =	sbr.abs _section_cstart, $3  }
0xc0: {  	[dreg:$0x1] =	wrdreg $0xFFFFFFFF  }
0xc1: {  	_ =	task.clear_ibuf [dreg:s6], $0x2FFFF;
	_ =	strace $0x9FFFFFFF  }
0xc2: {  	(tm) =	ssettm $0x7FFFFFFF  }
0xc3: {  	_ =	shalt  }
tec
execute0_lowered:
.L_overlay_start_1:
0x0: {  	(tag) =	ssettag $0x1  }
0x1: {  	s7 =	rddreg [dreg:$0x0]  }
0x2: {  	s0 =	stileid.u32;
	s1 =	srdreg.scid  }
0x3: {  	s2 =	rddreg [dreg:$0x1];
	s3 =	simm.s32 $0x0;
	s17 =	simm.s32 $0x5000  }
0x4: {  	s18 =	simm.s32 $0xA000;
	s19 =	simm.s32 $0x80;
	s20 =	simm.s32 $0xE000  }
0x5: {  	s21 =	simm.s32 $0x1;
	s22 =	simm.s32 $0x2;
	s24 =	simm.s32 $0x0  }
0x6: {  	s6 =	smul.u32 $0xA00, s0;
	s16 =	sand.u32 $0x1, s1;
	s1 =	rddreg [dreg:$0x2]  }
0x7: {  	[smem:$0x7FF] =	sst s3;
	s9 =	smul.u32 $0xA400, s0;
	s4 =	sadd.s32 $0x63400, s7  }
0x8: {  	s5 =	sadd.s32 $0x8A600, s7;
	s29 =	smul.u32 $0x29000, s0;
	s23 =	sshll.u32 s0, $0x6  }
0x9: {  	s8 =	smul.u32 $0x148000, s16;
	_ =	strace $0x8000004D;
	s10 =	ssub.s32 $0x2, s16  }
0xa: {  	p0 =	sne.s32 s16, $0x0;
	s16 =	simm.s32 $0x3;
	s23 =	sor.u32 $0x1C03, s23  }
0xb: {  	s13 =	sadd.s32 s6, s7;
	s6 =	sadd.s32 $0x1B400, s7;
	s30 =	sshrl.u32 s10, $0x1  }
.Ltmp0:
0xc: {  	s31 =	sshrl.u32 s29, $0x2;
	s8 =	sadd.s32 s9, s8;
	(pc) =	sbr.rel .LBB2_1-.Ltmp0, $4  }
0xd: {  	s15 =	ssub.s32 s10, s30;
	s9 =	sadd.s32 $0x45400, s13;
	s8 =	sshrl.u32 s8, $0x3  }
0xe: {  	s15 =	smax.u32 s15, $0x1;
	s14 =	sadd.s32 s8, s7;
	s8 =	sadd.s32 s31, s2  }
0xf: {  	s7 =	sadd.s32 $0x59400, s13;
	s13 =	sadd.s32 $0x4F400, s13;
	s10 =	sadd.s32 $0x4000, s8  }
0x10: {  	s11 =	sadd.s32 $0x8000, s8;
	s12 =	sadd.s32 $0xB1800, s14;
	s14 =	sadd.s32 $0xC6000, s14  }
.LBB2_14:
0x11: {  	s26 =	sshra.s32 s26, $0x2;
	[sflag:s16] =	ssyncadd.s32 $0xFFFFC000  }
0x12: {  	[tilespmem:s18], [sflag:$0x1] =	stream.indirect.gather [hbm4b:s5+s19], $0x80, s26, s19, $0xb8;
	[tilespmem:$0x1C400] =	vst v63  }
0x13: {  	s28 =	sadd.s32 $0x80, s26  }
0x14: {  	[tilespmem:s20], [sflag:$0x2] =	stream.indirect.gather [hbm4b:s5+s19], $0x80, s28, s19, $0xb8;
	[tilespmem:$0x1C400] =	vst v63  }
0x15: {  	_ =	swait.ge [sflag:s21], $0x4000  }
0x16: {  	[sflag:s21] =	ssyncset.done $0x0  }
0x17: {  	s31 =	sadd.s32 $0x5000, s26;
	[sflag:s21] =	ssyncadd.s32 $0xFFFFC000  }
0x18: {  	[spmem:s2] =	stream.indirect.scatter.add.f32 [tilespmem:s18], [sflag:$0x3], $0x80, s31, s19, $0xb8;
	[tilespmem:$0x1C400] =	vst v63  }
0x19: {  	_ =	swait.ge [sflag:s16], $0x4000  }
0x1a: {  	[sflag:s16] =	ssyncset.done $0x0  }
0x1b: {  	[sflag:s16] =	ssyncadd.s32 $0xFFFFC000  }
0x1c: {  	_ =	swait.ge [sflag:s22], $0x4000  }
0x1d: {  	[sflag:s22] =	ssyncset.done $0x0  }
0x1e: {  	s26 =	sadd.s32 $0x5080, s26;
	[sflag:s22] =	ssyncadd.s32 $0xFFFFC000  }
0x1f: {  	[spmem:s2] =	stream.indirect.scatter.add.f32 [tilespmem:s20], [sflag:$0x3], $0x80, s26, s19, $0xb8;
	[tilespmem:$0x1C400] =	vst v63  }
0x20: {  	_ =	swait.ge [sflag:s16], $0x4000  }
0x21: {  	[sflag:s16] =	ssyncset.done $0x0  }
0x22: {  	[sflag:s16] =	ssyncadd.s32 $0xFFFFC000  }
.LBB2_15:
0x23: {  	s24 =	sadd.s32 $0x1, s24  }
0x24: {  	p1 =	sne.s32 s24, s15  }
.Ltmp1:
0x25: {  	[bflag:$0x0] =	sbarrier.arrive $0xFFFF;
	(pc) =	sbr.rel @!p1 .LBB2_16-.Ltmp1, $4  }
0x26: {  	[hbm:s14], [sflag:s23] =	dma.local [spmem:s25], $0x1480  }
0x27: {  	_ =	swait.ge [sflag:s16], $0x1480  }
0x28: {  	[sflag:s16] =	ssyncset.done $0x0  }
0x29: {  	[sflag:s16] =	ssyncadd.s32 $0xFFFFEB80  }
.LBB2_1:
0x2a: {  	[tilespmem:s3], [sflag:$0x3] =	stream.linear.gather [hbm4b:s7+s3], $0x4F00, $0x38;
	[tilespmem:$0x1C400] =	vst v63  }
0x2b: {  	_ =	swait.ge [sflag:s16], $0x4F00  }
0x2c: {  	[sflag:s16] =	ssyncset.done $0x0  }
0x2d: {  	[sflag:s16] =	ssyncadd.s32 $0xFFFFB100  }
0x2e: {  	[tilespmem:s17], [sflag:$0x3] =	stream.linear.gather [hbm4b:s9+s3], $0x4F00, $0x38;
	[tilespmem:$0x1C400] =	vst v63  }
0x2f: {  	_ =	swait.ge [sflag:s16], $0x4F00  }
0x30: {  	[sflag:s16] =	ssyncset.done $0x0  }
0x31: {  	[sflag:s16] =	ssyncadd.s32 $0xFFFFB100  }
0x32: {  	[tilespmem:s18], [sflag:$0x3] =	stream.linear.gather [hbm4b:s6+s3], $0x4000, $0x38;
	[tilespmem:$0x1C400] =	vst v63  }
0x33: {  	_ =	swait.ge [sflag:s16], $0x4000  }
0x34: {  	[sflag:s16] =	ssyncset.done $0x0  }
0x35: {  	[sflag:s16] =	ssyncadd.s32 $0xFFFFC000  }
0x36: {  	[spmem:s8] =	stream.linear.scatter [tilespmem:s18], [sflag:$0x3], $0x4000, $0x38;
	[tilespmem:$0x1C400] =	vst v63  }
0x37: {  	_ =	swait.ge [sflag:s16], $0x4000  }
0x38: {  	[sflag:s16] =	ssyncset.done $0x0  }
0x39: {  	[sflag:s16] =	ssyncadd.s32 $0xFFFFC000  }
0x3a: {  	[spmem:s10] =	stream.linear.scatter [tilespmem:s18], [sflag:$0x3], $0x4000, $0x38;
	[tilespmem:$0x1C400] =	vst v63  }
0x3b: {  	_ =	swait.ge [sflag:s16], $0x4000  }
0x3c: {  	[sflag:s16] =	ssyncset.done $0x0  }
0x3d: {  	[sflag:s16] =	ssyncadd.s32 $0xFFFFC000  }
0x3e: {  	[spmem:s11] =	stream.linear.scatter [tilespmem:s18], [sflag:$0x3], $0x2400, $0x38;
	[tilespmem:$0x1C400] =	vst v63  }
.Ltmp2:
0x3f: {  	_ =	swait.ge [sflag:s16], $0x2400;
	(pc) =	sbr.rel @p0 .LBB2_5-.Ltmp2, $4  }
0x40: {  	[sflag:s16] =	ssyncset.done $0x0  }
0x41: {  	[sflag:s16] =	ssyncadd.s32 $0xFFFFDC00  }
0x42: {  	[bflag:$0x0] =	sbarrier.arrive $0xFFFF  }
0x43: {  	s25 =	simm.s32 $0x0  }
0x44: {  	[tilespmem:s18], [sflag:$0x1] =	stream.indirect.gather [hbm4b:s4+s19], $0x80, s25, s19, $0xb8;
	[tilespmem:$0x1C400] =	vst v63  }
0x45: {  	s29 =	simm.s32 $0x80  }
0x46: {  	[tilespmem:s20], [sflag:$0x2] =	stream.indirect.gather [hbm4b:s4+s19], $0x80, s29, s19, $0xb8;
	[tilespmem:$0x1C400] =	vst v63  }
0x47: {  	_ =	swait.ge [sflag:s21], $0x4000  }
0x48: {  	[sflag:s21] =	ssyncset.done $0x0  }
0x49: {  	s30 =	simm.s32 $0x5000;
	[sflag:s21] =	ssyncadd.s32 $0xFFFFC000  }
0x4a: {  	[spmem:s2] =	stream.indirect.scatter.add.f32 [tilespmem:s18], [sflag:$0x3], $0x80, s30, s19, $0xb8;
	[tilespmem:$0x1C400] =	vst v63  }
0x4b: {  	_ =	swait.ge [sflag:s16], $0x4000  }
0x4c: {  	[sflag:s16] =	ssyncset.done $0x0  }
0x4d: {  	[sflag:s16] =	ssyncadd.s32 $0xFFFFC000  }
0x4e: {  	_ =	swait.ge [sflag:s22], $0x4000  }
0x4f: {  	[sflag:s22] =	ssyncset.done $0x0  }
0x50: {  	s31 =	simm.s32 $0x5080;
	[sflag:s22] =	ssyncadd.s32 $0xFFFFC000  }
0x51: {  	[spmem:s2] =	stream.indirect.scatter.add.f32 [tilespmem:s20], [sflag:$0x3], $0x80, s31, s19, $0xb8;
	[tilespmem:$0x1C400] =	vst v63  }
0x52: {  	_ =	swait.ge [sflag:s16], $0x4000  }
0x53: {  	s25 =	simm.s32 $0x400;
	s26 =	simm.s32 $0x800;
	[sflag:s16] =	ssyncset.done $0x0  }
.LBB2_3:
0x54: {  	s28 =	sshra.s32 s25, $0x2  }
0x55: {  	[sflag:s16] =	ssyncadd.s32 $0xFFFFC000;
	s25 =	smov.u32 s26;
	s29 =	sadd.s32 $0x400, s26  }
0x56: {  	[tilespmem:s18], [sflag:$0x1] =	stream.indirect.gather [hbm4b:s4+s19], $0x80, s28, s19, $0xb8;
	[tilespmem:$0x1C400] =	vst v63  }
0x57: {  	p1 =	seq.s32 s26, $0x13800;
	s26 =	sadd.s32 $0x80, s28  }
0x58: {  	[tilespmem:s20], [sflag:$0x2] =	stream.indirect.gather [hbm4b:s4+s19], $0x80, s26, s19, $0xb8;
	[tilespmem:$0x1C400] =	vst v63  }
0x59: {  	_ =	swait.ge [sflag:s21], $0x4000  }
0x5a: {  	[sflag:s21] =	ssyncset.done $0x0  }
0x5b: {  	s26 =	sadd.s32 $0x5000, s28;
	[sflag:s21] =	ssyncadd.s32 $0xFFFFC000  }
0x5c: {  	[spmem:s2] =	stream.indirect.scatter.add.f32 [tilespmem:s18], [sflag:$0x3], $0x80, s26, s19, $0xb8;
	[tilespmem:$0x1C400] =	vst v63  }
0x5d: {  	_ =	swait.ge [sflag:s16], $0x4000  }
0x5e: {  	[sflag:s16] =	ssyncset.done $0x0  }
0x5f: {  	[sflag:s16] =	ssyncadd.s32 $0xFFFFC000  }
0x60: {  	_ =	swait.ge [sflag:s22], $0x4000  }
.Ltmp3:
0x61: {  	[sflag:s22] =	ssyncset.done $0x0;
	(pc) =	sbr.rel @!p1 .LBB2_3-.Ltmp3, $4  }
0x62: {  	s26 =	sadd.s32 $0x5080, s28;
	[sflag:s22] =	ssyncadd.s32 $0xFFFFC000  }
0x63: {  	[spmem:s2] =	stream.indirect.scatter.add.f32 [tilespmem:s20], [sflag:$0x3], $0x80, s26, s19, $0xb8;
	[tilespmem:$0x1C400] =	vst v63  }
0x64: {  	_ =	swait.ge [sflag:s16], $0x4000  }
0x65: {  	s26 =	smov.u32 s29;
	[sflag:s16] =	ssyncset.done $0x0  }
0x66: {  	s25 =	sshra.s32 s25, $0x2;
	[sflag:s16] =	ssyncadd.s32 $0xFFFFC000  }
0x67: {  	[tilespmem:s18], [sflag:$0x1] =	stream.indirect.gather [hbm4b:s4+s19], $0x80, s25, s19, $0xb8;
	[tilespmem:$0x1C400] =	vst v63  }
0x68: {  	s26 =	sadd.s32 $0x80, s25  }
0x69: {  	[tilespmem:s20], [sflag:$0x2] =	stream.indirect.gather [hbm4b:s4+s19], $0x80, s26, s19, $0xb8;
	[tilespmem:$0x1C400] =	vst v63  }
0x6a: {  	_ =	swait.ge [sflag:s21], $0x4000  }
0x6b: {  	[sflag:s21] =	ssyncset.done $0x0  }
0x6c: {  	s31 =	sadd.s32 $0x5000, s25;
	[sflag:s21] =	ssyncadd.s32 $0xFFFFC000  }
0x6d: {  	[spmem:s2] =	stream.indirect.scatter.add.f32 [tilespmem:s18], [sflag:$0x3], $0x80, s31, s19, $0xb8;
	[tilespmem:$0x1C400] =	vst v63  }
0x6e: {  	_ =	swait.ge [sflag:s16], $0x4000  }
0x6f: {  	[sflag:s16] =	ssyncset.done $0x0  }
0x70: {  	[sflag:s16] =	ssyncadd.s32 $0xFFFFC000  }
0x71: {  	_ =	swait.ge [sflag:s22], $0x4000  }
0x72: {  	[sflag:s22] =	ssyncset.done $0x0  }
.Ltmp4:
0x73: {  	s25 =	sadd.s32 $0x5080, s25;
	[sflag:s22] =	ssyncadd.s32 $0xFFFFC000;
	(pc) =	sbr.rel .LBB2_8-.Ltmp4, $4  }
0x74: {  	[spmem:s2] =	stream.indirect.scatter.add.f32 [tilespmem:s20], [sflag:$0x3], $0x80, s25, s19, $0xb8;
	[tilespmem:$0x1C400] =	vst v63  }
0x75: {  	_ =	swait.ge [sflag:s16], $0x4000  }
0x76: {  	[sflag:s16] =	ssyncset.done $0x0  }
0x77: {  	[sflag:s16] =	ssyncadd.s32 $0xFFFFC000  }
.LBB2_5:
0x78: {  	[tilespmem:s18], [sflag:$0x1] =	stream.indirect.gather [hbm4b:s5+s19], $0x80, s25, s19, $0xb8;
	[tilespmem:$0x1C400] =	vst v63  }
0x79: {  	s29 =	simm.s32 $0x80  }
0x7a: {  	[tilespmem:s20], [sflag:$0x2] =	stream.indirect.gather [hbm4b:s5+s19], $0x80, s29, s19, $0xb8;
	[tilespmem:$0x1C400] =	vst v63  }
0x7b: {  	_ =	swait.ge [sflag:s21], $0x4000  }
0x7c: {  	[sflag:s21] =	ssyncset.done $0x0  }
0x7d: {  	s30 =	simm.s32 $0x5000;
	[sflag:s21] =	ssyncadd.s32 $0xFFFFC000  }
0x7e: {  	[spmem:s2] =	stream.indirect.scatter.add.f32 [tilespmem:s18], [sflag:$0x3], $0x80, s30, s19, $0xb8;
	[tilespmem:$0x1C400] =	vst v63  }
0x7f: {  	_ =	swait.ge [sflag:s16], $0x4000  }
0x80: {  	[sflag:s16] =	ssyncset.done $0x0  }
0x81: {  	[sflag:s16] =	ssyncadd.s32 $0xFFFFC000  }
0x82: {  	_ =	swait.ge [sflag:s22], $0x4000  }
0x83: {  	[sflag:s22] =	ssyncset.done $0x0  }
0x84: {  	s31 =	simm.s32 $0x5080;
	[sflag:s22] =	ssyncadd.s32 $0xFFFFC000  }
0x85: {  	[spmem:s2] =	stream.indirect.scatter.add.f32 [tilespmem:s20], [sflag:$0x3], $0x80, s31, s19, $0xb8;
	[tilespmem:$0x1C400] =	vst v63  }
0x86: {  	_ =	swait.ge [sflag:s16], $0x4000  }
0x87: {  	s25 =	simm.s32 $0x400;
	s26 =	simm.s32 $0x800;
	[sflag:s16] =	ssyncset.done $0x0  }
.LBB2_6:
0x88: {  	s28 =	sshra.s32 s25, $0x2  }
0x89: {  	[sflag:s16] =	ssyncadd.s32 $0xFFFFC000;
	s25 =	smov.u32 s26;
	s29 =	sadd.s32 $0x400, s26  }
0x8a: {  	[tilespmem:s18], [sflag:$0x1] =	stream.indirect.gather [hbm4b:s5+s19], $0x80, s28, s19, $0xb8;
	[tilespmem:$0x1C400] =	vst v63  }
0x8b: {  	p1 =	sne.s32 s26, $0x13800;
	s26 =	sadd.s32 $0x80, s28  }
0x8c: {  	[tilespmem:s20], [sflag:$0x2] =	stream.indirect.gather [hbm4b:s5+s19], $0x80, s26, s19, $0xb8;
	[tilespmem:$0x1C400] =	vst v63  }
0x8d: {  	_ =	swait.ge [sflag:s21], $0x4000  }
0x8e: {  	[sflag:s21] =	ssyncset.done $0x0  }
0x8f: {  	s26 =	sadd.s32 $0x5000, s28;
	[sflag:s21] =	ssyncadd.s32 $0xFFFFC000  }
0x90: {  	[spmem:s2] =	stream.indirect.scatter.add.f32 [tilespmem:s18], [sflag:$0x3], $0x80, s26, s19, $0xb8;
	[tilespmem:$0x1C400] =	vst v63  }
0x91: {  	_ =	swait.ge [sflag:s16], $0x4000  }
0x92: {  	[sflag:s16] =	ssyncset.done $0x0  }
0x93: {  	[sflag:s16] =	ssyncadd.s32 $0xFFFFC000  }
0x94: {  	_ =	swait.ge [sflag:s22], $0x4000  }
.Ltmp5:
0x95: {  	[sflag:s22] =	ssyncset.done $0x0;
	(pc) =	sbr.rel @p1 .LBB2_6-.Ltmp5, $4  }
0x96: {  	s26 =	sadd.s32 $0x5080, s28;
	[sflag:s22] =	ssyncadd.s32 $0xFFFFC000  }
0x97: {  	[spmem:s2] =	stream.indirect.scatter.add.f32 [tilespmem:s20], [sflag:$0x3], $0x80, s26, s19, $0xb8;
	[tilespmem:$0x1C400] =	vst v63  }
0x98: {  	_ =	swait.ge [sflag:s16], $0x4000  }
0x99: {  	s26 =	smov.u32 s29;
	[sflag:s16] =	ssyncset.done $0x0  }
0x9a: {  	s25 =	sshra.s32 s25, $0x2;
	[sflag:s16] =	ssyncadd.s32 $0xFFFFC000  }
0x9b: {  	[tilespmem:s18], [sflag:$0x1] =	stream.indirect.gather [hbm4b:s5+s19], $0x80, s25, s19, $0xb8;
	[tilespmem:$0x1C400] =	vst v63  }
0x9c: {  	s26 =	sadd.s32 $0x80, s25  }
0x9d: {  	[tilespmem:s20], [sflag:$0x2] =	stream.indirect.gather [hbm4b:s5+s19], $0x80, s26, s19, $0xb8;
	[tilespmem:$0x1C400] =	vst v63  }
0x9e: {  	_ =	swait.ge [sflag:s21], $0x4000  }
0x9f: {  	[sflag:s21] =	ssyncset.done $0x0  }
0xa0: {  	s31 =	sadd.s32 $0x5000, s25;
	[sflag:s21] =	ssyncadd.s32 $0xFFFFC000  }
0xa1: {  	[spmem:s2] =	stream.indirect.scatter.add.f32 [tilespmem:s18], [sflag:$0x3], $0x80, s31, s19, $0xb8;
	[tilespmem:$0x1C400] =	vst v63  }
0xa2: {  	_ =	swait.ge [sflag:s16], $0x4000  }
0xa3: {  	[sflag:s16] =	ssyncset.done $0x0  }
0xa4: {  	[sflag:s16] =	ssyncadd.s32 $0xFFFFC000  }
0xa5: {  	_ =	swait.ge [sflag:s22], $0x4000  }
0xa6: {  	[sflag:s22] =	ssyncset.done $0x0  }
0xa7: {  	s25 =	sadd.s32 $0x5080, s25;
	[sflag:s22] =	ssyncadd.s32 $0xFFFFC000  }
0xa8: {  	[spmem:s2] =	stream.indirect.scatter.add.f32 [tilespmem:s20], [sflag:$0x3], $0x80, s25, s19, $0xb8;
	[tilespmem:$0x1C400] =	vst v63  }
0xa9: {  	_ =	swait.ge [sflag:s16], $0x4000  }
0xaa: {  	[sflag:s16] =	ssyncset.done $0x0  }
0xab: {  	[sflag:s16] =	ssyncadd.s32 $0xFFFFC000  }
.LBB2_8:
0xac: {  	[bflag:$0x0] =	sbarrier.arrive $0xFFFF;
	s25 =	sshrl.u32 s8, $0x3  }
0xad: {  	[hbm:s12], [sflag:s23] =	dma.local [spmem:s25], $0x1480  }
0xae: {  	_ =	swait.ge [sflag:s16], $0x1480  }
0xaf: {  	[sflag:s16] =	ssyncset.done $0x0  }
0xb0: {  	s26 =	simm.s32 $0x0;
	[sflag:s16] =	ssyncadd.s32 $0xFFFFEB80  }
0xb1: {  	[tilespmem:s17], [sflag:$0x3] =	stream.linear.gather [hbm4b:s13+s26], $0x4F00, $0x38;
	[tilespmem:$0x1C400] =	vst v63  }
0xb2: {  	_ =	swait.ge [sflag:s16], $0x4F00  }
0xb3: {  	[sflag:s16] =	ssyncset.done $0x0  }
0xb4: {  	[sflag:s16] =	ssyncadd.s32 $0xFFFFB100  }
0xb5: {  	[tilespmem:s18], [sflag:$0x3] =	stream.linear.gather [hbm4b:s6+s26], $0x4000, $0x38;
	[tilespmem:$0x1C400] =	vst v63  }
0xb6: {  	_ =	swait.ge [sflag:s16], $0x4000  }
0xb7: {  	[sflag:s16] =	ssyncset.done $0x0  }
0xb8: {  	[sflag:s16] =	ssyncadd.s32 $0xFFFFC000  }
0xb9: {  	[spmem:s8] =	stream.linear.scatter [tilespmem:s18], [sflag:$0x3], $0x4000, $0x38;
	[tilespmem:$0x1C400] =	vst v63  }
0xba: {  	_ =	swait.ge [sflag:s16], $0x4000  }
0xbb: {  	[sflag:s16] =	ssyncset.done $0x0  }
0xbc: {  	[sflag:s16] =	ssyncadd.s32 $0xFFFFC000  }
0xbd: {  	[spmem:s10] =	stream.linear.scatter [tilespmem:s18], [sflag:$0x3], $0x4000, $0x38;
	[tilespmem:$0x1C400] =	vst v63  }
0xbe: {  	_ =	swait.ge [sflag:s16], $0x4000  }
0xbf: {  	[sflag:s16] =	ssyncset.done $0x0  }
0xc0: {  	[sflag:s16] =	ssyncadd.s32 $0xFFFFC000  }
0xc1: {  	[spmem:s11] =	stream.linear.scatter [tilespmem:s18], [sflag:$0x3], $0x2400, $0x38;
	[tilespmem:$0x1C400] =	vst v63  }
.Ltmp6:
0xc2: {  	_ =	swait.ge [sflag:s16], $0x2400;
	(pc) =	sbr.rel @p0 .LBB2_12-.Ltmp6, $4  }
0xc3: {  	[sflag:s16] =	ssyncset.done $0x0  }
0xc4: {  	[sflag:s16] =	ssyncadd.s32 $0xFFFFDC00  }
0xc5: {  	[bflag:$0x0] =	sbarrier.arrive $0xFFFF  }
0xc6: {  	s26 =	simm.s32 $0x0  }
0xc7: {  	[tilespmem:s18], [sflag:$0x1] =	stream.indirect.gather [hbm4b:s4+s19], $0x80, s26, s19, $0xb8;
	[tilespmem:$0x1C400] =	vst v63  }
0xc8: {  	s29 =	simm.s32 $0x80  }
0xc9: {  	[tilespmem:s20], [sflag:$0x2] =	stream.indirect.gather [hbm4b:s4+s19], $0x80, s29, s19, $0xb8;
	[tilespmem:$0x1C400] =	vst v63  }
0xca: {  	_ =	swait.ge [sflag:s21], $0x4000  }
0xcb: {  	[sflag:s21] =	ssyncset.done $0x0  }
0xcc: {  	s30 =	simm.s32 $0x5000;
	[sflag:s21] =	ssyncadd.s32 $0xFFFFC000  }
0xcd: {  	[spmem:s2] =	stream.indirect.scatter.add.f32 [tilespmem:s18], [sflag:$0x3], $0x80, s30, s19, $0xb8;
	[tilespmem:$0x1C400] =	vst v63  }
0xce: {  	_ =	swait.ge [sflag:s16], $0x4000  }
0xcf: {  	[sflag:s16] =	ssyncset.done $0x0  }
0xd0: {  	[sflag:s16] =	ssyncadd.s32 $0xFFFFC000  }
0xd1: {  	_ =	swait.ge [sflag:s22], $0x4000  }
0xd2: {  	[sflag:s22] =	ssyncset.done $0x0  }
0xd3: {  	s31 =	simm.s32 $0x5080;
	[sflag:s22] =	ssyncadd.s32 $0xFFFFC000  }
0xd4: {  	[spmem:s2] =	stream.indirect.scatter.add.f32 [tilespmem:s20], [sflag:$0x3], $0x80, s31, s19, $0xb8;
	[tilespmem:$0x1C400] =	vst v63  }
0xd5: {  	_ =	swait.ge [sflag:s16], $0x4000  }
0xd6: {  	s26 =	simm.s32 $0x400;
	s28 =	simm.s32 $0x800;
	[sflag:s16] =	ssyncset.done $0x0  }
.LBB2_10:
0xd7: {  	s29 =	sshra.s32 s26, $0x2  }
0xd8: {  	[sflag:s16] =	ssyncadd.s32 $0xFFFFC000;
	s26 =	smov.u32 s28;
	s30 =	sadd.s32 $0x400, s28  }
0xd9: {  	[tilespmem:s18], [sflag:$0x1] =	stream.indirect.gather [hbm4b:s4+s19], $0x80, s29, s19, $0xb8;
	[tilespmem:$0x1C400] =	vst v63  }
0xda: {  	p1 =	seq.s32 s28, $0x13800;
	s28 =	sadd.s32 $0x80, s29  }
0xdb: {  	[tilespmem:s20], [sflag:$0x2] =	stream.indirect.gather [hbm4b:s4+s19], $0x80, s28, s19, $0xb8;
	[tilespmem:$0x1C400] =	vst v63  }
0xdc: {  	_ =	swait.ge [sflag:s21], $0x4000  }
0xdd: {  	[sflag:s21] =	ssyncset.done $0x0  }
0xde: {  	s28 =	sadd.s32 $0x5000, s29;
	[sflag:s21] =	ssyncadd.s32 $0xFFFFC000  }
0xdf: {  	[spmem:s2] =	stream.indirect.scatter.add.f32 [tilespmem:s18], [sflag:$0x3], $0x80, s28, s19, $0xb8;
	[tilespmem:$0x1C400] =	vst v63  }
0xe0: {  	_ =	swait.ge [sflag:s16], $0x4000  }
0xe1: {  	[sflag:s16] =	ssyncset.done $0x0  }
0xe2: {  	[sflag:s16] =	ssyncadd.s32 $0xFFFFC000  }
0xe3: {  	_ =	swait.ge [sflag:s22], $0x4000  }
.Ltmp7:
0xe4: {  	[sflag:s22] =	ssyncset.done $0x0;
	(pc) =	sbr.rel @!p1 .LBB2_10-.Ltmp7, $4  }
0xe5: {  	s28 =	sadd.s32 $0x5080, s29;
	[sflag:s22] =	ssyncadd.s32 $0xFFFFC000  }
0xe6: {  	[spmem:s2] =	stream.indirect.scatter.add.f32 [tilespmem:s20], [sflag:$0x3], $0x80, s28, s19, $0xb8;
	[tilespmem:$0x1C400] =	vst v63  }
0xe7: {  	_ =	swait.ge [sflag:s16], $0x4000  }
0xe8: {  	s28 =	smov.u32 s30;
	[sflag:s16] =	ssyncset.done $0x0  }
0xe9: {  	s26 =	sshra.s32 s26, $0x2;
	[sflag:s16] =	ssyncadd.s32 $0xFFFFC000  }
0xea: {  	[tilespmem:s18], [sflag:$0x1] =	stream.indirect.gather [hbm4b:s4+s19], $0x80, s26, s19, $0xb8;
	[tilespmem:$0x1C400] =	vst v63  }
0xeb: {  	s28 =	sadd.s32 $0x80, s26  }
0xec: {  	[tilespmem:s20], [sflag:$0x2] =	stream.indirect.gather [hbm4b:s4+s19], $0x80, s28, s19, $0xb8;
	[tilespmem:$0x1C400] =	vst v63  }
0xed: {  	_ =	swait.ge [sflag:s21], $0x4000  }
0xee: {  	[sflag:s21] =	ssyncset.done $0x0  }
0xef: {  	s31 =	sadd.s32 $0x5000, s26;
	[sflag:s21] =	ssyncadd.s32 $0xFFFFC000  }
0xf0: {  	[spmem:s2] =	stream.indirect.scatter.add.f32 [tilespmem:s18], [sflag:$0x3], $0x80, s31, s19, $0xb8;
	[tilespmem:$0x1C400] =	vst v63  }
0xf1: {  	_ =	swait.ge [sflag:s16], $0x4000  }
0xf2: {  	[sflag:s16] =	ssyncset.done $0x0  }
0xf3: {  	[sflag:s16] =	ssyncadd.s32 $0xFFFFC000  }
0xf4: {  	_ =	swait.ge [sflag:s22], $0x4000  }
0xf5: {  	[sflag:s22] =	ssyncset.done $0x0  }
.Ltmp8:
0xf6: {  	s26 =	sadd.s32 $0x5080, s26;
	[sflag:s22] =	ssyncadd.s32 $0xFFFFC000;
	(pc) =	sbr.rel .LBB2_15-.Ltmp8, $4  }
0xf7: {  	[spmem:s2] =	stream.indirect.scatter.add.f32 [tilespmem:s20], [sflag:$0x3], $0x80, s26, s19, $0xb8;
	[tilespmem:$0x1C400] =	vst v63  }
0xf8: {  	_ =	swait.ge [sflag:s16], $0x4000  }
0xf9: {  	[sflag:s16] =	ssyncset.done $0x0  }
0xfa: {  	[sflag:s16] =	ssyncadd.s32 $0xFFFFC000  }
.LBB2_12:
0xfb: {  	[tilespmem:s18], [sflag:$0x1] =	stream.indirect.gather [hbm4b:s5+s19], $0x80, s26, s19, $0xb8;
	[tilespmem:$0x1C400] =	vst v63  }
0xfc: {  	s29 =	simm.s32 $0x80  }
0xfd: {  	[tilespmem:s20], [sflag:$0x2] =	stream.indirect.gather [hbm4b:s5+s19], $0x80, s29, s19, $0xb8;
	[tilespmem:$0x1C400] =	vst v63  }
0xfe: {  	_ =	swait.ge [sflag:s21], $0x4000  }
0xff: {  	[sflag:s21] =	ssyncset.done $0x0  }
0x100: {  	s30 =	simm.s32 $0x5000;
	[sflag:s21] =	ssyncadd.s32 $0xFFFFC000  }
0x101: {  	[spmem:s2] =	stream.indirect.scatter.add.f32 [tilespmem:s18], [sflag:$0x3], $0x80, s30, s19, $0xb8;
	[tilespmem:$0x1C400] =	vst v63  }
0x102: {  	_ =	swait.ge [sflag:s16], $0x4000  }
0x103: {  	[sflag:s16] =	ssyncset.done $0x0  }
0x104: {  	[sflag:s16] =	ssyncadd.s32 $0xFFFFC000  }
0x105: {  	_ =	swait.ge [sflag:s22], $0x4000  }
0x106: {  	[sflag:s22] =	ssyncset.done $0x0  }
0x107: {  	s31 =	simm.s32 $0x5080;
	[sflag:s22] =	ssyncadd.s32 $0xFFFFC000  }
0x108: {  	[spmem:s2] =	stream.indirect.scatter.add.f32 [tilespmem:s20], [sflag:$0x3], $0x80, s31, s19, $0xb8;
	[tilespmem:$0x1C400] =	vst v63  }
0x109: {  	_ =	swait.ge [sflag:s16], $0x4000  }
0x10a: {  	s26 =	simm.s32 $0x400;
	s28 =	simm.s32 $0x800;
	[sflag:s16] =	ssyncset.done $0x0  }
.LBB2_13:
0x10b: {  	s29 =	sshra.s32 s26, $0x2  }
0x10c: {  	[sflag:s16] =	ssyncadd.s32 $0xFFFFC000;
	s26 =	smov.u32 s28;
	s30 =	sadd.s32 $0x400, s28  }
0x10d: {  	[tilespmem:s18], [sflag:$0x1] =	stream.indirect.gather [hbm4b:s5+s19], $0x80, s29, s19, $0xb8;
	[tilespmem:$0x1C400] =	vst v63  }
0x10e: {  	p1 =	sne.s32 s28, $0x13800;
	s28 =	sadd.s32 $0x80, s29  }
0x10f: {  	[tilespmem:s20], [sflag:$0x2] =	stream.indirect.gather [hbm4b:s5+s19], $0x80, s28, s19, $0xb8;
	[tilespmem:$0x1C400] =	vst v63  }
0x110: {  	_ =	swait.ge [sflag:s21], $0x4000  }
0x111: {  	[sflag:s21] =	ssyncset.done $0x0  }
0x112: {  	s28 =	sadd.s32 $0x5000, s29;
	[sflag:s21] =	ssyncadd.s32 $0xFFFFC000  }
0x113: {  	[spmem:s2] =	stream.indirect.scatter.add.f32 [tilespmem:s18], [sflag:$0x3], $0x80, s28, s19, $0xb8;
	[tilespmem:$0x1C400] =	vst v63  }
0x114: {  	_ =	swait.ge [sflag:s16], $0x4000  }
0x115: {  	[sflag:s16] =	ssyncset.done $0x0  }
0x116: {  	[sflag:s16] =	ssyncadd.s32 $0xFFFFC000  }
0x117: {  	_ =	swait.ge [sflag:s22], $0x4000  }
.Ltmp9:
0x118: {  	[sflag:s22] =	ssyncset.done $0x0;
	(pc) =	sbr.rel @p1 .LBB2_13-.Ltmp9, $4  }
0x119: {  	s28 =	sadd.s32 $0x5080, s29;
	[sflag:s22] =	ssyncadd.s32 $0xFFFFC000  }
0x11a: {  	[spmem:s2] =	stream.indirect.scatter.add.f32 [tilespmem:s20], [sflag:$0x3], $0x80, s28, s19, $0xb8;
	[tilespmem:$0x1C400] =	vst v63  }
0x11b: {  	_ =	swait.ge [sflag:s16], $0x4000  }
0x11c: {  	s28 =	smov.u32 s30;
	[sflag:s16] =	ssyncset.done $0x0  }
.Ltmp10:
0x11d: {  	_ = 	snop;
	(pc) =	sbr.rel .LBB2_14-.Ltmp10, $1  }
0x11e: {  	_ =	sdelay $0x3  }
.LBB2_16:
0x11f: {  	_ =	sfence.sel $0x180000  }
0x120: {  	[bflag:$0x0] =	sbarrier.arrive $0xFFFF  }
0x121: {  	p0 =	sne.s32 s0, $0x0;
	_ =	strace $0x9000004D  }
0x122: {  	s0 =	sadd.s32 @!p0 $0x100000, s1;
	[bflag:$0x2] =	sbarrier.arrive $0xFFFF  }
0x123: {  	[sflag:s0] =	ssyncadd.tile.s32 @!p0 $0x1;
	_ =	shalt  }
.Lfunc_end2:
_tile_overlayer_lowered:
.L_overlay_start_2:
0x124: {  	(tag) =	ssettag $0x2  }
0x125: {  	s0 =	rddreg [dreg:$0x0];
	s2 =	stileid.u32  }
0x126: {  	s1 =	rddreg [dreg:$0x1];
	p0 =	sne.s32 s2, $0x0  }
0x127: {  	s3 =	rddreg [dreg:$0x2];
	[bflag:$0x3] =	sbarrier.arrive $0xFFFF;
	s2 =	simm.s32 @!p0 $0x1C03  }
0x128: {  	[timem:s3], [sflag:s2] =	dma.local @!p0 [hbm:s0], s1  }
0x129: {  	s0 =	simm.s32 @!p0 $0x3  }
0x12a: {  	_ =	swait.ge @!p0 [sflag:s0], s1  }
0x12b: {  	s1 =	ssub.s32 @!p0 $0x0, s1;
	[sflag:s0] =	ssyncset.done @!p0 $0x0  }
0x12c: {  	[sflag:s0] =	ssyncadd.s32 @!p0 s1  }
0x12d: {  	[bflag:$0x3] =	sbarrier.arrive $0xFFFF  }
0x12e: {  	_ =	shalt  }

// kernel: kernel.20.cloned.1.call-start
scs
__scs_entry_jumppad:
0x0: {  	(pc) =	sbr.rel $0x88, $3  }
0x1: {  	(tag) =	ssettag $0x0;
	lr =	simm.s32 $0x1  }
0x2: {  	[smem:$0x3F8F] =	sst lr;
	_ =	strace $0xD0000000  }
0x3: {  	_ = 	snop  }
0x4: {  	_ = 	snop  }
0x5: {  	_ = 	snop  }
0x6: {  	_ = 	snop  }
0x7: {  	_ = 	snop  }
__scs_overlays_trampoline_lowered:
0x8: {  	[smem:$0x3F9E] =	sst s0  }
0x9: {  	[smem:$0x3F9F] =	sst s1  }
0xa: {  	[smem:$0x3FA0] =	sst s2  }
0xb: {  	[smem:$0x3FA1] =	sst s3  }
0xc: {  	[smem:$0x3FA2] =	sst s4  }
0xd: {  	[smem:$0x3FA3] =	sst s5  }
0xe: {  	[smem:$0x3FA4] =	sst s6  }
0xf: {  	[smem:$0x3FA5] =	sst s7  }
0x10: {  	[smem:$0x3FA6] =	sst s8  }
0x11: {  	[smem:$0x3FA7] =	sst s9;
	s0 =	simm.s32 @!p0 $0x0  }
0x12: {  	s1 =	sld [smem:$0x3F8D];
	s0 =	simm.s32 @p0 $0x1  }
0x13: {  	[smem:$0x3FA8] =	sst s0;
	s0 =	simm.s32 @!p1 $0x0  }
0x14: {  	s2 =	sld [smem:$0x3F8C];
	s0 =	simm.s32 @p1 $0x1  }
0x15: {  	[smem:$0x3FA9] =	sst s0;
	s0 =	simm.s32 @!p2 $0x0  }
0x16: {  	s3 =	sld [smem:$0x3FDB];
	s0 =	simm.s32 @p2 $0x1  }
0x17: {  	s4 =	simm.s32 $0x1BF5;
	[smem:$0x3FAB] =	sst s0  }
0x18: {  	s0 =	sld [smem:$0x3F8E];
	_ =	swait.ge [sflag:s4], $0x0  }
0x19: {  	s7 =	sld [smem:$0x3F8F]  }
0x1a: {  	s8 =	sadd.s32 $0xFFFFE003, lr  }
0x1b: {  	s9 =	sadd.s32 $0xFFFFFEF7, lr;
	s5 =	simm.s32 $0xFFFFFFFF;
	p2 =	slt.u32 s8, $0xFFFFF086  }
0x1c: {  	p1 =	slt.u32 s9, $0xF7A;
	s5 =	simm.s32 @!p2 $0x0  }
0x1d: {  	s5 =	simm.s32 @p1 $0x1;
	p0 =	seq.s32 s7, s2  }
0x1e: {  	s7 =	smul.u32 @!p0 $0xF7A, s2;
	p2 =	seq.s32 @!p0 s5, $0x0  }
0x1f: {  	s9 =	smul.u32 $0xF7A, s1;
	s8 =	simm.s32 @!p0 $0x1BF5;
	p2 =	por !p2, p0  }
0x20: {  	[sflag:s8] =	ssyncset.s32 @!p0 $0xFFFFF086;
	s6 =	sadd.s32 @!p0 s3, s7;
	s7 =	simm.s32 @!p0 $0x108  }
0x21: {  	s3 =	sadd.s32 s3, s9;
	s6 =	sadd.s32 @!p0 $0x88, s6;
	s7 =	simm.s32 @p2 $0x1082  }
0x22: {  	[simem:s7], [sflag:s8] =	dma.local @!p0 [hbm:s6], $0xF7A  }
0x23: {  	s9 =	sor.u32 $0xD0000000, s2;
	s6 =	simm.s32 $0x108;
	_ =	swait.ge @!p0 [sflag:s8], $0x0  }
0x24: {  	s3 =	sadd.s32 $0x88, s3;
	s6 =	simm.s32 @!p1 $0x1082;
	[sflag:s4] =	ssyncset.s32 $0xFFFFF086  }
0x25: {  	[simem:s6], [sflag:s4] =	dma.local [hbm:s3], $0xF7A  }
0x26: {  	[smem:$0x3F8F] =	sst s1;
	(tag) =	ssettag s2;
	_ =	strace s9  }
0x27: {  	s1 =	sld [smem:$0x3F9F]  }
0x28: {  	s2 =	sld [smem:$0x3FA0]  }
0x29: {  	s4 =	sld [smem:$0x3FA2]  }
0x2a: {  	p0 =	seq.s32 s5, $0x0;
	s5 =	sld [smem:$0x3FA3]  }
0x2b: {  	s6 =	sld [smem:$0x3FA4]  }
0x2c: {  	s7 =	sld [smem:$0x3FA5]  }
0x2d: {  	s3 =	simm.s32 $0x108;
	s8 =	sld [smem:$0x3FA6]  }
0x2e: {  	s3 =	simm.s32 @!p0 $0x1082;
	s9 =	sld [smem:$0x3FA7]  }
0x2f: {  	lr =	sadd.s32 s0, s3;
	s0 =	sld [smem:$0x3F9E]  }
0x30: {  	s3 =	sld [smem:$0x3FA1]  }
0x31: {  	[smem:$0x3FAA] =	sst s10  }
0x32: {  	s10 =	sld [smem:$0x3FA8];
	_ =	sdelay $0x3  }
0x33: {  	p0 =	seq.s32 s10, $0x1;
	s10 =	sld [smem:$0x3FAA];
	_ =	sdelay $0x3  }
0x34: {  	[smem:$0x3FAA] =	sst s10  }
0x35: {  	s10 =	sld [smem:$0x3FA9];
	_ =	sdelay $0x3  }
0x36: {  	p1 =	seq.s32 s10, $0x1;
	s10 =	sld [smem:$0x3FAA];
	_ =	sdelay $0x3  }
0x37: {  	[smem:$0x3FAA] =	sst s10  }
0x38: {  	s10 =	sld [smem:$0x3FAB]  }
0x39: {  	_ = 	snop;
	(pc) =	sbr.ind lr, $3  }
0x3a: {  	_ = 	snop  }
0x3b: {  	_ = 	snop  }
0x3c: {  	p2 =	seq.s32 s10, $0x1;
	s10 =	sld [smem:$0x3FAA]  }
0x3d: {  	_ =	shalt  }
0x3e: {  	_ =	shalt  }
0x3f: {  	_ =	shalt  }
0x40: {  	_ =	shalt  }
0x41: {  	_ =	shalt  }
0x42: {  	_ =	shalt  }
0x43: {  	_ =	shalt  }
0x44: {  	_ =	shalt  }
0x45: {  	_ =	shalt  }
0x46: {  	_ =	shalt  }
0x47: {  	_ =	shalt  }
0x48: {  	_ =	shalt  }
0x49: {  	_ =	shalt  }
0x4a: {  	_ =	shalt  }
0x4b: {  	_ =	shalt  }
0x4c: {  	_ =	shalt  }
0x4d: {  	_ =	shalt  }
0x4e: {  	_ =	shalt  }
0x4f: {  	_ =	shalt  }
0x50: {  	_ =	shalt  }
0x51: {  	_ =	shalt  }
0x52: {  	_ =	shalt  }
0x53: {  	_ =	shalt  }
0x54: {  	_ =	shalt  }
0x55: {  	_ =	shalt  }
0x56: {  	_ =	shalt  }
0x57: {  	_ =	shalt  }
0x58: {  	_ =	shalt  }
0x59: {  	_ =	shalt  }
0x5a: {  	_ =	shalt  }
0x5b: {  	_ =	shalt  }
0x5c: {  	_ =	shalt  }
0x5d: {  	_ =	shalt  }
0x5e: {  	_ =	shalt  }
0x5f: {  	_ =	shalt  }
0x60: {  	_ =	shalt  }
0x61: {  	_ =	shalt  }
0x62: {  	_ =	shalt  }
0x63: {  	_ =	shalt  }
0x64: {  	_ =	shalt  }
0x65: {  	_ =	shalt  }
0x66: {  	_ =	shalt  }
0x67: {  	_ =	shalt  }
0x68: {  	_ =	shalt  }
0x69: {  	_ =	shalt  }
0x6a: {  	_ =	shalt  }
0x6b: {  	_ =	shalt  }
0x6c: {  	_ =	shalt  }
0x6d: {  	_ =	shalt  }
0x6e: {  	_ =	shalt  }
0x6f: {  	_ =	shalt  }
0x70: {  	_ =	shalt  }
0x71: {  	_ =	shalt  }
0x72: {  	_ =	shalt  }
0x73: {  	_ =	shalt  }
0x74: {  	_ =	shalt  }
0x75: {  	_ =	shalt  }
0x76: {  	_ =	shalt  }
0x77: {  	_ =	shalt  }
0x78: {  	_ =	shalt  }
0x79: {  	_ =	shalt  }
0x7a: {  	_ =	shalt  }
0x7b: {  	_ =	shalt  }
0x7c: {  	_ =	shalt  }
0x7d: {  	_ =	shalt  }
0x7e: {  	_ =	shalt  }
0x7f: {  	_ =	shalt  }
0x80: {  	_ =	shalt  }
0x81: {  	_ =	shalt  }
0x82: {  	_ =	shalt  }
0x83: {  	_ =	shalt  }
0x84: {  	_ =	shalt  }
0x85: {  	_ =	shalt  }
0x86: {  	_ =	shalt  }
0x87: {  	_ =	shalt  }
.Lfunc_end0:
.L_simem_size_0:
called_computation.3_lowered:
.L_overlay_start_0:
0x88: {  	s2 =	sld [smem:$0x3FD9]  }
0x89: {  	s3 =	sld [smem:$0x3FFE];
	_ =	sdelay $0x1  }
0x8a: {  	s1 =	srdreg.scid  }
0x8b: {  	s0 =	sand.u32 $0x1, s1  }
0x8c: {  	s16 =	sshll.u32 s0, $0xA;
	s2 =	sadd.s32 s3, s2  }
0x8d: {  	s2 =	sadd.s32 s2, s16  }
0x8e: {  	[smem:$0x3FB6] =	sst s2  }
0x8f: {  	_ = 	snop  }
0x90: {  	(tm) =	ssettm $0x1  }
0x91: {  	s17 =	sld [smem:$0x3FFB];
	_ =	sdelay $0x3  }
0x92: {  	_ =	strace s17  }
0x93: {  	s2 =	sld [smem:$0x3FFC];
	_ =	sdelay $0x3  }
0x94: {  	_ =	strace s2  }
0x95: {  	s2 =	sld [smem:$0x3FFD];
	_ =	sdelay $0x3  }
0x96: {  	_ =	strace s2  }
0x97: {  	_ =	strace $0x8FFFFFFF  }
0x98: {  	s18 =	sld [smem:$0x3FDB];
	_ =	sdelay $0x1  }
0x99: {  	s19 =	simm.s32 $_scs_section_size  }
0x9a: {  	s4 =	simm.s32 $_size__tile_overlayer_lowered;
	s5 =	simm.s32 $_tile_overlayer_lowered  }
0x9b: {  	s22 =	simm.s32 $0x1BFF;
	s21 =	sshll.u32 s5, $0x1;
	s2 =	sadd.s32 s19, s18  }
0x9c: {  	s6 =	simm.s32 $0x0;
	s20 =	sshll.u32 s4, $0x1;
	s4 =	sadd.s32 s21, s2  }
0x9d: {  	[timem:s6], [sflag:s22] =	dma.local [hbm:s4], s20  }
0x9e: {  	_ =	swait.ge [sflag:s22], s20  }
0x9f: {  	s3 =	ssub.s32 $0x0, s20;
	[sflag:s22] =	ssyncset.done $0x0  }
0xa0: {  	[sflag:s22] =	ssyncadd.s32 s3;
	_ =	sdelay $0x1  }
0xa1: {  	s23 =	simm.s32 $0x1B8B  }
0xa2: {  	_ =	swait.ge [sflag:s23], $0x1  }
0xa3: {  	[sflag:s23] =	ssyncset.done $0x0  }
0xa4: {  	s25 =	simm.s32 $0x1B8E;
	s24 =	sld [smem:$0x3FFE];
	[sflag:s23] =	ssyncadd.s32 $0xFFFFFFFF  }
0xa5: {  	s26 =	simm.s32 $execute0_lowered;
	[smem:$0x3FD2] =	sst s25  }
0xa6: {  	s4 =	sshll.u32 s26, $0x1;
	_ =	strace $0x8000004F;
	[dreg:$0x1] =	wrdreg $0xFFFFFFFF  }
0xa7: {  	s28 =	simm.s32 $_size_execute0_lowered;
	s2 =	sadd.s32 s2, s4;
	[dreg:$0x0] =	wrdreg $0x0  }
0xa8: {  	s4 =	sshll.u32 s28, $0x1;
	[dreg:$0x2] =	wrdreg s2  }
0xa9: {  	[dreg:$0x3] =	wrdreg s4  }
0xaa: {  	[dreg:$0x4] =	wrdreg $0xC0  }
0xab: {  	_ =	task [dreg:s6], $0x5FFFF  }
0xac: {  	[dreg:$0x1] =	wrdreg $0xFFFFFFFF  }
0xad: {  	[dreg:$0x0] =	wrdreg $0x60  }
0xae: {  	[dreg:$0x2] =	wrdreg s24  }
0xaf: {  	[dreg:$0x3] =	wrdreg $0x120000  }
0xb0: {  	[dreg:$0x4] =	wrdreg $0x9  }
0xb1: {  	_ =	task.clear_ibuf [dreg:s6], $0x5FFFF;
	_ =	strace $0x9000004F  }
0xb2: {  	s29 =	simm.s32 $0x9;
	_ =	strace $0x80000051  }
0xb3: {  	_ =	swait.ge [sflag:s29], $0x1  }
0xb4: {  	[sflag:s29] =	ssyncadd.s32 $0xFFFFFFFF  }
0xb5: {  	_ =	strace $0x90000051  }
0xb6: {  	_ =	sfence  }
0xb7: {  	s30 =	sld [smem:$0x0];
	_ =	sdelay $0x2  }
0xb8: {  	s31 =	sshll.u32 s1, $0xD;
	s1 =	sshrl.u32 s1, $0x2  }
0xb9: {  	s3 =	sand.u32 $0x4000, s31;
	s1 =	sadd.s32 s1, s30  }
0xba: {  	s0 =	sor.u32 s3, s0;
	s1 =	sshll.u32 s1, $0x11  }
0xbb: {  	s0 =	sor.u32 s1, s0  }
0xbc: {  	s0 =	sadd.s32 $0x8F2B, s0  }
0xbd: {  	[sflag:s0] =	ssyncadd.remote.s32 $0x1  }
0xbe: {  	_ =	sfence.sel $0xFFFF  }
0xbf: {  	[dreg:$0x0] =	wrdreg $0xFFFFFFFF;
	(pc) =	sbr.abs _section_cstart, $3  }
0xc0: {  	[dreg:$0x1] =	wrdreg $0xFFFFFFFF  }
0xc1: {  	_ =	task.clear_ibuf [dreg:s6], $0x2FFFF;
	_ =	strace $0x9FFFFFFF  }
0xc2: {  	(tm) =	ssettm $0x7FFFFFFF  }
0xc3: {  	_ =	shalt  }
tec
execute0_lowered:
.L_overlay_start_1:
0x0: {  	(tag) =	ssettag $0x1  }
0x1: {  	s7 =	rddreg [dreg:$0x0]  }
0x2: {  	s0 =	stileid.u32;
	s1 =	srdreg.scid  }
0x3: {  	s2 =	rddreg [dreg:$0x1];
	s3 =	simm.s32 $0x0;
	s17 =	simm.s32 $0x5000  }
0x4: {  	s18 =	simm.s32 $0xA000;
	s19 =	simm.s32 $0x80;
	s20 =	simm.s32 $0xE000  }
0x5: {  	s21 =	simm.s32 $0x1;
	s22 =	simm.s32 $0x2;
	s24 =	simm.s32 $0x0  }
0x6: {  	s6 =	smul.u32 $0xA00, s0;
	s16 =	sand.u32 $0x1, s1;
	s1 =	rddreg [dreg:$0x2]  }
0x7: {  	[smem:$0x7FF] =	sst s3;
	s9 =	smul.u32 $0xA400, s0;
	s4 =	sadd.s32 $0x63400, s7  }
0x8: {  	s5 =	sadd.s32 $0x8A600, s7;
	s29 =	smul.u32 $0x29000, s0;
	s23 =	sshll.u32 s0, $0x6  }
0x9: {  	s8 =	smul.u32 $0x148000, s16;
	_ =	strace $0x80000050;
	s10 =	ssub.s32 $0x2, s16  }
0xa: {  	p0 =	sne.s32 s16, $0x0;
	s16 =	simm.s32 $0x3;
	s23 =	sor.u32 $0x1C03, s23  }
0xb: {  	s13 =	sadd.s32 s6, s7;
	s6 =	sadd.s32 $0x1B400, s7;
	s30 =	sshrl.u32 s10, $0x1  }
.Ltmp0:
0xc: {  	s31 =	sshrl.u32 s29, $0x2;
	s8 =	sadd.s32 s9, s8;
	(pc) =	sbr.rel .LBB2_1-.Ltmp0, $4  }
0xd: {  	s15 =	ssub.s32 s10, s30;
	s9 =	sadd.s32 $0x45400, s13;
	s8 =	sshrl.u32 s8, $0x3  }
0xe: {  	s15 =	smax.u32 s15, $0x1;
	s14 =	sadd.s32 s8, s7;
	s8 =	sadd.s32 s31, s2  }
0xf: {  	s7 =	sadd.s32 $0x59400, s13;
	s13 =	sadd.s32 $0x4F400, s13;
	s10 =	sadd.s32 $0x4000, s8  }
0x10: {  	s11 =	sadd.s32 $0x8000, s8;
	s12 =	sadd.s32 $0xB1800, s14;
	s14 =	sadd.s32 $0xC6000, s14  }
.LBB2_14:
0x11: {  	s26 =	sshra.s32 s26, $0x2;
	[sflag:s16] =	ssyncadd.s32 $0xFFFFC000  }
0x12: {  	[tilespmem:s18], [sflag:$0x1] =	stream.indirect.gather [hbm4b:s5+s19], $0x80, s26, s19, $0xb8;
	[tilespmem:$0x1C400] =	vst v63  }
0x13: {  	s28 =	sadd.s32 $0x80, s26  }
0x14: {  	[tilespmem:s20], [sflag:$0x2] =	stream.indirect.gather [hbm4b:s5+s19], $0x80, s28, s19, $0xb8;
	[tilespmem:$0x1C400] =	vst v63  }
0x15: {  	_ =	swait.ge [sflag:s21], $0x4000  }
0x16: {  	[sflag:s21] =	ssyncset.done $0x0  }
0x17: {  	s31 =	sadd.s32 $0x5000, s26;
	[sflag:s21] =	ssyncadd.s32 $0xFFFFC000  }
0x18: {  	[spmem:s2] =	stream.indirect.scatter.add.f32 [tilespmem:s18], [sflag:$0x3], $0x80, s31, s19, $0xb8;
	[tilespmem:$0x1C400] =	vst v63  }
0x19: {  	_ =	swait.ge [sflag:s16], $0x4000  }
0x1a: {  	[sflag:s16] =	ssyncset.done $0x0  }
0x1b: {  	[sflag:s16] =	ssyncadd.s32 $0xFFFFC000  }
0x1c: {  	_ =	swait.ge [sflag:s22], $0x4000  }
0x1d: {  	[sflag:s22] =	ssyncset.done $0x0  }
0x1e: {  	s26 =	sadd.s32 $0x5080, s26;
	[sflag:s22] =	ssyncadd.s32 $0xFFFFC000  }
0x1f: {  	[spmem:s2] =	stream.indirect.scatter.add.f32 [tilespmem:s20], [sflag:$0x3], $0x80, s26, s19, $0xb8;
	[tilespmem:$0x1C400] =	vst v63  }
0x20: {  	_ =	swait.ge [sflag:s16], $0x4000  }
0x21: {  	[sflag:s16] =	ssyncset.done $0x0  }
0x22: {  	[sflag:s16] =	ssyncadd.s32 $0xFFFFC000  }
.LBB2_15:
0x23: {  	s24 =	sadd.s32 $0x1, s24  }
0x24: {  	p1 =	sne.s32 s24, s15  }
.Ltmp1:
0x25: {  	[bflag:$0x0] =	sbarrier.arrive $0xFFFF;
	(pc) =	sbr.rel @!p1 .LBB2_16-.Ltmp1, $4  }
0x26: {  	[hbm:s14], [sflag:s23] =	dma.local [spmem:s25], $0x1480  }
0x27: {  	_ =	swait.ge [sflag:s16], $0x1480  }
0x28: {  	[sflag:s16] =	ssyncset.done $0x0  }
0x29: {  	[sflag:s16] =	ssyncadd.s32 $0xFFFFEB80  }
.LBB2_1:
0x2a: {  	[tilespmem:s3], [sflag:$0x3] =	stream.linear.gather [hbm4b:s7+s3], $0x4F00, $0x38;
	[tilespmem:$0x1C400] =	vst v63  }
0x2b: {  	_ =	swait.ge [sflag:s16], $0x4F00  }
0x2c: {  	[sflag:s16] =	ssyncset.done $0x0  }
0x2d: {  	[sflag:s16] =	ssyncadd.s32 $0xFFFFB100  }
0x2e: {  	[tilespmem:s17], [sflag:$0x3] =	stream.linear.gather [hbm4b:s9+s3], $0x4F00, $0x38;
	[tilespmem:$0x1C400] =	vst v63  }
0x2f: {  	_ =	swait.ge [sflag:s16], $0x4F00  }
0x30: {  	[sflag:s16] =	ssyncset.done $0x0  }
0x31: {  	[sflag:s16] =	ssyncadd.s32 $0xFFFFB100  }
0x32: {  	[tilespmem:s18], [sflag:$0x3] =	stream.linear.gather [hbm4b:s6+s3], $0x4000, $0x38;
	[tilespmem:$0x1C400] =	vst v63  }
0x33: {  	_ =	swait.ge [sflag:s16], $0x4000  }
0x34: {  	[sflag:s16] =	ssyncset.done $0x0  }
0x35: {  	[sflag:s16] =	ssyncadd.s32 $0xFFFFC000  }
0x36: {  	[spmem:s8] =	stream.linear.scatter [tilespmem:s18], [sflag:$0x3], $0x4000, $0x38;
	[tilespmem:$0x1C400] =	vst v63  }
0x37: {  	_ =	swait.ge [sflag:s16], $0x4000  }
0x38: {  	[sflag:s16] =	ssyncset.done $0x0  }
0x39: {  	[sflag:s16] =	ssyncadd.s32 $0xFFFFC000  }
0x3a: {  	[spmem:s10] =	stream.linear.scatter [tilespmem:s18], [sflag:$0x3], $0x4000, $0x38;
	[tilespmem:$0x1C400] =	vst v63  }
0x3b: {  	_ =	swait.ge [sflag:s16], $0x4000  }
0x3c: {  	[sflag:s16] =	ssyncset.done $0x0  }
0x3d: {  	[sflag:s16] =	ssyncadd.s32 $0xFFFFC000  }
0x3e: {  	[spmem:s11] =	stream.linear.scatter [tilespmem:s18], [sflag:$0x3], $0x2400, $0x38;
	[tilespmem:$0x1C400] =	vst v63  }
.Ltmp2:
0x3f: {  	_ =	swait.ge [sflag:s16], $0x2400;
	(pc) =	sbr.rel @p0 .LBB2_5-.Ltmp2, $4  }
0x40: {  	[sflag:s16] =	ssyncset.done $0x0  }
0x41: {  	[sflag:s16] =	ssyncadd.s32 $0xFFFFDC00  }
0x42: {  	[bflag:$0x0] =	sbarrier.arrive $0xFFFF  }
0x43: {  	s25 =	simm.s32 $0x0  }
0x44: {  	[tilespmem:s18], [sflag:$0x1] =	stream.indirect.gather [hbm4b:s4+s19], $0x80, s25, s19, $0xb8;
	[tilespmem:$0x1C400] =	vst v63  }
0x45: {  	s29 =	simm.s32 $0x80  }
0x46: {  	[tilespmem:s20], [sflag:$0x2] =	stream.indirect.gather [hbm4b:s4+s19], $0x80, s29, s19, $0xb8;
	[tilespmem:$0x1C400] =	vst v63  }
0x47: {  	_ =	swait.ge [sflag:s21], $0x4000  }
0x48: {  	[sflag:s21] =	ssyncset.done $0x0  }
0x49: {  	s30 =	simm.s32 $0x5000;
	[sflag:s21] =	ssyncadd.s32 $0xFFFFC000  }
0x4a: {  	[spmem:s2] =	stream.indirect.scatter.add.f32 [tilespmem:s18], [sflag:$0x3], $0x80, s30, s19, $0xb8;
	[tilespmem:$0x1C400] =	vst v63  }
0x4b: {  	_ =	swait.ge [sflag:s16], $0x4000  }
0x4c: {  	[sflag:s16] =	ssyncset.done $0x0  }
0x4d: {  	[sflag:s16] =	ssyncadd.s32 $0xFFFFC000  }
0x4e: {  	_ =	swait.ge [sflag:s22], $0x4000  }
0x4f: {  	[sflag:s22] =	ssyncset.done $0x0  }
0x50: {  	s31 =	simm.s32 $0x5080;
	[sflag:s22] =	ssyncadd.s32 $0xFFFFC000  }
0x51: {  	[spmem:s2] =	stream.indirect.scatter.add.f32 [tilespmem:s20], [sflag:$0x3], $0x80, s31, s19, $0xb8;
	[tilespmem:$0x1C400] =	vst v63  }
0x52: {  	_ =	swait.ge [sflag:s16], $0x4000  }
0x53: {  	s25 =	simm.s32 $0x400;
	s26 =	simm.s32 $0x800;
	[sflag:s16] =	ssyncset.done $0x0  }
.LBB2_3:
0x54: {  	s28 =	sshra.s32 s25, $0x2  }
0x55: {  	[sflag:s16] =	ssyncadd.s32 $0xFFFFC000;
	s25 =	smov.u32 s26;
	s29 =	sadd.s32 $0x400, s26  }
0x56: {  	[tilespmem:s18], [sflag:$0x1] =	stream.indirect.gather [hbm4b:s4+s19], $0x80, s28, s19, $0xb8;
	[tilespmem:$0x1C400] =	vst v63  }
0x57: {  	p1 =	seq.s32 s26, $0x13800;
	s26 =	sadd.s32 $0x80, s28  }
0x58: {  	[tilespmem:s20], [sflag:$0x2] =	stream.indirect.gather [hbm4b:s4+s19], $0x80, s26, s19, $0xb8;
	[tilespmem:$0x1C400] =	vst v63  }
0x59: {  	_ =	swait.ge [sflag:s21], $0x4000  }
0x5a: {  	[sflag:s21] =	ssyncset.done $0x0  }
0x5b: {  	s26 =	sadd.s32 $0x5000, s28;
	[sflag:s21] =	ssyncadd.s32 $0xFFFFC000  }
0x5c: {  	[spmem:s2] =	stream.indirect.scatter.add.f32 [tilespmem:s18], [sflag:$0x3], $0x80, s26, s19, $0xb8;
	[tilespmem:$0x1C400] =	vst v63  }
0x5d: {  	_ =	swait.ge [sflag:s16], $0x4000  }
0x5e: {  	[sflag:s16] =	ssyncset.done $0x0  }
0x5f: {  	[sflag:s16] =	ssyncadd.s32 $0xFFFFC000  }
0x60: {  	_ =	swait.ge [sflag:s22], $0x4000  }
.Ltmp3:
0x61: {  	[sflag:s22] =	ssyncset.done $0x0;
	(pc) =	sbr.rel @!p1 .LBB2_3-.Ltmp3, $4  }
0x62: {  	s26 =	sadd.s32 $0x5080, s28;
	[sflag:s22] =	ssyncadd.s32 $0xFFFFC000  }
0x63: {  	[spmem:s2] =	stream.indirect.scatter.add.f32 [tilespmem:s20], [sflag:$0x3], $0x80, s26, s19, $0xb8;
	[tilespmem:$0x1C400] =	vst v63  }
0x64: {  	_ =	swait.ge [sflag:s16], $0x4000  }
0x65: {  	s26 =	smov.u32 s29;
	[sflag:s16] =	ssyncset.done $0x0  }
0x66: {  	s25 =	sshra.s32 s25, $0x2;
	[sflag:s16] =	ssyncadd.s32 $0xFFFFC000  }
0x67: {  	[tilespmem:s18], [sflag:$0x1] =	stream.indirect.gather [hbm4b:s4+s19], $0x80, s25, s19, $0xb8;
	[tilespmem:$0x1C400] =	vst v63  }
0x68: {  	s26 =	sadd.s32 $0x80, s25  }
0x69: {  	[tilespmem:s20], [sflag:$0x2] =	stream.indirect.gather [hbm4b:s4+s19], $0x80, s26, s19, $0xb8;
	[tilespmem:$0x1C400] =	vst v63  }
0x6a: {  	_ =	swait.ge [sflag:s21], $0x4000  }
0x6b: {  	[sflag:s21] =	ssyncset.done $0x0  }
0x6c: {  	s31 =	sadd.s32 $0x5000, s25;
	[sflag:s21] =	ssyncadd.s32 $0xFFFFC000  }
0x6d: {  	[spmem:s2] =	stream.indirect.scatter.add.f32 [tilespmem:s18], [sflag:$0x3], $0x80, s31, s19, $0xb8;
	[tilespmem:$0x1C400] =	vst v63  }
0x6e: {  	_ =	swait.ge [sflag:s16], $0x4000  }
0x6f: {  	[sflag:s16] =	ssyncset.done $0x0  }
0x70: {  	[sflag:s16] =	ssyncadd.s32 $0xFFFFC000  }
0x71: {  	_ =	swait.ge [sflag:s22], $0x4000  }
0x72: {  	[sflag:s22] =	ssyncset.done $0x0  }
.Ltmp4:
0x73: {  	s25 =	sadd.s32 $0x5080, s25;
	[sflag:s22] =	ssyncadd.s32 $0xFFFFC000;
	(pc) =	sbr.rel .LBB2_8-.Ltmp4, $4  }
0x74: {  	[spmem:s2] =	stream.indirect.scatter.add.f32 [tilespmem:s20], [sflag:$0x3], $0x80, s25, s19, $0xb8;
	[tilespmem:$0x1C400] =	vst v63  }
0x75: {  	_ =	swait.ge [sflag:s16], $0x4000  }
0x76: {  	[sflag:s16] =	ssyncset.done $0x0  }
0x77: {  	[sflag:s16] =	ssyncadd.s32 $0xFFFFC000  }
.LBB2_5:
0x78: {  	[tilespmem:s18], [sflag:$0x1] =	stream.indirect.gather [hbm4b:s5+s19], $0x80, s25, s19, $0xb8;
	[tilespmem:$0x1C400] =	vst v63  }
0x79: {  	s29 =	simm.s32 $0x80  }
0x7a: {  	[tilespmem:s20], [sflag:$0x2] =	stream.indirect.gather [hbm4b:s5+s19], $0x80, s29, s19, $0xb8;
	[tilespmem:$0x1C400] =	vst v63  }
0x7b: {  	_ =	swait.ge [sflag:s21], $0x4000  }
0x7c: {  	[sflag:s21] =	ssyncset.done $0x0  }
0x7d: {  	s30 =	simm.s32 $0x5000;
	[sflag:s21] =	ssyncadd.s32 $0xFFFFC000  }
0x7e: {  	[spmem:s2] =	stream.indirect.scatter.add.f32 [tilespmem:s18], [sflag:$0x3], $0x80, s30, s19, $0xb8;
	[tilespmem:$0x1C400] =	vst v63  }
0x7f: {  	_ =	swait.ge [sflag:s16], $0x4000  }
0x80: {  	[sflag:s16] =	ssyncset.done $0x0  }
0x81: {  	[sflag:s16] =	ssyncadd.s32 $0xFFFFC000  }
0x82: {  	_ =	swait.ge [sflag:s22], $0x4000  }
0x83: {  	[sflag:s22] =	ssyncset.done $0x0  }
0x84: {  	s31 =	simm.s32 $0x5080;
	[sflag:s22] =	ssyncadd.s32 $0xFFFFC000  }
0x85: {  	[spmem:s2] =	stream.indirect.scatter.add.f32 [tilespmem:s20], [sflag:$0x3], $0x80, s31, s19, $0xb8;
	[tilespmem:$0x1C400] =	vst v63  }
0x86: {  	_ =	swait.ge [sflag:s16], $0x4000  }
0x87: {  	s25 =	simm.s32 $0x400;
	s26 =	simm.s32 $0x800;
	[sflag:s16] =	ssyncset.done $0x0  }
.LBB2_6:
0x88: {  	s28 =	sshra.s32 s25, $0x2  }
0x89: {  	[sflag:s16] =	ssyncadd.s32 $0xFFFFC000;
	s25 =	smov.u32 s26;
	s29 =	sadd.s32 $0x400, s26  }
0x8a: {  	[tilespmem:s18], [sflag:$0x1] =	stream.indirect.gather [hbm4b:s5+s19], $0x80, s28, s19, $0xb8;
	[tilespmem:$0x1C400] =	vst v63  }
0x8b: {  	p1 =	sne.s32 s26, $0x13800;
	s26 =	sadd.s32 $0x80, s28  }
0x8c: {  	[tilespmem:s20], [sflag:$0x2] =	stream.indirect.gather [hbm4b:s5+s19], $0x80, s26, s19, $0xb8;
	[tilespmem:$0x1C400] =	vst v63  }
0x8d: {  	_ =	swait.ge [sflag:s21], $0x4000  }
0x8e: {  	[sflag:s21] =	ssyncset.done $0x0  }
0x8f: {  	s26 =	sadd.s32 $0x5000, s28;
	[sflag:s21] =	ssyncadd.s32 $0xFFFFC000  }
0x90: {  	[spmem:s2] =	stream.indirect.scatter.add.f32 [tilespmem:s18], [sflag:$0x3], $0x80, s26, s19, $0xb8;
	[tilespmem:$0x1C400] =	vst v63  }
0x91: {  	_ =	swait.ge [sflag:s16], $0x4000  }
0x92: {  	[sflag:s16] =	ssyncset.done $0x0  }
0x93: {  	[sflag:s16] =	ssyncadd.s32 $0xFFFFC000  }
0x94: {  	_ =	swait.ge [sflag:s22], $0x4000  }
.Ltmp5:
0x95: {  	[sflag:s22] =	ssyncset.done $0x0;
	(pc) =	sbr.rel @p1 .LBB2_6-.Ltmp5, $4  }
0x96: {  	s26 =	sadd.s32 $0x5080, s28;
	[sflag:s22] =	ssyncadd.s32 $0xFFFFC000  }
0x97: {  	[spmem:s2] =	stream.indirect.scatter.add.f32 [tilespmem:s20], [sflag:$0x3], $0x80, s26, s19, $0xb8;
	[tilespmem:$0x1C400] =	vst v63  }
0x98: {  	_ =	swait.ge [sflag:s16], $0x4000  }
0x99: {  	s26 =	smov.u32 s29;
	[sflag:s16] =	ssyncset.done $0x0  }
0x9a: {  	s25 =	sshra.s32 s25, $0x2;
	[sflag:s16] =	ssyncadd.s32 $0xFFFFC000  }
0x9b: {  	[tilespmem:s18], [sflag:$0x1] =	stream.indirect.gather [hbm4b:s5+s19], $0x80, s25, s19, $0xb8;
	[tilespmem:$0x1C400] =	vst v63  }
0x9c: {  	s26 =	sadd.s32 $0x80, s25  }
0x9d: {  	[tilespmem:s20], [sflag:$0x2] =	stream.indirect.gather [hbm4b:s5+s19], $0x80, s26, s19, $0xb8;
	[tilespmem:$0x1C400] =	vst v63  }
0x9e: {  	_ =	swait.ge [sflag:s21], $0x4000  }
0x9f: {  	[sflag:s21] =	ssyncset.done $0x0  }
0xa0: {  	s31 =	sadd.s32 $0x5000, s25;
	[sflag:s21] =	ssyncadd.s32 $0xFFFFC000  }
0xa1: {  	[spmem:s2] =	stream.indirect.scatter.add.f32 [tilespmem:s18], [sflag:$0x3], $0x80, s31, s19, $0xb8;
	[tilespmem:$0x1C400] =	vst v63  }
0xa2: {  	_ =	swait.ge [sflag:s16], $0x4000  }
0xa3: {  	[sflag:s16] =	ssyncset.done $0x0  }
0xa4: {  	[sflag:s16] =	ssyncadd.s32 $0xFFFFC000  }
0xa5: {  	_ =	swait.ge [sflag:s22], $0x4000  }
0xa6: {  	[sflag:s22] =	ssyncset.done $0x0  }
0xa7: {  	s25 =	sadd.s32 $0x5080, s25;
	[sflag:s22] =	ssyncadd.s32 $0xFFFFC000  }
0xa8: {  	[spmem:s2] =	stream.indirect.scatter.add.f32 [tilespmem:s20], [sflag:$0x3], $0x80, s25, s19, $0xb8;
	[tilespmem:$0x1C400] =	vst v63  }
0xa9: {  	_ =	swait.ge [sflag:s16], $0x4000  }
0xaa: {  	[sflag:s16] =	ssyncset.done $0x0  }
0xab: {  	[sflag:s16] =	ssyncadd.s32 $0xFFFFC000  }
.LBB2_8:
0xac: {  	[bflag:$0x0] =	sbarrier.arrive $0xFFFF;
	s25 =	sshrl.u32 s8, $0x3  }
0xad: {  	[hbm:s12], [sflag:s23] =	dma.local [spmem:s25], $0x1480  }
0xae: {  	_ =	swait.ge [sflag:s16], $0x1480  }
0xaf: {  	[sflag:s16] =	ssyncset.done $0x0  }
0xb0: {  	s26 =	simm.s32 $0x0;
	[sflag:s16] =	ssyncadd.s32 $0xFFFFEB80  }
0xb1: {  	[tilespmem:s17], [sflag:$0x3] =	stream.linear.gather [hbm4b:s13+s26], $0x4F00, $0x38;
	[tilespmem:$0x1C400] =	vst v63  }
0xb2: {  	_ =	swait.ge [sflag:s16], $0x4F00  }
0xb3: {  	[sflag:s16] =	ssyncset.done $0x0  }
0xb4: {  	[sflag:s16] =	ssyncadd.s32 $0xFFFFB100  }
0xb5: {  	[tilespmem:s18], [sflag:$0x3] =	stream.linear.gather [hbm4b:s6+s26], $0x4000, $0x38;
	[tilespmem:$0x1C400] =	vst v63  }
0xb6: {  	_ =	swait.ge [sflag:s16], $0x4000  }
0xb7: {  	[sflag:s16] =	ssyncset.done $0x0  }
0xb8: {  	[sflag:s16] =	ssyncadd.s32 $0xFFFFC000  }
0xb9: {  	[spmem:s8] =	stream.linear.scatter [tilespmem:s18], [sflag:$0x3], $0x4000, $0x38;
	[tilespmem:$0x1C400] =	vst v63  }
0xba: {  	_ =	swait.ge [sflag:s16], $0x4000  }
0xbb: {  	[sflag:s16] =	ssyncset.done $0x0  }
0xbc: {  	[sflag:s16] =	ssyncadd.s32 $0xFFFFC000  }
0xbd: {  	[spmem:s10] =	stream.linear.scatter [tilespmem:s18], [sflag:$0x3], $0x4000, $0x38;
	[tilespmem:$0x1C400] =	vst v63  }
0xbe: {  	_ =	swait.ge [sflag:s16], $0x4000  }
0xbf: {  	[sflag:s16] =	ssyncset.done $0x0  }
0xc0: {  	[sflag:s16] =	ssyncadd.s32 $0xFFFFC000  }
0xc1: {  	[spmem:s11] =	stream.linear.scatter [tilespmem:s18], [sflag:$0x3], $0x2400, $0x38;
	[tilespmem:$0x1C400] =	vst v63  }
.Ltmp6:
0xc2: {  	_ =	swait.ge [sflag:s16], $0x2400;
	(pc) =	sbr.rel @p0 .LBB2_12-.Ltmp6, $4  }
0xc3: {  	[sflag:s16] =	ssyncset.done $0x0  }
0xc4: {  	[sflag:s16] =	ssyncadd.s32 $0xFFFFDC00  }
0xc5: {  	[bflag:$0x0] =	sbarrier.arrive $0xFFFF  }
0xc6: {  	s26 =	simm.s32 $0x0  }
0xc7: {  	[tilespmem:s18], [sflag:$0x1] =	stream.indirect.gather [hbm4b:s4+s19], $0x80, s26, s19, $0xb8;
	[tilespmem:$0x1C400] =	vst v63  }
0xc8: {  	s29 =	simm.s32 $0x80  }
0xc9: {  	[tilespmem:s20], [sflag:$0x2] =	stream.indirect.gather [hbm4b:s4+s19], $0x80, s29, s19, $0xb8;
	[tilespmem:$0x1C400] =	vst v63  }
0xca: {  	_ =	swait.ge [sflag:s21], $0x4000  }
0xcb: {  	[sflag:s21] =	ssyncset.done $0x0  }
0xcc: {  	s30 =	simm.s32 $0x5000;
	[sflag:s21] =	ssyncadd.s32 $0xFFFFC000  }
0xcd: {  	[spmem:s2] =	stream.indirect.scatter.add.f32 [tilespmem:s18], [sflag:$0x3], $0x80, s30, s19, $0xb8;
	[tilespmem:$0x1C400] =	vst v63  }
0xce: {  	_ =	swait.ge [sflag:s16], $0x4000  }
0xcf: {  	[sflag:s16] =	ssyncset.done $0x0  }
0xd0: {  	[sflag:s16] =	ssyncadd.s32 $0xFFFFC000  }
0xd1: {  	_ =	swait.ge [sflag:s22], $0x4000  }
0xd2: {  	[sflag:s22] =	ssyncset.done $0x0  }
0xd3: {  	s31 =	simm.s32 $0x5080;
	[sflag:s22] =	ssyncadd.s32 $0xFFFFC000  }
0xd4: {  	[spmem:s2] =	stream.indirect.scatter.add.f32 [tilespmem:s20], [sflag:$0x3], $0x80, s31, s19, $0xb8;
	[tilespmem:$0x1C400] =	vst v63  }
0xd5: {  	_ =	swait.ge [sflag:s16], $0x4000  }
0xd6: {  	s26 =	simm.s32 $0x400;
	s28 =	simm.s32 $0x800;
	[sflag:s16] =	ssyncset.done $0x0  }
.LBB2_10:
0xd7: {  	s29 =	sshra.s32 s26, $0x2  }
0xd8: {  	[sflag:s16] =	ssyncadd.s32 $0xFFFFC000;
	s26 =	smov.u32 s28;
	s30 =	sadd.s32 $0x400, s28  }
0xd9: {  	[tilespmem:s18], [sflag:$0x1] =	stream.indirect.gather [hbm4b:s4+s19], $0x80, s29, s19, $0xb8;
	[tilespmem:$0x1C400] =	vst v63  }
0xda: {  	p1 =	seq.s32 s28, $0x13800;
	s28 =	sadd.s32 $0x80, s29  }
0xdb: {  	[tilespmem:s20], [sflag:$0x2] =	stream.indirect.gather [hbm4b:s4+s19], $0x80, s28, s19, $0xb8;
	[tilespmem:$0x1C400] =	vst v63  }
0xdc: {  	_ =	swait.ge [sflag:s21], $0x4000  }
0xdd: {  	[sflag:s21] =	ssyncset.done $0x0  }
0xde: {  	s28 =	sadd.s32 $0x5000, s29;
	[sflag:s21] =	ssyncadd.s32 $0xFFFFC000  }
0xdf: {  	[spmem:s2] =	stream.indirect.scatter.add.f32 [tilespmem:s18], [sflag:$0x3], $0x80, s28, s19, $0xb8;
	[tilespmem:$0x1C400] =	vst v63  }
0xe0: {  	_ =	swait.ge [sflag:s16], $0x4000  }
0xe1: {  	[sflag:s16] =	ssyncset.done $0x0  }
0xe2: {  	[sflag:s16] =	ssyncadd.s32 $0xFFFFC000  }
0xe3: {  	_ =	swait.ge [sflag:s22], $0x4000  }
.Ltmp7:
0xe4: {  	[sflag:s22] =	ssyncset.done $0x0;
	(pc) =	sbr.rel @!p1 .LBB2_10-.Ltmp7, $4  }
0xe5: {  	s28 =	sadd.s32 $0x5080, s29;
	[sflag:s22] =	ssyncadd.s32 $0xFFFFC000  }
0xe6: {  	[spmem:s2] =	stream.indirect.scatter.add.f32 [tilespmem:s20], [sflag:$0x3], $0x80, s28, s19, $0xb8;
	[tilespmem:$0x1C400] =	vst v63  }
0xe7: {  	_ =	swait.ge [sflag:s16], $0x4000  }
0xe8: {  	s28 =	smov.u32 s30;
	[sflag:s16] =	ssyncset.done $0x0  }
0xe9: {  	s26 =	sshra.s32 s26, $0x2;
	[sflag:s16] =	ssyncadd.s32 $0xFFFFC000  }
0xea: {  	[tilespmem:s18], [sflag:$0x1] =	stream.indirect.gather [hbm4b:s4+s19], $0x80, s26, s19, $0xb8;
	[tilespmem:$0x1C400] =	vst v63  }
0xeb: {  	s28 =	sadd.s32 $0x80, s26  }
0xec: {  	[tilespmem:s20], [sflag:$0x2] =	stream.indirect.gather [hbm4b:s4+s19], $0x80, s28, s19, $0xb8;
	[tilespmem:$0x1C400] =	vst v63  }
0xed: {  	_ =	swait.ge [sflag:s21], $0x4000  }
0xee: {  	[sflag:s21] =	ssyncset.done $0x0  }
0xef: {  	s31 =	sadd.s32 $0x5000, s26;
	[sflag:s21] =	ssyncadd.s32 $0xFFFFC000  }
0xf0: {  	[spmem:s2] =	stream.indirect.scatter.add.f32 [tilespmem:s18], [sflag:$0x3], $0x80, s31, s19, $0xb8;
	[tilespmem:$0x1C400] =	vst v63  }
0xf1: {  	_ =	swait.ge [sflag:s16], $0x4000  }
0xf2: {  	[sflag:s16] =	ssyncset.done $0x0  }
0xf3: {  	[sflag:s16] =	ssyncadd.s32 $0xFFFFC000  }
0xf4: {  	_ =	swait.ge [sflag:s22], $0x4000  }
0xf5: {  	[sflag:s22] =	ssyncset.done $0x0  }
.Ltmp8:
0xf6: {  	s26 =	sadd.s32 $0x5080, s26;
	[sflag:s22] =	ssyncadd.s32 $0xFFFFC000;
	(pc) =	sbr.rel .LBB2_15-.Ltmp8, $4  }
0xf7: {  	[spmem:s2] =	stream.indirect.scatter.add.f32 [tilespmem:s20], [sflag:$0x3], $0x80, s26, s19, $0xb8;
	[tilespmem:$0x1C400] =	vst v63  }
0xf8: {  	_ =	swait.ge [sflag:s16], $0x4000  }
0xf9: {  	[sflag:s16] =	ssyncset.done $0x0  }
0xfa: {  	[sflag:s16] =	ssyncadd.s32 $0xFFFFC000  }
.LBB2_12:
0xfb: {  	[tilespmem:s18], [sflag:$0x1] =	stream.indirect.gather [hbm4b:s5+s19], $0x80, s26, s19, $0xb8;
	[tilespmem:$0x1C400] =	vst v63  }
0xfc: {  	s29 =	simm.s32 $0x80  }
0xfd: {  	[tilespmem:s20], [sflag:$0x2] =	stream.indirect.gather [hbm4b:s5+s19], $0x80, s29, s19, $0xb8;
	[tilespmem:$0x1C400] =	vst v63  }
0xfe: {  	_ =	swait.ge [sflag:s21], $0x4000  }
0xff: {  	[sflag:s21] =	ssyncset.done $0x0  }
0x100: {  	s30 =	simm.s32 $0x5000;
	[sflag:s21] =	ssyncadd.s32 $0xFFFFC000  }
0x101: {  	[spmem:s2] =	stream.indirect.scatter.add.f32 [tilespmem:s18], [sflag:$0x3], $0x80, s30, s19, $0xb8;
	[tilespmem:$0x1C400] =	vst v63  }
0x102: {  	_ =	swait.ge [sflag:s16], $0x4000  }
0x103: {  	[sflag:s16] =	ssyncset.done $0x0  }
0x104: {  	[sflag:s16] =	ssyncadd.s32 $0xFFFFC000  }
0x105: {  	_ =	swait.ge [sflag:s22], $0x4000  }
0x106: {  	[sflag:s22] =	ssyncset.done $0x0  }
0x107: {  	s31 =	simm.s32 $0x5080;
	[sflag:s22] =	ssyncadd.s32 $0xFFFFC000  }
0x108: {  	[spmem:s2] =	stream.indirect.scatter.add.f32 [tilespmem:s20], [sflag:$0x3], $0x80, s31, s19, $0xb8;
	[tilespmem:$0x1C400] =	vst v63  }
0x109: {  	_ =	swait.ge [sflag:s16], $0x4000  }
0x10a: {  	s26 =	simm.s32 $0x400;
	s28 =	simm.s32 $0x800;
	[sflag:s16] =	ssyncset.done $0x0  }
.LBB2_13:
0x10b: {  	s29 =	sshra.s32 s26, $0x2  }
0x10c: {  	[sflag:s16] =	ssyncadd.s32 $0xFFFFC000;
	s26 =	smov.u32 s28;
	s30 =	sadd.s32 $0x400, s28  }
0x10d: {  	[tilespmem:s18], [sflag:$0x1] =	stream.indirect.gather [hbm4b:s5+s19], $0x80, s29, s19, $0xb8;
	[tilespmem:$0x1C400] =	vst v63  }
0x10e: {  	p1 =	sne.s32 s28, $0x13800;
	s28 =	sadd.s32 $0x80, s29  }
0x10f: {  	[tilespmem:s20], [sflag:$0x2] =	stream.indirect.gather [hbm4b:s5+s19], $0x80, s28, s19, $0xb8;
	[tilespmem:$0x1C400] =	vst v63  }
0x110: {  	_ =	swait.ge [sflag:s21], $0x4000  }
0x111: {  	[sflag:s21] =	ssyncset.done $0x0  }
0x112: {  	s28 =	sadd.s32 $0x5000, s29;
	[sflag:s21] =	ssyncadd.s32 $0xFFFFC000  }
0x113: {  	[spmem:s2] =	stream.indirect.scatter.add.f32 [tilespmem:s18], [sflag:$0x3], $0x80, s28, s19, $0xb8;
	[tilespmem:$0x1C400] =	vst v63  }
0x114: {  	_ =	swait.ge [sflag:s16], $0x4000  }
0x115: {  	[sflag:s16] =	ssyncset.done $0x0  }
0x116: {  	[sflag:s16] =	ssyncadd.s32 $0xFFFFC000  }
0x117: {  	_ =	swait.ge [sflag:s22], $0x4000  }
.Ltmp9:
0x118: {  	[sflag:s22] =	ssyncset.done $0x0;
	(pc) =	sbr.rel @p1 .LBB2_13-.Ltmp9, $4  }
0x119: {  	s28 =	sadd.s32 $0x5080, s29;
	[sflag:s22] =	ssyncadd.s32 $0xFFFFC000  }
0x11a: {  	[spmem:s2] =	stream.indirect.scatter.add.f32 [tilespmem:s20], [sflag:$0x3], $0x80, s28, s19, $0xb8;
	[tilespmem:$0x1C400] =	vst v63  }
0x11b: {  	_ =	swait.ge [sflag:s16], $0x4000  }
0x11c: {  	s28 =	smov.u32 s30;
	[sflag:s16] =	ssyncset.done $0x0  }
.Ltmp10:
0x11d: {  	_ = 	snop;
	(pc) =	sbr.rel .LBB2_14-.Ltmp10, $1  }
0x11e: {  	_ =	sdelay $0x3  }
.LBB2_16:
0x11f: {  	_ =	sfence.sel $0x180000  }
0x120: {  	[bflag:$0x0] =	sbarrier.arrive $0xFFFF  }
0x121: {  	p0 =	sne.s32 s0, $0x0;
	_ =	strace $0x90000050  }
0x122: {  	s0 =	sadd.s32 @!p0 $0x100000, s1;
	[bflag:$0x2] =	sbarrier.arrive $0xFFFF  }
0x123: {  	[sflag:s0] =	ssyncadd.tile.s32 @!p0 $0x1;
	_ =	shalt  }
.Lfunc_end2:
_tile_overlayer_lowered:
.L_overlay_start_2:
0x124: {  	(tag) =	ssettag $0x2  }
0x125: {  	s0 =	rddreg [dreg:$0x0];
	s2 =	stileid.u32  }
0x126: {  	s1 =	rddreg [dreg:$0x1];
	p0 =	sne.s32 s2, $0x0  }
0x127: {  	s3 =	rddreg [dreg:$0x2];
	[bflag:$0x3] =	sbarrier.arrive $0xFFFF;
	s2 =	simm.s32 @!p0 $0x1C03  }
0x128: {  	[timem:s3], [sflag:s2] =	dma.local @!p0 [hbm:s0], s1  }
0x129: {  	s0 =	simm.s32 @!p0 $0x3  }
0x12a: {  	_ =	swait.ge @!p0 [sflag:s0], s1  }
0x12b: {  	s1 =	ssub.s32 @!p0 $0x0, s1;
	[sflag:s0] =	ssyncset.done @!p0 $0x0  }
0x12c: {  	[sflag:s0] =	ssyncadd.s32 @!p0 s1  }
0x12d: {  	[bflag:$0x3] =	sbarrier.arrive $0xFFFF  }
0x12e: {  	_ =	shalt  }

</sc_bundles>
